<compile_context>
chip_gen: v7x
topology: tpu7x:2x2x1
jax: 0.10.2.dev20260603
libtpu: 0.0.44.dev20260713+nightly
codegen_flags: <defaults>
</compile_context>

<pallas_src>
import functools

import jax
import jax.numpy as jnp
from jax import lax
from jax.experimental import pallas as pl
from jax.experimental.pallas import tpu as pltpu
from jax.experimental.pallas import tpu_sc as plsc

N = 10000
D = 128
E_RAW = 320000
E_TOT = E_RAW + N
NC, NS, L = 2, 16, 16

EB = 128
NB0, NB1 = 100, 62
NBMAX = max(NB0, NB1)
NBS = (NB0 + NB1) // 2
C0E = NS * NB0 * EB
EP = NS * (NB0 + NB1) * EB
TRASH = N
SROW = 640
RPAD = NS * SROW
ZROWS = 128

_mesh = plsc.VectorSubcoreMesh(
    core_axis_name="c", subcore_axis_name="s", num_cores=NC, num_subcores=NS
)


@functools.partial(
    pl.kernel,
    out_type=jax.ShapeDtypeStruct((NC, RPAD), jnp.float32),
    mesh=_mesh,
    scratch_types=[
        pltpu.VMEM_SHARED((RPAD,), jnp.float32),
        pltpu.VMEM((NBS, EB), jnp.int32),
        pltpu.VMEM((EB,), jnp.float32),
        pltpu.VMEM((SROW,), jnp.float32),
        pltpu.SemaphoreType.DMA,
        pltpu.SemaphoreType.DMA,
    ],
)
def _deg_kernel(pk_hbm, out_hbm, acc, slab, ones, zbuf, slabsem, ssem):
    c = lax.axis_index("c")
    s = lax.axis_index("s")
    nb = NBS
    slab_cp = pltpu.async_copy(pk_hbm.at[c * NS + s], slab, slabsem)

    def _fill(i, _):
        zbuf[pl.ds(i * L, L)] = jnp.zeros((L,), jnp.float32)
        return 0

    lax.fori_loop(0, SROW // L, _fill, 0)

    def _fill1(i, _):
        ones[pl.ds(i * L, L)] = jnp.ones((L,), jnp.float32)
        return 0

    lax.fori_loop(0, EB // L, _fill1, 0)

    pltpu.sync_copy(zbuf, acc.at[pl.ds(s * SROW, SROW)])
    slab_cp.wait()
    def _mask(i, _):
        for j in range(EB // L):
            slab[i, pl.ds(j * L, L)] = lax.bitwise_and(
                slab[i, pl.ds(j * L, L)], 16383
            )
        return 0

    lax.fori_loop(0, nb, _mask, 0)
    plsc.subcore_barrier()

    def _body(i, _):
        pltpu.async_copy(ones, acc.at[slab.at[i]], ssem, add=True)
        return 0

    lax.fori_loop(0, nb, _body, 0)

    def _drain(i, _):
        pltpu.make_async_copy(ones, acc.at[slab.at[i]], ssem).wait()
        return 0

    lax.fori_loop(0, nb, _drain, 0)
    plsc.subcore_barrier()
    pltpu.sync_copy(acc.at[pl.ds(s * SROW, SROW)], out_hbm.at[c, pl.ds(s * SROW, SROW)])


@functools.partial(
    pl.kernel,
    out_type=jax.ShapeDtypeStruct((NC, RPAD, D), jnp.float32),
    mesh=_mesh,
    scratch_types=[
        pltpu.VMEM_SHARED((RPAD, D), jnp.float32),
        pltpu.VMEM((NBMAX * EB,), jnp.int32),
        pltpu.VMEM((EB,), jnp.int32),
        pltpu.VMEM((EB,), jnp.int32),
        pltpu.VMEM((EB,), jnp.int32),
        pltpu.VMEM((EB,), jnp.int32),
        pltpu.VMEM((EB, D), jnp.float32),
        pltpu.VMEM((EB, D), jnp.float32),
        pltpu.SemaphoreType.DMA,
        pltpu.SemaphoreType.DMA,
        pltpu.SemaphoreType.DMA,
        pltpu.SemaphoreType.DMA,
        pltpu.SemaphoreType.DMA,
    ],
)
def _spmm_kernel(
    pk_hbm, h_hbm, out_hbm,
    acc, slab, idxs0, idxs1, idxd0, idxd1, rows0, rows1,
    gs0, gs1, ss0, ss1, slabsem,
):
    c = lax.axis_index("c")
    s = lax.axis_index("s")
    nb = lax.select(c == 0, NB0, NB1)

    @pl.when(c == 0)
    def _load0():
        pltpu.async_copy(
            pk_hbm.at[pl.ds(s * (NB0 * EB), NB0 * EB)],
            slab.at[pl.ds(0, NB0 * EB)], slabsem,
        )

    @pl.when(c == 1)
    def _load1():
        pltpu.async_copy(
            pk_hbm.at[pl.ds(C0E + s * (NB1 * EB), NB1 * EB)],
            slab.at[pl.ds(0, NB1 * EB)], slabsem,
        )

    def _fill(i, _):
        for j in range(D // L):
            rows0[i, pl.ds(j * L, L)] = jnp.zeros((L,), jnp.float32)
        return 0

    lax.fori_loop(0, ZROWS, _fill, 0)
    for k in range(SROW // ZROWS):
        pltpu.sync_copy(rows0, acc.at[pl.ds(s * SROW + k * ZROWS, ZROWS)])

    @pl.when(c == 0)
    def _wait0():
        pltpu.make_async_copy(
            pk_hbm.at[pl.ds(s * (NB0 * EB), NB0 * EB)],
            slab.at[pl.ds(0, NB0 * EB)], slabsem,
        ).wait()

    @pl.when(c == 1)
    def _wait1():
        pltpu.make_async_copy(
            pk_hbm.at[pl.ds(C0E + s * (NB1 * EB), NB1 * EB)],
            slab.at[pl.ds(0, NB1 * EB)], slabsem,
        ).wait()

    plsc.subcore_barrier()

    idxs = (idxs0, idxs1)
    idxd = (idxd0, idxd1)
    rows = (rows0, rows1)
    gs = (gs0, gs1)
    ss = (ss0, ss1)

    def _unpack(g, buf):
        for j in range(EB // L):
            v = slab[pl.ds(g * EB + j * L, L)]
            idxs[buf][pl.ds(j * L, L)] = lax.shift_right_logical(v, 14)
            idxd[buf][pl.ds(j * L, L)] = lax.bitwise_and(v, 16383)

    _unpack(0, 0)
    pltpu.async_copy(h_hbm.at[idxs0], rows0, gs0)

    def _half(g, cur, nxt):
        @pl.when(g >= 1)
        def _drain_prev():
            pltpu.make_async_copy(rows[nxt], acc.at[idxd[nxt]], ss[nxt]).wait()

        @pl.when(g + 1 < nb)
        def _start_next():
            _unpack(g + 1, nxt)
            pltpu.async_copy(h_hbm.at[idxs[nxt]], rows[nxt], gs[nxt])

        pltpu.make_async_copy(h_hbm.at[idxs[cur]], rows[cur], gs[cur]).wait()
        pltpu.async_copy(rows[cur], acc.at[idxd[cur]], ss[cur], add=True)

    def _body(g, _):
        @pl.when(lax.rem(g, 2) == 0)
        def _even():
            _half(g, 0, 1)

        @pl.when(lax.rem(g, 2) == 1)
        def _odd():
            _half(g, 1, 0)

        return 0

    lax.fori_loop(0, nb, _body, 0)
    pltpu.make_async_copy(rows1, acc.at[idxd1], ss1).wait()
    plsc.subcore_barrier()
    pltpu.sync_copy(acc.at[pl.ds(s * SROW, SROW)], out_hbm.at[c, pl.ds(s * SROW, SROW)])




def _dinv_of(degp_ref):
    deg = degp_ref[0, :] + degp_ref[1, :]
    dinv = jnp.where(deg > 0, lax.rsqrt(deg), 0.0)
    return dinv[:N, None]


def _tc1_body(degp_ref, x_ref, w_ref, out_ref):
    h = jnp.dot(x_ref[...], w_ref[...], preferred_element_type=jnp.float32)
    out_ref[...] = h * _dinv_of(degp_ref)


def _tc2_body(degp_ref, sp_ref, b_ref, w_ref, out_ref):
    dinv = _dinv_of(degp_ref)
    sagg = sp_ref[0, :N, :] + sp_ref[1, :N, :]
    o = jnp.maximum(sagg * dinv + b_ref[...], 0.0)
    out_ref[...] = (
        jnp.dot(o, w_ref[...], preferred_element_type=jnp.float32) * dinv
    )


def _tc3_body(degp_ref, sp_ref, b_ref, wl_ref, bl_ref, out_ref):
    dinv = _dinv_of(degp_ref)
    sagg = sp_ref[0, :N, :] + sp_ref[1, :N, :]
    o = jnp.maximum(sagg * dinv + b_ref[...], 0.0)
    out_ref[...] = jnp.dot(o, wl_ref[...], preferred_element_type=jnp.float32) + bl_ref[...]


def _tc1(degp, x, W1):
    return pl.pallas_call(
        _tc1_body,
        out_shape=jax.ShapeDtypeStruct((N, D), jnp.float32),
    )(degp, x, W1)


def _tc2(degp, sp, b1, W2):
    return pl.pallas_call(
        _tc2_body,
        out_shape=jax.ShapeDtypeStruct((N, D), jnp.float32),
    )(degp, sp, b1, W2)


def _tc3(degp, sp, b2, Wl, bl):
    nc = Wl.shape[1]
    return pl.pallas_call(
        _tc3_body,
        out_shape=jax.ShapeDtypeStruct((N, nc), jnp.float32),
    )(degp, sp, b2, Wl, bl)


def kernel(x, edge_index, W1, b1, W2, b2, Wl, bl):
    ei = edge_index.astype(jnp.int32)
    loop = jnp.arange(N, dtype=jnp.int32)
    npad = EP - E_TOT
    pk = jnp.concatenate(
        [
            ei[0] * 16384 + ei[1],
            loop * 16385,
            jnp.full((npad,), TRASH, jnp.int32),
        ]
    )

    pk3 = pk.reshape(NC * NS, NBS, EB)

    degp = _deg_kernel(pk3)
    h1 = _tc1(degp, x, W1)
    s1 = _spmm_kernel(pk, h1)
    h2 = _tc2(degp, s1, b1.reshape(1, D), W2)
    s2 = _spmm_kernel(pk, h2)
    return _tc3(degp, s2, b2.reshape(1, D), Wl, bl.reshape(1, -1))

# --- scband reference (transcript-rebuilt; emitter-appended) ---
"""Pipeline reference for scband-gcndhla-10153302687981 (READ-ONLY COPY).

The authoritative reference and input builder live on the scoring server;
editing this copy changes nothing except your own understanding.
"""

import jax, jax.numpy as jnp
import numpy as np

N_NODES = 10000
N_EDGES = 320000
D_FEAT = 128
D_HID = 128
N_CLASSES = 40


def _glorot(key, fan_in, fan_out):
    s = np.sqrt(6.0 / (fan_in + fan_out))
    return jax.random.uniform(key, (fan_in, fan_out), jnp.float32, -s, s)


def setup_inputs(seed: int = 0):
    key = jax.random.key(seed)
    ks = jax.random.split(key, 6)
    x = jax.random.normal(ks[0], (N_NODES, D_FEAT), jnp.float32)
    edge_index = jax.random.randint(ks[1], (2, N_EDGES), 0, N_NODES)
    W1 = _glorot(ks[2], D_FEAT, D_HID)
    b1 = jnp.zeros((D_HID,), jnp.float32)
    W2 = _glorot(ks[3], D_HID, D_HID)
    b2 = jnp.zeros((D_HID,), jnp.float32)
    Wl = _glorot(ks[4], D_HID, N_CLASSES)
    bl = jnp.zeros((N_CLASSES,), jnp.float32)
    return {"x": x, "edge_index": edge_index, "W1": W1, "b1": b1, "W2": W2, "b2": b2, "Wl": Wl, "bl": bl}


def _gcn_conv(x, W, b, src, dst, n):
    # symmetric-normalized GCN conv with self-loops already appended to src/dst
    deg = jax.ops.segment_sum(jnp.ones(src.shape[0], x.dtype), dst, num_segments=n)
    dinv = jnp.where(deg > 0, 1.0 / jnp.sqrt(deg), 0.0)
    norm = dinv[src] * dinv[dst]
    h = x @ W
    msg = h[src] * norm[:, None]
    out = jax.ops.segment_sum(msg, dst, num_segments=n)
    return out + b


def reference(x, edge_index, W1, b1, W2, b2, Wl, bl):
    n = x.shape[0]
    loop = jnp.arange(n, dtype=edge_index.dtype)
    src = jnp.concatenate([edge_index[0], loop])
    dst = jnp.concatenate([edge_index[1], loop])
    # Block with 2**n_layers = 2 GCN layers (dropout is identity in eval mode)
    h = jax.nn.relu(_gcn_conv(x, W1, b1, src, dst, n))
    h = jax.nn.relu(_gcn_conv(h, W2, b2, src, dst, n))
    out = h @ Wl + bl
    return out

if __name__ == "__main__":
    import jax
    _d = setup_inputs()
    print(jax.jit(kernel)(*tuple(_d.values())))

</pallas_src>

<mosaic_0001>
#map = affine_map<(d0, d1) -> (0, 0, 0)>
#map1 = affine_map<(d0, d1) -> (0, 0)>
module attributes {stable_mosaic.version = 14 : i64} {
  func.func @_deg_kernel(%arg0: i32, %arg1: i32, %arg2: memref<32x81x128xi32, #tpu.memory_space<hbm>>, %arg3: memref<2x10240xf32, #tpu.memory_space<hbm>>, %arg4: memref<10240xf32, #tpu.memory_space<vmem_shared>>, %arg5: memref<81x128xi32, #tpu.memory_space<vmem>>, %arg6: memref<128xf32, #tpu.memory_space<vmem>>, %arg7: memref<640xf32, #tpu.memory_space<vmem>>, %arg8: memref<!tpu.dma_semaphore, #tpu.memory_space<semaphore_mem>>, %arg9: memref<!tpu.dma_semaphore, #tpu.memory_space<semaphore_mem>>) attributes {dimension_semantics = [#tpu.dimension_semantics<core_parallel>, #tpu.dimension_semantics<subcore_parallel>], iteration_bounds = array<i64: 2, 16>, scalar_prefetch = 0 : i64, scratch_operands = 6 : i64, tpu.core_type = #tpu.core_type<sc_vector_subcore>, window_params = [{transform_indices = #map}, {transform_indices = #map1}]} {
    %mul3A = arith.constant 16 : i32
    %mul3A_0 = arith.muli %arg0, %mul3A : i32
    %add3A = arith.addi %mul3A_0, %arg1 : i32
    %dma_start3A = arith.constant 0 : i32
    %dma_start3A_1 = arith.constant 0 : i32
    %dma_start3A_2 = tpu.memref_slice %arg2[%add3A, %dma_start3A, %dma_start3A_1] : memref<32x81x128xi32, #tpu.memory_space<hbm>> -> memref<1x81x128xi32, #tpu.memory_space<hbm>>
    %dma_start3A_3 = tpu.memref_squeeze %dma_start3A_2 : memref<1x81x128xi32, #tpu.memory_space<hbm>> -> memref<81x128xi32, #tpu.memory_space<hbm>>
    %dma_start3A_4 = arith.constant 0 : i32
    %dma_start3A_5 = arith.constant 0 : i32
    %dma_start3A_6 = tpu.memref_slice %arg2[%add3A, %dma_start3A_4, %dma_start3A_5] : memref<32x81x128xi32, #tpu.memory_space<hbm>> -> memref<1x81x128xi32, #tpu.memory_space<hbm>>
    %dma_start3A_7 = tpu.memref_squeeze %dma_start3A_6 : memref<1x81x128xi32, #tpu.memory_space<hbm>> -> memref<81x128xi32, #tpu.memory_space<hbm>>
    tpu.enqueue_dma source(%dma_start3A_7 : memref<81x128xi32, #tpu.memory_space<hbm>>) target(%arg5 : memref<81x128xi32, #tpu.memory_space<vmem>>) target_semaphore(%arg8 : memref<!tpu.dma_semaphore, #tpu.memory_space<semaphore_mem>>)
    %scan3A = arith.constant 0 : i32
    %scan3A_8 = arith.constant 0 : i32
    %scan3A_9 = arith.constant 40 : i32
    %scan3A_10 = arith.addi %scan3A_8, %scan3A_9 : i32
    %scan3A_11 = arith.constant 1 : i32
    %scan3A_12 = scf.for %scan3A_56 = %scan3A_8 to %scan3A_10 step %scan3A_11 iter_args(%scan3A_57 = %scan3A) -> (i32)  : i32 {
      %broadcast_in_dim3A = arith.constant 0.000000e+00 : f32
      %broadcast_in_dim3A_58 = vector.broadcast %broadcast_in_dim3A : f32 to vector<16xf32>
      %mul3A_59 = arith.constant 16 : i32
      %mul3A_60 = arith.muli %scan3A_56, %mul3A_59 : i32
      %swap3A = arith.index_cast %mul3A_60 : i32 to index
      %swap3A_61 = tpu.vector_load %arg7[%swap3A] {strides = array<i32>} : memref<640xf32, #tpu.memory_space<vmem>>, vector<16xf32>,
      %swap3A_62 = vector.shape_cast %swap3A_61 : vector<16xf32> to vector<16xf32>
      %swap3A_63 = vector.shape_cast %broadcast_in_dim3A_58 : vector<16xf32> to vector<16xf32>
      tpu.vector_store %arg7[%swap3A], %swap3A_63 {strides = array<i32>} : memref<640xf32, #tpu.memory_space<vmem>>, vector<16xf32>,
      %scan3A_64 = arith.constant 0 : i32
      scf.yield %scan3A_64 : i32
    }
    %scan3A_13 = arith.constant 40 : i32
    %scan3A_14 = arith.constant 0 : i32
    %scan3A_15 = arith.constant 0 : i32
    %scan3A_16 = arith.constant 8 : i32
    %scan3A_17 = arith.addi %scan3A_15, %scan3A_16 : i32
    %scan3A_18 = arith.constant 1 : i32
    %scan3A_19 = scf.for %scan3A_56 = %scan3A_15 to %scan3A_17 step %scan3A_18 iter_args(%scan3A_57 = %scan3A_14) -> (i32)  : i32 {
      %broadcast_in_dim3A = arith.constant 1.000000e+00 : f32
      %broadcast_in_dim3A_58 = vector.broadcast %broadcast_in_dim3A : f32 to vector<16xf32>
      %mul3A_59 = arith.constant 16 : i32
      %mul3A_60 = arith.muli %scan3A_56, %mul3A_59 : i32
      %swap3A = arith.index_cast %mul3A_60 : i32 to index
      %swap3A_61 = tpu.vector_load %arg6[%swap3A] {strides = array<i32>} : memref<128xf32, #tpu.memory_space<vmem>>, vector<16xf32>,
      %swap3A_62 = vector.shape_cast %swap3A_61 : vector<16xf32> to vector<16xf32>
      %swap3A_63 = vector.shape_cast %broadcast_in_dim3A_58 : vector<16xf32> to vector<16xf32>
      tpu.vector_store %arg6[%swap3A], %swap3A_63 {strides = array<i32>} : memref<128xf32, #tpu.memory_space<vmem>>, vector<16xf32>,
      %scan3A_64 = arith.constant 0 : i32
      scf.yield %scan3A_64 : i32
    }
    %scan3A_20 = arith.constant 8 : i32
    %mul3A_21 = arith.constant 640 : i32
    %mul3A_22 = arith.muli %arg1, %mul3A_21 : i32
    "tpu.region"() ({
      %run_scoped3A = tpu.sem_alloc : memref<!tpu.dma_semaphore, #tpu.memory_space<semaphore_mem>>
      %dma_start3A_56 = tpu.memref_slice %arg4[%mul3A_22] : memref<10240xf32, #tpu.memory_space<vmem_shared>> -> memref<640xf32, #tpu.memory_space<vmem_shared>>
      %dma_start3A_57 = tpu.memref_slice %arg4[%mul3A_22] : memref<10240xf32, #tpu.memory_space<vmem_shared>> -> memref<640xf32, #tpu.memory_space<vmem_shared>>
      tpu.enqueue_dma source(%arg7 : memref<640xf32, #tpu.memory_space<vmem>>) target(%dma_start3A_57 : memref<640xf32, #tpu.memory_space<vmem_shared>>) target_semaphore(%run_scoped3A : memref<!tpu.dma_semaphore, #tpu.memory_space<semaphore_mem>>)
      %dma_wait3A_58 = tpu.memref_slice %arg4[%mul3A_22] : memref<10240xf32, #tpu.memory_space<vmem_shared>> -> memref<640xf32, #tpu.memory_space<vmem_shared>>
      %dma_wait3A_59 = tpu.memref_slice %arg4[%mul3A_22] : memref<10240xf32, #tpu.memory_space<vmem_shared>> -> memref<640xf32, #tpu.memory_space<vmem_shared>>
      tpu.wait_dma2 semaphore(%run_scoped3A : memref<!tpu.dma_semaphore, #tpu.memory_space<semaphore_mem>>) src(%arg7 : memref<640xf32, #tpu.memory_space<vmem>>) dst(%dma_wait3A_59 : memref<640xf32, #tpu.memory_space<vmem_shared>>)
      tpu.yield
    }) : () -> ()
    %dma_wait3A = arith.constant 0 : i32
    %dma_wait3A_23 = arith.constant 0 : i32
    %dma_wait3A_24 = tpu.memref_slice %arg2[%add3A, %dma_wait3A, %dma_wait3A_23] : memref<32x81x128xi32, #tpu.memory_space<hbm>> -> memref<1x81x128xi32, #tpu.memory_space<hbm>>
    %dma_wait3A_25 = tpu.memref_squeeze %dma_wait3A_24 : memref<1x81x128xi32, #tpu.memory_space<hbm>> -> memref<81x128xi32, #tpu.memory_space<hbm>>
    %dma_wait3A_26 = arith.constant 0 : i32
    %dma_wait3A_27 = arith.constant 0 : i32
    %dma_wait3A_28 = tpu.memref_slice %arg2[%add3A, %dma_wait3A_26, %dma_wait3A_27] : memref<32x81x128xi32, #tpu.memory_space<hbm>> -> memref<1x81x128xi32, #tpu.memory_space<hbm>>
    %dma_wait3A_29 = tpu.memref_squeeze %dma_wait3A_28 : memref<1x81x128xi32, #tpu.memory_space<hbm>> -> memref<81x128xi32, #tpu.memory_space<hbm>>
    tpu.wait_dma2 semaphore(%arg8 : memref<!tpu.dma_semaphore, #tpu.memory_space<semaphore_mem>>) src(%dma_wait3A_29 : memref<81x128xi32, #tpu.memory_space<hbm>>) dst(%arg5 : memref<81x128xi32, #tpu.memory_space<vmem>>)
    %scan3A_30 = arith.constant 0 : i32
    %scan3A_31 = arith.constant 0 : i32
    %scan3A_32 = arith.constant 81 : i32
    %scan3A_33 = arith.addi %scan3A_31, %scan3A_32 : i32
    %scan3A_34 = arith.constant 1 : i32
    %scan3A_35 = scf.for %scan3A_56 = %scan3A_31 to %scan3A_33 step %scan3A_34 iter_args(%scan3A_57 = %scan3A_30) -> (i32)  : i32 {
      %get3A = arith.index_cast %scan3A_56 : i32 to index
      %get3A_58 = arith.constant 0 : index
      %get3A_59 = tpu.vector_load %arg5[%get3A, %get3A_58] {strides = array<i32>} : memref<81x128xi32, #tpu.memory_space<vmem>>, vector<1x16xi32>,
      %get3A_60 = vector.shape_cast %get3A_59 : vector<1x16xi32> to vector<16xi32>
      %and3A = arith.constant 16383 : i32
      %and3A_61 = vector.broadcast %and3A : i32 to vector<16xi32>
      %and3A_62 = arith.andi %get3A_60, %and3A_61 : vector<16xi32>
      %swap3A = arith.index_cast %scan3A_56 : i32 to index
      %swap3A_63 = arith.constant 0 : index
      %swap3A_64 = tpu.vector_load %arg5[%swap3A, %swap3A_63] {strides = array<i32>} : memref<81x128xi32, #tpu.memory_space<vmem>>, vector<1x16xi32>,
      %swap3A_65 = vector.shape_cast %swap3A_64 : vector<1x16xi32> to vector<16xi32>
      %swap3A_66 = vector.shape_cast %and3A_62 : vector<16xi32> to vector<1x16xi32>
      tpu.vector_store %arg5[%swap3A, %swap3A_63], %swap3A_66 {strides = array<i32>} : memref<81x128xi32, #tpu.memory_space<vmem>>, vector<1x16xi32>,
      %get3A_67 = arith.index_cast %scan3A_56 : i32 to index
      %get3A_68 = arith.constant 16 : index
      %get3A_69 = tpu.vector_load %arg5[%get3A_67, %get3A_68] {strides = array<i32>} : memref<81x128xi32, #tpu.memory_space<vmem>>, vector<1x16xi32>,
      %get3A_70 = vector.shape_cast %get3A_69 : vector<1x16xi32> to vector<16xi32>
      %and3A_71 = arith.constant 16383 : i32
      %and3A_72 = vector.broadcast %and3A_71 : i32 to vector<16xi32>
      %and3A_73 = arith.andi %get3A_70, %and3A_72 : vector<16xi32>
      %swap3A_74 = arith.index_cast %scan3A_56 : i32 to index
      %swap3A_75 = arith.constant 16 : index
      %swap3A_76 = tpu.vector_load %arg5[%swap3A_74, %swap3A_75] {strides = array<i32>} : memref<81x128xi32, #tpu.memory_space<vmem>>, vector<1x16xi32>,
      %swap3A_77 = vector.shape_cast %swap3A_76 : vector<1x16xi32> to vector<16xi32>
      %swap3A_78 = vector.shape_cast %and3A_73 : vector<16xi32> to vector<1x16xi32>
      tpu.vector_store %arg5[%swap3A_74, %swap3A_75], %swap3A_78 {strides = array<i32>} : memref<81x128xi32, #tpu.memory_space<vmem>>, vector<1x16xi32>,
      %get3A_79 = arith.index_cast %scan3A_56 : i32 to index
      %get3A_80 = arith.constant 32 : index
      %get3A_81 = tpu.vector_load %arg5[%get3A_79, %get3A_80] {strides = array<i32>} : memref<81x128xi32, #tpu.memory_space<vmem>>, vector<1x16xi32>,
      %get3A_82 = vector.shape_cast %get3A_81 : vector<1x16xi32> to vector<16xi32>
      %and3A_83 = arith.constant 16383 : i32
      %and3A_84 = vector.broadcast %and3A_83 : i32 to vector<16xi32>
      %and3A_85 = arith.andi %get3A_82, %and3A_84 : vector<16xi32>
      %swap3A_86 = arith.index_cast %scan3A_56 : i32 to index
      %swap3A_87 = arith.constant 32 : index
      %swap3A_88 = tpu.vector_load %arg5[%swap3A_86, %swap3A_87] {strides = array<i32>} : memref<81x128xi32, #tpu.memory_space<vmem>>, vector<1x16xi32>,
      %swap3A_89 = vector.shape_cast %swap3A_88 : vector<1x16xi32> to vector<16xi32>
      %swap3A_90 = vector.shape_cast %and3A_85 : vector<16xi32> to vector<1x16xi32>
      tpu.vector_store %arg5[%swap3A_86, %swap3A_87], %swap3A_90 {strides = array<i32>} : memref<81x128xi32, #tpu.memory_space<vmem>>, vector<1x16xi32>,
      %get3A_91 = arith.index_cast %scan3A_56 : i32 to index
      %get3A_92 = arith.constant 48 : index
      %get3A_93 = tpu.vector_load %arg5[%get3A_91, %get3A_92] {strides = array<i32>} : memref<81x128xi32, #tpu.memory_space<vmem>>, vector<1x16xi32>,
      %get3A_94 = vector.shape_cast %get3A_93 : vector<1x16xi32> to vector<16xi32>
      %and3A_95 = arith.constant 16383 : i32
      %and3A_96 = vector.broadcast %and3A_95 : i32 to vector<16xi32>
      %and3A_97 = arith.andi %get3A_94, %and3A_96 : vector<16xi32>
      %swap3A_98 = arith.index_cast %scan3A_56 : i32 to index
      %swap3A_99 = arith.constant 48 : index
      %swap3A_100 = tpu.vector_load %arg5[%swap3A_98, %swap3A_99] {strides = array<i32>} : memref<81x128xi32, #tpu.memory_space<vmem>>, vector<1x16xi32>,
      %swap3A_101 = vector.shape_cast %swap3A_100 : vector<1x16xi32> to vector<16xi32>
      %swap3A_102 = vector.shape_cast %and3A_97 : vector<16xi32> to vector<1x16xi32>
      tpu.vector_store %arg5[%swap3A_98, %swap3A_99], %swap3A_102 {strides = array<i32>} : memref<81x128xi32, #tpu.memory_space<vmem>>, vector<1x16xi32>,
      %get3A_103 = arith.index_cast %scan3A_56 : i32 to index
      %get3A_104 = arith.constant 64 : index
      %get3A_105 = tpu.vector_load %arg5[%get3A_103, %get3A_104] {strides = array<i32>} : memref<81x128xi32, #tpu.memory_space<vmem>>, vector<1x16xi32>,
      %get3A_106 = vector.shape_cast %get3A_105 : vector<1x16xi32> to vector<16xi32>
      %and3A_107 = arith.constant 16383 : i32
      %and3A_108 = vector.broadcast %and3A_107 : i32 to vector<16xi32>
      %and3A_109 = arith.andi %get3A_106, %and3A_108 : vector<16xi32>
      %swap3A_110 = arith.index_cast %scan3A_56 : i32 to index
      %swap3A_111 = arith.constant 64 : index
      %swap3A_112 = tpu.vector_load %arg5[%swap3A_110, %swap3A_111] {strides = array<i32>} : memref<81x128xi32, #tpu.memory_space<vmem>>, vector<1x16xi32>,
      %swap3A_113 = vector.shape_cast %swap3A_112 : vector<1x16xi32> to vector<16xi32>
      %swap3A_114 = vector.shape_cast %and3A_109 : vector<16xi32> to vector<1x16xi32>
      tpu.vector_store %arg5[%swap3A_110, %swap3A_111], %swap3A_114 {strides = array<i32>} : memref<81x128xi32, #tpu.memory_space<vmem>>, vector<1x16xi32>,
      %get3A_115 = arith.index_cast %scan3A_56 : i32 to index
      %get3A_116 = arith.constant 80 : index
      %get3A_117 = tpu.vector_load %arg5[%get3A_115, %get3A_116] {strides = array<i32>} : memref<81x128xi32, #tpu.memory_space<vmem>>, vector<1x16xi32>,
      %get3A_118 = vector.shape_cast %get3A_117 : vector<1x16xi32> to vector<16xi32>
      %and3A_119 = arith.constant 16383 : i32
      %and3A_120 = vector.broadcast %and3A_119 : i32 to vector<16xi32>
      %and3A_121 = arith.andi %get3A_118, %and3A_120 : vector<16xi32>
      %swap3A_122 = arith.index_cast %scan3A_56 : i32 to index
      %swap3A_123 = arith.constant 80 : index
      %swap3A_124 = tpu.vector_load %arg5[%swap3A_122, %swap3A_123] {strides = array<i32>} : memref<81x128xi32, #tpu.memory_space<vmem>>, vector<1x16xi32>,
      %swap3A_125 = vector.shape_cast %swap3A_124 : vector<1x16xi32> to vector<16xi32>
      %swap3A_126 = vector.shape_cast %and3A_121 : vector<16xi32> to vector<1x16xi32>
      tpu.vector_store %arg5[%swap3A_122, %swap3A_123], %swap3A_126 {strides = array<i32>} : memref<81x128xi32, #tpu.memory_space<vmem>>, vector<1x16xi32>,
      %get3A_127 = arith.index_cast %scan3A_56 : i32 to index
      %get3A_128 = arith.constant 96 : index
      %get3A_129 = tpu.vector_load %arg5[%get3A_127, %get3A_128] {strides = array<i32>} : memref<81x128xi32, #tpu.memory_space<vmem>>, vector<1x16xi32>,
      %get3A_130 = vector.shape_cast %get3A_129 : vector<1x16xi32> to vector<16xi32>
      %and3A_131 = arith.constant 16383 : i32
      %and3A_132 = vector.broadcast %and3A_131 : i32 to vector<16xi32>
      %and3A_133 = arith.andi %get3A_130, %and3A_132 : vector<16xi32>
      %swap3A_134 = arith.index_cast %scan3A_56 : i32 to index
      %swap3A_135 = arith.constant 96 : index
      %swap3A_136 = tpu.vector_load %arg5[%swap3A_134, %swap3A_135] {strides = array<i32>} : memref<81x128xi32, #tpu.memory_space<vmem>>, vector<1x16xi32>,
      %swap3A_137 = vector.shape_cast %swap3A_136 : vector<1x16xi32> to vector<16xi32>
      %swap3A_138 = vector.shape_cast %and3A_133 : vector<16xi32> to vector<1x16xi32>
      tpu.vector_store %arg5[%swap3A_134, %swap3A_135], %swap3A_138 {strides = array<i32>} : memref<81x128xi32, #tpu.memory_space<vmem>>, vector<1x16xi32>,
      %get3A_139 = arith.index_cast %scan3A_56 : i32 to index
      %get3A_140 = arith.constant 112 : index
      %get3A_141 = tpu.vector_load %arg5[%get3A_139, %get3A_140] {strides = array<i32>} : memref<81x128xi32, #tpu.memory_space<vmem>>, vector<1x16xi32>,
      %get3A_142 = vector.shape_cast %get3A_141 : vector<1x16xi32> to vector<16xi32>
      %and3A_143 = arith.constant 16383 : i32
      %and3A_144 = vector.broadcast %and3A_143 : i32 to vector<16xi32>
      %and3A_145 = arith.andi %get3A_142, %and3A_144 : vector<16xi32>
      %swap3A_146 = arith.index_cast %scan3A_56 : i32 to index
      %swap3A_147 = arith.constant 112 : index
      %swap3A_148 = tpu.vector_load %arg5[%swap3A_146, %swap3A_147] {strides = array<i32>} : memref<81x128xi32, #tpu.memory_space<vmem>>, vector<1x16xi32>,
      %swap3A_149 = vector.shape_cast %swap3A_148 : vector<1x16xi32> to vector<16xi32>
      %swap3A_150 = vector.shape_cast %and3A_145 : vector<16xi32> to vector<1x16xi32>
      tpu.vector_store %arg5[%swap3A_146, %swap3A_147], %swap3A_150 {strides = array<i32>} : memref<81x128xi32, #tpu.memory_space<vmem>>, vector<1x16xi32>,
      %scan3A_151 = arith.constant 0 : i32
      scf.yield %scan3A_151 : i32
    }
    %scan3A_36 = arith.constant 81 : i32
    %barrier3A = arith.constant 0 : index
    tpu.barrier barrier_id(%barrier3A)
    %scan3A_37 = arith.constant 0 : i32
    %scan3A_38 = arith.constant 0 : i32
    %scan3A_39 = arith.constant 81 : i32
    %scan3A_40 = arith.addi %scan3A_38, %scan3A_39 : i32
    %scan3A_41 = arith.constant 1 : i32
    %scan3A_42 = scf.for %scan3A_56 = %scan3A_38 to %scan3A_40 step %scan3A_41 iter_args(%scan3A_57 = %scan3A_37) -> (i32)  : i32 {
      %dma_start3A_58 = arith.constant 0 : i32
      %dma_start3A_59 = tpu.memref_slice %arg5[%scan3A_56, %dma_start3A_58] : memref<81x128xi32, #tpu.memory_space<vmem>> -> memref<1x128xi32, #tpu.memory_space<vmem>>
      %dma_start3A_60 = tpu.memref_squeeze %dma_start3A_59 : memref<1x128xi32, #tpu.memory_space<vmem>> -> memref<128xi32, #tpu.memory_space<vmem>>
      %dma_start3A_61 = arith.constant 0 : i32
      %dma_start3A_62 = tpu.memref_slice %arg4[%dma_start3A_61] : memref<10240xf32, #tpu.memory_space<vmem_shared>> -> memref<10240xf32, #tpu.memory_space<vmem_shared>>
      tpu.enqueue_indirect_dma source(%arg6 : memref<128xf32, #tpu.memory_space<vmem>>) target(%dma_start3A_62 : memref<10240xf32, #tpu.memory_space<vmem_shared>>) offsets(%dma_start3A_60 : memref<128xi32, #tpu.memory_space<vmem>>) semaphore(%arg9 : memref<!tpu.dma_semaphore, #tpu.memory_space<semaphore_mem>>) {add = true}
      %scan3A_63 = arith.constant 0 : i32
      scf.yield %scan3A_63 : i32
    }
    %scan3A_43 = arith.constant 81 : i32
    %scan3A_44 = arith.constant 0 : i32
    %scan3A_45 = arith.constant 0 : i32
    %scan3A_46 = arith.constant 81 : i32
    %scan3A_47 = arith.addi %scan3A_45, %scan3A_46 : i32
    %scan3A_48 = arith.constant 1 : i32
    %scan3A_49 = scf.for %scan3A_56 = %scan3A_45 to %scan3A_47 step %scan3A_48 iter_args(%scan3A_57 = %scan3A_44) -> (i32)  : i32 {
      %dma_wait3A_58 = arith.constant 0 : i32
      %dma_wait3A_59 = tpu.memref_slice %arg5[%scan3A_56, %dma_wait3A_58] : memref<81x128xi32, #tpu.memory_space<vmem>> -> memref<1x128xi32, #tpu.memory_space<vmem>>
      %dma_wait3A_60 = tpu.memref_squeeze %dma_wait3A_59 : memref<1x128xi32, #tpu.memory_space<vmem>> -> memref<128xi32, #tpu.memory_space<vmem>>
      %dma_wait3A_61 = arith.constant 0 : i32
      %dma_wait3A_62 = tpu.memref_slice %arg4[%dma_wait3A_61] : memref<10240xf32, #tpu.memory_space<vmem_shared>> -> memref<10240xf32, #tpu.memory_space<vmem_shared>>
      tpu.wait_indirect_dma semaphore(%arg9 : memref<!tpu.dma_semaphore, #tpu.memory_space<semaphore_mem>>) src(%arg6 : memref<128xf32, #tpu.memory_space<vmem>>) dst(%dma_wait3A_62 : memref<10240xf32, #tpu.memory_space<vmem_shared>>)
      %scan3A_63 = arith.constant 0 : i32
      scf.yield %scan3A_63 : i32
    }
    %scan3A_50 = arith.constant 81 : i32
    %barrier3A_51 = arith.constant 0 : index
    tpu.barrier barrier_id(%barrier3A_51)
    %mul3A_52 = arith.constant 640 : i32
    %mul3A_53 = arith.muli %arg1, %mul3A_52 : i32
    %mul3A_54 = arith.constant 640 : i32
    %mul3A_55 = arith.muli %arg1, %mul3A_54 : i32
    "tpu.region"() ({
      %run_scoped3A = tpu.sem_alloc : memref<!tpu.dma_semaphore, #tpu.memory_space<semaphore_mem>>
      %dma_start3A_56 = tpu.memref_slice %arg3[%arg0, %mul3A_55] : memref<2x10240xf32, #tpu.memory_space<hbm>> -> memref<1x640xf32, #tpu.memory_space<hbm>>
      %dma_start3A_57 = tpu.memref_squeeze %dma_start3A_56 : memref<1x640xf32, #tpu.memory_space<hbm>> -> memref<640xf32, #tpu.memory_space<hbm>>
      %dma_start3A_58 = tpu.memref_slice %arg4[%mul3A_53] : memref<10240xf32, #tpu.memory_space<vmem_shared>> -> memref<640xf32, #tpu.memory_space<vmem_shared>>
      tpu.enqueue_dma source(%dma_start3A_58 : memref<640xf32, #tpu.memory_space<vmem_shared>>) target(%dma_start3A_57 : memref<640xf32, #tpu.memory_space<hbm>>) target_semaphore(%run_scoped3A : memref<!tpu.dma_semaphore, #tpu.memory_space<semaphore_mem>>)
      %dma_wait3A_59 = tpu.memref_slice %arg3[%arg0, %mul3A_55] : memref<2x10240xf32, #tpu.memory_space<hbm>> -> memref<1x640xf32, #tpu.memory_space<hbm>>
      %dma_wait3A_60 = tpu.memref_squeeze %dma_wait3A_59 : memref<1x640xf32, #tpu.memory_space<hbm>> -> memref<640xf32, #tpu.memory_space<hbm>>
      %dma_wait3A_61 = tpu.memref_slice %arg4[%mul3A_53] : memref<10240xf32, #tpu.memory_space<vmem_shared>> -> memref<640xf32, #tpu.memory_space<vmem_shared>>
      tpu.wait_dma2 semaphore(%run_scoped3A : memref<!tpu.dma_semaphore, #tpu.memory_space<semaphore_mem>>) src(%dma_wait3A_61 : memref<640xf32, #tpu.memory_space<vmem_shared>>) dst(%dma_wait3A_60 : memref<640xf32, #tpu.memory_space<hbm>>)
      tpu.yield
    }) : () -> ()
    return
  }
}

#map = affine_map<(d0, d1) -> (0)>
#map1 = affine_map<(d0, d1) -> (0, 0)>
#map2 = affine_map<(d0, d1) -> (0, 0, 0)>
module attributes {stable_mosaic.version = 14 : i64} {
  func.func @_spmm_kernel(%arg0: i32, %arg1: i32, %arg2: memref<331776xi32, #tpu.memory_space<hbm>>, %arg3: memref<10000x128xf32, #tpu.memory_space<hbm>>, %arg4: memref<2x10240x128xf32, #tpu.memory_space<hbm>>, %arg5: memref<10240x128xf32, #tpu.memory_space<vmem_shared>>, %arg6: memref<12800xi32, #tpu.memory_space<vmem>>, %arg7: memref<128xi32, #tpu.memory_space<vmem>>, %arg8: memref<128xi32, #tpu.memory_space<vmem>>, %arg9: memref<128xi32, #tpu.memory_space<vmem>>, %arg10: memref<128xi32, #tpu.memory_space<vmem>>, %arg11: memref<128x128xf32, #tpu.memory_space<vmem>>, %arg12: memref<128x128xf32, #tpu.memory_space<vmem>>, %arg13: memref<!tpu.dma_semaphore, #tpu.memory_space<semaphore_mem>>, %arg14: memref<!tpu.dma_semaphore, #tpu.memory_space<semaphore_mem>>, %arg15: memref<!tpu.dma_semaphore, #tpu.memory_space<semaphore_mem>>, %arg16: memref<!tpu.dma_semaphore, #tpu.memory_space<semaphore_mem>>, %arg17: memref<!tpu.dma_semaphore, #tpu.memory_space<semaphore_mem>>) attributes {dimension_semantics = [#tpu.dimension_semantics<core_parallel>, #tpu.dimension_semantics<subcore_parallel>], iteration_bounds = array<i64: 2, 16>, scalar_prefetch = 0 : i64, scratch_operands = 13 : i64, tpu.core_type = #tpu.core_type<sc_vector_subcore>, window_params = [{transform_indices = #map}, {transform_indices = #map1}, {transform_indices = #map2}]} {
    %eq3A = arith.constant 0 : i32
    %eq3A_0 = arith.cmpi eq, %arg0, %eq3A : i32
    %select_n3A = arith.constant 62 : i32
    %select_n3A_1 = arith.constant 100 : i32
    %select_n3A_2 = arith.select %eq3A_0, %select_n3A_1, %select_n3A : i32
    %eq3A_3 = arith.constant 0 : i32
    %eq3A_4 = arith.cmpi eq, %arg0, %eq3A_3 : i32
    %convert_element_type3A = arith.extui %eq3A_4 : i1 to i32
    %cond3A = arith.constant 0 : i32
    %cond3A_5 = arith.cmpi ne, %convert_element_type3A, %cond3A : i32
    scf.if %cond3A_5 {
      %mul3A_197 = arith.constant 12800 : i32
      %mul3A_198 = arith.muli %arg1, %mul3A_197 : i32
      %dma_start3A_199 = arith.constant 0 : i32
      %dma_start3A_200 = tpu.memref_slice %arg6[%dma_start3A_199] : memref<12800xi32, #tpu.memory_space<vmem>> -> memref<12800xi32, #tpu.memory_space<vmem>>
      %dma_start3A_201 = tpu.memref_slice %arg2[%mul3A_198] : memref<331776xi32, #tpu.memory_space<hbm>> -> memref<12800xi32, #tpu.memory_space<hbm>>
      %dma_start3A_202 = arith.constant 0 : i32
      %dma_start3A_203 = tpu.memref_slice %arg6[%dma_start3A_202] : memref<12800xi32, #tpu.memory_space<vmem>> -> memref<12800xi32, #tpu.memory_space<vmem>>
      %dma_start3A_204 = tpu.memref_slice %arg2[%mul3A_198] : memref<331776xi32, #tpu.memory_space<hbm>> -> memref<12800xi32, #tpu.memory_space<hbm>>
      tpu.enqueue_dma source(%dma_start3A_204 : memref<12800xi32, #tpu.memory_space<hbm>>) target(%dma_start3A_203 : memref<12800xi32, #tpu.memory_space<vmem>>) target_semaphore(%arg17 : memref<!tpu.dma_semaphore, #tpu.memory_space<semaphore_mem>>)
    } else {
    }
    %eq3A_6 = arith.constant 1 : i32
    %eq3A_7 = arith.cmpi eq, %arg0, %eq3A_6 : i32
    %convert_element_type3A_8 = arith.extui %eq3A_7 : i1 to i32
    %cond3A_9 = arith.constant 0 : i32
    %cond3A_10 = arith.cmpi ne, %convert_element_type3A_8, %cond3A_9 : i32
    scf.if %cond3A_10 {
      %mul3A_197 = arith.constant 7936 : i32
      %mul3A_198 = arith.muli %arg1, %mul3A_197 : i32
      %add3A_199 = arith.constant 204800 : i32
      %add3A_200 = arith.addi %add3A_199, %mul3A_198 : i32
      %dma_start3A_201 = arith.constant 0 : i32
      %dma_start3A_202 = tpu.memref_slice %arg6[%dma_start3A_201] : memref<12800xi32, #tpu.memory_space<vmem>> -> memref<7936xi32, #tpu.memory_space<vmem>>
      %dma_start3A_203 = tpu.memref_slice %arg2[%add3A_200] : memref<331776xi32, #tpu.memory_space<hbm>> -> memref<7936xi32, #tpu.memory_space<hbm>>
      %dma_start3A_204 = arith.constant 0 : i32
      %dma_start3A_205 = tpu.memref_slice %arg6[%dma_start3A_204] : memref<12800xi32, #tpu.memory_space<vmem>> -> memref<7936xi32, #tpu.memory_space<vmem>>
      %dma_start3A_206 = tpu.memref_slice %arg2[%add3A_200] : memref<331776xi32, #tpu.memory_space<hbm>> -> memref<7936xi32, #tpu.memory_space<hbm>>
      tpu.enqueue_dma source(%dma_start3A_206 : memref<7936xi32, #tpu.memory_space<hbm>>) target(%dma_start3A_205 : memref<7936xi32, #tpu.memory_space<vmem>>) target_semaphore(%arg17 : memref<!tpu.dma_semaphore, #tpu.memory_space<semaphore_mem>>)
    } else {
    }
    %scan3A = arith.constant 0 : i32
    %scan3A_11 = arith.constant 0 : i32
    %scan3A_12 = arith.constant 128 : i32
    %scan3A_13 = arith.addi %scan3A_11, %scan3A_12 : i32
    %scan3A_14 = arith.constant 1 : i32
    %scan3A_15 = scf.for %scan3A_197 = %scan3A_11 to %scan3A_13 step %scan3A_14 iter_args(%scan3A_198 = %scan3A) -> (i32)  : i32 {
      %broadcast_in_dim3A = arith.constant 0.000000e+00 : f32
      %broadcast_in_dim3A_199 = vector.broadcast %broadcast_in_dim3A : f32 to vector<16xf32>
      %swap3A_200 = arith.index_cast %scan3A_197 : i32 to index
      %swap3A_201 = arith.constant 0 : index
      %swap3A_202 = tpu.vector_load %arg11[%swap3A_200, %swap3A_201] {strides = array<i32>} : memref<128x128xf32, #tpu.memory_space<vmem>>, vector<1x16xf32>,
      %swap3A_203 = vector.shape_cast %swap3A_202 : vector<1x16xf32> to vector<16xf32>
      %swap3A_204 = vector.shape_cast %broadcast_in_dim3A_199 : vector<16xf32> to vector<1x16xf32>
      tpu.vector_store %arg11[%swap3A_200, %swap3A_201], %swap3A_204 {strides = array<i32>} : memref<128x128xf32, #tpu.memory_space<vmem>>, vector<1x16xf32>,
      %broadcast_in_dim3A_205 = arith.constant 0.000000e+00 : f32
      %broadcast_in_dim3A_206 = vector.broadcast %broadcast_in_dim3A_205 : f32 to vector<16xf32>
      %swap3A_207 = arith.index_cast %scan3A_197 : i32 to index
      %swap3A_208 = arith.constant 16 : index
      %swap3A_209 = tpu.vector_load %arg11[%swap3A_207, %swap3A_208] {strides = array<i32>} : memref<128x128xf32, #tpu.memory_space<vmem>>, vector<1x16xf32>,
      %swap3A_210 = vector.shape_cast %swap3A_209 : vector<1x16xf32> to vector<16xf32>
      %swap3A_211 = vector.shape_cast %broadcast_in_dim3A_206 : vector<16xf32> to vector<1x16xf32>
      tpu.vector_store %arg11[%swap3A_207, %swap3A_208], %swap3A_211 {strides = array<i32>} : memref<128x128xf32, #tpu.memory_space<vmem>>, vector<1x16xf32>,
      %broadcast_in_dim3A_212 = arith.constant 0.000000e+00 : f32
      %broadcast_in_dim3A_213 = vector.broadcast %broadcast_in_dim3A_212 : f32 to vector<16xf32>
      %swap3A_214 = arith.index_cast %scan3A_197 : i32 to index
      %swap3A_215 = arith.constant 32 : index
      %swap3A_216 = tpu.vector_load %arg11[%swap3A_214, %swap3A_215] {strides = array<i32>} : memref<128x128xf32, #tpu.memory_space<vmem>>, vector<1x16xf32>,
      %swap3A_217 = vector.shape_cast %swap3A_216 : vector<1x16xf32> to vector<16xf32>
      %swap3A_218 = vector.shape_cast %broadcast_in_dim3A_213 : vector<16xf32> to vector<1x16xf32>
      tpu.vector_store %arg11[%swap3A_214, %swap3A_215], %swap3A_218 {strides = array<i32>} : memref<128x128xf32, #tpu.memory_space<vmem>>, vector<1x16xf32>,
      %broadcast_in_dim3A_219 = arith.constant 0.000000e+00 : f32
      %broadcast_in_dim3A_220 = vector.broadcast %broadcast_in_dim3A_219 : f32 to vector<16xf32>
      %swap3A_221 = arith.index_cast %scan3A_197 : i32 to index
      %swap3A_222 = arith.constant 48 : index
      %swap3A_223 = tpu.vector_load %arg11[%swap3A_221, %swap3A_222] {strides = array<i32>} : memref<128x128xf32, #tpu.memory_space<vmem>>, vector<1x16xf32>,
      %swap3A_224 = vector.shape_cast %swap3A_223 : vector<1x16xf32> to vector<16xf32>
      %swap3A_225 = vector.shape_cast %broadcast_in_dim3A_220 : vector<16xf32> to vector<1x16xf32>
      tpu.vector_store %arg11[%swap3A_221, %swap3A_222], %swap3A_225 {strides = array<i32>} : memref<128x128xf32, #tpu.memory_space<vmem>>, vector<1x16xf32>,
      %broadcast_in_dim3A_226 = arith.constant 0.000000e+00 : f32
      %broadcast_in_dim3A_227 = vector.broadcast %broadcast_in_dim3A_226 : f32 to vector<16xf32>
      %swap3A_228 = arith.index_cast %scan3A_197 : i32 to index
      %swap3A_229 = arith.constant 64 : index
      %swap3A_230 = tpu.vector_load %arg11[%swap3A_228, %swap3A_229] {strides = array<i32>} : memref<128x128xf32, #tpu.memory_space<vmem>>, vector<1x16xf32>,
      %swap3A_231 = vector.shape_cast %swap3A_230 : vector<1x16xf32> to vector<16xf32>
      %swap3A_232 = vector.shape_cast %broadcast_in_dim3A_227 : vector<16xf32> to vector<1x16xf32>
      tpu.vector_store %arg11[%swap3A_228, %swap3A_229], %swap3A_232 {strides = array<i32>} : memref<128x128xf32, #tpu.memory_space<vmem>>, vector<1x16xf32>,
      %broadcast_in_dim3A_233 = arith.constant 0.000000e+00 : f32
      %broadcast_in_dim3A_234 = vector.broadcast %broadcast_in_dim3A_233 : f32 to vector<16xf32>
      %swap3A_235 = arith.index_cast %scan3A_197 : i32 to index
      %swap3A_236 = arith.constant 80 : index
      %swap3A_237 = tpu.vector_load %arg11[%swap3A_235, %swap3A_236] {strides = array<i32>} : memref<128x128xf32, #tpu.memory_space<vmem>>, vector<1x16xf32>,
      %swap3A_238 = vector.shape_cast %swap3A_237 : vector<1x16xf32> to vector<16xf32>
      %swap3A_239 = vector.shape_cast %broadcast_in_dim3A_234 : vector<16xf32> to vector<1x16xf32>
      tpu.vector_store %arg11[%swap3A_235, %swap3A_236], %swap3A_239 {strides = array<i32>} : memref<128x128xf32, #tpu.memory_space<vmem>>, vector<1x16xf32>,
      %broadcast_in_dim3A_240 = arith.constant 0.000000e+00 : f32
      %broadcast_in_dim3A_241 = vector.broadcast %broadcast_in_dim3A_240 : f32 to vector<16xf32>
      %swap3A_242 = arith.index_cast %scan3A_197 : i32 to index
      %swap3A_243 = arith.constant 96 : index
      %swap3A_244 = tpu.vector_load %arg11[%swap3A_242, %swap3A_243] {strides = array<i32>} : memref<128x128xf32, #tpu.memory_space<vmem>>, vector<1x16xf32>,
      %swap3A_245 = vector.shape_cast %swap3A_244 : vector<1x16xf32> to vector<16xf32>
      %swap3A_246 = vector.shape_cast %broadcast_in_dim3A_241 : vector<16xf32> to vector<1x16xf32>
      tpu.vector_store %arg11[%swap3A_242, %swap3A_243], %swap3A_246 {strides = array<i32>} : memref<128x128xf32, #tpu.memory_space<vmem>>, vector<1x16xf32>,
      %broadcast_in_dim3A_247 = arith.constant 0.000000e+00 : f32
      %broadcast_in_dim3A_248 = vector.broadcast %broadcast_in_dim3A_247 : f32 to vector<16xf32>
      %swap3A_249 = arith.index_cast %scan3A_197 : i32 to index
      %swap3A_250 = arith.constant 112 : index
      %swap3A_251 = tpu.vector_load %arg11[%swap3A_249, %swap3A_250] {strides = array<i32>} : memref<128x128xf32, #tpu.memory_space<vmem>>, vector<1x16xf32>,
      %swap3A_252 = vector.shape_cast %swap3A_251 : vector<1x16xf32> to vector<16xf32>
      %swap3A_253 = vector.shape_cast %broadcast_in_dim3A_248 : vector<16xf32> to vector<1x16xf32>
      tpu.vector_store %arg11[%swap3A_249, %swap3A_250], %swap3A_253 {strides = array<i32>} : memref<128x128xf32, #tpu.memory_space<vmem>>, vector<1x16xf32>,
      %scan3A_254 = arith.constant 0 : i32
      scf.yield %scan3A_254 : i32
    }
    %scan3A_16 = arith.constant 128 : i32
    %mul3A = arith.constant 640 : i32
    %mul3A_17 = arith.muli %arg1, %mul3A : i32
    %add3A = arith.constant 0 : i32
    %add3A_18 = arith.addi %mul3A_17, %add3A : i32
    "tpu.region"() ({
      %run_scoped3A = tpu.sem_alloc : memref<!tpu.dma_semaphore, #tpu.memory_space<semaphore_mem>>
      %dma_start3A_197 = arith.constant 0 : i32
      %dma_start3A_198 = tpu.memref_slice %arg5[%add3A_18, %dma_start3A_197] : memref<10240x128xf32, #tpu.memory_space<vmem_shared>> -> memref<128x128xf32, #tpu.memory_space<vmem_shared>>
      %dma_start3A_199 = arith.constant 0 : i32
      %dma_start3A_200 = tpu.memref_slice %arg5[%add3A_18, %dma_start3A_199] : memref<10240x128xf32, #tpu.memory_space<vmem_shared>> -> memref<128x128xf32, #tpu.memory_space<vmem_shared>>
      tpu.enqueue_dma source(%arg11 : memref<128x128xf32, #tpu.memory_space<vmem>>) target(%dma_start3A_200 : memref<128x128xf32, #tpu.memory_space<vmem_shared>>) target_semaphore(%run_scoped3A : memref<!tpu.dma_semaphore, #tpu.memory_space<semaphore_mem>>)
      %dma_wait3A_201 = arith.constant 0 : i32
      %dma_wait3A_202 = tpu.memref_slice %arg5[%add3A_18, %dma_wait3A_201] : memref<10240x128xf32, #tpu.memory_space<vmem_shared>> -> memref<128x128xf32, #tpu.memory_space<vmem_shared>>
      %dma_wait3A_203 = arith.constant 0 : i32
      %dma_wait3A_204 = tpu.memref_slice %arg5[%add3A_18, %dma_wait3A_203] : memref<10240x128xf32, #tpu.memory_space<vmem_shared>> -> memref<128x128xf32, #tpu.memory_space<vmem_shared>>
      tpu.wait_dma2 semaphore(%run_scoped3A : memref<!tpu.dma_semaphore, #tpu.memory_space<semaphore_mem>>) src(%arg11 : memref<128x128xf32, #tpu.memory_space<vmem>>) dst(%dma_wait3A_204 : memref<128x128xf32, #tpu.memory_space<vmem_shared>>)
      tpu.yield
    }) : () -> ()
    %mul3A_19 = arith.constant 640 : i32
    %mul3A_20 = arith.muli %arg1, %mul3A_19 : i32
    %add3A_21 = arith.constant 128 : i32
    %add3A_22 = arith.addi %mul3A_20, %add3A_21 : i32
    "tpu.region"() ({
      %run_scoped3A = tpu.sem_alloc : memref<!tpu.dma_semaphore, #tpu.memory_space<semaphore_mem>>
      %dma_start3A_197 = arith.constant 0 : i32
      %dma_start3A_198 = tpu.memref_slice %arg5[%add3A_22, %dma_start3A_197] : memref<10240x128xf32, #tpu.memory_space<vmem_shared>> -> memref<128x128xf32, #tpu.memory_space<vmem_shared>>
      %dma_start3A_199 = arith.constant 0 : i32
      %dma_start3A_200 = tpu.memref_slice %arg5[%add3A_22, %dma_start3A_199] : memref<10240x128xf32, #tpu.memory_space<vmem_shared>> -> memref<128x128xf32, #tpu.memory_space<vmem_shared>>
      tpu.enqueue_dma source(%arg11 : memref<128x128xf32, #tpu.memory_space<vmem>>) target(%dma_start3A_200 : memref<128x128xf32, #tpu.memory_space<vmem_shared>>) target_semaphore(%run_scoped3A : memref<!tpu.dma_semaphore, #tpu.memory_space<semaphore_mem>>)
      %dma_wait3A_201 = arith.constant 0 : i32
      %dma_wait3A_202 = tpu.memref_slice %arg5[%add3A_22, %dma_wait3A_201] : memref<10240x128xf32, #tpu.memory_space<vmem_shared>> -> memref<128x128xf32, #tpu.memory_space<vmem_shared>>
      %dma_wait3A_203 = arith.constant 0 : i32
      %dma_wait3A_204 = tpu.memref_slice %arg5[%add3A_22, %dma_wait3A_203] : memref<10240x128xf32, #tpu.memory_space<vmem_shared>> -> memref<128x128xf32, #tpu.memory_space<vmem_shared>>
      tpu.wait_dma2 semaphore(%run_scoped3A : memref<!tpu.dma_semaphore, #tpu.memory_space<semaphore_mem>>) src(%arg11 : memref<128x128xf32, #tpu.memory_space<vmem>>) dst(%dma_wait3A_204 : memref<128x128xf32, #tpu.memory_space<vmem_shared>>)
      tpu.yield
    }) : () -> ()
    %mul3A_23 = arith.constant 640 : i32
    %mul3A_24 = arith.muli %arg1, %mul3A_23 : i32
    %add3A_25 = arith.constant 256 : i32
    %add3A_26 = arith.addi %mul3A_24, %add3A_25 : i32
    "tpu.region"() ({
      %run_scoped3A = tpu.sem_alloc : memref<!tpu.dma_semaphore, #tpu.memory_space<semaphore_mem>>
      %dma_start3A_197 = arith.constant 0 : i32
      %dma_start3A_198 = tpu.memref_slice %arg5[%add3A_26, %dma_start3A_197] : memref<10240x128xf32, #tpu.memory_space<vmem_shared>> -> memref<128x128xf32, #tpu.memory_space<vmem_shared>>
      %dma_start3A_199 = arith.constant 0 : i32
      %dma_start3A_200 = tpu.memref_slice %arg5[%add3A_26, %dma_start3A_199] : memref<10240x128xf32, #tpu.memory_space<vmem_shared>> -> memref<128x128xf32, #tpu.memory_space<vmem_shared>>
      tpu.enqueue_dma source(%arg11 : memref<128x128xf32, #tpu.memory_space<vmem>>) target(%dma_start3A_200 : memref<128x128xf32, #tpu.memory_space<vmem_shared>>) target_semaphore(%run_scoped3A : memref<!tpu.dma_semaphore, #tpu.memory_space<semaphore_mem>>)
      %dma_wait3A_201 = arith.constant 0 : i32
      %dma_wait3A_202 = tpu.memref_slice %arg5[%add3A_26, %dma_wait3A_201] : memref<10240x128xf32, #tpu.memory_space<vmem_shared>> -> memref<128x128xf32, #tpu.memory_space<vmem_shared>>
      %dma_wait3A_203 = arith.constant 0 : i32
      %dma_wait3A_204 = tpu.memref_slice %arg5[%add3A_26, %dma_wait3A_203] : memref<10240x128xf32, #tpu.memory_space<vmem_shared>> -> memref<128x128xf32, #tpu.memory_space<vmem_shared>>
      tpu.wait_dma2 semaphore(%run_scoped3A : memref<!tpu.dma_semaphore, #tpu.memory_space<semaphore_mem>>) src(%arg11 : memref<128x128xf32, #tpu.memory_space<vmem>>) dst(%dma_wait3A_204 : memref<128x128xf32, #tpu.memory_space<vmem_shared>>)
      tpu.yield
    }) : () -> ()
    %mul3A_27 = arith.constant 640 : i32
    %mul3A_28 = arith.muli %arg1, %mul3A_27 : i32
    %add3A_29 = arith.constant 384 : i32
    %add3A_30 = arith.addi %mul3A_28, %add3A_29 : i32
    "tpu.region"() ({
      %run_scoped3A = tpu.sem_alloc : memref<!tpu.dma_semaphore, #tpu.memory_space<semaphore_mem>>
      %dma_start3A_197 = arith.constant 0 : i32
      %dma_start3A_198 = tpu.memref_slice %arg5[%add3A_30, %dma_start3A_197] : memref<10240x128xf32, #tpu.memory_space<vmem_shared>> -> memref<128x128xf32, #tpu.memory_space<vmem_shared>>
      %dma_start3A_199 = arith.constant 0 : i32
      %dma_start3A_200 = tpu.memref_slice %arg5[%add3A_30, %dma_start3A_199] : memref<10240x128xf32, #tpu.memory_space<vmem_shared>> -> memref<128x128xf32, #tpu.memory_space<vmem_shared>>
      tpu.enqueue_dma source(%arg11 : memref<128x128xf32, #tpu.memory_space<vmem>>) target(%dma_start3A_200 : memref<128x128xf32, #tpu.memory_space<vmem_shared>>) target_semaphore(%run_scoped3A : memref<!tpu.dma_semaphore, #tpu.memory_space<semaphore_mem>>)
      %dma_wait3A_201 = arith.constant 0 : i32
      %dma_wait3A_202 = tpu.memref_slice %arg5[%add3A_30, %dma_wait3A_201] : memref<10240x128xf32, #tpu.memory_space<vmem_shared>> -> memref<128x128xf32, #tpu.memory_space<vmem_shared>>
      %dma_wait3A_203 = arith.constant 0 : i32
      %dma_wait3A_204 = tpu.memref_slice %arg5[%add3A_30, %dma_wait3A_203] : memref<10240x128xf32, #tpu.memory_space<vmem_shared>> -> memref<128x128xf32, #tpu.memory_space<vmem_shared>>
      tpu.wait_dma2 semaphore(%run_scoped3A : memref<!tpu.dma_semaphore, #tpu.memory_space<semaphore_mem>>) src(%arg11 : memref<128x128xf32, #tpu.memory_space<vmem>>) dst(%dma_wait3A_204 : memref<128x128xf32, #tpu.memory_space<vmem_shared>>)
      tpu.yield
    }) : () -> ()
    %mul3A_31 = arith.constant 640 : i32
    %mul3A_32 = arith.muli %arg1, %mul3A_31 : i32
    %add3A_33 = arith.constant 512 : i32
    %add3A_34 = arith.addi %mul3A_32, %add3A_33 : i32
    "tpu.region"() ({
      %run_scoped3A = tpu.sem_alloc : memref<!tpu.dma_semaphore, #tpu.memory_space<semaphore_mem>>
      %dma_start3A_197 = arith.constant 0 : i32
      %dma_start3A_198 = tpu.memref_slice %arg5[%add3A_34, %dma_start3A_197] : memref<10240x128xf32, #tpu.memory_space<vmem_shared>> -> memref<128x128xf32, #tpu.memory_space<vmem_shared>>
      %dma_start3A_199 = arith.constant 0 : i32
      %dma_start3A_200 = tpu.memref_slice %arg5[%add3A_34, %dma_start3A_199] : memref<10240x128xf32, #tpu.memory_space<vmem_shared>> -> memref<128x128xf32, #tpu.memory_space<vmem_shared>>
      tpu.enqueue_dma source(%arg11 : memref<128x128xf32, #tpu.memory_space<vmem>>) target(%dma_start3A_200 : memref<128x128xf32, #tpu.memory_space<vmem_shared>>) target_semaphore(%run_scoped3A : memref<!tpu.dma_semaphore, #tpu.memory_space<semaphore_mem>>)
      %dma_wait3A_201 = arith.constant 0 : i32
      %dma_wait3A_202 = tpu.memref_slice %arg5[%add3A_34, %dma_wait3A_201] : memref<10240x128xf32, #tpu.memory_space<vmem_shared>> -> memref<128x128xf32, #tpu.memory_space<vmem_shared>>
      %dma_wait3A_203 = arith.constant 0 : i32
      %dma_wait3A_204 = tpu.memref_slice %arg5[%add3A_34, %dma_wait3A_203] : memref<10240x128xf32, #tpu.memory_space<vmem_shared>> -> memref<128x128xf32, #tpu.memory_space<vmem_shared>>
      tpu.wait_dma2 semaphore(%run_scoped3A : memref<!tpu.dma_semaphore, #tpu.memory_space<semaphore_mem>>) src(%arg11 : memref<128x128xf32, #tpu.memory_space<vmem>>) dst(%dma_wait3A_204 : memref<128x128xf32, #tpu.memory_space<vmem_shared>>)
      tpu.yield
    }) : () -> ()
    %eq3A_35 = arith.constant 0 : i32
    %eq3A_36 = arith.cmpi eq, %arg0, %eq3A_35 : i32
    %convert_element_type3A_37 = arith.extui %eq3A_36 : i1 to i32
    %cond3A_38 = arith.constant 0 : i32
    %cond3A_39 = arith.cmpi ne, %convert_element_type3A_37, %cond3A_38 : i32
    scf.if %cond3A_39 {
      %mul3A_197 = arith.constant 12800 : i32
      %mul3A_198 = arith.muli %arg1, %mul3A_197 : i32
      %dma_wait3A_199 = arith.constant 0 : i32
      %dma_wait3A_200 = tpu.memref_slice %arg6[%dma_wait3A_199] : memref<12800xi32, #tpu.memory_space<vmem>> -> memref<12800xi32, #tpu.memory_space<vmem>>
      %dma_wait3A_201 = tpu.memref_slice %arg2[%mul3A_198] : memref<331776xi32, #tpu.memory_space<hbm>> -> memref<12800xi32, #tpu.memory_space<hbm>>
      %dma_wait3A_202 = arith.constant 0 : i32
      %dma_wait3A_203 = tpu.memref_slice %arg6[%dma_wait3A_202] : memref<12800xi32, #tpu.memory_space<vmem>> -> memref<12800xi32, #tpu.memory_space<vmem>>
      %dma_wait3A_204 = tpu.memref_slice %arg2[%mul3A_198] : memref<331776xi32, #tpu.memory_space<hbm>> -> memref<12800xi32, #tpu.memory_space<hbm>>
      tpu.wait_dma2 semaphore(%arg17 : memref<!tpu.dma_semaphore, #tpu.memory_space<semaphore_mem>>) src(%dma_wait3A_204 : memref<12800xi32, #tpu.memory_space<hbm>>) dst(%dma_wait3A_203 : memref<12800xi32, #tpu.memory_space<vmem>>)
    } else {
    }
    %eq3A_40 = arith.constant 1 : i32
    %eq3A_41 = arith.cmpi eq, %arg0, %eq3A_40 : i32
    %convert_element_type3A_42 = arith.extui %eq3A_41 : i1 to i32
    %cond3A_43 = arith.constant 0 : i32
    %cond3A_44 = arith.cmpi ne, %convert_element_type3A_42, %cond3A_43 : i32
    scf.if %cond3A_44 {
      %mul3A_197 = arith.constant 7936 : i32
      %mul3A_198 = arith.muli %arg1, %mul3A_197 : i32
      %add3A_199 = arith.constant 204800 : i32
      %add3A_200 = arith.addi %add3A_199, %mul3A_198 : i32
      %dma_wait3A_201 = arith.constant 0 : i32
      %dma_wait3A_202 = tpu.memref_slice %arg6[%dma_wait3A_201] : memref<12800xi32, #tpu.memory_space<vmem>> -> memref<7936xi32, #tpu.memory_space<vmem>>
      %dma_wait3A_203 = tpu.memref_slice %arg2[%add3A_200] : memref<331776xi32, #tpu.memory_space<hbm>> -> memref<7936xi32, #tpu.memory_space<hbm>>
      %dma_wait3A_204 = arith.constant 0 : i32
      %dma_wait3A_205 = tpu.memref_slice %arg6[%dma_wait3A_204] : memref<12800xi32, #tpu.memory_space<vmem>> -> memref<7936xi32, #tpu.memory_space<vmem>>
      %dma_wait3A_206 = tpu.memref_slice %arg2[%add3A_200] : memref<331776xi32, #tpu.memory_space<hbm>> -> memref<7936xi32, #tpu.memory_space<hbm>>
      tpu.wait_dma2 semaphore(%arg17 : memref<!tpu.dma_semaphore, #tpu.memory_space<semaphore_mem>>) src(%dma_wait3A_206 : memref<7936xi32, #tpu.memory_space<hbm>>) dst(%dma_wait3A_205 : memref<7936xi32, #tpu.memory_space<vmem>>)
    } else {
    }
    %barrier3A = arith.constant 0 : index
    tpu.barrier barrier_id(%barrier3A)
    %get3A = arith.constant 0 : index
    %get3A_45 = tpu.vector_load %arg6[%get3A] {strides = array<i32>} : memref<12800xi32, #tpu.memory_space<vmem>>, vector<16xi32>,
    %get3A_46 = vector.shape_cast %get3A_45 : vector<16xi32> to vector<16xi32>
    %shift_right_logical3A = arith.constant 14 : i32
    %shift_right_logical3A_47 = vector.broadcast %shift_right_logical3A : i32 to vector<16xi32>
    %shift_right_logical3A_48 = arith.shrui %get3A_46, %shift_right_logical3A_47 : vector<16xi32>
    %swap3A = arith.constant 0 : index
    %swap3A_49 = tpu.vector_load %arg7[%swap3A] {strides = array<i32>} : memref<128xi32, #tpu.memory_space<vmem>>, vector<16xi32>,
    %swap3A_50 = vector.shape_cast %swap3A_49 : vector<16xi32> to vector<16xi32>
    %swap3A_51 = vector.shape_cast %shift_right_logical3A_48 : vector<16xi32> to vector<16xi32>
    tpu.vector_store %arg7[%swap3A], %swap3A_51 {strides = array<i32>} : memref<128xi32, #tpu.memory_space<vmem>>, vector<16xi32>,
    %and3A = arith.constant 16383 : i32
    %and3A_52 = vector.broadcast %and3A : i32 to vector<16xi32>
    %and3A_53 = arith.andi %get3A_46, %and3A_52 : vector<16xi32>
    %swap3A_54 = arith.constant 0 : index
    %swap3A_55 = tpu.vector_load %arg9[%swap3A_54] {strides = array<i32>} : memref<128xi32, #tpu.memory_space<vmem>>, vector<16xi32>,
    %swap3A_56 = vector.shape_cast %swap3A_55 : vector<16xi32> to vector<16xi32>
    %swap3A_57 = vector.shape_cast %and3A_53 : vector<16xi32> to vector<16xi32>
    tpu.vector_store %arg9[%swap3A_54], %swap3A_57 {strides = array<i32>} : memref<128xi32, #tpu.memory_space<vmem>>, vector<16xi32>,
    %get3A_58 = arith.constant 16 : index
    %get3A_59 = tpu.vector_load %arg6[%get3A_58] {strides = array<i32>} : memref<12800xi32, #tpu.memory_space<vmem>>, vector<16xi32>,
    %get3A_60 = vector.shape_cast %get3A_59 : vector<16xi32> to vector<16xi32>
    %shift_right_logical3A_61 = arith.constant 14 : i32
    %shift_right_logical3A_62 = vector.broadcast %shift_right_logical3A_61 : i32 to vector<16xi32>
    %shift_right_logical3A_63 = arith.shrui %get3A_60, %shift_right_logical3A_62 : vector<16xi32>
    %swap3A_64 = arith.constant 16 : index
    %swap3A_65 = tpu.vector_load %arg7[%swap3A_64] {strides = array<i32>} : memref<128xi32, #tpu.memory_space<vmem>>, vector<16xi32>,
    %swap3A_66 = vector.shape_cast %swap3A_65 : vector<16xi32> to vector<16xi32>
    %swap3A_67 = vector.shape_cast %shift_right_logical3A_63 : vector<16xi32> to vector<16xi32>
    tpu.vector_store %arg7[%swap3A_64], %swap3A_67 {strides = array<i32>} : memref<128xi32, #tpu.memory_space<vmem>>, vector<16xi32>,
    %and3A_68 = arith.constant 16383 : i32
    %and3A_69 = vector.broadcast %and3A_68 : i32 to vector<16xi32>
    %and3A_70 = arith.andi %get3A_60, %and3A_69 : vector<16xi32>
    %swap3A_71 = arith.constant 16 : index
    %swap3A_72 = tpu.vector_load %arg9[%swap3A_71] {strides = array<i32>} : memref<128xi32, #tpu.memory_space<vmem>>, vector<16xi32>,
    %swap3A_73 = vector.shape_cast %swap3A_72 : vector<16xi32> to vector<16xi32>
    %swap3A_74 = vector.shape_cast %and3A_70 : vector<16xi32> to vector<16xi32>
    tpu.vector_store %arg9[%swap3A_71], %swap3A_74 {strides = array<i32>} : memref<128xi32, #tpu.memory_space<vmem>>, vector<16xi32>,
    %get3A_75 = arith.constant 32 : index
    %get3A_76 = tpu.vector_load %arg6[%get3A_75] {strides = array<i32>} : memref<12800xi32, #tpu.memory_space<vmem>>, vector<16xi32>,
    %get3A_77 = vector.shape_cast %get3A_76 : vector<16xi32> to vector<16xi32>
    %shift_right_logical3A_78 = arith.constant 14 : i32
    %shift_right_logical3A_79 = vector.broadcast %shift_right_logical3A_78 : i32 to vector<16xi32>
    %shift_right_logical3A_80 = arith.shrui %get3A_77, %shift_right_logical3A_79 : vector<16xi32>
    %swap3A_81 = arith.constant 32 : index
    %swap3A_82 = tpu.vector_load %arg7[%swap3A_81] {strides = array<i32>} : memref<128xi32, #tpu.memory_space<vmem>>, vector<16xi32>,
    %swap3A_83 = vector.shape_cast %swap3A_82 : vector<16xi32> to vector<16xi32>
    %swap3A_84 = vector.shape_cast %shift_right_logical3A_80 : vector<16xi32> to vector<16xi32>
    tpu.vector_store %arg7[%swap3A_81], %swap3A_84 {strides = array<i32>} : memref<128xi32, #tpu.memory_space<vmem>>, vector<16xi32>,
    %and3A_85 = arith.constant 16383 : i32
    %and3A_86 = vector.broadcast %and3A_85 : i32 to vector<16xi32>
    %and3A_87 = arith.andi %get3A_77, %and3A_86 : vector<16xi32>
    %swap3A_88 = arith.constant 32 : index
    %swap3A_89 = tpu.vector_load %arg9[%swap3A_88] {strides = array<i32>} : memref<128xi32, #tpu.memory_space<vmem>>, vector<16xi32>,
    %swap3A_90 = vector.shape_cast %swap3A_89 : vector<16xi32> to vector<16xi32>
    %swap3A_91 = vector.shape_cast %and3A_87 : vector<16xi32> to vector<16xi32>
    tpu.vector_store %arg9[%swap3A_88], %swap3A_91 {strides = array<i32>} : memref<128xi32, #tpu.memory_space<vmem>>, vector<16xi32>,
    %get3A_92 = arith.constant 48 : index
    %get3A_93 = tpu.vector_load %arg6[%get3A_92] {strides = array<i32>} : memref<12800xi32, #tpu.memory_space<vmem>>, vector<16xi32>,
    %get3A_94 = vector.shape_cast %get3A_93 : vector<16xi32> to vector<16xi32>
    %shift_right_logical3A_95 = arith.constant 14 : i32
    %shift_right_logical3A_96 = vector.broadcast %shift_right_logical3A_95 : i32 to vector<16xi32>
    %shift_right_logical3A_97 = arith.shrui %get3A_94, %shift_right_logical3A_96 : vector<16xi32>
    %swap3A_98 = arith.constant 48 : index
    %swap3A_99 = tpu.vector_load %arg7[%swap3A_98] {strides = array<i32>} : memref<128xi32, #tpu.memory_space<vmem>>, vector<16xi32>,
    %swap3A_100 = vector.shape_cast %swap3A_99 : vector<16xi32> to vector<16xi32>
    %swap3A_101 = vector.shape_cast %shift_right_logical3A_97 : vector<16xi32> to vector<16xi32>
    tpu.vector_store %arg7[%swap3A_98], %swap3A_101 {strides = array<i32>} : memref<128xi32, #tpu.memory_space<vmem>>, vector<16xi32>,
    %and3A_102 = arith.constant 16383 : i32
    %and3A_103 = vector.broadcast %and3A_102 : i32 to vector<16xi32>
    %and3A_104 = arith.andi %get3A_94, %and3A_103 : vector<16xi32>
    %swap3A_105 = arith.constant 48 : index
    %swap3A_106 = tpu.vector_load %arg9[%swap3A_105] {strides = array<i32>} : memref<128xi32, #tpu.memory_space<vmem>>, vector<16xi32>,
    %swap3A_107 = vector.shape_cast %swap3A_106 : vector<16xi32> to vector<16xi32>
    %swap3A_108 = vector.shape_cast %and3A_104 : vector<16xi32> to vector<16xi32>
    tpu.vector_store %arg9[%swap3A_105], %swap3A_108 {strides = array<i32>} : memref<128xi32, #tpu.memory_space<vmem>>, vector<16xi32>,
    %get3A_109 = arith.constant 64 : index
    %get3A_110 = tpu.vector_load %arg6[%get3A_109] {strides = array<i32>} : memref<12800xi32, #tpu.memory_space<vmem>>, vector<16xi32>,
    %get3A_111 = vector.shape_cast %get3A_110 : vector<16xi32> to vector<16xi32>
    %shift_right_logical3A_112 = arith.constant 14 : i32
    %shift_right_logical3A_113 = vector.broadcast %shift_right_logical3A_112 : i32 to vector<16xi32>
    %shift_right_logical3A_114 = arith.shrui %get3A_111, %shift_right_logical3A_113 : vector<16xi32>
    %swap3A_115 = arith.constant 64 : index
    %swap3A_116 = tpu.vector_load %arg7[%swap3A_115] {strides = array<i32>} : memref<128xi32, #tpu.memory_space<vmem>>, vector<16xi32>,
    %swap3A_117 = vector.shape_cast %swap3A_116 : vector<16xi32> to vector<16xi32>
    %swap3A_118 = vector.shape_cast %shift_right_logical3A_114 : vector<16xi32> to vector<16xi32>
    tpu.vector_store %arg7[%swap3A_115], %swap3A_118 {strides = array<i32>} : memref<128xi32, #tpu.memory_space<vmem>>, vector<16xi32>,
    %and3A_119 = arith.constant 16383 : i32
    %and3A_120 = vector.broadcast %and3A_119 : i32 to vector<16xi32>
    %and3A_121 = arith.andi %get3A_111, %and3A_120 : vector<16xi32>
    %swap3A_122 = arith.constant 64 : index
    %swap3A_123 = tpu.vector_load %arg9[%swap3A_122] {strides = array<i32>} : memref<128xi32, #tpu.memory_space<vmem>>, vector<16xi32>,
    %swap3A_124 = vector.shape_cast %swap3A_123 : vector<16xi32> to vector<16xi32>
    %swap3A_125 = vector.shape_cast %and3A_121 : vector<16xi32> to vector<16xi32>
    tpu.vector_store %arg9[%swap3A_122], %swap3A_125 {strides = array<i32>} : memref<128xi32, #tpu.memory_space<vmem>>, vector<16xi32>,
    %get3A_126 = arith.constant 80 : index
    %get3A_127 = tpu.vector_load %arg6[%get3A_126] {strides = array<i32>} : memref<12800xi32, #tpu.memory_space<vmem>>, vector<16xi32>,
    %get3A_128 = vector.shape_cast %get3A_127 : vector<16xi32> to vector<16xi32>
    %shift_right_logical3A_129 = arith.constant 14 : i32
    %shift_right_logical3A_130 = vector.broadcast %shift_right_logical3A_129 : i32 to vector<16xi32>
    %shift_right_logical3A_131 = arith.shrui %get3A_128, %shift_right_logical3A_130 : vector<16xi32>
    %swap3A_132 = arith.constant 80 : index
    %swap3A_133 = tpu.vector_load %arg7[%swap3A_132] {strides = array<i32>} : memref<128xi32, #tpu.memory_space<vmem>>, vector<16xi32>,
    %swap3A_134 = vector.shape_cast %swap3A_133 : vector<16xi32> to vector<16xi32>
    %swap3A_135 = vector.shape_cast %shift_right_logical3A_131 : vector<16xi32> to vector<16xi32>
    tpu.vector_store %arg7[%swap3A_132], %swap3A_135 {strides = array<i32>} : memref<128xi32, #tpu.memory_space<vmem>>, vector<16xi32>,
    %and3A_136 = arith.constant 16383 : i32
    %and3A_137 = vector.broadcast %and3A_136 : i32 to vector<16xi32>
    %and3A_138 = arith.andi %get3A_128, %and3A_137 : vector<16xi32>
    %swap3A_139 = arith.constant 80 : index
    %swap3A_140 = tpu.vector_load %arg9[%swap3A_139] {strides = array<i32>} : memref<128xi32, #tpu.memory_space<vmem>>, vector<16xi32>,
    %swap3A_141 = vector.shape_cast %swap3A_140 : vector<16xi32> to vector<16xi32>
    %swap3A_142 = vector.shape_cast %and3A_138 : vector<16xi32> to vector<16xi32>
    tpu.vector_store %arg9[%swap3A_139], %swap3A_142 {strides = array<i32>} : memref<128xi32, #tpu.memory_space<vmem>>, vector<16xi32>,
    %get3A_143 = arith.constant 96 : index
    %get3A_144 = tpu.vector_load %arg6[%get3A_143] {strides = array<i32>} : memref<12800xi32, #tpu.memory_space<vmem>>, vector<16xi32>,
    %get3A_145 = vector.shape_cast %get3A_144 : vector<16xi32> to vector<16xi32>
    %shift_right_logical3A_146 = arith.constant 14 : i32
    %shift_right_logical3A_147 = vector.broadcast %shift_right_logical3A_146 : i32 to vector<16xi32>
    %shift_right_logical3A_148 = arith.shrui %get3A_145, %shift_right_logical3A_147 : vector<16xi32>
    %swap3A_149 = arith.constant 96 : index
    %swap3A_150 = tpu.vector_load %arg7[%swap3A_149] {strides = array<i32>} : memref<128xi32, #tpu.memory_space<vmem>>, vector<16xi32>,
    %swap3A_151 = vector.shape_cast %swap3A_150 : vector<16xi32> to vector<16xi32>
    %swap3A_152 = vector.shape_cast %shift_right_logical3A_148 : vector<16xi32> to vector<16xi32>
    tpu.vector_store %arg7[%swap3A_149], %swap3A_152 {strides = array<i32>} : memref<128xi32, #tpu.memory_space<vmem>>, vector<16xi32>,
    %and3A_153 = arith.constant 16383 : i32
    %and3A_154 = vector.broadcast %and3A_153 : i32 to vector<16xi32>
    %and3A_155 = arith.andi %get3A_145, %and3A_154 : vector<16xi32>
    %swap3A_156 = arith.constant 96 : index
    %swap3A_157 = tpu.vector_load %arg9[%swap3A_156] {strides = array<i32>} : memref<128xi32, #tpu.memory_space<vmem>>, vector<16xi32>,
    %swap3A_158 = vector.shape_cast %swap3A_157 : vector<16xi32> to vector<16xi32>
    %swap3A_159 = vector.shape_cast %and3A_155 : vector<16xi32> to vector<16xi32>
    tpu.vector_store %arg9[%swap3A_156], %swap3A_159 {strides = array<i32>} : memref<128xi32, #tpu.memory_space<vmem>>, vector<16xi32>,
    %get3A_160 = arith.constant 112 : index
    %get3A_161 = tpu.vector_load %arg6[%get3A_160] {strides = array<i32>} : memref<12800xi32, #tpu.memory_space<vmem>>, vector<16xi32>,
    %get3A_162 = vector.shape_cast %get3A_161 : vector<16xi32> to vector<16xi32>
    %shift_right_logical3A_163 = arith.constant 14 : i32
    %shift_right_logical3A_164 = vector.broadcast %shift_right_logical3A_163 : i32 to vector<16xi32>
    %shift_right_logical3A_165 = arith.shrui %get3A_162, %shift_right_logical3A_164 : vector<16xi32>
    %swap3A_166 = arith.constant 112 : index
    %swap3A_167 = tpu.vector_load %arg7[%swap3A_166] {strides = array<i32>} : memref<128xi32, #tpu.memory_space<vmem>>, vector<16xi32>,
    %swap3A_168 = vector.shape_cast %swap3A_167 : vector<16xi32> to vector<16xi32>
    %swap3A_169 = vector.shape_cast %shift_right_logical3A_165 : vector<16xi32> to vector<16xi32>
    tpu.vector_store %arg7[%swap3A_166], %swap3A_169 {strides = array<i32>} : memref<128xi32, #tpu.memory_space<vmem>>, vector<16xi32>,
    %and3A_170 = arith.constant 16383 : i32
    %and3A_171 = vector.broadcast %and3A_170 : i32 to vector<16xi32>
    %and3A_172 = arith.andi %get3A_162, %and3A_171 : vector<16xi32>
    %swap3A_173 = arith.constant 112 : index
    %swap3A_174 = tpu.vector_load %arg9[%swap3A_173] {strides = array<i32>} : memref<128xi32, #tpu.memory_space<vmem>>, vector<16xi32>,
    %swap3A_175 = vector.shape_cast %swap3A_174 : vector<16xi32> to vector<16xi32>
    %swap3A_176 = vector.shape_cast %and3A_172 : vector<16xi32> to vector<16xi32>
    tpu.vector_store %arg9[%swap3A_173], %swap3A_176 {strides = array<i32>} : memref<128xi32, #tpu.memory_space<vmem>>, vector<16xi32>,
    %dma_start3A = arith.constant 0 : i32
    %dma_start3A_177 = arith.constant 0 : i32
    %dma_start3A_178 = tpu.memref_slice %arg3[%dma_start3A, %dma_start3A_177] : memref<10000x128xf32, #tpu.memory_space<hbm>> -> memref<10000x128xf32, #tpu.memory_space<hbm>>
    tpu.enqueue_indirect_dma source(%dma_start3A_178 : memref<10000x128xf32, #tpu.memory_space<hbm>>) target(%arg11 : memref<128x128xf32, #tpu.memory_space<vmem>>) offsets(%arg7 : memref<128xi32, #tpu.memory_space<vmem>>) semaphore(%arg13 : memref<!tpu.dma_semaphore, #tpu.memory_space<semaphore_mem>>)
    %while3A = arith.constant 0 : i32
    %while3A_179 = arith.constant 0 : i32
    %while3A_180 = arith.subi %select_n3A_2, %while3A : i32
    %while3A_181 = arith.addi %while3A, %while3A_180 : i32
    %while3A_182 = arith.constant 1 : i32
    %while3A_183 = arith.divsi %while3A_180, %while3A_182 : i32
    %while3A_184 = arith.muli %while3A_183, %while3A_182 : i32
    %while3A_185 = arith.addi %while3A, %while3A_184 : i32
    %while3A_186 = arith.constant 1 : i32
    %while3A_187 = scf.for %while3A_197 = %while3A to %while3A_185 step %while3A_186 iter_args(%while3A_198 = %while3A_179) -> (i32)  : i32 {
      %rem3A = arith.constant 2 : i32
      %rem3A_199 = arith.remsi %while3A_197, %rem3A : i32
      %eq3A_200 = arith.constant 0 : i32
      %eq3A_201 = arith.cmpi eq, %rem3A_199, %eq3A_200 : i32
      %convert_element_type3A_202 = arith.extui %eq3A_201 : i1 to i32
      %cond3A_203 = arith.constant 0 : i32
      %cond3A_204 = arith.cmpi ne, %convert_element_type3A_202, %cond3A_203 : i32
      scf.if %cond3A_204 {
        %ge3A = arith.constant 1 : i32
        %ge3A_213 = arith.cmpi sge, %while3A_197, %ge3A : i32
        %convert_element_type3A_214 = arith.extui %ge3A_213 : i1 to i32
        %cond3A_215 = arith.constant 0 : i32
        %cond3A_216 = arith.cmpi ne, %convert_element_type3A_214, %cond3A_215 : i32
        scf.if %cond3A_216 {
          %dma_wait3A_228 = arith.constant 0 : i32
          %dma_wait3A_229 = arith.constant 0 : i32
          %dma_wait3A_230 = tpu.memref_slice %arg5[%dma_wait3A_228, %dma_wait3A_229] : memref<10240x128xf32, #tpu.memory_space<vmem_shared>> -> memref<10240x128xf32, #tpu.memory_space<vmem_shared>>
          tpu.wait_indirect_dma semaphore(%arg16 : memref<!tpu.dma_semaphore, #tpu.memory_space<semaphore_mem>>) src(%arg12 : memref<128x128xf32, #tpu.memory_space<vmem>>) dst(%dma_wait3A_230 : memref<10240x128xf32, #tpu.memory_space<vmem_shared>>)
        } else {
        }
        %add3A_217 = arith.constant 1 : i32
        %add3A_218 = arith.addi %while3A_197, %add3A_217 : i32
        %lt3A = arith.cmpi slt, %add3A_218, %select_n3A_2 : i32
        %convert_element_type3A_219 = arith.extui %lt3A : i1 to i32
        %cond3A_220 = arith.constant 0 : i32
        %cond3A_221 = arith.cmpi ne, %convert_element_type3A_219, %cond3A_220 : i32
        scf.if %cond3A_221 {
          %add3A_228 = arith.constant 1 : i32
          %add3A_229 = arith.addi %while3A_197, %add3A_228 : i32
          %mul3A_230 = arith.constant 128 : i32
          %mul3A_231 = arith.muli %add3A_229, %mul3A_230 : i32
          %add3A_232 = arith.constant 0 : i32
          %add3A_233 = arith.addi %mul3A_231, %add3A_232 : i32
          %get3A_234 = arith.index_cast %add3A_233 : i32 to index
          %get3A_235 = tpu.vector_load %arg6[%get3A_234] {strides = array<i32>} : memref<12800xi32, #tpu.memory_space<vmem>>, vector<16xi32>,
          %get3A_236 = vector.shape_cast %get3A_235 : vector<16xi32> to vector<16xi32>
          %shift_right_logical3A_237 = arith.constant 14 : i32
          %shift_right_logical3A_238 = vector.broadcast %shift_right_logical3A_237 : i32 to vector<16xi32>
          %shift_right_logical3A_239 = arith.shrui %get3A_236, %shift_right_logical3A_238 : vector<16xi32>
          %swap3A_240 = arith.constant 0 : index
          %swap3A_241 = tpu.vector_load %arg8[%swap3A_240] {strides = array<i32>} : memref<128xi32, #tpu.memory_space<vmem>>, vector<16xi32>,
          %swap3A_242 = vector.shape_cast %swap3A_241 : vector<16xi32> to vector<16xi32>
          %swap3A_243 = vector.shape_cast %shift_right_logical3A_239 : vector<16xi32> to vector<16xi32>
          tpu.vector_store %arg8[%swap3A_240], %swap3A_243 {strides = array<i32>} : memref<128xi32, #tpu.memory_space<vmem>>, vector<16xi32>,
          %and3A_244 = arith.constant 16383 : i32
          %and3A_245 = vector.broadcast %and3A_244 : i32 to vector<16xi32>
          %and3A_246 = arith.andi %get3A_236, %and3A_245 : vector<16xi32>
          %swap3A_247 = arith.constant 0 : index
          %swap3A_248 = tpu.vector_load %arg10[%swap3A_247] {strides = array<i32>} : memref<128xi32, #tpu.memory_space<vmem>>, vector<16xi32>,
          %swap3A_249 = vector.shape_cast %swap3A_248 : vector<16xi32> to vector<16xi32>
          %swap3A_250 = vector.shape_cast %and3A_246 : vector<16xi32> to vector<16xi32>
          tpu.vector_store %arg10[%swap3A_247], %swap3A_250 {strides = array<i32>} : memref<128xi32, #tpu.memory_space<vmem>>, vector<16xi32>,
          %mul3A_251 = arith.constant 128 : i32
          %mul3A_252 = arith.muli %add3A_229, %mul3A_251 : i32
          %add3A_253 = arith.constant 16 : i32
          %add3A_254 = arith.addi %mul3A_252, %add3A_253 : i32
          %get3A_255 = arith.index_cast %add3A_254 : i32 to index
          %get3A_256 = tpu.vector_load %arg6[%get3A_255] {strides = array<i32>} : memref<12800xi32, #tpu.memory_space<vmem>>, vector<16xi32>,
          %get3A_257 = vector.shape_cast %get3A_256 : vector<16xi32> to vector<16xi32>
          %shift_right_logical3A_258 = arith.constant 14 : i32
          %shift_right_logical3A_259 = vector.broadcast %shift_right_logical3A_258 : i32 to vector<16xi32>
          %shift_right_logical3A_260 = arith.shrui %get3A_257, %shift_right_logical3A_259 : vector<16xi32>
          %swap3A_261 = arith.constant 16 : index
          %swap3A_262 = tpu.vector_load %arg8[%swap3A_261] {strides = array<i32>} : memref<128xi32, #tpu.memory_space<vmem>>, vector<16xi32>,
          %swap3A_263 = vector.shape_cast %swap3A_262 : vector<16xi32> to vector<16xi32>
          %swap3A_264 = vector.shape_cast %shift_right_logical3A_260 : vector<16xi32> to vector<16xi32>
          tpu.vector_store %arg8[%swap3A_261], %swap3A_264 {strides = array<i32>} : memref<128xi32, #tpu.memory_space<vmem>>, vector<16xi32>,
          %and3A_265 = arith.constant 16383 : i32
          %and3A_266 = vector.broadcast %and3A_265 : i32 to vector<16xi32>
          %and3A_267 = arith.andi %get3A_257, %and3A_266 : vector<16xi32>
          %swap3A_268 = arith.constant 16 : index
          %swap3A_269 = tpu.vector_load %arg10[%swap3A_268] {strides = array<i32>} : memref<128xi32, #tpu.memory_space<vmem>>, vector<16xi32>,
          %swap3A_270 = vector.shape_cast %swap3A_269 : vector<16xi32> to vector<16xi32>
          %swap3A_271 = vector.shape_cast %and3A_267 : vector<16xi32> to vector<16xi32>
          tpu.vector_store %arg10[%swap3A_268], %swap3A_271 {strides = array<i32>} : memref<128xi32, #tpu.memory_space<vmem>>, vector<16xi32>,
          %mul3A_272 = arith.constant 128 : i32
          %mul3A_273 = arith.muli %add3A_229, %mul3A_272 : i32
          %add3A_274 = arith.constant 32 : i32
          %add3A_275 = arith.addi %mul3A_273, %add3A_274 : i32
          %get3A_276 = arith.index_cast %add3A_275 : i32 to index
          %get3A_277 = tpu.vector_load %arg6[%get3A_276] {strides = array<i32>} : memref<12800xi32, #tpu.memory_space<vmem>>, vector<16xi32>,
          %get3A_278 = vector.shape_cast %get3A_277 : vector<16xi32> to vector<16xi32>
          %shift_right_logical3A_279 = arith.constant 14 : i32
          %shift_right_logical3A_280 = vector.broadcast %shift_right_logical3A_279 : i32 to vector<16xi32>
          %shift_right_logical3A_281 = arith.shrui %get3A_278, %shift_right_logical3A_280 : vector<16xi32>
          %swap3A_282 = arith.constant 32 : index
          %swap3A_283 = tpu.vector_load %arg8[%swap3A_282] {strides = array<i32>} : memref<128xi32, #tpu.memory_space<vmem>>, vector<16xi32>,
          %swap3A_284 = vector.shape_cast %swap3A_283 : vector<16xi32> to vector<16xi32>
          %swap3A_285 = vector.shape_cast %shift_right_logical3A_281 : vector<16xi32> to vector<16xi32>
          tpu.vector_store %arg8[%swap3A_282], %swap3A_285 {strides = array<i32>} : memref<128xi32, #tpu.memory_space<vmem>>, vector<16xi32>,
          %and3A_286 = arith.constant 16383 : i32
          %and3A_287 = vector.broadcast %and3A_286 : i32 to vector<16xi32>
          %and3A_288 = arith.andi %get3A_278, %and3A_287 : vector<16xi32>
          %swap3A_289 = arith.constant 32 : index
          %swap3A_290 = tpu.vector_load %arg10[%swap3A_289] {strides = array<i32>} : memref<128xi32, #tpu.memory_space<vmem>>, vector<16xi32>,
          %swap3A_291 = vector.shape_cast %swap3A_290 : vector<16xi32> to vector<16xi32>
          %swap3A_292 = vector.shape_cast %and3A_288 : vector<16xi32> to vector<16xi32>
          tpu.vector_store %arg10[%swap3A_289], %swap3A_292 {strides = array<i32>} : memref<128xi32, #tpu.memory_space<vmem>>, vector<16xi32>,
          %mul3A_293 = arith.constant 128 : i32
          %mul3A_294 = arith.muli %add3A_229, %mul3A_293 : i32
          %add3A_295 = arith.constant 48 : i32
          %add3A_296 = arith.addi %mul3A_294, %add3A_295 : i32
          %get3A_297 = arith.index_cast %add3A_296 : i32 to index
          %get3A_298 = tpu.vector_load %arg6[%get3A_297] {strides = array<i32>} : memref<12800xi32, #tpu.memory_space<vmem>>, vector<16xi32>,
          %get3A_299 = vector.shape_cast %get3A_298 : vector<16xi32> to vector<16xi32>
          %shift_right_logical3A_300 = arith.constant 14 : i32
          %shift_right_logical3A_301 = vector.broadcast %shift_right_logical3A_300 : i32 to vector<16xi32>
          %shift_right_logical3A_302 = arith.shrui %get3A_299, %shift_right_logical3A_301 : vector<16xi32>
          %swap3A_303 = arith.constant 48 : index
          %swap3A_304 = tpu.vector_load %arg8[%swap3A_303] {strides = array<i32>} : memref<128xi32, #tpu.memory_space<vmem>>, vector<16xi32>,
          %swap3A_305 = vector.shape_cast %swap3A_304 : vector<16xi32> to vector<16xi32>
          %swap3A_306 = vector.shape_cast %shift_right_logical3A_302 : vector<16xi32> to vector<16xi32>
          tpu.vector_store %arg8[%swap3A_303], %swap3A_306 {strides = array<i32>} : memref<128xi32, #tpu.memory_space<vmem>>, vector<16xi32>,
          %and3A_307 = arith.constant 16383 : i32
          %and3A_308 = vector.broadcast %and3A_307 : i32 to vector<16xi32>
          %and3A_309 = arith.andi %get3A_299, %and3A_308 : vector<16xi32>
          %swap3A_310 = arith.constant 48 : index
          %swap3A_311 = tpu.vector_load %arg10[%swap3A_310] {strides = array<i32>} : memref<128xi32, #tpu.memory_space<vmem>>, vector<16xi32>,
          %swap3A_312 = vector.shape_cast %swap3A_311 : vector<16xi32> to vector<16xi32>
          %swap3A_313 = vector.shape_cast %and3A_309 : vector<16xi32> to vector<16xi32>
          tpu.vector_store %arg10[%swap3A_310], %swap3A_313 {strides = array<i32>} : memref<128xi32, #tpu.memory_space<vmem>>, vector<16xi32>,
          %mul3A_314 = arith.constant 128 : i32
          %mul3A_315 = arith.muli %add3A_229, %mul3A_314 : i32
          %add3A_316 = arith.constant 64 : i32
          %add3A_317 = arith.addi %mul3A_315, %add3A_316 : i32
          %get3A_318 = arith.index_cast %add3A_317 : i32 to index
          %get3A_319 = tpu.vector_load %arg6[%get3A_318] {strides = array<i32>} : memref<12800xi32, #tpu.memory_space<vmem>>, vector<16xi32>,
          %get3A_320 = vector.shape_cast %get3A_319 : vector<16xi32> to vector<16xi32>
          %shift_right_logical3A_321 = arith.constant 14 : i32
          %shift_right_logical3A_322 = vector.broadcast %shift_right_logical3A_321 : i32 to vector<16xi32>
          %shift_right_logical3A_323 = arith.shrui %get3A_320, %shift_right_logical3A_322 : vector<16xi32>
          %swap3A_324 = arith.constant 64 : index
          %swap3A_325 = tpu.vector_load %arg8[%swap3A_324] {strides = array<i32>} : memref<128xi32, #tpu.memory_space<vmem>>, vector<16xi32>,
          %swap3A_326 = vector.shape_cast %swap3A_325 : vector<16xi32> to vector<16xi32>
          %swap3A_327 = vector.shape_cast %shift_right_logical3A_323 : vector<16xi32> to vector<16xi32>
          tpu.vector_store %arg8[%swap3A_324], %swap3A_327 {strides = array<i32>} : memref<128xi32, #tpu.memory_space<vmem>>, vector<16xi32>,
          %and3A_328 = arith.constant 16383 : i32
          %and3A_329 = vector.broadcast %and3A_328 : i32 to vector<16xi32>
          %and3A_330 = arith.andi %get3A_320, %and3A_329 : vector<16xi32>
          %swap3A_331 = arith.constant 64 : index
          %swap3A_332 = tpu.vector_load %arg10[%swap3A_331] {strides = array<i32>} : memref<128xi32, #tpu.memory_space<vmem>>, vector<16xi32>,
          %swap3A_333 = vector.shape_cast %swap3A_332 : vector<16xi32> to vector<16xi32>
          %swap3A_334 = vector.shape_cast %and3A_330 : vector<16xi32> to vector<16xi32>
          tpu.vector_store %arg10[%swap3A_331], %swap3A_334 {strides = array<i32>} : memref<128xi32, #tpu.memory_space<vmem>>, vector<16xi32>,
          %mul3A_335 = arith.constant 128 : i32
          %mul3A_336 = arith.muli %add3A_229, %mul3A_335 : i32
          %add3A_337 = arith.constant 80 : i32
          %add3A_338 = arith.addi %mul3A_336, %add3A_337 : i32
          %get3A_339 = arith.index_cast %add3A_338 : i32 to index
          %get3A_340 = tpu.vector_load %arg6[%get3A_339] {strides = array<i32>} : memref<12800xi32, #tpu.memory_space<vmem>>, vector<16xi32>,
          %get3A_341 = vector.shape_cast %get3A_340 : vector<16xi32> to vector<16xi32>
          %shift_right_logical3A_342 = arith.constant 14 : i32
          %shift_right_logical3A_343 = vector.broadcast %shift_right_logical3A_342 : i32 to vector<16xi32>
          %shift_right_logical3A_344 = arith.shrui %get3A_341, %shift_right_logical3A_343 : vector<16xi32>
          %swap3A_345 = arith.constant 80 : index
          %swap3A_346 = tpu.vector_load %arg8[%swap3A_345] {strides = array<i32>} : memref<128xi32, #tpu.memory_space<vmem>>, vector<16xi32>,
          %swap3A_347 = vector.shape_cast %swap3A_346 : vector<16xi32> to vector<16xi32>
          %swap3A_348 = vector.shape_cast %shift_right_logical3A_344 : vector<16xi32> to vector<16xi32>
          tpu.vector_store %arg8[%swap3A_345], %swap3A_348 {strides = array<i32>} : memref<128xi32, #tpu.memory_space<vmem>>, vector<16xi32>,
          %and3A_349 = arith.constant 16383 : i32
          %and3A_350 = vector.broadcast %and3A_349 : i32 to vector<16xi32>
          %and3A_351 = arith.andi %get3A_341, %and3A_350 : vector<16xi32>
          %swap3A_352 = arith.constant 80 : index
          %swap3A_353 = tpu.vector_load %arg10[%swap3A_352] {strides = array<i32>} : memref<128xi32, #tpu.memory_space<vmem>>, vector<16xi32>,
          %swap3A_354 = vector.shape_cast %swap3A_353 : vector<16xi32> to vector<16xi32>
          %swap3A_355 = vector.shape_cast %and3A_351 : vector<16xi32> to vector<16xi32>
          tpu.vector_store %arg10[%swap3A_352], %swap3A_355 {strides = array<i32>} : memref<128xi32, #tpu.memory_space<vmem>>, vector<16xi32>,
          %mul3A_356 = arith.constant 128 : i32
          %mul3A_357 = arith.muli %add3A_229, %mul3A_356 : i32
          %add3A_358 = arith.constant 96 : i32
          %add3A_359 = arith.addi %mul3A_357, %add3A_358 : i32
          %get3A_360 = arith.index_cast %add3A_359 : i32 to index
          %get3A_361 = tpu.vector_load %arg6[%get3A_360] {strides = array<i32>} : memref<12800xi32, #tpu.memory_space<vmem>>, vector<16xi32>,
          %get3A_362 = vector.shape_cast %get3A_361 : vector<16xi32> to vector<16xi32>
          %shift_right_logical3A_363 = arith.constant 14 : i32
          %shift_right_logical3A_364 = vector.broadcast %shift_right_logical3A_363 : i32 to vector<16xi32>
          %shift_right_logical3A_365 = arith.shrui %get3A_362, %shift_right_logical3A_364 : vector<16xi32>
          %swap3A_366 = arith.constant 96 : index
          %swap3A_367 = tpu.vector_load %arg8[%swap3A_366] {strides = array<i32>} : memref<128xi32, #tpu.memory_space<vmem>>, vector<16xi32>,
          %swap3A_368 = vector.shape_cast %swap3A_367 : vector<16xi32> to vector<16xi32>
          %swap3A_369 = vector.shape_cast %shift_right_logical3A_365 : vector<16xi32> to vector<16xi32>
          tpu.vector_store %arg8[%swap3A_366], %swap3A_369 {strides = array<i32>} : memref<128xi32, #tpu.memory_space<vmem>>, vector<16xi32>,
          %and3A_370 = arith.constant 16383 : i32
          %and3A_371 = vector.broadcast %and3A_370 : i32 to vector<16xi32>
          %and3A_372 = arith.andi %get3A_362, %and3A_371 : vector<16xi32>
          %swap3A_373 = arith.constant 96 : index
          %swap3A_374 = tpu.vector_load %arg10[%swap3A_373] {strides = array<i32>} : memref<128xi32, #tpu.memory_space<vmem>>, vector<16xi32>,
          %swap3A_375 = vector.shape_cast %swap3A_374 : vector<16xi32> to vector<16xi32>
          %swap3A_376 = vector.shape_cast %and3A_372 : vector<16xi32> to vector<16xi32>
          tpu.vector_store %arg10[%swap3A_373], %swap3A_376 {strides = array<i32>} : memref<128xi32, #tpu.memory_space<vmem>>, vector<16xi32>,
          %mul3A_377 = arith.constant 128 : i32
          %mul3A_378 = arith.muli %add3A_229, %mul3A_377 : i32
          %add3A_379 = arith.constant 112 : i32
          %add3A_380 = arith.addi %mul3A_378, %add3A_379 : i32
          %get3A_381 = arith.index_cast %add3A_380 : i32 to index
          %get3A_382 = tpu.vector_load %arg6[%get3A_381] {strides = array<i32>} : memref<12800xi32, #tpu.memory_space<vmem>>, vector<16xi32>,
          %get3A_383 = vector.shape_cast %get3A_382 : vector<16xi32> to vector<16xi32>
          %shift_right_logical3A_384 = arith.constant 14 : i32
          %shift_right_logical3A_385 = vector.broadcast %shift_right_logical3A_384 : i32 to vector<16xi32>
          %shift_right_logical3A_386 = arith.shrui %get3A_383, %shift_right_logical3A_385 : vector<16xi32>
          %swap3A_387 = arith.constant 112 : index
          %swap3A_388 = tpu.vector_load %arg8[%swap3A_387] {strides = array<i32>} : memref<128xi32, #tpu.memory_space<vmem>>, vector<16xi32>,
          %swap3A_389 = vector.shape_cast %swap3A_388 : vector<16xi32> to vector<16xi32>
          %swap3A_390 = vector.shape_cast %shift_right_logical3A_386 : vector<16xi32> to vector<16xi32>
          tpu.vector_store %arg8[%swap3A_387], %swap3A_390 {strides = array<i32>} : memref<128xi32, #tpu.memory_space<vmem>>, vector<16xi32>,
          %and3A_391 = arith.constant 16383 : i32
          %and3A_392 = vector.broadcast %and3A_391 : i32 to vector<16xi32>
          %and3A_393 = arith.andi %get3A_383, %and3A_392 : vector<16xi32>
          %swap3A_394 = arith.constant 112 : index
          %swap3A_395 = tpu.vector_load %arg10[%swap3A_394] {strides = array<i32>} : memref<128xi32, #tpu.memory_space<vmem>>, vector<16xi32>,
          %swap3A_396 = vector.shape_cast %swap3A_395 : vector<16xi32> to vector<16xi32>
          %swap3A_397 = vector.shape_cast %and3A_393 : vector<16xi32> to vector<16xi32>
          tpu.vector_store %arg10[%swap3A_394], %swap3A_397 {strides = array<i32>} : memref<128xi32, #tpu.memory_space<vmem>>, vector<16xi32>,
          %dma_start3A_398 = arith.constant 0 : i32
          %dma_start3A_399 = arith.constant 0 : i32
          %dma_start3A_400 = tpu.memref_slice %arg3[%dma_start3A_398, %dma_start3A_399] : memref<10000x128xf32, #tpu.memory_space<hbm>> -> memref<10000x128xf32, #tpu.memory_space<hbm>>
          tpu.enqueue_indirect_dma source(%dma_start3A_400 : memref<10000x128xf32, #tpu.memory_space<hbm>>) target(%arg12 : memref<128x128xf32, #tpu.memory_space<vmem>>) offsets(%arg8 : memref<128xi32, #tpu.memory_space<vmem>>) semaphore(%arg14 : memref<!tpu.dma_semaphore, #tpu.memory_space<semaphore_mem>>)
        } else {
        }
        %dma_wait3A_222 = arith.constant 0 : i32
        %dma_wait3A_223 = arith.constant 0 : i32
        %dma_wait3A_224 = tpu.memref_slice %arg3[%dma_wait3A_222, %dma_wait3A_223] : memref<10000x128xf32, #tpu.memory_space<hbm>> -> memref<10000x128xf32, #tpu.memory_space<hbm>>
        tpu.wait_indirect_dma semaphore(%arg13 : memref<!tpu.dma_semaphore, #tpu.memory_space<semaphore_mem>>) src(%dma_wait3A_224 : memref<10000x128xf32, #tpu.memory_space<hbm>>) dst(%arg11 : memref<128x128xf32, #tpu.memory_space<vmem>>)
        %dma_start3A_225 = arith.constant 0 : i32
        %dma_start3A_226 = arith.constant 0 : i32
        %dma_start3A_227 = tpu.memref_slice %arg5[%dma_start3A_225, %dma_start3A_226] : memref<10240x128xf32, #tpu.memory_space<vmem_shared>> -> memref<10240x128xf32, #tpu.memory_space<vmem_shared>>
        tpu.enqueue_indirect_dma source(%arg11 : memref<128x128xf32, #tpu.memory_space<vmem>>) target(%dma_start3A_227 : memref<10240x128xf32, #tpu.memory_space<vmem_shared>>) offsets(%arg9 : memref<128xi32, #tpu.memory_space<vmem>>) semaphore(%arg15 : memref<!tpu.dma_semaphore, #tpu.memory_space<semaphore_mem>>) {add = true}
      } else {
      }
      %rem3A_205 = arith.constant 2 : i32
      %rem3A_206 = arith.remsi %while3A_197, %rem3A_205 : i32
      %eq3A_207 = arith.constant 1 : i32
      %eq3A_208 = arith.cmpi eq, %rem3A_206, %eq3A_207 : i32
      %convert_element_type3A_209 = arith.extui %eq3A_208 : i1 to i32
      %cond3A_210 = arith.constant 0 : i32
      %cond3A_211 = arith.cmpi ne, %convert_element_type3A_209, %cond3A_210 : i32
      scf.if %cond3A_211 {
        %ge3A = arith.constant 1 : i32
        %ge3A_213 = arith.cmpi sge, %while3A_197, %ge3A : i32
        %convert_element_type3A_214 = arith.extui %ge3A_213 : i1 to i32
        %cond3A_215 = arith.constant 0 : i32
        %cond3A_216 = arith.cmpi ne, %convert_element_type3A_214, %cond3A_215 : i32
        scf.if %cond3A_216 {
          %dma_wait3A_228 = arith.constant 0 : i32
          %dma_wait3A_229 = arith.constant 0 : i32
          %dma_wait3A_230 = tpu.memref_slice %arg5[%dma_wait3A_228, %dma_wait3A_229] : memref<10240x128xf32, #tpu.memory_space<vmem_shared>> -> memref<10240x128xf32, #tpu.memory_space<vmem_shared>>
          tpu.wait_indirect_dma semaphore(%arg15 : memref<!tpu.dma_semaphore, #tpu.memory_space<semaphore_mem>>) src(%arg11 : memref<128x128xf32, #tpu.memory_space<vmem>>) dst(%dma_wait3A_230 : memref<10240x128xf32, #tpu.memory_space<vmem_shared>>)
        } else {
        }
        %add3A_217 = arith.constant 1 : i32
        %add3A_218 = arith.addi %while3A_197, %add3A_217 : i32
        %lt3A = arith.cmpi slt, %add3A_218, %select_n3A_2 : i32
        %convert_element_type3A_219 = arith.extui %lt3A : i1 to i32
        %cond3A_220 = arith.constant 0 : i32
        %cond3A_221 = arith.cmpi ne, %convert_element_type3A_219, %cond3A_220 : i32
        scf.if %cond3A_221 {
          %add3A_228 = arith.constant 1 : i32
          %add3A_229 = arith.addi %while3A_197, %add3A_228 : i32
          %mul3A_230 = arith.constant 128 : i32
          %mul3A_231 = arith.muli %add3A_229, %mul3A_230 : i32
          %add3A_232 = arith.constant 0 : i32
          %add3A_233 = arith.addi %mul3A_231, %add3A_232 : i32
          %get3A_234 = arith.index_cast %add3A_233 : i32 to index
          %get3A_235 = tpu.vector_load %arg6[%get3A_234] {strides = array<i32>} : memref<12800xi32, #tpu.memory_space<vmem>>, vector<16xi32>,
          %get3A_236 = vector.shape_cast %get3A_235 : vector<16xi32> to vector<16xi32>
          %shift_right_logical3A_237 = arith.constant 14 : i32
          %shift_right_logical3A_238 = vector.broadcast %shift_right_logical3A_237 : i32 to vector<16xi32>
          %shift_right_logical3A_239 = arith.shrui %get3A_236, %shift_right_logical3A_238 : vector<16xi32>
          %swap3A_240 = arith.constant 0 : index
          %swap3A_241 = tpu.vector_load %arg7[%swap3A_240] {strides = array<i32>} : memref<128xi32, #tpu.memory_space<vmem>>, vector<16xi32>,
          %swap3A_242 = vector.shape_cast %swap3A_241 : vector<16xi32> to vector<16xi32>
          %swap3A_243 = vector.shape_cast %shift_right_logical3A_239 : vector<16xi32> to vector<16xi32>
          tpu.vector_store %arg7[%swap3A_240], %swap3A_243 {strides = array<i32>} : memref<128xi32, #tpu.memory_space<vmem>>, vector<16xi32>,
          %and3A_244 = arith.constant 16383 : i32
          %and3A_245 = vector.broadcast %and3A_244 : i32 to vector<16xi32>
          %and3A_246 = arith.andi %get3A_236, %and3A_245 : vector<16xi32>
          %swap3A_247 = arith.constant 0 : index
          %swap3A_248 = tpu.vector_load %arg9[%swap3A_247] {strides = array<i32>} : memref<128xi32, #tpu.memory_space<vmem>>, vector<16xi32>,
          %swap3A_249 = vector.shape_cast %swap3A_248 : vector<16xi32> to vector<16xi32>
          %swap3A_250 = vector.shape_cast %and3A_246 : vector<16xi32> to vector<16xi32>
          tpu.vector_store %arg9[%swap3A_247], %swap3A_250 {strides = array<i32>} : memref<128xi32, #tpu.memory_space<vmem>>, vector<16xi32>,
          %mul3A_251 = arith.constant 128 : i32
          %mul3A_252 = arith.muli %add3A_229, %mul3A_251 : i32
          %add3A_253 = arith.constant 16 : i32
          %add3A_254 = arith.addi %mul3A_252, %add3A_253 : i32
          %get3A_255 = arith.index_cast %add3A_254 : i32 to index
          %get3A_256 = tpu.vector_load %arg6[%get3A_255] {strides = array<i32>} : memref<12800xi32, #tpu.memory_space<vmem>>, vector<16xi32>,
          %get3A_257 = vector.shape_cast %get3A_256 : vector<16xi32> to vector<16xi32>
          %shift_right_logical3A_258 = arith.constant 14 : i32
          %shift_right_logical3A_259 = vector.broadcast %shift_right_logical3A_258 : i32 to vector<16xi32>
          %shift_right_logical3A_260 = arith.shrui %get3A_257, %shift_right_logical3A_259 : vector<16xi32>
          %swap3A_261 = arith.constant 16 : index
          %swap3A_262 = tpu.vector_load %arg7[%swap3A_261] {strides = array<i32>} : memref<128xi32, #tpu.memory_space<vmem>>, vector<16xi32>,
          %swap3A_263 = vector.shape_cast %swap3A_262 : vector<16xi32> to vector<16xi32>
          %swap3A_264 = vector.shape_cast %shift_right_logical3A_260 : vector<16xi32> to vector<16xi32>
          tpu.vector_store %arg7[%swap3A_261], %swap3A_264 {strides = array<i32>} : memref<128xi32, #tpu.memory_space<vmem>>, vector<16xi32>,
          %and3A_265 = arith.constant 16383 : i32
          %and3A_266 = vector.broadcast %and3A_265 : i32 to vector<16xi32>
          %and3A_267 = arith.andi %get3A_257, %and3A_266 : vector<16xi32>
          %swap3A_268 = arith.constant 16 : index
          %swap3A_269 = tpu.vector_load %arg9[%swap3A_268] {strides = array<i32>} : memref<128xi32, #tpu.memory_space<vmem>>, vector<16xi32>,
          %swap3A_270 = vector.shape_cast %swap3A_269 : vector<16xi32> to vector<16xi32>
          %swap3A_271 = vector.shape_cast %and3A_267 : vector<16xi32> to vector<16xi32>
          tpu.vector_store %arg9[%swap3A_268], %swap3A_271 {strides = array<i32>} : memref<128xi32, #tpu.memory_space<vmem>>, vector<16xi32>,
          %mul3A_272 = arith.constant 128 : i32
          %mul3A_273 = arith.muli %add3A_229, %mul3A_272 : i32
          %add3A_274 = arith.constant 32 : i32
          %add3A_275 = arith.addi %mul3A_273, %add3A_274 : i32
          %get3A_276 = arith.index_cast %add3A_275 : i32 to index
          %get3A_277 = tpu.vector_load %arg6[%get3A_276] {strides = array<i32>} : memref<12800xi32, #tpu.memory_space<vmem>>, vector<16xi32>,
          %get3A_278 = vector.shape_cast %get3A_277 : vector<16xi32> to vector<16xi32>
          %shift_right_logical3A_279 = arith.constant 14 : i32
          %shift_right_logical3A_280 = vector.broadcast %shift_right_logical3A_279 : i32 to vector<16xi32>
          %shift_right_logical3A_281 = arith.shrui %get3A_278, %shift_right_logical3A_280 : vector<16xi32>
          %swap3A_282 = arith.constant 32 : index
          %swap3A_283 = tpu.vector_load %arg7[%swap3A_282] {strides = array<i32>} : memref<128xi32, #tpu.memory_space<vmem>>, vector<16xi32>,
          %swap3A_284 = vector.shape_cast %swap3A_283 : vector<16xi32> to vector<16xi32>
          %swap3A_285 = vector.shape_cast %shift_right_logical3A_281 : vector<16xi32> to vector<16xi32>
          tpu.vector_store %arg7[%swap3A_282], %swap3A_285 {strides = array<i32>} : memref<128xi32, #tpu.memory_space<vmem>>, vector<16xi32>,
          %and3A_286 = arith.constant 16383 : i32
          %and3A_287 = vector.broadcast %and3A_286 : i32 to vector<16xi32>
          %and3A_288 = arith.andi %get3A_278, %and3A_287 : vector<16xi32>
          %swap3A_289 = arith.constant 32 : index
          %swap3A_290 = tpu.vector_load %arg9[%swap3A_289] {strides = array<i32>} : memref<128xi32, #tpu.memory_space<vmem>>, vector<16xi32>,
          %swap3A_291 = vector.shape_cast %swap3A_290 : vector<16xi32> to vector<16xi32>
          %swap3A_292 = vector.shape_cast %and3A_288 : vector<16xi32> to vector<16xi32>
          tpu.vector_store %arg9[%swap3A_289], %swap3A_292 {strides = array<i32>} : memref<128xi32, #tpu.memory_space<vmem>>, vector<16xi32>,
          %mul3A_293 = arith.constant 128 : i32
          %mul3A_294 = arith.muli %add3A_229, %mul3A_293 : i32
          %add3A_295 = arith.constant 48 : i32
          %add3A_296 = arith.addi %mul3A_294, %add3A_295 : i32
          %get3A_297 = arith.index_cast %add3A_296 : i32 to index
          %get3A_298 = tpu.vector_load %arg6[%get3A_297] {strides = array<i32>} : memref<12800xi32, #tpu.memory_space<vmem>>, vector<16xi32>,
          %get3A_299 = vector.shape_cast %get3A_298 : vector<16xi32> to vector<16xi32>
          %shift_right_logical3A_300 = arith.constant 14 : i32
          %shift_right_logical3A_301 = vector.broadcast %shift_right_logical3A_300 : i32 to vector<16xi32>
          %shift_right_logical3A_302 = arith.shrui %get3A_299, %shift_right_logical3A_301 : vector<16xi32>
          %swap3A_303 = arith.constant 48 : index
          %swap3A_304 = tpu.vector_load %arg7[%swap3A_303] {strides = array<i32>} : memref<128xi32, #tpu.memory_space<vmem>>, vector<16xi32>,
          %swap3A_305 = vector.shape_cast %swap3A_304 : vector<16xi32> to vector<16xi32>
          %swap3A_306 = vector.shape_cast %shift_right_logical3A_302 : vector<16xi32> to vector<16xi32>
          tpu.vector_store %arg7[%swap3A_303], %swap3A_306 {strides = array<i32>} : memref<128xi32, #tpu.memory_space<vmem>>, vector<16xi32>,
          %and3A_307 = arith.constant 16383 : i32
          %and3A_308 = vector.broadcast %and3A_307 : i32 to vector<16xi32>
          %and3A_309 = arith.andi %get3A_299, %and3A_308 : vector<16xi32>
          %swap3A_310 = arith.constant 48 : index
          %swap3A_311 = tpu.vector_load %arg9[%swap3A_310] {strides = array<i32>} : memref<128xi32, #tpu.memory_space<vmem>>, vector<16xi32>,
          %swap3A_312 = vector.shape_cast %swap3A_311 : vector<16xi32> to vector<16xi32>
          %swap3A_313 = vector.shape_cast %and3A_309 : vector<16xi32> to vector<16xi32>
          tpu.vector_store %arg9[%swap3A_310], %swap3A_313 {strides = array<i32>} : memref<128xi32, #tpu.memory_space<vmem>>, vector<16xi32>,
          %mul3A_314 = arith.constant 128 : i32
          %mul3A_315 = arith.muli %add3A_229, %mul3A_314 : i32
          %add3A_316 = arith.constant 64 : i32
          %add3A_317 = arith.addi %mul3A_315, %add3A_316 : i32
          %get3A_318 = arith.index_cast %add3A_317 : i32 to index
          %get3A_319 = tpu.vector_load %arg6[%get3A_318] {strides = array<i32>} : memref<12800xi32, #tpu.memory_space<vmem>>, vector<16xi32>,
          %get3A_320 = vector.shape_cast %get3A_319 : vector<16xi32> to vector<16xi32>
          %shift_right_logical3A_321 = arith.constant 14 : i32
          %shift_right_logical3A_322 = vector.broadcast %shift_right_logical3A_321 : i32 to vector<16xi32>
          %shift_right_logical3A_323 = arith.shrui %get3A_320, %shift_right_logical3A_322 : vector<16xi32>
          %swap3A_324 = arith.constant 64 : index
          %swap3A_325 = tpu.vector_load %arg7[%swap3A_324] {strides = array<i32>} : memref<128xi32, #tpu.memory_space<vmem>>, vector<16xi32>,
          %swap3A_326 = vector.shape_cast %swap3A_325 : vector<16xi32> to vector<16xi32>
          %swap3A_327 = vector.shape_cast %shift_right_logical3A_323 : vector<16xi32> to vector<16xi32>
          tpu.vector_store %arg7[%swap3A_324], %swap3A_327 {strides = array<i32>} : memref<128xi32, #tpu.memory_space<vmem>>, vector<16xi32>,
          %and3A_328 = arith.constant 16383 : i32
          %and3A_329 = vector.broadcast %and3A_328 : i32 to vector<16xi32>
          %and3A_330 = arith.andi %get3A_320, %and3A_329 : vector<16xi32>
          %swap3A_331 = arith.constant 64 : index
          %swap3A_332 = tpu.vector_load %arg9[%swap3A_331] {strides = array<i32>} : memref<128xi32, #tpu.memory_space<vmem>>, vector<16xi32>,
          %swap3A_333 = vector.shape_cast %swap3A_332 : vector<16xi32> to vector<16xi32>
          %swap3A_334 = vector.shape_cast %and3A_330 : vector<16xi32> to vector<16xi32>
          tpu.vector_store %arg9[%swap3A_331], %swap3A_334 {strides = array<i32>} : memref<128xi32, #tpu.memory_space<vmem>>, vector<16xi32>,
          %mul3A_335 = arith.constant 128 : i32
          %mul3A_336 = arith.muli %add3A_229, %mul3A_335 : i32
          %add3A_337 = arith.constant 80 : i32
          %add3A_338 = arith.addi %mul3A_336, %add3A_337 : i32
          %get3A_339 = arith.index_cast %add3A_338 : i32 to index
          %get3A_340 = tpu.vector_load %arg6[%get3A_339] {strides = array<i32>} : memref<12800xi32, #tpu.memory_space<vmem>>, vector<16xi32>,
          %get3A_341 = vector.shape_cast %get3A_340 : vector<16xi32> to vector<16xi32>
          %shift_right_logical3A_342 = arith.constant 14 : i32
          %shift_right_logical3A_343 = vector.broadcast %shift_right_logical3A_342 : i32 to vector<16xi32>
          %shift_right_logical3A_344 = arith.shrui %get3A_341, %shift_right_logical3A_343 : vector<16xi32>
          %swap3A_345 = arith.constant 80 : index
          %swap3A_346 = tpu.vector_load %arg7[%swap3A_345] {strides = array<i32>} : memref<128xi32, #tpu.memory_space<vmem>>, vector<16xi32>,
          %swap3A_347 = vector.shape_cast %swap3A_346 : vector<16xi32> to vector<16xi32>
          %swap3A_348 = vector.shape_cast %shift_right_logical3A_344 : vector<16xi32> to vector<16xi32>
          tpu.vector_store %arg7[%swap3A_345], %swap3A_348 {strides = array<i32>} : memref<128xi32, #tpu.memory_space<vmem>>, vector<16xi32>,
          %and3A_349 = arith.constant 16383 : i32
          %and3A_350 = vector.broadcast %and3A_349 : i32 to vector<16xi32>
          %and3A_351 = arith.andi %get3A_341, %and3A_350 : vector<16xi32>
          %swap3A_352 = arith.constant 80 : index
          %swap3A_353 = tpu.vector_load %arg9[%swap3A_352] {strides = array<i32>} : memref<128xi32, #tpu.memory_space<vmem>>, vector<16xi32>,
          %swap3A_354 = vector.shape_cast %swap3A_353 : vector<16xi32> to vector<16xi32>
          %swap3A_355 = vector.shape_cast %and3A_351 : vector<16xi32> to vector<16xi32>
          tpu.vector_store %arg9[%swap3A_352], %swap3A_355 {strides = array<i32>} : memref<128xi32, #tpu.memory_space<vmem>>, vector<16xi32>,
          %mul3A_356 = arith.constant 128 : i32
          %mul3A_357 = arith.muli %add3A_229, %mul3A_356 : i32
          %add3A_358 = arith.constant 96 : i32
          %add3A_359 = arith.addi %mul3A_357, %add3A_358 : i32
          %get3A_360 = arith.index_cast %add3A_359 : i32 to index
          %get3A_361 = tpu.vector_load %arg6[%get3A_360] {strides = array<i32>} : memref<12800xi32, #tpu.memory_space<vmem>>, vector<16xi32>,
          %get3A_362 = vector.shape_cast %get3A_361 : vector<16xi32> to vector<16xi32>
          %shift_right_logical3A_363 = arith.constant 14 : i32
          %shift_right_logical3A_364 = vector.broadcast %shift_right_logical3A_363 : i32 to vector<16xi32>
          %shift_right_logical3A_365 = arith.shrui %get3A_362, %shift_right_logical3A_364 : vector<16xi32>
          %swap3A_366 = arith.constant 96 : index
          %swap3A_367 = tpu.vector_load %arg7[%swap3A_366] {strides = array<i32>} : memref<128xi32, #tpu.memory_space<vmem>>, vector<16xi32>,
          %swap3A_368 = vector.shape_cast %swap3A_367 : vector<16xi32> to vector<16xi32>
          %swap3A_369 = vector.shape_cast %shift_right_logical3A_365 : vector<16xi32> to vector<16xi32>
          tpu.vector_store %arg7[%swap3A_366], %swap3A_369 {strides = array<i32>} : memref<128xi32, #tpu.memory_space<vmem>>, vector<16xi32>,
          %and3A_370 = arith.constant 16383 : i32
          %and3A_371 = vector.broadcast %and3A_370 : i32 to vector<16xi32>
          %and3A_372 = arith.andi %get3A_362, %and3A_371 : vector<16xi32>
          %swap3A_373 = arith.constant 96 : index
          %swap3A_374 = tpu.vector_load %arg9[%swap3A_373] {strides = array<i32>} : memref<128xi32, #tpu.memory_space<vmem>>, vector<16xi32>,
          %swap3A_375 = vector.shape_cast %swap3A_374 : vector<16xi32> to vector<16xi32>
          %swap3A_376 = vector.shape_cast %and3A_372 : vector<16xi32> to vector<16xi32>
          tpu.vector_store %arg9[%swap3A_373], %swap3A_376 {strides = array<i32>} : memref<128xi32, #tpu.memory_space<vmem>>, vector<16xi32>,
          %mul3A_377 = arith.constant 128 : i32
          %mul3A_378 = arith.muli %add3A_229, %mul3A_377 : i32
          %add3A_379 = arith.constant 112 : i32
          %add3A_380 = arith.addi %mul3A_378, %add3A_379 : i32
          %get3A_381 = arith.index_cast %add3A_380 : i32 to index
          %get3A_382 = tpu.vector_load %arg6[%get3A_381] {strides = array<i32>} : memref<12800xi32, #tpu.memory_space<vmem>>, vector<16xi32>,
          %get3A_383 = vector.shape_cast %get3A_382 : vector<16xi32> to vector<16xi32>
          %shift_right_logical3A_384 = arith.constant 14 : i32
          %shift_right_logical3A_385 = vector.broadcast %shift_right_logical3A_384 : i32 to vector<16xi32>
          %shift_right_logical3A_386 = arith.shrui %get3A_383, %shift_right_logical3A_385 : vector<16xi32>
          %swap3A_387 = arith.constant 112 : index
          %swap3A_388 = tpu.vector_load %arg7[%swap3A_387] {strides = array<i32>} : memref<128xi32, #tpu.memory_space<vmem>>, vector<16xi32>,
          %swap3A_389 = vector.shape_cast %swap3A_388 : vector<16xi32> to vector<16xi32>
          %swap3A_390 = vector.shape_cast %shift_right_logical3A_386 : vector<16xi32> to vector<16xi32>
          tpu.vector_store %arg7[%swap3A_387], %swap3A_390 {strides = array<i32>} : memref<128xi32, #tpu.memory_space<vmem>>, vector<16xi32>,
          %and3A_391 = arith.constant 16383 : i32
          %and3A_392 = vector.broadcast %and3A_391 : i32 to vector<16xi32>
          %and3A_393 = arith.andi %get3A_383, %and3A_392 : vector<16xi32>
          %swap3A_394 = arith.constant 112 : index
          %swap3A_395 = tpu.vector_load %arg9[%swap3A_394] {strides = array<i32>} : memref<128xi32, #tpu.memory_space<vmem>>, vector<16xi32>,
          %swap3A_396 = vector.shape_cast %swap3A_395 : vector<16xi32> to vector<16xi32>
          %swap3A_397 = vector.shape_cast %and3A_393 : vector<16xi32> to vector<16xi32>
          tpu.vector_store %arg9[%swap3A_394], %swap3A_397 {strides = array<i32>} : memref<128xi32, #tpu.memory_space<vmem>>, vector<16xi32>,
          %dma_start3A_398 = arith.constant 0 : i32
          %dma_start3A_399 = arith.constant 0 : i32
          %dma_start3A_400 = tpu.memref_slice %arg3[%dma_start3A_398, %dma_start3A_399] : memref<10000x128xf32, #tpu.memory_space<hbm>> -> memref<10000x128xf32, #tpu.memory_space<hbm>>
          tpu.enqueue_indirect_dma source(%dma_start3A_400 : memref<10000x128xf32, #tpu.memory_space<hbm>>) target(%arg11 : memref<128x128xf32, #tpu.memory_space<vmem>>) offsets(%arg7 : memref<128xi32, #tpu.memory_space<vmem>>) semaphore(%arg13 : memref<!tpu.dma_semaphore, #tpu.memory_space<semaphore_mem>>)
        } else {
        }
        %dma_wait3A_222 = arith.constant 0 : i32
        %dma_wait3A_223 = arith.constant 0 : i32
        %dma_wait3A_224 = tpu.memref_slice %arg3[%dma_wait3A_222, %dma_wait3A_223] : memref<10000x128xf32, #tpu.memory_space<hbm>> -> memref<10000x128xf32, #tpu.memory_space<hbm>>
        tpu.wait_indirect_dma semaphore(%arg14 : memref<!tpu.dma_semaphore, #tpu.memory_space<semaphore_mem>>) src(%dma_wait3A_224 : memref<10000x128xf32, #tpu.memory_space<hbm>>) dst(%arg12 : memref<128x128xf32, #tpu.memory_space<vmem>>)
        %dma_start3A_225 = arith.constant 0 : i32
        %dma_start3A_226 = arith.constant 0 : i32
        %dma_start3A_227 = tpu.memref_slice %arg5[%dma_start3A_225, %dma_start3A_226] : memref<10240x128xf32, #tpu.memory_space<vmem_shared>> -> memref<10240x128xf32, #tpu.memory_space<vmem_shared>>
        tpu.enqueue_indirect_dma source(%arg12 : memref<128x128xf32, #tpu.memory_space<vmem>>) target(%dma_start3A_227 : memref<10240x128xf32, #tpu.memory_space<vmem_shared>>) offsets(%arg10 : memref<128xi32, #tpu.memory_space<vmem>>) semaphore(%arg16 : memref<!tpu.dma_semaphore, #tpu.memory_space<semaphore_mem>>) {add = true}
      } else {
      }
      %while3A_212 = arith.constant 0 : i32
      scf.yield %while3A_212 : i32
    }
    %while3A_188 = arith.constant 1 : i32
    %while3A_189 = scf.for %while3A_197 = %while3A_185 to %while3A_181 step %while3A_188 iter_args(%while3A_198 = %while3A_187) -> (i32)  : i32 {
      %rem3A = arith.constant 2 : i32
      %rem3A_199 = arith.remsi %while3A_197, %rem3A : i32
      %eq3A_200 = arith.constant 0 : i32
      %eq3A_201 = arith.cmpi eq, %rem3A_199, %eq3A_200 : i32
      %convert_element_type3A_202 = arith.extui %eq3A_201 : i1 to i32
      %cond3A_203 = arith.constant 0 : i32
      %cond3A_204 = arith.cmpi ne, %convert_element_type3A_202, %cond3A_203 : i32
      scf.if %cond3A_204 {
        %ge3A = arith.constant 1 : i32
        %ge3A_213 = arith.cmpi sge, %while3A_197, %ge3A : i32
        %convert_element_type3A_214 = arith.extui %ge3A_213 : i1 to i32
        %cond3A_215 = arith.constant 0 : i32
        %cond3A_216 = arith.cmpi ne, %convert_element_type3A_214, %cond3A_215 : i32
        scf.if %cond3A_216 {
          %dma_wait3A_228 = arith.constant 0 : i32
          %dma_wait3A_229 = arith.constant 0 : i32
          %dma_wait3A_230 = tpu.memref_slice %arg5[%dma_wait3A_228, %dma_wait3A_229] : memref<10240x128xf32, #tpu.memory_space<vmem_shared>> -> memref<10240x128xf32, #tpu.memory_space<vmem_shared>>
          tpu.wait_indirect_dma semaphore(%arg16 : memref<!tpu.dma_semaphore, #tpu.memory_space<semaphore_mem>>) src(%arg12 : memref<128x128xf32, #tpu.memory_space<vmem>>) dst(%dma_wait3A_230 : memref<10240x128xf32, #tpu.memory_space<vmem_shared>>)
        } else {
        }
        %add3A_217 = arith.constant 1 : i32
        %add3A_218 = arith.addi %while3A_197, %add3A_217 : i32
        %lt3A = arith.cmpi slt, %add3A_218, %select_n3A_2 : i32
        %convert_element_type3A_219 = arith.extui %lt3A : i1 to i32
        %cond3A_220 = arith.constant 0 : i32
        %cond3A_221 = arith.cmpi ne, %convert_element_type3A_219, %cond3A_220 : i32
        scf.if %cond3A_221 {
          %add3A_228 = arith.constant 1 : i32
          %add3A_229 = arith.addi %while3A_197, %add3A_228 : i32
          %mul3A_230 = arith.constant 128 : i32
          %mul3A_231 = arith.muli %add3A_229, %mul3A_230 : i32
          %add3A_232 = arith.constant 0 : i32
          %add3A_233 = arith.addi %mul3A_231, %add3A_232 : i32
          %get3A_234 = arith.index_cast %add3A_233 : i32 to index
          %get3A_235 = tpu.vector_load %arg6[%get3A_234] {strides = array<i32>} : memref<12800xi32, #tpu.memory_space<vmem>>, vector<16xi32>,
          %get3A_236 = vector.shape_cast %get3A_235 : vector<16xi32> to vector<16xi32>
          %shift_right_logical3A_237 = arith.constant 14 : i32
          %shift_right_logical3A_238 = vector.broadcast %shift_right_logical3A_237 : i32 to vector<16xi32>
          %shift_right_logical3A_239 = arith.shrui %get3A_236, %shift_right_logical3A_238 : vector<16xi32>
          %swap3A_240 = arith.constant 0 : index
          %swap3A_241 = tpu.vector_load %arg8[%swap3A_240] {strides = array<i32>} : memref<128xi32, #tpu.memory_space<vmem>>, vector<16xi32>,
          %swap3A_242 = vector.shape_cast %swap3A_241 : vector<16xi32> to vector<16xi32>
          %swap3A_243 = vector.shape_cast %shift_right_logical3A_239 : vector<16xi32> to vector<16xi32>
          tpu.vector_store %arg8[%swap3A_240], %swap3A_243 {strides = array<i32>} : memref<128xi32, #tpu.memory_space<vmem>>, vector<16xi32>,
          %and3A_244 = arith.constant 16383 : i32
          %and3A_245 = vector.broadcast %and3A_244 : i32 to vector<16xi32>
          %and3A_246 = arith.andi %get3A_236, %and3A_245 : vector<16xi32>
          %swap3A_247 = arith.constant 0 : index
          %swap3A_248 = tpu.vector_load %arg10[%swap3A_247] {strides = array<i32>} : memref<128xi32, #tpu.memory_space<vmem>>, vector<16xi32>,
          %swap3A_249 = vector.shape_cast %swap3A_248 : vector<16xi32> to vector<16xi32>
          %swap3A_250 = vector.shape_cast %and3A_246 : vector<16xi32> to vector<16xi32>
          tpu.vector_store %arg10[%swap3A_247], %swap3A_250 {strides = array<i32>} : memref<128xi32, #tpu.memory_space<vmem>>, vector<16xi32>,
          %mul3A_251 = arith.constant 128 : i32
          %mul3A_252 = arith.muli %add3A_229, %mul3A_251 : i32
          %add3A_253 = arith.constant 16 : i32
          %add3A_254 = arith.addi %mul3A_252, %add3A_253 : i32
          %get3A_255 = arith.index_cast %add3A_254 : i32 to index
          %get3A_256 = tpu.vector_load %arg6[%get3A_255] {strides = array<i32>} : memref<12800xi32, #tpu.memory_space<vmem>>, vector<16xi32>,
          %get3A_257 = vector.shape_cast %get3A_256 : vector<16xi32> to vector<16xi32>
          %shift_right_logical3A_258 = arith.constant 14 : i32
          %shift_right_logical3A_259 = vector.broadcast %shift_right_logical3A_258 : i32 to vector<16xi32>
          %shift_right_logical3A_260 = arith.shrui %get3A_257, %shift_right_logical3A_259 : vector<16xi32>
          %swap3A_261 = arith.constant 16 : index
          %swap3A_262 = tpu.vector_load %arg8[%swap3A_261] {strides = array<i32>} : memref<128xi32, #tpu.memory_space<vmem>>, vector<16xi32>,
          %swap3A_263 = vector.shape_cast %swap3A_262 : vector<16xi32> to vector<16xi32>
          %swap3A_264 = vector.shape_cast %shift_right_logical3A_260 : vector<16xi32> to vector<16xi32>
          tpu.vector_store %arg8[%swap3A_261], %swap3A_264 {strides = array<i32>} : memref<128xi32, #tpu.memory_space<vmem>>, vector<16xi32>,
          %and3A_265 = arith.constant 16383 : i32
          %and3A_266 = vector.broadcast %and3A_265 : i32 to vector<16xi32>
          %and3A_267 = arith.andi %get3A_257, %and3A_266 : vector<16xi32>
          %swap3A_268 = arith.constant 16 : index
          %swap3A_269 = tpu.vector_load %arg10[%swap3A_268] {strides = array<i32>} : memref<128xi32, #tpu.memory_space<vmem>>, vector<16xi32>,
          %swap3A_270 = vector.shape_cast %swap3A_269 : vector<16xi32> to vector<16xi32>
          %swap3A_271 = vector.shape_cast %and3A_267 : vector<16xi32> to vector<16xi32>
          tpu.vector_store %arg10[%swap3A_268], %swap3A_271 {strides = array<i32>} : memref<128xi32, #tpu.memory_space<vmem>>, vector<16xi32>,
          %mul3A_272 = arith.constant 128 : i32
          %mul3A_273 = arith.muli %add3A_229, %mul3A_272 : i32
          %add3A_274 = arith.constant 32 : i32
          %add3A_275 = arith.addi %mul3A_273, %add3A_274 : i32
          %get3A_276 = arith.index_cast %add3A_275 : i32 to index
          %get3A_277 = tpu.vector_load %arg6[%get3A_276] {strides = array<i32>} : memref<12800xi32, #tpu.memory_space<vmem>>, vector<16xi32>,
          %get3A_278 = vector.shape_cast %get3A_277 : vector<16xi32> to vector<16xi32>
          %shift_right_logical3A_279 = arith.constant 14 : i32
          %shift_right_logical3A_280 = vector.broadcast %shift_right_logical3A_279 : i32 to vector<16xi32>
          %shift_right_logical3A_281 = arith.shrui %get3A_278, %shift_right_logical3A_280 : vector<16xi32>
          %swap3A_282 = arith.constant 32 : index
          %swap3A_283 = tpu.vector_load %arg8[%swap3A_282] {strides = array<i32>} : memref<128xi32, #tpu.memory_space<vmem>>, vector<16xi32>,
          %swap3A_284 = vector.shape_cast %swap3A_283 : vector<16xi32> to vector<16xi32>
          %swap3A_285 = vector.shape_cast %shift_right_logical3A_281 : vector<16xi32> to vector<16xi32>
          tpu.vector_store %arg8[%swap3A_282], %swap3A_285 {strides = array<i32>} : memref<128xi32, #tpu.memory_space<vmem>>, vector<16xi32>,
          %and3A_286 = arith.constant 16383 : i32
          %and3A_287 = vector.broadcast %and3A_286 : i32 to vector<16xi32>
          %and3A_288 = arith.andi %get3A_278, %and3A_287 : vector<16xi32>
          %swap3A_289 = arith.constant 32 : index
          %swap3A_290 = tpu.vector_load %arg10[%swap3A_289] {strides = array<i32>} : memref<128xi32, #tpu.memory_space<vmem>>, vector<16xi32>,
          %swap3A_291 = vector.shape_cast %swap3A_290 : vector<16xi32> to vector<16xi32>
          %swap3A_292 = vector.shape_cast %and3A_288 : vector<16xi32> to vector<16xi32>
          tpu.vector_store %arg10[%swap3A_289], %swap3A_292 {strides = array<i32>} : memref<128xi32, #tpu.memory_space<vmem>>, vector<16xi32>,
          %mul3A_293 = arith.constant 128 : i32
          %mul3A_294 = arith.muli %add3A_229, %mul3A_293 : i32
          %add3A_295 = arith.constant 48 : i32
          %add3A_296 = arith.addi %mul3A_294, %add3A_295 : i32
          %get3A_297 = arith.index_cast %add3A_296 : i32 to index
          %get3A_298 = tpu.vector_load %arg6[%get3A_297] {strides = array<i32>} : memref<12800xi32, #tpu.memory_space<vmem>>, vector<16xi32>,
          %get3A_299 = vector.shape_cast %get3A_298 : vector<16xi32> to vector<16xi32>
          %shift_right_logical3A_300 = arith.constant 14 : i32
          %shift_right_logical3A_301 = vector.broadcast %shift_right_logical3A_300 : i32 to vector<16xi32>
          %shift_right_logical3A_302 = arith.shrui %get3A_299, %shift_right_logical3A_301 : vector<16xi32>
          %swap3A_303 = arith.constant 48 : index
          %swap3A_304 = tpu.vector_load %arg8[%swap3A_303] {strides = array<i32>} : memref<128xi32, #tpu.memory_space<vmem>>, vector<16xi32>,
          %swap3A_305 = vector.shape_cast %swap3A_304 : vector<16xi32> to vector<16xi32>
          %swap3A_306 = vector.shape_cast %shift_right_logical3A_302 : vector<16xi32> to vector<16xi32>
          tpu.vector_store %arg8[%swap3A_303], %swap3A_306 {strides = array<i32>} : memref<128xi32, #tpu.memory_space<vmem>>, vector<16xi32>,
          %and3A_307 = arith.constant 16383 : i32
          %and3A_308 = vector.broadcast %and3A_307 : i32 to vector<16xi32>
          %and3A_309 = arith.andi %get3A_299, %and3A_308 : vector<16xi32>
          %swap3A_310 = arith.constant 48 : index
          %swap3A_311 = tpu.vector_load %arg10[%swap3A_310] {strides = array<i32>} : memref<128xi32, #tpu.memory_space<vmem>>, vector<16xi32>,
          %swap3A_312 = vector.shape_cast %swap3A_311 : vector<16xi32> to vector<16xi32>
          %swap3A_313 = vector.shape_cast %and3A_309 : vector<16xi32> to vector<16xi32>
          tpu.vector_store %arg10[%swap3A_310], %swap3A_313 {strides = array<i32>} : memref<128xi32, #tpu.memory_space<vmem>>, vector<16xi32>,
          %mul3A_314 = arith.constant 128 : i32
          %mul3A_315 = arith.muli %add3A_229, %mul3A_314 : i32
          %add3A_316 = arith.constant 64 : i32
          %add3A_317 = arith.addi %mul3A_315, %add3A_316 : i32
          %get3A_318 = arith.index_cast %add3A_317 : i32 to index
          %get3A_319 = tpu.vector_load %arg6[%get3A_318] {strides = array<i32>} : memref<12800xi32, #tpu.memory_space<vmem>>, vector<16xi32>,
          %get3A_320 = vector.shape_cast %get3A_319 : vector<16xi32> to vector<16xi32>
          %shift_right_logical3A_321 = arith.constant 14 : i32
          %shift_right_logical3A_322 = vector.broadcast %shift_right_logical3A_321 : i32 to vector<16xi32>
          %shift_right_logical3A_323 = arith.shrui %get3A_320, %shift_right_logical3A_322 : vector<16xi32>
          %swap3A_324 = arith.constant 64 : index
          %swap3A_325 = tpu.vector_load %arg8[%swap3A_324] {strides = array<i32>} : memref<128xi32, #tpu.memory_space<vmem>>, vector<16xi32>,
          %swap3A_326 = vector.shape_cast %swap3A_325 : vector<16xi32> to vector<16xi32>
          %swap3A_327 = vector.shape_cast %shift_right_logical3A_323 : vector<16xi32> to vector<16xi32>
          tpu.vector_store %arg8[%swap3A_324], %swap3A_327 {strides = array<i32>} : memref<128xi32, #tpu.memory_space<vmem>>, vector<16xi32>,
          %and3A_328 = arith.constant 16383 : i32
          %and3A_329 = vector.broadcast %and3A_328 : i32 to vector<16xi32>
          %and3A_330 = arith.andi %get3A_320, %and3A_329 : vector<16xi32>
          %swap3A_331 = arith.constant 64 : index
          %swap3A_332 = tpu.vector_load %arg10[%swap3A_331] {strides = array<i32>} : memref<128xi32, #tpu.memory_space<vmem>>, vector<16xi32>,
          %swap3A_333 = vector.shape_cast %swap3A_332 : vector<16xi32> to vector<16xi32>
          %swap3A_334 = vector.shape_cast %and3A_330 : vector<16xi32> to vector<16xi32>
          tpu.vector_store %arg10[%swap3A_331], %swap3A_334 {strides = array<i32>} : memref<128xi32, #tpu.memory_space<vmem>>, vector<16xi32>,
          %mul3A_335 = arith.constant 128 : i32
          %mul3A_336 = arith.muli %add3A_229, %mul3A_335 : i32
          %add3A_337 = arith.constant 80 : i32
          %add3A_338 = arith.addi %mul3A_336, %add3A_337 : i32
          %get3A_339 = arith.index_cast %add3A_338 : i32 to index
          %get3A_340 = tpu.vector_load %arg6[%get3A_339] {strides = array<i32>} : memref<12800xi32, #tpu.memory_space<vmem>>, vector<16xi32>,
          %get3A_341 = vector.shape_cast %get3A_340 : vector<16xi32> to vector<16xi32>
          %shift_right_logical3A_342 = arith.constant 14 : i32
          %shift_right_logical3A_343 = vector.broadcast %shift_right_logical3A_342 : i32 to vector<16xi32>
          %shift_right_logical3A_344 = arith.shrui %get3A_341, %shift_right_logical3A_343 : vector<16xi32>
          %swap3A_345 = arith.constant 80 : index
          %swap3A_346 = tpu.vector_load %arg8[%swap3A_345] {strides = array<i32>} : memref<128xi32, #tpu.memory_space<vmem>>, vector<16xi32>,
          %swap3A_347 = vector.shape_cast %swap3A_346 : vector<16xi32> to vector<16xi32>
          %swap3A_348 = vector.shape_cast %shift_right_logical3A_344 : vector<16xi32> to vector<16xi32>
          tpu.vector_store %arg8[%swap3A_345], %swap3A_348 {strides = array<i32>} : memref<128xi32, #tpu.memory_space<vmem>>, vector<16xi32>,
          %and3A_349 = arith.constant 16383 : i32
          %and3A_350 = vector.broadcast %and3A_349 : i32 to vector<16xi32>
          %and3A_351 = arith.andi %get3A_341, %and3A_350 : vector<16xi32>
          %swap3A_352 = arith.constant 80 : index
          %swap3A_353 = tpu.vector_load %arg10[%swap3A_352] {strides = array<i32>} : memref<128xi32, #tpu.memory_space<vmem>>, vector<16xi32>,
          %swap3A_354 = vector.shape_cast %swap3A_353 : vector<16xi32> to vector<16xi32>
          %swap3A_355 = vector.shape_cast %and3A_351 : vector<16xi32> to vector<16xi32>
          tpu.vector_store %arg10[%swap3A_352], %swap3A_355 {strides = array<i32>} : memref<128xi32, #tpu.memory_space<vmem>>, vector<16xi32>,
          %mul3A_356 = arith.constant 128 : i32
          %mul3A_357 = arith.muli %add3A_229, %mul3A_356 : i32
          %add3A_358 = arith.constant 96 : i32
          %add3A_359 = arith.addi %mul3A_357, %add3A_358 : i32
          %get3A_360 = arith.index_cast %add3A_359 : i32 to index
          %get3A_361 = tpu.vector_load %arg6[%get3A_360] {strides = array<i32>} : memref<12800xi32, #tpu.memory_space<vmem>>, vector<16xi32>,
          %get3A_362 = vector.shape_cast %get3A_361 : vector<16xi32> to vector<16xi32>
          %shift_right_logical3A_363 = arith.constant 14 : i32
          %shift_right_logical3A_364 = vector.broadcast %shift_right_logical3A_363 : i32 to vector<16xi32>
          %shift_right_logical3A_365 = arith.shrui %get3A_362, %shift_right_logical3A_364 : vector<16xi32>
          %swap3A_366 = arith.constant 96 : index
          %swap3A_367 = tpu.vector_load %arg8[%swap3A_366] {strides = array<i32>} : memref<128xi32, #tpu.memory_space<vmem>>, vector<16xi32>,
          %swap3A_368 = vector.shape_cast %swap3A_367 : vector<16xi32> to vector<16xi32>
          %swap3A_369 = vector.shape_cast %shift_right_logical3A_365 : vector<16xi32> to vector<16xi32>
          tpu.vector_store %arg8[%swap3A_366], %swap3A_369 {strides = array<i32>} : memref<128xi32, #tpu.memory_space<vmem>>, vector<16xi32>,
          %and3A_370 = arith.constant 16383 : i32
          %and3A_371 = vector.broadcast %and3A_370 : i32 to vector<16xi32>
          %and3A_372 = arith.andi %get3A_362, %and3A_371 : vector<16xi32>
          %swap3A_373 = arith.constant 96 : index
          %swap3A_374 = tpu.vector_load %arg10[%swap3A_373] {strides = array<i32>} : memref<128xi32, #tpu.memory_space<vmem>>, vector<16xi32>,
          %swap3A_375 = vector.shape_cast %swap3A_374 : vector<16xi32> to vector<16xi32>
          %swap3A_376 = vector.shape_cast %and3A_372 : vector<16xi32> to vector<16xi32>
          tpu.vector_store %arg10[%swap3A_373], %swap3A_376 {strides = array<i32>} : memref<128xi32, #tpu.memory_space<vmem>>, vector<16xi32>,
          %mul3A_377 = arith.constant 128 : i32
          %mul3A_378 = arith.muli %add3A_229, %mul3A_377 : i32
          %add3A_379 = arith.constant 112 : i32
          %add3A_380 = arith.addi %mul3A_378, %add3A_379 : i32
          %get3A_381 = arith.index_cast %add3A_380 : i32 to index
          %get3A_382 = tpu.vector_load %arg6[%get3A_381] {strides = array<i32>} : memref<12800xi32, #tpu.memory_space<vmem>>, vector<16xi32>,
          %get3A_383 = vector.shape_cast %get3A_382 : vector<16xi32> to vector<16xi32>
          %shift_right_logical3A_384 = arith.constant 14 : i32
          %shift_right_logical3A_385 = vector.broadcast %shift_right_logical3A_384 : i32 to vector<16xi32>
          %shift_right_logical3A_386 = arith.shrui %get3A_383, %shift_right_logical3A_385 : vector<16xi32>
          %swap3A_387 = arith.constant 112 : index
          %swap3A_388 = tpu.vector_load %arg8[%swap3A_387] {strides = array<i32>} : memref<128xi32, #tpu.memory_space<vmem>>, vector<16xi32>,
          %swap3A_389 = vector.shape_cast %swap3A_388 : vector<16xi32> to vector<16xi32>
          %swap3A_390 = vector.shape_cast %shift_right_logical3A_386 : vector<16xi32> to vector<16xi32>
          tpu.vector_store %arg8[%swap3A_387], %swap3A_390 {strides = array<i32>} : memref<128xi32, #tpu.memory_space<vmem>>, vector<16xi32>,
          %and3A_391 = arith.constant 16383 : i32
          %and3A_392 = vector.broadcast %and3A_391 : i32 to vector<16xi32>
          %and3A_393 = arith.andi %get3A_383, %and3A_392 : vector<16xi32>
          %swap3A_394 = arith.constant 112 : index
          %swap3A_395 = tpu.vector_load %arg10[%swap3A_394] {strides = array<i32>} : memref<128xi32, #tpu.memory_space<vmem>>, vector<16xi32>,
          %swap3A_396 = vector.shape_cast %swap3A_395 : vector<16xi32> to vector<16xi32>
          %swap3A_397 = vector.shape_cast %and3A_393 : vector<16xi32> to vector<16xi32>
          tpu.vector_store %arg10[%swap3A_394], %swap3A_397 {strides = array<i32>} : memref<128xi32, #tpu.memory_space<vmem>>, vector<16xi32>,
          %dma_start3A_398 = arith.constant 0 : i32
          %dma_start3A_399 = arith.constant 0 : i32
          %dma_start3A_400 = tpu.memref_slice %arg3[%dma_start3A_398, %dma_start3A_399] : memref<10000x128xf32, #tpu.memory_space<hbm>> -> memref<10000x128xf32, #tpu.memory_space<hbm>>
          tpu.enqueue_indirect_dma source(%dma_start3A_400 : memref<10000x128xf32, #tpu.memory_space<hbm>>) target(%arg12 : memref<128x128xf32, #tpu.memory_space<vmem>>) offsets(%arg8 : memref<128xi32, #tpu.memory_space<vmem>>) semaphore(%arg14 : memref<!tpu.dma_semaphore, #tpu.memory_space<semaphore_mem>>)
        } else {
        }
        %dma_wait3A_222 = arith.constant 0 : i32
        %dma_wait3A_223 = arith.constant 0 : i32
        %dma_wait3A_224 = tpu.memref_slice %arg3[%dma_wait3A_222, %dma_wait3A_223] : memref<10000x128xf32, #tpu.memory_space<hbm>> -> memref<10000x128xf32, #tpu.memory_space<hbm>>
        tpu.wait_indirect_dma semaphore(%arg13 : memref<!tpu.dma_semaphore, #tpu.memory_space<semaphore_mem>>) src(%dma_wait3A_224 : memref<10000x128xf32, #tpu.memory_space<hbm>>) dst(%arg11 : memref<128x128xf32, #tpu.memory_space<vmem>>)
        %dma_start3A_225 = arith.constant 0 : i32
        %dma_start3A_226 = arith.constant 0 : i32
        %dma_start3A_227 = tpu.memref_slice %arg5[%dma_start3A_225, %dma_start3A_226] : memref<10240x128xf32, #tpu.memory_space<vmem_shared>> -> memref<10240x128xf32, #tpu.memory_space<vmem_shared>>
        tpu.enqueue_indirect_dma source(%arg11 : memref<128x128xf32, #tpu.memory_space<vmem>>) target(%dma_start3A_227 : memref<10240x128xf32, #tpu.memory_space<vmem_shared>>) offsets(%arg9 : memref<128xi32, #tpu.memory_space<vmem>>) semaphore(%arg15 : memref<!tpu.dma_semaphore, #tpu.memory_space<semaphore_mem>>) {add = true}
      } else {
      }
      %rem3A_205 = arith.constant 2 : i32
      %rem3A_206 = arith.remsi %while3A_197, %rem3A_205 : i32
      %eq3A_207 = arith.constant 1 : i32
      %eq3A_208 = arith.cmpi eq, %rem3A_206, %eq3A_207 : i32
      %convert_element_type3A_209 = arith.extui %eq3A_208 : i1 to i32
      %cond3A_210 = arith.constant 0 : i32
      %cond3A_211 = arith.cmpi ne, %convert_element_type3A_209, %cond3A_210 : i32
      scf.if %cond3A_211 {
        %ge3A = arith.constant 1 : i32
        %ge3A_213 = arith.cmpi sge, %while3A_197, %ge3A : i32
        %convert_element_type3A_214 = arith.extui %ge3A_213 : i1 to i32
        %cond3A_215 = arith.constant 0 : i32
        %cond3A_216 = arith.cmpi ne, %convert_element_type3A_214, %cond3A_215 : i32
        scf.if %cond3A_216 {
          %dma_wait3A_228 = arith.constant 0 : i32
          %dma_wait3A_229 = arith.constant 0 : i32
          %dma_wait3A_230 = tpu.memref_slice %arg5[%dma_wait3A_228, %dma_wait3A_229] : memref<10240x128xf32, #tpu.memory_space<vmem_shared>> -> memref<10240x128xf32, #tpu.memory_space<vmem_shared>>
          tpu.wait_indirect_dma semaphore(%arg15 : memref<!tpu.dma_semaphore, #tpu.memory_space<semaphore_mem>>) src(%arg11 : memref<128x128xf32, #tpu.memory_space<vmem>>) dst(%dma_wait3A_230 : memref<10240x128xf32, #tpu.memory_space<vmem_shared>>)
        } else {
        }
        %add3A_217 = arith.constant 1 : i32
        %add3A_218 = arith.addi %while3A_197, %add3A_217 : i32
        %lt3A = arith.cmpi slt, %add3A_218, %select_n3A_2 : i32
        %convert_element_type3A_219 = arith.extui %lt3A : i1 to i32
        %cond3A_220 = arith.constant 0 : i32
        %cond3A_221 = arith.cmpi ne, %convert_element_type3A_219, %cond3A_220 : i32
        scf.if %cond3A_221 {
          %add3A_228 = arith.constant 1 : i32
          %add3A_229 = arith.addi %while3A_197, %add3A_228 : i32
          %mul3A_230 = arith.constant 128 : i32
          %mul3A_231 = arith.muli %add3A_229, %mul3A_230 : i32
          %add3A_232 = arith.constant 0 : i32
          %add3A_233 = arith.addi %mul3A_231, %add3A_232 : i32
          %get3A_234 = arith.index_cast %add3A_233 : i32 to index
          %get3A_235 = tpu.vector_load %arg6[%get3A_234] {strides = array<i32>} : memref<12800xi32, #tpu.memory_space<vmem>>, vector<16xi32>,
          %get3A_236 = vector.shape_cast %get3A_235 : vector<16xi32> to vector<16xi32>
          %shift_right_logical3A_237 = arith.constant 14 : i32
          %shift_right_logical3A_238 = vector.broadcast %shift_right_logical3A_237 : i32 to vector<16xi32>
          %shift_right_logical3A_239 = arith.shrui %get3A_236, %shift_right_logical3A_238 : vector<16xi32>
          %swap3A_240 = arith.constant 0 : index
          %swap3A_241 = tpu.vector_load %arg7[%swap3A_240] {strides = array<i32>} : memref<128xi32, #tpu.memory_space<vmem>>, vector<16xi32>,
          %swap3A_242 = vector.shape_cast %swap3A_241 : vector<16xi32> to vector<16xi32>
          %swap3A_243 = vector.shape_cast %shift_right_logical3A_239 : vector<16xi32> to vector<16xi32>
          tpu.vector_store %arg7[%swap3A_240], %swap3A_243 {strides = array<i32>} : memref<128xi32, #tpu.memory_space<vmem>>, vector<16xi32>,
          %and3A_244 = arith.constant 16383 : i32
          %and3A_245 = vector.broadcast %and3A_244 : i32 to vector<16xi32>
          %and3A_246 = arith.andi %get3A_236, %and3A_245 : vector<16xi32>
          %swap3A_247 = arith.constant 0 : index
          %swap3A_248 = tpu.vector_load %arg9[%swap3A_247] {strides = array<i32>} : memref<128xi32, #tpu.memory_space<vmem>>, vector<16xi32>,
          %swap3A_249 = vector.shape_cast %swap3A_248 : vector<16xi32> to vector<16xi32>
          %swap3A_250 = vector.shape_cast %and3A_246 : vector<16xi32> to vector<16xi32>
          tpu.vector_store %arg9[%swap3A_247], %swap3A_250 {strides = array<i32>} : memref<128xi32, #tpu.memory_space<vmem>>, vector<16xi32>,
          %mul3A_251 = arith.constant 128 : i32
          %mul3A_252 = arith.muli %add3A_229, %mul3A_251 : i32
          %add3A_253 = arith.constant 16 : i32
          %add3A_254 = arith.addi %mul3A_252, %add3A_253 : i32
          %get3A_255 = arith.index_cast %add3A_254 : i32 to index
          %get3A_256 = tpu.vector_load %arg6[%get3A_255] {strides = array<i32>} : memref<12800xi32, #tpu.memory_space<vmem>>, vector<16xi32>,
          %get3A_257 = vector.shape_cast %get3A_256 : vector<16xi32> to vector<16xi32>
          %shift_right_logical3A_258 = arith.constant 14 : i32
          %shift_right_logical3A_259 = vector.broadcast %shift_right_logical3A_258 : i32 to vector<16xi32>
          %shift_right_logical3A_260 = arith.shrui %get3A_257, %shift_right_logical3A_259 : vector<16xi32>
          %swap3A_261 = arith.constant 16 : index
          %swap3A_262 = tpu.vector_load %arg7[%swap3A_261] {strides = array<i32>} : memref<128xi32, #tpu.memory_space<vmem>>, vector<16xi32>,
          %swap3A_263 = vector.shape_cast %swap3A_262 : vector<16xi32> to vector<16xi32>
          %swap3A_264 = vector.shape_cast %shift_right_logical3A_260 : vector<16xi32> to vector<16xi32>
          tpu.vector_store %arg7[%swap3A_261], %swap3A_264 {strides = array<i32>} : memref<128xi32, #tpu.memory_space<vmem>>, vector<16xi32>,
          %and3A_265 = arith.constant 16383 : i32
          %and3A_266 = vector.broadcast %and3A_265 : i32 to vector<16xi32>
          %and3A_267 = arith.andi %get3A_257, %and3A_266 : vector<16xi32>
          %swap3A_268 = arith.constant 16 : index
          %swap3A_269 = tpu.vector_load %arg9[%swap3A_268] {strides = array<i32>} : memref<128xi32, #tpu.memory_space<vmem>>, vector<16xi32>,
          %swap3A_270 = vector.shape_cast %swap3A_269 : vector<16xi32> to vector<16xi32>
          %swap3A_271 = vector.shape_cast %and3A_267 : vector<16xi32> to vector<16xi32>
          tpu.vector_store %arg9[%swap3A_268], %swap3A_271 {strides = array<i32>} : memref<128xi32, #tpu.memory_space<vmem>>, vector<16xi32>,
          %mul3A_272 = arith.constant 128 : i32
          %mul3A_273 = arith.muli %add3A_229, %mul3A_272 : i32
          %add3A_274 = arith.constant 32 : i32
          %add3A_275 = arith.addi %mul3A_273, %add3A_274 : i32
          %get3A_276 = arith.index_cast %add3A_275 : i32 to index
          %get3A_277 = tpu.vector_load %arg6[%get3A_276] {strides = array<i32>} : memref<12800xi32, #tpu.memory_space<vmem>>, vector<16xi32>,
          %get3A_278 = vector.shape_cast %get3A_277 : vector<16xi32> to vector<16xi32>
          %shift_right_logical3A_279 = arith.constant 14 : i32
          %shift_right_logical3A_280 = vector.broadcast %shift_right_logical3A_279 : i32 to vector<16xi32>
          %shift_right_logical3A_281 = arith.shrui %get3A_278, %shift_right_logical3A_280 : vector<16xi32>
          %swap3A_282 = arith.constant 32 : index
          %swap3A_283 = tpu.vector_load %arg7[%swap3A_282] {strides = array<i32>} : memref<128xi32, #tpu.memory_space<vmem>>, vector<16xi32>,
          %swap3A_284 = vector.shape_cast %swap3A_283 : vector<16xi32> to vector<16xi32>
          %swap3A_285 = vector.shape_cast %shift_right_logical3A_281 : vector<16xi32> to vector<16xi32>
          tpu.vector_store %arg7[%swap3A_282], %swap3A_285 {strides = array<i32>} : memref<128xi32, #tpu.memory_space<vmem>>, vector<16xi32>,
          %and3A_286 = arith.constant 16383 : i32
          %and3A_287 = vector.broadcast %and3A_286 : i32 to vector<16xi32>
          %and3A_288 = arith.andi %get3A_278, %and3A_287 : vector<16xi32>
          %swap3A_289 = arith.constant 32 : index
          %swap3A_290 = tpu.vector_load %arg9[%swap3A_289] {strides = array<i32>} : memref<128xi32, #tpu.memory_space<vmem>>, vector<16xi32>,
          %swap3A_291 = vector.shape_cast %swap3A_290 : vector<16xi32> to vector<16xi32>
          %swap3A_292 = vector.shape_cast %and3A_288 : vector<16xi32> to vector<16xi32>
          tpu.vector_store %arg9[%swap3A_289], %swap3A_292 {strides = array<i32>} : memref<128xi32, #tpu.memory_space<vmem>>, vector<16xi32>,
          %mul3A_293 = arith.constant 128 : i32
          %mul3A_294 = arith.muli %add3A_229, %mul3A_293 : i32
          %add3A_295 = arith.constant 48 : i32
          %add3A_296 = arith.addi %mul3A_294, %add3A_295 : i32
          %get3A_297 = arith.index_cast %add3A_296 : i32 to index
          %get3A_298 = tpu.vector_load %arg6[%get3A_297] {strides = array<i32>} : memref<12800xi32, #tpu.memory_space<vmem>>, vector<16xi32>,
          %get3A_299 = vector.shape_cast %get3A_298 : vector<16xi32> to vector<16xi32>
          %shift_right_logical3A_300 = arith.constant 14 : i32
          %shift_right_logical3A_301 = vector.broadcast %shift_right_logical3A_300 : i32 to vector<16xi32>
          %shift_right_logical3A_302 = arith.shrui %get3A_299, %shift_right_logical3A_301 : vector<16xi32>
          %swap3A_303 = arith.constant 48 : index
          %swap3A_304 = tpu.vector_load %arg7[%swap3A_303] {strides = array<i32>} : memref<128xi32, #tpu.memory_space<vmem>>, vector<16xi32>,
          %swap3A_305 = vector.shape_cast %swap3A_304 : vector<16xi32> to vector<16xi32>
          %swap3A_306 = vector.shape_cast %shift_right_logical3A_302 : vector<16xi32> to vector<16xi32>
          tpu.vector_store %arg7[%swap3A_303], %swap3A_306 {strides = array<i32>} : memref<128xi32, #tpu.memory_space<vmem>>, vector<16xi32>,
          %and3A_307 = arith.constant 16383 : i32
          %and3A_308 = vector.broadcast %and3A_307 : i32 to vector<16xi32>
          %and3A_309 = arith.andi %get3A_299, %and3A_308 : vector<16xi32>
          %swap3A_310 = arith.constant 48 : index
          %swap3A_311 = tpu.vector_load %arg9[%swap3A_310] {strides = array<i32>} : memref<128xi32, #tpu.memory_space<vmem>>, vector<16xi32>,
          %swap3A_312 = vector.shape_cast %swap3A_311 : vector<16xi32> to vector<16xi32>
          %swap3A_313 = vector.shape_cast %and3A_309 : vector<16xi32> to vector<16xi32>
          tpu.vector_store %arg9[%swap3A_310], %swap3A_313 {strides = array<i32>} : memref<128xi32, #tpu.memory_space<vmem>>, vector<16xi32>,
          %mul3A_314 = arith.constant 128 : i32
          %mul3A_315 = arith.muli %add3A_229, %mul3A_314 : i32
          %add3A_316 = arith.constant 64 : i32
          %add3A_317 = arith.addi %mul3A_315, %add3A_316 : i32
          %get3A_318 = arith.index_cast %add3A_317 : i32 to index
          %get3A_319 = tpu.vector_load %arg6[%get3A_318] {strides = array<i32>} : memref<12800xi32, #tpu.memory_space<vmem>>, vector<16xi32>,
          %get3A_320 = vector.shape_cast %get3A_319 : vector<16xi32> to vector<16xi32>
          %shift_right_logical3A_321 = arith.constant 14 : i32
          %shift_right_logical3A_322 = vector.broadcast %shift_right_logical3A_321 : i32 to vector<16xi32>
          %shift_right_logical3A_323 = arith.shrui %get3A_320, %shift_right_logical3A_322 : vector<16xi32>
          %swap3A_324 = arith.constant 64 : index
          %swap3A_325 = tpu.vector_load %arg7[%swap3A_324] {strides = array<i32>} : memref<128xi32, #tpu.memory_space<vmem>>, vector<16xi32>,
          %swap3A_326 = vector.shape_cast %swap3A_325 : vector<16xi32> to vector<16xi32>
          %swap3A_327 = vector.shape_cast %shift_right_logical3A_323 : vector<16xi32> to vector<16xi32>
          tpu.vector_store %arg7[%swap3A_324], %swap3A_327 {strides = array<i32>} : memref<128xi32, #tpu.memory_space<vmem>>, vector<16xi32>,
          %and3A_328 = arith.constant 16383 : i32
          %and3A_329 = vector.broadcast %and3A_328 : i32 to vector<16xi32>
          %and3A_330 = arith.andi %get3A_320, %and3A_329 : vector<16xi32>
          %swap3A_331 = arith.constant 64 : index
          %swap3A_332 = tpu.vector_load %arg9[%swap3A_331] {strides = array<i32>} : memref<128xi32, #tpu.memory_space<vmem>>, vector<16xi32>,
          %swap3A_333 = vector.shape_cast %swap3A_332 : vector<16xi32> to vector<16xi32>
          %swap3A_334 = vector.shape_cast %and3A_330 : vector<16xi32> to vector<16xi32>
          tpu.vector_store %arg9[%swap3A_331], %swap3A_334 {strides = array<i32>} : memref<128xi32, #tpu.memory_space<vmem>>, vector<16xi32>,
          %mul3A_335 = arith.constant 128 : i32
          %mul3A_336 = arith.muli %add3A_229, %mul3A_335 : i32
          %add3A_337 = arith.constant 80 : i32
          %add3A_338 = arith.addi %mul3A_336, %add3A_337 : i32
          %get3A_339 = arith.index_cast %add3A_338 : i32 to index
          %get3A_340 = tpu.vector_load %arg6[%get3A_339] {strides = array<i32>} : memref<12800xi32, #tpu.memory_space<vmem>>, vector<16xi32>,
          %get3A_341 = vector.shape_cast %get3A_340 : vector<16xi32> to vector<16xi32>
          %shift_right_logical3A_342 = arith.constant 14 : i32
          %shift_right_logical3A_343 = vector.broadcast %shift_right_logical3A_342 : i32 to vector<16xi32>
          %shift_right_logical3A_344 = arith.shrui %get3A_341, %shift_right_logical3A_343 : vector<16xi32>
          %swap3A_345 = arith.constant 80 : index
          %swap3A_346 = tpu.vector_load %arg7[%swap3A_345] {strides = array<i32>} : memref<128xi32, #tpu.memory_space<vmem>>, vector<16xi32>,
          %swap3A_347 = vector.shape_cast %swap3A_346 : vector<16xi32> to vector<16xi32>
          %swap3A_348 = vector.shape_cast %shift_right_logical3A_344 : vector<16xi32> to vector<16xi32>
          tpu.vector_store %arg7[%swap3A_345], %swap3A_348 {strides = array<i32>} : memref<128xi32, #tpu.memory_space<vmem>>, vector<16xi32>,
          %and3A_349 = arith.constant 16383 : i32
          %and3A_350 = vector.broadcast %and3A_349 : i32 to vector<16xi32>
          %and3A_351 = arith.andi %get3A_341, %and3A_350 : vector<16xi32>
          %swap3A_352 = arith.constant 80 : index
          %swap3A_353 = tpu.vector_load %arg9[%swap3A_352] {strides = array<i32>} : memref<128xi32, #tpu.memory_space<vmem>>, vector<16xi32>,
          %swap3A_354 = vector.shape_cast %swap3A_353 : vector<16xi32> to vector<16xi32>
          %swap3A_355 = vector.shape_cast %and3A_351 : vector<16xi32> to vector<16xi32>
          tpu.vector_store %arg9[%swap3A_352], %swap3A_355 {strides = array<i32>} : memref<128xi32, #tpu.memory_space<vmem>>, vector<16xi32>,
          %mul3A_356 = arith.constant 128 : i32
          %mul3A_357 = arith.muli %add3A_229, %mul3A_356 : i32
          %add3A_358 = arith.constant 96 : i32
          %add3A_359 = arith.addi %mul3A_357, %add3A_358 : i32
          %get3A_360 = arith.index_cast %add3A_359 : i32 to index
          %get3A_361 = tpu.vector_load %arg6[%get3A_360] {strides = array<i32>} : memref<12800xi32, #tpu.memory_space<vmem>>, vector<16xi32>,
          %get3A_362 = vector.shape_cast %get3A_361 : vector<16xi32> to vector<16xi32>
          %shift_right_logical3A_363 = arith.constant 14 : i32
          %shift_right_logical3A_364 = vector.broadcast %shift_right_logical3A_363 : i32 to vector<16xi32>
          %shift_right_logical3A_365 = arith.shrui %get3A_362, %shift_right_logical3A_364 : vector<16xi32>
          %swap3A_366 = arith.constant 96 : index
          %swap3A_367 = tpu.vector_load %arg7[%swap3A_366] {strides = array<i32>} : memref<128xi32, #tpu.memory_space<vmem>>, vector<16xi32>,
          %swap3A_368 = vector.shape_cast %swap3A_367 : vector<16xi32> to vector<16xi32>
          %swap3A_369 = vector.shape_cast %shift_right_logical3A_365 : vector<16xi32> to vector<16xi32>
          tpu.vector_store %arg7[%swap3A_366], %swap3A_369 {strides = array<i32>} : memref<128xi32, #tpu.memory_space<vmem>>, vector<16xi32>,
          %and3A_370 = arith.constant 16383 : i32
          %and3A_371 = vector.broadcast %and3A_370 : i32 to vector<16xi32>
          %and3A_372 = arith.andi %get3A_362, %and3A_371 : vector<16xi32>
          %swap3A_373 = arith.constant 96 : index
          %swap3A_374 = tpu.vector_load %arg9[%swap3A_373] {strides = array<i32>} : memref<128xi32, #tpu.memory_space<vmem>>, vector<16xi32>,
          %swap3A_375 = vector.shape_cast %swap3A_374 : vector<16xi32> to vector<16xi32>
          %swap3A_376 = vector.shape_cast %and3A_372 : vector<16xi32> to vector<16xi32>
          tpu.vector_store %arg9[%swap3A_373], %swap3A_376 {strides = array<i32>} : memref<128xi32, #tpu.memory_space<vmem>>, vector<16xi32>,
          %mul3A_377 = arith.constant 128 : i32
          %mul3A_378 = arith.muli %add3A_229, %mul3A_377 : i32
          %add3A_379 = arith.constant 112 : i32
          %add3A_380 = arith.addi %mul3A_378, %add3A_379 : i32
          %get3A_381 = arith.index_cast %add3A_380 : i32 to index
          %get3A_382 = tpu.vector_load %arg6[%get3A_381] {strides = array<i32>} : memref<12800xi32, #tpu.memory_space<vmem>>, vector<16xi32>,
          %get3A_383 = vector.shape_cast %get3A_382 : vector<16xi32> to vector<16xi32>
          %shift_right_logical3A_384 = arith.constant 14 : i32
          %shift_right_logical3A_385 = vector.broadcast %shift_right_logical3A_384 : i32 to vector<16xi32>
          %shift_right_logical3A_386 = arith.shrui %get3A_383, %shift_right_logical3A_385 : vector<16xi32>
          %swap3A_387 = arith.constant 112 : index
          %swap3A_388 = tpu.vector_load %arg7[%swap3A_387] {strides = array<i32>} : memref<128xi32, #tpu.memory_space<vmem>>, vector<16xi32>,
          %swap3A_389 = vector.shape_cast %swap3A_388 : vector<16xi32> to vector<16xi32>
          %swap3A_390 = vector.shape_cast %shift_right_logical3A_386 : vector<16xi32> to vector<16xi32>
          tpu.vector_store %arg7[%swap3A_387], %swap3A_390 {strides = array<i32>} : memref<128xi32, #tpu.memory_space<vmem>>, vector<16xi32>,
          %and3A_391 = arith.constant 16383 : i32
          %and3A_392 = vector.broadcast %and3A_391 : i32 to vector<16xi32>
          %and3A_393 = arith.andi %get3A_383, %and3A_392 : vector<16xi32>
          %swap3A_394 = arith.constant 112 : index
          %swap3A_395 = tpu.vector_load %arg9[%swap3A_394] {strides = array<i32>} : memref<128xi32, #tpu.memory_space<vmem>>, vector<16xi32>,
          %swap3A_396 = vector.shape_cast %swap3A_395 : vector<16xi32> to vector<16xi32>
          %swap3A_397 = vector.shape_cast %and3A_393 : vector<16xi32> to vector<16xi32>
          tpu.vector_store %arg9[%swap3A_394], %swap3A_397 {strides = array<i32>} : memref<128xi32, #tpu.memory_space<vmem>>, vector<16xi32>,
          %dma_start3A_398 = arith.constant 0 : i32
          %dma_start3A_399 = arith.constant 0 : i32
          %dma_start3A_400 = tpu.memref_slice %arg3[%dma_start3A_398, %dma_start3A_399] : memref<10000x128xf32, #tpu.memory_space<hbm>> -> memref<10000x128xf32, #tpu.memory_space<hbm>>
          tpu.enqueue_indirect_dma source(%dma_start3A_400 : memref<10000x128xf32, #tpu.memory_space<hbm>>) target(%arg11 : memref<128x128xf32, #tpu.memory_space<vmem>>) offsets(%arg7 : memref<128xi32, #tpu.memory_space<vmem>>) semaphore(%arg13 : memref<!tpu.dma_semaphore, #tpu.memory_space<semaphore_mem>>)
        } else {
        }
        %dma_wait3A_222 = arith.constant 0 : i32
        %dma_wait3A_223 = arith.constant 0 : i32
        %dma_wait3A_224 = tpu.memref_slice %arg3[%dma_wait3A_222, %dma_wait3A_223] : memref<10000x128xf32, #tpu.memory_space<hbm>> -> memref<10000x128xf32, #tpu.memory_space<hbm>>
        tpu.wait_indirect_dma semaphore(%arg14 : memref<!tpu.dma_semaphore, #tpu.memory_space<semaphore_mem>>) src(%dma_wait3A_224 : memref<10000x128xf32, #tpu.memory_space<hbm>>) dst(%arg12 : memref<128x128xf32, #tpu.memory_space<vmem>>)
        %dma_start3A_225 = arith.constant 0 : i32
        %dma_start3A_226 = arith.constant 0 : i32
        %dma_start3A_227 = tpu.memref_slice %arg5[%dma_start3A_225, %dma_start3A_226] : memref<10240x128xf32, #tpu.memory_space<vmem_shared>> -> memref<10240x128xf32, #tpu.memory_space<vmem_shared>>
        tpu.enqueue_indirect_dma source(%arg12 : memref<128x128xf32, #tpu.memory_space<vmem>>) target(%dma_start3A_227 : memref<10240x128xf32, #tpu.memory_space<vmem_shared>>) offsets(%arg10 : memref<128xi32, #tpu.memory_space<vmem>>) semaphore(%arg16 : memref<!tpu.dma_semaphore, #tpu.memory_space<semaphore_mem>>) {add = true}
      } else {
      }
      %while3A_212 = arith.constant 0 : i32
      scf.yield %while3A_212 : i32
    }
    %dma_wait3A = arith.constant 0 : i32
    %dma_wait3A_190 = arith.constant 0 : i32
    %dma_wait3A_191 = tpu.memref_slice %arg5[%dma_wait3A, %dma_wait3A_190] : memref<10240x128xf32, #tpu.memory_space<vmem_shared>> -> memref<10240x128xf32, #tpu.memory_space<vmem_shared>>
    tpu.wait_indirect_dma semaphore(%arg16 : memref<!tpu.dma_semaphore, #tpu.memory_space<semaphore_mem>>) src(%arg12 : memref<128x128xf32, #tpu.memory_space<vmem>>) dst(%dma_wait3A_191 : memref<10240x128xf32, #tpu.memory_space<vmem_shared>>)
    %barrier3A_192 = arith.constant 0 : index
    tpu.barrier barrier_id(%barrier3A_192)
    %mul3A_193 = arith.constant 640 : i32
    %mul3A_194 = arith.muli %arg1, %mul3A_193 : i32
    %mul3A_195 = arith.constant 640 : i32
    %mul3A_196 = arith.muli %arg1, %mul3A_195 : i32
    "tpu.region"() ({
      %run_scoped3A = tpu.sem_alloc : memref<!tpu.dma_semaphore, #tpu.memory_space<semaphore_mem>>
      %dma_start3A_197 = arith.constant 0 : i32
      %dma_start3A_198 = tpu.memref_slice %arg4[%arg0, %mul3A_196, %dma_start3A_197] : memref<2x10240x128xf32, #tpu.memory_space<hbm>> -> memref<1x640x128xf32, #tpu.memory_space<hbm>>
      %dma_start3A_199 = tpu.memref_squeeze %dma_start3A_198 : memref<1x640x128xf32, #tpu.memory_space<hbm>> -> memref<640x128xf32, #tpu.memory_space<hbm>>
      %dma_start3A_200 = arith.constant 0 : i32
      %dma_start3A_201 = tpu.memref_slice %arg5[%mul3A_194, %dma_start3A_200] : memref<10240x128xf32, #tpu.memory_space<vmem_shared>> -> memref<640x128xf32, #tpu.memory_space<vmem_shared>>
      tpu.enqueue_dma source(%dma_start3A_201 : memref<640x128xf32, #tpu.memory_space<vmem_shared>>) target(%dma_start3A_199 : memref<640x128xf32, #tpu.memory_space<hbm>>) target_semaphore(%run_scoped3A : memref<!tpu.dma_semaphore, #tpu.memory_space<semaphore_mem>>)
      %dma_wait3A_202 = arith.constant 0 : i32
      %dma_wait3A_203 = tpu.memref_slice %arg4[%arg0, %mul3A_196, %dma_wait3A_202] : memref<2x10240x128xf32, #tpu.memory_space<hbm>> -> memref<1x640x128xf32, #tpu.memory_space<hbm>>
      %dma_wait3A_204 = tpu.memref_squeeze %dma_wait3A_203 : memref<1x640x128xf32, #tpu.memory_space<hbm>> -> memref<640x128xf32, #tpu.memory_space<hbm>>
      %dma_wait3A_205 = arith.constant 0 : i32
      %dma_wait3A_206 = tpu.memref_slice %arg5[%mul3A_194, %dma_wait3A_205] : memref<10240x128xf32, #tpu.memory_space<vmem_shared>> -> memref<640x128xf32, #tpu.memory_space<vmem_shared>>
      tpu.wait_dma2 semaphore(%run_scoped3A : memref<!tpu.dma_semaphore, #tpu.memory_space<semaphore_mem>>) src(%dma_wait3A_206 : memref<640x128xf32, #tpu.memory_space<vmem_shared>>) dst(%dma_wait3A_204 : memref<640x128xf32, #tpu.memory_space<hbm>>)
      tpu.yield
    }) : () -> ()
    return
  }
}

#map = affine_map<(d0, d1) -> (0)>
#map1 = affine_map<(d0, d1) -> (0, 0)>
#map2 = affine_map<(d0, d1) -> (0, 0, 0)>
module attributes {stable_mosaic.version = 14 : i64} {
  func.func @_spmm_kernel(%arg0: i32, %arg1: i32, %arg2: memref<331776xi32, #tpu.memory_space<hbm>>, %arg3: memref<10000x128xf32, #tpu.memory_space<hbm>>, %arg4: memref<2x10240x128xf32, #tpu.memory_space<hbm>>, %arg5: memref<10240x128xf32, #tpu.memory_space<vmem_shared>>, %arg6: memref<12800xi32, #tpu.memory_space<vmem>>, %arg7: memref<128xi32, #tpu.memory_space<vmem>>, %arg8: memref<128xi32, #tpu.memory_space<vmem>>, %arg9: memref<128xi32, #tpu.memory_space<vmem>>, %arg10: memref<128xi32, #tpu.memory_space<vmem>>, %arg11: memref<128x128xf32, #tpu.memory_space<vmem>>, %arg12: memref<128x128xf32, #tpu.memory_space<vmem>>, %arg13: memref<!tpu.dma_semaphore, #tpu.memory_space<semaphore_mem>>, %arg14: memref<!tpu.dma_semaphore, #tpu.memory_space<semaphore_mem>>, %arg15: memref<!tpu.dma_semaphore, #tpu.memory_space<semaphore_mem>>, %arg16: memref<!tpu.dma_semaphore, #tpu.memory_space<semaphore_mem>>, %arg17: memref<!tpu.dma_semaphore, #tpu.memory_space<semaphore_mem>>) attributes {dimension_semantics = [#tpu.dimension_semantics<core_parallel>, #tpu.dimension_semantics<subcore_parallel>], iteration_bounds = array<i64: 2, 16>, scalar_prefetch = 0 : i64, scratch_operands = 13 : i64, tpu.core_type = #tpu.core_type<sc_vector_subcore>, window_params = [{transform_indices = #map}, {transform_indices = #map1}, {transform_indices = #map2}]} {
    %eq3A = arith.constant 0 : i32
    %eq3A_0 = arith.cmpi eq, %arg0, %eq3A : i32
    %select_n3A = arith.constant 62 : i32
    %select_n3A_1 = arith.constant 100 : i32
    %select_n3A_2 = arith.select %eq3A_0, %select_n3A_1, %select_n3A : i32
    %eq3A_3 = arith.constant 0 : i32
    %eq3A_4 = arith.cmpi eq, %arg0, %eq3A_3 : i32
    %convert_element_type3A = arith.extui %eq3A_4 : i1 to i32
    %cond3A = arith.constant 0 : i32
    %cond3A_5 = arith.cmpi ne, %convert_element_type3A, %cond3A : i32
    scf.if %cond3A_5 {
      %mul3A_197 = arith.constant 12800 : i32
      %mul3A_198 = arith.muli %arg1, %mul3A_197 : i32
      %dma_start3A_199 = arith.constant 0 : i32
      %dma_start3A_200 = tpu.memref_slice %arg6[%dma_start3A_199] : memref<12800xi32, #tpu.memory_space<vmem>> -> memref<12800xi32, #tpu.memory_space<vmem>>
      %dma_start3A_201 = tpu.memref_slice %arg2[%mul3A_198] : memref<331776xi32, #tpu.memory_space<hbm>> -> memref<12800xi32, #tpu.memory_space<hbm>>
      %dma_start3A_202 = arith.constant 0 : i32
      %dma_start3A_203 = tpu.memref_slice %arg6[%dma_start3A_202] : memref<12800xi32, #tpu.memory_space<vmem>> -> memref<12800xi32, #tpu.memory_space<vmem>>
      %dma_start3A_204 = tpu.memref_slice %arg2[%mul3A_198] : memref<331776xi32, #tpu.memory_space<hbm>> -> memref<12800xi32, #tpu.memory_space<hbm>>
      tpu.enqueue_dma source(%dma_start3A_204 : memref<12800xi32, #tpu.memory_space<hbm>>) target(%dma_start3A_203 : memref<12800xi32, #tpu.memory_space<vmem>>) target_semaphore(%arg17 : memref<!tpu.dma_semaphore, #tpu.memory_space<semaphore_mem>>)
    } else {
    }
    %eq3A_6 = arith.constant 1 : i32
    %eq3A_7 = arith.cmpi eq, %arg0, %eq3A_6 : i32
    %convert_element_type3A_8 = arith.extui %eq3A_7 : i1 to i32
    %cond3A_9 = arith.constant 0 : i32
    %cond3A_10 = arith.cmpi ne, %convert_element_type3A_8, %cond3A_9 : i32
    scf.if %cond3A_10 {
      %mul3A_197 = arith.constant 7936 : i32
      %mul3A_198 = arith.muli %arg1, %mul3A_197 : i32
      %add3A_199 = arith.constant 204800 : i32
      %add3A_200 = arith.addi %add3A_199, %mul3A_198 : i32
      %dma_start3A_201 = arith.constant 0 : i32
      %dma_start3A_202 = tpu.memref_slice %arg6[%dma_start3A_201] : memref<12800xi32, #tpu.memory_space<vmem>> -> memref<7936xi32, #tpu.memory_space<vmem>>
      %dma_start3A_203 = tpu.memref_slice %arg2[%add3A_200] : memref<331776xi32, #tpu.memory_space<hbm>> -> memref<7936xi32, #tpu.memory_space<hbm>>
      %dma_start3A_204 = arith.constant 0 : i32
      %dma_start3A_205 = tpu.memref_slice %arg6[%dma_start3A_204] : memref<12800xi32, #tpu.memory_space<vmem>> -> memref<7936xi32, #tpu.memory_space<vmem>>
      %dma_start3A_206 = tpu.memref_slice %arg2[%add3A_200] : memref<331776xi32, #tpu.memory_space<hbm>> -> memref<7936xi32, #tpu.memory_space<hbm>>
      tpu.enqueue_dma source(%dma_start3A_206 : memref<7936xi32, #tpu.memory_space<hbm>>) target(%dma_start3A_205 : memref<7936xi32, #tpu.memory_space<vmem>>) target_semaphore(%arg17 : memref<!tpu.dma_semaphore, #tpu.memory_space<semaphore_mem>>)
    } else {
    }
    %scan3A = arith.constant 0 : i32
    %scan3A_11 = arith.constant 0 : i32
    %scan3A_12 = arith.constant 128 : i32
    %scan3A_13 = arith.addi %scan3A_11, %scan3A_12 : i32
    %scan3A_14 = arith.constant 1 : i32
    %scan3A_15 = scf.for %scan3A_197 = %scan3A_11 to %scan3A_13 step %scan3A_14 iter_args(%scan3A_198 = %scan3A) -> (i32)  : i32 {
      %broadcast_in_dim3A = arith.constant 0.000000e+00 : f32
      %broadcast_in_dim3A_199 = vector.broadcast %broadcast_in_dim3A : f32 to vector<16xf32>
      %swap3A_200 = arith.index_cast %scan3A_197 : i32 to index
      %swap3A_201 = arith.constant 0 : index
      %swap3A_202 = tpu.vector_load %arg11[%swap3A_200, %swap3A_201] {strides = array<i32>} : memref<128x128xf32, #tpu.memory_space<vmem>>, vector<1x16xf32>,
      %swap3A_203 = vector.shape_cast %swap3A_202 : vector<1x16xf32> to vector<16xf32>
      %swap3A_204 = vector.shape_cast %broadcast_in_dim3A_199 : vector<16xf32> to vector<1x16xf32>
      tpu.vector_store %arg11[%swap3A_200, %swap3A_201], %swap3A_204 {strides = array<i32>} : memref<128x128xf32, #tpu.memory_space<vmem>>, vector<1x16xf32>,
      %broadcast_in_dim3A_205 = arith.constant 0.000000e+00 : f32
      %broadcast_in_dim3A_206 = vector.broadcast %broadcast_in_dim3A_205 : f32 to vector<16xf32>
      %swap3A_207 = arith.index_cast %scan3A_197 : i32 to index
      %swap3A_208 = arith.constant 16 : index
      %swap3A_209 = tpu.vector_load %arg11[%swap3A_207, %swap3A_208] {strides = array<i32>} : memref<128x128xf32, #tpu.memory_space<vmem>>, vector<1x16xf32>,
      %swap3A_210 = vector.shape_cast %swap3A_209 : vector<1x16xf32> to vector<16xf32>
      %swap3A_211 = vector.shape_cast %broadcast_in_dim3A_206 : vector<16xf32> to vector<1x16xf32>
      tpu.vector_store %arg11[%swap3A_207, %swap3A_208], %swap3A_211 {strides = array<i32>} : memref<128x128xf32, #tpu.memory_space<vmem>>, vector<1x16xf32>,
      %broadcast_in_dim3A_212 = arith.constant 0.000000e+00 : f32
      %broadcast_in_dim3A_213 = vector.broadcast %broadcast_in_dim3A_212 : f32 to vector<16xf32>
      %swap3A_214 = arith.index_cast %scan3A_197 : i32 to index
      %swap3A_215 = arith.constant 32 : index
      %swap3A_216 = tpu.vector_load %arg11[%swap3A_214, %swap3A_215] {strides = array<i32>} : memref<128x128xf32, #tpu.memory_space<vmem>>, vector<1x16xf32>,
      %swap3A_217 = vector.shape_cast %swap3A_216 : vector<1x16xf32> to vector<16xf32>
      %swap3A_218 = vector.shape_cast %broadcast_in_dim3A_213 : vector<16xf32> to vector<1x16xf32>
      tpu.vector_store %arg11[%swap3A_214, %swap3A_215], %swap3A_218 {strides = array<i32>} : memref<128x128xf32, #tpu.memory_space<vmem>>, vector<1x16xf32>,
      %broadcast_in_dim3A_219 = arith.constant 0.000000e+00 : f32
      %broadcast_in_dim3A_220 = vector.broadcast %broadcast_in_dim3A_219 : f32 to vector<16xf32>
      %swap3A_221 = arith.index_cast %scan3A_197 : i32 to index
      %swap3A_222 = arith.constant 48 : index
      %swap3A_223 = tpu.vector_load %arg11[%swap3A_221, %swap3A_222] {strides = array<i32>} : memref<128x128xf32, #tpu.memory_space<vmem>>, vector<1x16xf32>,
      %swap3A_224 = vector.shape_cast %swap3A_223 : vector<1x16xf32> to vector<16xf32>
      %swap3A_225 = vector.shape_cast %broadcast_in_dim3A_220 : vector<16xf32> to vector<1x16xf32>
      tpu.vector_store %arg11[%swap3A_221, %swap3A_222], %swap3A_225 {strides = array<i32>} : memref<128x128xf32, #tpu.memory_space<vmem>>, vector<1x16xf32>,
      %broadcast_in_dim3A_226 = arith.constant 0.000000e+00 : f32
      %broadcast_in_dim3A_227 = vector.broadcast %broadcast_in_dim3A_226 : f32 to vector<16xf32>
      %swap3A_228 = arith.index_cast %scan3A_197 : i32 to index
      %swap3A_229 = arith.constant 64 : index
      %swap3A_230 = tpu.vector_load %arg11[%swap3A_228, %swap3A_229] {strides = array<i32>} : memref<128x128xf32, #tpu.memory_space<vmem>>, vector<1x16xf32>,
      %swap3A_231 = vector.shape_cast %swap3A_230 : vector<1x16xf32> to vector<16xf32>
      %swap3A_232 = vector.shape_cast %broadcast_in_dim3A_227 : vector<16xf32> to vector<1x16xf32>
      tpu.vector_store %arg11[%swap3A_228, %swap3A_229], %swap3A_232 {strides = array<i32>} : memref<128x128xf32, #tpu.memory_space<vmem>>, vector<1x16xf32>,
      %broadcast_in_dim3A_233 = arith.constant 0.000000e+00 : f32
      %broadcast_in_dim3A_234 = vector.broadcast %broadcast_in_dim3A_233 : f32 to vector<16xf32>
      %swap3A_235 = arith.index_cast %scan3A_197 : i32 to index
      %swap3A_236 = arith.constant 80 : index
      %swap3A_237 = tpu.vector_load %arg11[%swap3A_235, %swap3A_236] {strides = array<i32>} : memref<128x128xf32, #tpu.memory_space<vmem>>, vector<1x16xf32>,
      %swap3A_238 = vector.shape_cast %swap3A_237 : vector<1x16xf32> to vector<16xf32>
      %swap3A_239 = vector.shape_cast %broadcast_in_dim3A_234 : vector<16xf32> to vector<1x16xf32>
      tpu.vector_store %arg11[%swap3A_235, %swap3A_236], %swap3A_239 {strides = array<i32>} : memref<128x128xf32, #tpu.memory_space<vmem>>, vector<1x16xf32>,
      %broadcast_in_dim3A_240 = arith.constant 0.000000e+00 : f32
      %broadcast_in_dim3A_241 = vector.broadcast %broadcast_in_dim3A_240 : f32 to vector<16xf32>
      %swap3A_242 = arith.index_cast %scan3A_197 : i32 to index
      %swap3A_243 = arith.constant 96 : index
      %swap3A_244 = tpu.vector_load %arg11[%swap3A_242, %swap3A_243] {strides = array<i32>} : memref<128x128xf32, #tpu.memory_space<vmem>>, vector<1x16xf32>,
      %swap3A_245 = vector.shape_cast %swap3A_244 : vector<1x16xf32> to vector<16xf32>
      %swap3A_246 = vector.shape_cast %broadcast_in_dim3A_241 : vector<16xf32> to vector<1x16xf32>
      tpu.vector_store %arg11[%swap3A_242, %swap3A_243], %swap3A_246 {strides = array<i32>} : memref<128x128xf32, #tpu.memory_space<vmem>>, vector<1x16xf32>,
      %broadcast_in_dim3A_247 = arith.constant 0.000000e+00 : f32
      %broadcast_in_dim3A_248 = vector.broadcast %broadcast_in_dim3A_247 : f32 to vector<16xf32>
      %swap3A_249 = arith.index_cast %scan3A_197 : i32 to index
      %swap3A_250 = arith.constant 112 : index
      %swap3A_251 = tpu.vector_load %arg11[%swap3A_249, %swap3A_250] {strides = array<i32>} : memref<128x128xf32, #tpu.memory_space<vmem>>, vector<1x16xf32>,
      %swap3A_252 = vector.shape_cast %swap3A_251 : vector<1x16xf32> to vector<16xf32>
      %swap3A_253 = vector.shape_cast %broadcast_in_dim3A_248 : vector<16xf32> to vector<1x16xf32>
      tpu.vector_store %arg11[%swap3A_249, %swap3A_250], %swap3A_253 {strides = array<i32>} : memref<128x128xf32, #tpu.memory_space<vmem>>, vector<1x16xf32>,
      %scan3A_254 = arith.constant 0 : i32
      scf.yield %scan3A_254 : i32
    }
    %scan3A_16 = arith.constant 128 : i32
    %mul3A = arith.constant 640 : i32
    %mul3A_17 = arith.muli %arg1, %mul3A : i32
    %add3A = arith.constant 0 : i32
    %add3A_18 = arith.addi %mul3A_17, %add3A : i32
    "tpu.region"() ({
      %run_scoped3A = tpu.sem_alloc : memref<!tpu.dma_semaphore, #tpu.memory_space<semaphore_mem>>
      %dma_start3A_197 = arith.constant 0 : i32
      %dma_start3A_198 = tpu.memref_slice %arg5[%add3A_18, %dma_start3A_197] : memref<10240x128xf32, #tpu.memory_space<vmem_shared>> -> memref<128x128xf32, #tpu.memory_space<vmem_shared>>
      %dma_start3A_199 = arith.constant 0 : i32
      %dma_start3A_200 = tpu.memref_slice %arg5[%add3A_18, %dma_start3A_199] : memref<10240x128xf32, #tpu.memory_space<vmem_shared>> -> memref<128x128xf32, #tpu.memory_space<vmem_shared>>
      tpu.enqueue_dma source(%arg11 : memref<128x128xf32, #tpu.memory_space<vmem>>) target(%dma_start3A_200 : memref<128x128xf32, #tpu.memory_space<vmem_shared>>) target_semaphore(%run_scoped3A : memref<!tpu.dma_semaphore, #tpu.memory_space<semaphore_mem>>)
      %dma_wait3A_201 = arith.constant 0 : i32
      %dma_wait3A_202 = tpu.memref_slice %arg5[%add3A_18, %dma_wait3A_201] : memref<10240x128xf32, #tpu.memory_space<vmem_shared>> -> memref<128x128xf32, #tpu.memory_space<vmem_shared>>
      %dma_wait3A_203 = arith.constant 0 : i32
      %dma_wait3A_204 = tpu.memref_slice %arg5[%add3A_18, %dma_wait3A_203] : memref<10240x128xf32, #tpu.memory_space<vmem_shared>> -> memref<128x128xf32, #tpu.memory_space<vmem_shared>>
      tpu.wait_dma2 semaphore(%run_scoped3A : memref<!tpu.dma_semaphore, #tpu.memory_space<semaphore_mem>>) src(%arg11 : memref<128x128xf32, #tpu.memory_space<vmem>>) dst(%dma_wait3A_204 : memref<128x128xf32, #tpu.memory_space<vmem_shared>>)
      tpu.yield
    }) : () -> ()
    %mul3A_19 = arith.constant 640 : i32
    %mul3A_20 = arith.muli %arg1, %mul3A_19 : i32
    %add3A_21 = arith.constant 128 : i32
    %add3A_22 = arith.addi %mul3A_20, %add3A_21 : i32
    "tpu.region"() ({
      %run_scoped3A = tpu.sem_alloc : memref<!tpu.dma_semaphore, #tpu.memory_space<semaphore_mem>>
      %dma_start3A_197 = arith.constant 0 : i32
      %dma_start3A_198 = tpu.memref_slice %arg5[%add3A_22, %dma_start3A_197] : memref<10240x128xf32, #tpu.memory_space<vmem_shared>> -> memref<128x128xf32, #tpu.memory_space<vmem_shared>>
      %dma_start3A_199 = arith.constant 0 : i32
      %dma_start3A_200 = tpu.memref_slice %arg5[%add3A_22, %dma_start3A_199] : memref<10240x128xf32, #tpu.memory_space<vmem_shared>> -> memref<128x128xf32, #tpu.memory_space<vmem_shared>>
      tpu.enqueue_dma source(%arg11 : memref<128x128xf32, #tpu.memory_space<vmem>>) target(%dma_start3A_200 : memref<128x128xf32, #tpu.memory_space<vmem_shared>>) target_semaphore(%run_scoped3A : memref<!tpu.dma_semaphore, #tpu.memory_space<semaphore_mem>>)
      %dma_wait3A_201 = arith.constant 0 : i32
      %dma_wait3A_202 = tpu.memref_slice %arg5[%add3A_22, %dma_wait3A_201] : memref<10240x128xf32, #tpu.memory_space<vmem_shared>> -> memref<128x128xf32, #tpu.memory_space<vmem_shared>>
      %dma_wait3A_203 = arith.constant 0 : i32
      %dma_wait3A_204 = tpu.memref_slice %arg5[%add3A_22, %dma_wait3A_203] : memref<10240x128xf32, #tpu.memory_space<vmem_shared>> -> memref<128x128xf32, #tpu.memory_space<vmem_shared>>
      tpu.wait_dma2 semaphore(%run_scoped3A : memref<!tpu.dma_semaphore, #tpu.memory_space<semaphore_mem>>) src(%arg11 : memref<128x128xf32, #tpu.memory_space<vmem>>) dst(%dma_wait3A_204 : memref<128x128xf32, #tpu.memory_space<vmem_shared>>)
      tpu.yield
    }) : () -> ()
    %mul3A_23 = arith.constant 640 : i32
    %mul3A_24 = arith.muli %arg1, %mul3A_23 : i32
    %add3A_25 = arith.constant 256 : i32
    %add3A_26 = arith.addi %mul3A_24, %add3A_25 : i32
    "tpu.region"() ({
      %run_scoped3A = tpu.sem_alloc : memref<!tpu.dma_semaphore, #tpu.memory_space<semaphore_mem>>
      %dma_start3A_197 = arith.constant 0 : i32
      %dma_start3A_198 = tpu.memref_slice %arg5[%add3A_26, %dma_start3A_197] : memref<10240x128xf32, #tpu.memory_space<vmem_shared>> -> memref<128x128xf32, #tpu.memory_space<vmem_shared>>
      %dma_start3A_199 = arith.constant 0 : i32
      %dma_start3A_200 = tpu.memref_slice %arg5[%add3A_26, %dma_start3A_199] : memref<10240x128xf32, #tpu.memory_space<vmem_shared>> -> memref<128x128xf32, #tpu.memory_space<vmem_shared>>
      tpu.enqueue_dma source(%arg11 : memref<128x128xf32, #tpu.memory_space<vmem>>) target(%dma_start3A_200 : memref<128x128xf32, #tpu.memory_space<vmem_shared>>) target_semaphore(%run_scoped3A : memref<!tpu.dma_semaphore, #tpu.memory_space<semaphore_mem>>)
      %dma_wait3A_201 = arith.constant 0 : i32
      %dma_wait3A_202 = tpu.memref_slice %arg5[%add3A_26, %dma_wait3A_201] : memref<10240x128xf32, #tpu.memory_space<vmem_shared>> -> memref<128x128xf32, #tpu.memory_space<vmem_shared>>
      %dma_wait3A_203 = arith.constant 0 : i32
      %dma_wait3A_204 = tpu.memref_slice %arg5[%add3A_26, %dma_wait3A_203] : memref<10240x128xf32, #tpu.memory_space<vmem_shared>> -> memref<128x128xf32, #tpu.memory_space<vmem_shared>>
      tpu.wait_dma2 semaphore(%run_scoped3A : memref<!tpu.dma_semaphore, #tpu.memory_space<semaphore_mem>>) src(%arg11 : memref<128x128xf32, #tpu.memory_space<vmem>>) dst(%dma_wait3A_204 : memref<128x128xf32, #tpu.memory_space<vmem_shared>>)
      tpu.yield
    }) : () -> ()
    %mul3A_27 = arith.constant 640 : i32
    %mul3A_28 = arith.muli %arg1, %mul3A_27 : i32
    %add3A_29 = arith.constant 384 : i32
    %add3A_30 = arith.addi %mul3A_28, %add3A_29 : i32
    "tpu.region"() ({
      %run_scoped3A = tpu.sem_alloc : memref<!tpu.dma_semaphore, #tpu.memory_space<semaphore_mem>>
      %dma_start3A_197 = arith.constant 0 : i32
      %dma_start3A_198 = tpu.memref_slice %arg5[%add3A_30, %dma_start3A_197] : memref<10240x128xf32, #tpu.memory_space<vmem_shared>> -> memref<128x128xf32, #tpu.memory_space<vmem_shared>>
      %dma_start3A_199 = arith.constant 0 : i32
      %dma_start3A_200 = tpu.memref_slice %arg5[%add3A_30, %dma_start3A_199] : memref<10240x128xf32, #tpu.memory_space<vmem_shared>> -> memref<128x128xf32, #tpu.memory_space<vmem_shared>>
      tpu.enqueue_dma source(%arg11 : memref<128x128xf32, #tpu.memory_space<vmem>>) target(%dma_start3A_200 : memref<128x128xf32, #tpu.memory_space<vmem_shared>>) target_semaphore(%run_scoped3A : memref<!tpu.dma_semaphore, #tpu.memory_space<semaphore_mem>>)
      %dma_wait3A_201 = arith.constant 0 : i32
      %dma_wait3A_202 = tpu.memref_slice %arg5[%add3A_30, %dma_wait3A_201] : memref<10240x128xf32, #tpu.memory_space<vmem_shared>> -> memref<128x128xf32, #tpu.memory_space<vmem_shared>>
      %dma_wait3A_203 = arith.constant 0 : i32
      %dma_wait3A_204 = tpu.memref_slice %arg5[%add3A_30, %dma_wait3A_203] : memref<10240x128xf32, #tpu.memory_space<vmem_shared>> -> memref<128x128xf32, #tpu.memory_space<vmem_shared>>
      tpu.wait_dma2 semaphore(%run_scoped3A : memref<!tpu.dma_semaphore, #tpu.memory_space<semaphore_mem>>) src(%arg11 : memref<128x128xf32, #tpu.memory_space<vmem>>) dst(%dma_wait3A_204 : memref<128x128xf32, #tpu.memory_space<vmem_shared>>)
      tpu.yield
    }) : () -> ()
    %mul3A_31 = arith.constant 640 : i32
    %mul3A_32 = arith.muli %arg1, %mul3A_31 : i32
    %add3A_33 = arith.constant 512 : i32
    %add3A_34 = arith.addi %mul3A_32, %add3A_33 : i32
    "tpu.region"() ({
      %run_scoped3A = tpu.sem_alloc : memref<!tpu.dma_semaphore, #tpu.memory_space<semaphore_mem>>
      %dma_start3A_197 = arith.constant 0 : i32
      %dma_start3A_198 = tpu.memref_slice %arg5[%add3A_34, %dma_start3A_197] : memref<10240x128xf32, #tpu.memory_space<vmem_shared>> -> memref<128x128xf32, #tpu.memory_space<vmem_shared>>
      %dma_start3A_199 = arith.constant 0 : i32
      %dma_start3A_200 = tpu.memref_slice %arg5[%add3A_34, %dma_start3A_199] : memref<10240x128xf32, #tpu.memory_space<vmem_shared>> -> memref<128x128xf32, #tpu.memory_space<vmem_shared>>
      tpu.enqueue_dma source(%arg11 : memref<128x128xf32, #tpu.memory_space<vmem>>) target(%dma_start3A_200 : memref<128x128xf32, #tpu.memory_space<vmem_shared>>) target_semaphore(%run_scoped3A : memref<!tpu.dma_semaphore, #tpu.memory_space<semaphore_mem>>)
      %dma_wait3A_201 = arith.constant 0 : i32
      %dma_wait3A_202 = tpu.memref_slice %arg5[%add3A_34, %dma_wait3A_201] : memref<10240x128xf32, #tpu.memory_space<vmem_shared>> -> memref<128x128xf32, #tpu.memory_space<vmem_shared>>
      %dma_wait3A_203 = arith.constant 0 : i32
      %dma_wait3A_204 = tpu.memref_slice %arg5[%add3A_34, %dma_wait3A_203] : memref<10240x128xf32, #tpu.memory_space<vmem_shared>> -> memref<128x128xf32, #tpu.memory_space<vmem_shared>>
      tpu.wait_dma2 semaphore(%run_scoped3A : memref<!tpu.dma_semaphore, #tpu.memory_space<semaphore_mem>>) src(%arg11 : memref<128x128xf32, #tpu.memory_space<vmem>>) dst(%dma_wait3A_204 : memref<128x128xf32, #tpu.memory_space<vmem_shared>>)
      tpu.yield
    }) : () -> ()
    %eq3A_35 = arith.constant 0 : i32
    %eq3A_36 = arith.cmpi eq, %arg0, %eq3A_35 : i32
    %convert_element_type3A_37 = arith.extui %eq3A_36 : i1 to i32
    %cond3A_38 = arith.constant 0 : i32
    %cond3A_39 = arith.cmpi ne, %convert_element_type3A_37, %cond3A_38 : i32
    scf.if %cond3A_39 {
      %mul3A_197 = arith.constant 12800 : i32
      %mul3A_198 = arith.muli %arg1, %mul3A_197 : i32
      %dma_wait3A_199 = arith.constant 0 : i32
      %dma_wait3A_200 = tpu.memref_slice %arg6[%dma_wait3A_199] : memref<12800xi32, #tpu.memory_space<vmem>> -> memref<12800xi32, #tpu.memory_space<vmem>>
      %dma_wait3A_201 = tpu.memref_slice %arg2[%mul3A_198] : memref<331776xi32, #tpu.memory_space<hbm>> -> memref<12800xi32, #tpu.memory_space<hbm>>
      %dma_wait3A_202 = arith.constant 0 : i32
      %dma_wait3A_203 = tpu.memref_slice %arg6[%dma_wait3A_202] : memref<12800xi32, #tpu.memory_space<vmem>> -> memref<12800xi32, #tpu.memory_space<vmem>>
      %dma_wait3A_204 = tpu.memref_slice %arg2[%mul3A_198] : memref<331776xi32, #tpu.memory_space<hbm>> -> memref<12800xi32, #tpu.memory_space<hbm>>
      tpu.wait_dma2 semaphore(%arg17 : memref<!tpu.dma_semaphore, #tpu.memory_space<semaphore_mem>>) src(%dma_wait3A_204 : memref<12800xi32, #tpu.memory_space<hbm>>) dst(%dma_wait3A_203 : memref<12800xi32, #tpu.memory_space<vmem>>)
    } else {
    }
    %eq3A_40 = arith.constant 1 : i32
    %eq3A_41 = arith.cmpi eq, %arg0, %eq3A_40 : i32
    %convert_element_type3A_42 = arith.extui %eq3A_41 : i1 to i32
    %cond3A_43 = arith.constant 0 : i32
    %cond3A_44 = arith.cmpi ne, %convert_element_type3A_42, %cond3A_43 : i32
    scf.if %cond3A_44 {
      %mul3A_197 = arith.constant 7936 : i32
      %mul3A_198 = arith.muli %arg1, %mul3A_197 : i32
      %add3A_199 = arith.constant 204800 : i32
      %add3A_200 = arith.addi %add3A_199, %mul3A_198 : i32
      %dma_wait3A_201 = arith.constant 0 : i32
      %dma_wait3A_202 = tpu.memref_slice %arg6[%dma_wait3A_201] : memref<12800xi32, #tpu.memory_space<vmem>> -> memref<7936xi32, #tpu.memory_space<vmem>>
      %dma_wait3A_203 = tpu.memref_slice %arg2[%add3A_200] : memref<331776xi32, #tpu.memory_space<hbm>> -> memref<7936xi32, #tpu.memory_space<hbm>>
      %dma_wait3A_204 = arith.constant 0 : i32
      %dma_wait3A_205 = tpu.memref_slice %arg6[%dma_wait3A_204] : memref<12800xi32, #tpu.memory_space<vmem>> -> memref<7936xi32, #tpu.memory_space<vmem>>
      %dma_wait3A_206 = tpu.memref_slice %arg2[%add3A_200] : memref<331776xi32, #tpu.memory_space<hbm>> -> memref<7936xi32, #tpu.memory_space<hbm>>
      tpu.wait_dma2 semaphore(%arg17 : memref<!tpu.dma_semaphore, #tpu.memory_space<semaphore_mem>>) src(%dma_wait3A_206 : memref<7936xi32, #tpu.memory_space<hbm>>) dst(%dma_wait3A_205 : memref<7936xi32, #tpu.memory_space<vmem>>)
    } else {
    }
    %barrier3A = arith.constant 0 : index
    tpu.barrier barrier_id(%barrier3A)
    %get3A = arith.constant 0 : index
    %get3A_45 = tpu.vector_load %arg6[%get3A] {strides = array<i32>} : memref<12800xi32, #tpu.memory_space<vmem>>, vector<16xi32>,
    %get3A_46 = vector.shape_cast %get3A_45 : vector<16xi32> to vector<16xi32>
    %shift_right_logical3A = arith.constant 14 : i32
    %shift_right_logical3A_47 = vector.broadcast %shift_right_logical3A : i32 to vector<16xi32>
    %shift_right_logical3A_48 = arith.shrui %get3A_46, %shift_right_logical3A_47 : vector<16xi32>
    %swap3A = arith.constant 0 : index
    %swap3A_49 = tpu.vector_load %arg7[%swap3A] {strides = array<i32>} : memref<128xi32, #tpu.memory_space<vmem>>, vector<16xi32>,
    %swap3A_50 = vector.shape_cast %swap3A_49 : vector<16xi32> to vector<16xi32>
    %swap3A_51 = vector.shape_cast %shift_right_logical3A_48 : vector<16xi32> to vector<16xi32>
    tpu.vector_store %arg7[%swap3A], %swap3A_51 {strides = array<i32>} : memref<128xi32, #tpu.memory_space<vmem>>, vector<16xi32>,
    %and3A = arith.constant 16383 : i32
    %and3A_52 = vector.broadcast %and3A : i32 to vector<16xi32>
    %and3A_53 = arith.andi %get3A_46, %and3A_52 : vector<16xi32>
    %swap3A_54 = arith.constant 0 : index
    %swap3A_55 = tpu.vector_load %arg9[%swap3A_54] {strides = array<i32>} : memref<128xi32, #tpu.memory_space<vmem>>, vector<16xi32>,
    %swap3A_56 = vector.shape_cast %swap3A_55 : vector<16xi32> to vector<16xi32>
    %swap3A_57 = vector.shape_cast %and3A_53 : vector<16xi32> to vector<16xi32>
    tpu.vector_store %arg9[%swap3A_54], %swap3A_57 {strides = array<i32>} : memref<128xi32, #tpu.memory_space<vmem>>, vector<16xi32>,
    %get3A_58 = arith.constant 16 : index
    %get3A_59 = tpu.vector_load %arg6[%get3A_58] {strides = array<i32>} : memref<12800xi32, #tpu.memory_space<vmem>>, vector<16xi32>,
    %get3A_60 = vector.shape_cast %get3A_59 : vector<16xi32> to vector<16xi32>
    %shift_right_logical3A_61 = arith.constant 14 : i32
    %shift_right_logical3A_62 = vector.broadcast %shift_right_logical3A_61 : i32 to vector<16xi32>
    %shift_right_logical3A_63 = arith.shrui %get3A_60, %shift_right_logical3A_62 : vector<16xi32>
    %swap3A_64 = arith.constant 16 : index
    %swap3A_65 = tpu.vector_load %arg7[%swap3A_64] {strides = array<i32>} : memref<128xi32, #tpu.memory_space<vmem>>, vector<16xi32>,
    %swap3A_66 = vector.shape_cast %swap3A_65 : vector<16xi32> to vector<16xi32>
    %swap3A_67 = vector.shape_cast %shift_right_logical3A_63 : vector<16xi32> to vector<16xi32>
    tpu.vector_store %arg7[%swap3A_64], %swap3A_67 {strides = array<i32>} : memref<128xi32, #tpu.memory_space<vmem>>, vector<16xi32>,
    %and3A_68 = arith.constant 16383 : i32
    %and3A_69 = vector.broadcast %and3A_68 : i32 to vector<16xi32>
    %and3A_70 = arith.andi %get3A_60, %and3A_69 : vector<16xi32>
    %swap3A_71 = arith.constant 16 : index
    %swap3A_72 = tpu.vector_load %arg9[%swap3A_71] {strides = array<i32>} : memref<128xi32, #tpu.memory_space<vmem>>, vector<16xi32>,
    %swap3A_73 = vector.shape_cast %swap3A_72 : vector<16xi32> to vector<16xi32>
    %swap3A_74 = vector.shape_cast %and3A_70 : vector<16xi32> to vector<16xi32>
    tpu.vector_store %arg9[%swap3A_71], %swap3A_74 {strides = array<i32>} : memref<128xi32, #tpu.memory_space<vmem>>, vector<16xi32>,
    %get3A_75 = arith.constant 32 : index
    %get3A_76 = tpu.vector_load %arg6[%get3A_75] {strides = array<i32>} : memref<12800xi32, #tpu.memory_space<vmem>>, vector<16xi32>,
    %get3A_77 = vector.shape_cast %get3A_76 : vector<16xi32> to vector<16xi32>
    %shift_right_logical3A_78 = arith.constant 14 : i32
    %shift_right_logical3A_79 = vector.broadcast %shift_right_logical3A_78 : i32 to vector<16xi32>
    %shift_right_logical3A_80 = arith.shrui %get3A_77, %shift_right_logical3A_79 : vector<16xi32>
    %swap3A_81 = arith.constant 32 : index
    %swap3A_82 = tpu.vector_load %arg7[%swap3A_81] {strides = array<i32>} : memref<128xi32, #tpu.memory_space<vmem>>, vector<16xi32>,
    %swap3A_83 = vector.shape_cast %swap3A_82 : vector<16xi32> to vector<16xi32>
    %swap3A_84 = vector.shape_cast %shift_right_logical3A_80 : vector<16xi32> to vector<16xi32>
    tpu.vector_store %arg7[%swap3A_81], %swap3A_84 {strides = array<i32>} : memref<128xi32, #tpu.memory_space<vmem>>, vector<16xi32>,
    %and3A_85 = arith.constant 16383 : i32
    %and3A_86 = vector.broadcast %and3A_85 : i32 to vector<16xi32>
    %and3A_87 = arith.andi %get3A_77, %and3A_86 : vector<16xi32>
    %swap3A_88 = arith.constant 32 : index
    %swap3A_89 = tpu.vector_load %arg9[%swap3A_88] {strides = array<i32>} : memref<128xi32, #tpu.memory_space<vmem>>, vector<16xi32>,
    %swap3A_90 = vector.shape_cast %swap3A_89 : vector<16xi32> to vector<16xi32>
    %swap3A_91 = vector.shape_cast %and3A_87 : vector<16xi32> to vector<16xi32>
    tpu.vector_store %arg9[%swap3A_88], %swap3A_91 {strides = array<i32>} : memref<128xi32, #tpu.memory_space<vmem>>, vector<16xi32>,
    %get3A_92 = arith.constant 48 : index
    %get3A_93 = tpu.vector_load %arg6[%get3A_92] {strides = array<i32>} : memref<12800xi32, #tpu.memory_space<vmem>>, vector<16xi32>,
    %get3A_94 = vector.shape_cast %get3A_93 : vector<16xi32> to vector<16xi32>
    %shift_right_logical3A_95 = arith.constant 14 : i32
    %shift_right_logical3A_96 = vector.broadcast %shift_right_logical3A_95 : i32 to vector<16xi32>
    %shift_right_logical3A_97 = arith.shrui %get3A_94, %shift_right_logical3A_96 : vector<16xi32>
    %swap3A_98 = arith.constant 48 : index
    %swap3A_99 = tpu.vector_load %arg7[%swap3A_98] {strides = array<i32>} : memref<128xi32, #tpu.memory_space<vmem>>, vector<16xi32>,
    %swap3A_100 = vector.shape_cast %swap3A_99 : vector<16xi32> to vector<16xi32>
    %swap3A_101 = vector.shape_cast %shift_right_logical3A_97 : vector<16xi32> to vector<16xi32>
    tpu.vector_store %arg7[%swap3A_98], %swap3A_101 {strides = array<i32>} : memref<128xi32, #tpu.memory_space<vmem>>, vector<16xi32>,
    %and3A_102 = arith.constant 16383 : i32
    %and3A_103 = vector.broadcast %and3A_102 : i32 to vector<16xi32>
    %and3A_104 = arith.andi %get3A_94, %and3A_103 : vector<16xi32>
    %swap3A_105 = arith.constant 48 : index
    %swap3A_106 = tpu.vector_load %arg9[%swap3A_105] {strides = array<i32>} : memref<128xi32, #tpu.memory_space<vmem>>, vector<16xi32>,
    %swap3A_107 = vector.shape_cast %swap3A_106 : vector<16xi32> to vector<16xi32>
    %swap3A_108 = vector.shape_cast %and3A_104 : vector<16xi32> to vector<16xi32>
    tpu.vector_store %arg9[%swap3A_105], %swap3A_108 {strides = array<i32>} : memref<128xi32, #tpu.memory_space<vmem>>, vector<16xi32>,
    %get3A_109 = arith.constant 64 : index
    %get3A_110 = tpu.vector_load %arg6[%get3A_109] {strides = array<i32>} : memref<12800xi32, #tpu.memory_space<vmem>>, vector<16xi32>,
    %get3A_111 = vector.shape_cast %get3A_110 : vector<16xi32> to vector<16xi32>
    %shift_right_logical3A_112 = arith.constant 14 : i32
    %shift_right_logical3A_113 = vector.broadcast %shift_right_logical3A_112 : i32 to vector<16xi32>
    %shift_right_logical3A_114 = arith.shrui %get3A_111, %shift_right_logical3A_113 : vector<16xi32>
    %swap3A_115 = arith.constant 64 : index
    %swap3A_116 = tpu.vector_load %arg7[%swap3A_115] {strides = array<i32>} : memref<128xi32, #tpu.memory_space<vmem>>, vector<16xi32>,
    %swap3A_117 = vector.shape_cast %swap3A_116 : vector<16xi32> to vector<16xi32>
    %swap3A_118 = vector.shape_cast %shift_right_logical3A_114 : vector<16xi32> to vector<16xi32>
    tpu.vector_store %arg7[%swap3A_115], %swap3A_118 {strides = array<i32>} : memref<128xi32, #tpu.memory_space<vmem>>, vector<16xi32>,
    %and3A_119 = arith.constant 16383 : i32
    %and3A_120 = vector.broadcast %and3A_119 : i32 to vector<16xi32>
    %and3A_121 = arith.andi %get3A_111, %and3A_120 : vector<16xi32>
    %swap3A_122 = arith.constant 64 : index
    %swap3A_123 = tpu.vector_load %arg9[%swap3A_122] {strides = array<i32>} : memref<128xi32, #tpu.memory_space<vmem>>, vector<16xi32>,
    %swap3A_124 = vector.shape_cast %swap3A_123 : vector<16xi32> to vector<16xi32>
    %swap3A_125 = vector.shape_cast %and3A_121 : vector<16xi32> to vector<16xi32>
    tpu.vector_store %arg9[%swap3A_122], %swap3A_125 {strides = array<i32>} : memref<128xi32, #tpu.memory_space<vmem>>, vector<16xi32>,
    %get3A_126 = arith.constant 80 : index
    %get3A_127 = tpu.vector_load %arg6[%get3A_126] {strides = array<i32>} : memref<12800xi32, #tpu.memory_space<vmem>>, vector<16xi32>,
    %get3A_128 = vector.shape_cast %get3A_127 : vector<16xi32> to vector<16xi32>
    %shift_right_logical3A_129 = arith.constant 14 : i32
    %shift_right_logical3A_130 = vector.broadcast %shift_right_logical3A_129 : i32 to vector<16xi32>
    %shift_right_logical3A_131 = arith.shrui %get3A_128, %shift_right_logical3A_130 : vector<16xi32>
    %swap3A_132 = arith.constant 80 : index
    %swap3A_133 = tpu.vector_load %arg7[%swap3A_132] {strides = array<i32>} : memref<128xi32, #tpu.memory_space<vmem>>, vector<16xi32>,
    %swap3A_134 = vector.shape_cast %swap3A_133 : vector<16xi32> to vector<16xi32>
    %swap3A_135 = vector.shape_cast %shift_right_logical3A_131 : vector<16xi32> to vector<16xi32>
    tpu.vector_store %arg7[%swap3A_132], %swap3A_135 {strides = array<i32>} : memref<128xi32, #tpu.memory_space<vmem>>, vector<16xi32>,
    %and3A_136 = arith.constant 16383 : i32
    %and3A_137 = vector.broadcast %and3A_136 : i32 to vector<16xi32>
    %and3A_138 = arith.andi %get3A_128, %and3A_137 : vector<16xi32>
    %swap3A_139 = arith.constant 80 : index
    %swap3A_140 = tpu.vector_load %arg9[%swap3A_139] {strides = array<i32>} : memref<128xi32, #tpu.memory_space<vmem>>, vector<16xi32>,
    %swap3A_141 = vector.shape_cast %swap3A_140 : vector<16xi32> to vector<16xi32>
    %swap3A_142 = vector.shape_cast %and3A_138 : vector<16xi32> to vector<16xi32>
    tpu.vector_store %arg9[%swap3A_139], %swap3A_142 {strides = array<i32>} : memref<128xi32, #tpu.memory_space<vmem>>, vector<16xi32>,
    %get3A_143 = arith.constant 96 : index
    %get3A_144 = tpu.vector_load %arg6[%get3A_143] {strides = array<i32>} : memref<12800xi32, #tpu.memory_space<vmem>>, vector<16xi32>,
    %get3A_145 = vector.shape_cast %get3A_144 : vector<16xi32> to vector<16xi32>
    %shift_right_logical3A_146 = arith.constant 14 : i32
    %shift_right_logical3A_147 = vector.broadcast %shift_right_logical3A_146 : i32 to vector<16xi32>
    %shift_right_logical3A_148 = arith.shrui %get3A_145, %shift_right_logical3A_147 : vector<16xi32>
    %swap3A_149 = arith.constant 96 : index
    %swap3A_150 = tpu.vector_load %arg7[%swap3A_149] {strides = array<i32>} : memref<128xi32, #tpu.memory_space<vmem>>, vector<16xi32>,
    %swap3A_151 = vector.shape_cast %swap3A_150 : vector<16xi32> to vector<16xi32>
    %swap3A_152 = vector.shape_cast %shift_right_logical3A_148 : vector<16xi32> to vector<16xi32>
    tpu.vector_store %arg7[%swap3A_149], %swap3A_152 {strides = array<i32>} : memref<128xi32, #tpu.memory_space<vmem>>, vector<16xi32>,
    %and3A_153 = arith.constant 16383 : i32
    %and3A_154 = vector.broadcast %and3A_153 : i32 to vector<16xi32>
    %and3A_155 = arith.andi %get3A_145, %and3A_154 : vector<16xi32>
    %swap3A_156 = arith.constant 96 : index
    %swap3A_157 = tpu.vector_load %arg9[%swap3A_156] {strides = array<i32>} : memref<128xi32, #tpu.memory_space<vmem>>, vector<16xi32>,
    %swap3A_158 = vector.shape_cast %swap3A_157 : vector<16xi32> to vector<16xi32>
    %swap3A_159 = vector.shape_cast %and3A_155 : vector<16xi32> to vector<16xi32>
    tpu.vector_store %arg9[%swap3A_156], %swap3A_159 {strides = array<i32>} : memref<128xi32, #tpu.memory_space<vmem>>, vector<16xi32>,
    %get3A_160 = arith.constant 112 : index
    %get3A_161 = tpu.vector_load %arg6[%get3A_160] {strides = array<i32>} : memref<12800xi32, #tpu.memory_space<vmem>>, vector<16xi32>,
    %get3A_162 = vector.shape_cast %get3A_161 : vector<16xi32> to vector<16xi32>
    %shift_right_logical3A_163 = arith.constant 14 : i32
    %shift_right_logical3A_164 = vector.broadcast %shift_right_logical3A_163 : i32 to vector<16xi32>
    %shift_right_logical3A_165 = arith.shrui %get3A_162, %shift_right_logical3A_164 : vector<16xi32>
    %swap3A_166 = arith.constant 112 : index
    %swap3A_167 = tpu.vector_load %arg7[%swap3A_166] {strides = array<i32>} : memref<128xi32, #tpu.memory_space<vmem>>, vector<16xi32>,
    %swap3A_168 = vector.shape_cast %swap3A_167 : vector<16xi32> to vector<16xi32>
    %swap3A_169 = vector.shape_cast %shift_right_logical3A_165 : vector<16xi32> to vector<16xi32>
    tpu.vector_store %arg7[%swap3A_166], %swap3A_169 {strides = array<i32>} : memref<128xi32, #tpu.memory_space<vmem>>, vector<16xi32>,
    %and3A_170 = arith.constant 16383 : i32
    %and3A_171 = vector.broadcast %and3A_170 : i32 to vector<16xi32>
    %and3A_172 = arith.andi %get3A_162, %and3A_171 : vector<16xi32>
    %swap3A_173 = arith.constant 112 : index
    %swap3A_174 = tpu.vector_load %arg9[%swap3A_173] {strides = array<i32>} : memref<128xi32, #tpu.memory_space<vmem>>, vector<16xi32>,
    %swap3A_175 = vector.shape_cast %swap3A_174 : vector<16xi32> to vector<16xi32>
    %swap3A_176 = vector.shape_cast %and3A_172 : vector<16xi32> to vector<16xi32>
    tpu.vector_store %arg9[%swap3A_173], %swap3A_176 {strides = array<i32>} : memref<128xi32, #tpu.memory_space<vmem>>, vector<16xi32>,
    %dma_start3A = arith.constant 0 : i32
    %dma_start3A_177 = arith.constant 0 : i32
    %dma_start3A_178 = tpu.memref_slice %arg3[%dma_start3A, %dma_start3A_177] : memref<10000x128xf32, #tpu.memory_space<hbm>> -> memref<10000x128xf32, #tpu.memory_space<hbm>>
    tpu.enqueue_indirect_dma source(%dma_start3A_178 : memref<10000x128xf32, #tpu.memory_space<hbm>>) target(%arg11 : memref<128x128xf32, #tpu.memory_space<vmem>>) offsets(%arg7 : memref<128xi32, #tpu.memory_space<vmem>>) semaphore(%arg13 : memref<!tpu.dma_semaphore, #tpu.memory_space<semaphore_mem>>)
    %while3A = arith.constant 0 : i32
    %while3A_179 = arith.constant 0 : i32
    %while3A_180 = arith.subi %select_n3A_2, %while3A : i32
    %while3A_181 = arith.addi %while3A, %while3A_180 : i32
    %while3A_182 = arith.constant 1 : i32
    %while3A_183 = arith.divsi %while3A_180, %while3A_182 : i32
    %while3A_184 = arith.muli %while3A_183, %while3A_182 : i32
    %while3A_185 = arith.addi %while3A, %while3A_184 : i32
    %while3A_186 = arith.constant 1 : i32
    %while3A_187 = scf.for %while3A_197 = %while3A to %while3A_185 step %while3A_186 iter_args(%while3A_198 = %while3A_179) -> (i32)  : i32 {
      %rem3A = arith.constant 2 : i32
      %rem3A_199 = arith.remsi %while3A_197, %rem3A : i32
      %eq3A_200 = arith.constant 0 : i32
      %eq3A_201 = arith.cmpi eq, %rem3A_199, %eq3A_200 : i32
      %convert_element_type3A_202 = arith.extui %eq3A_201 : i1 to i32
      %cond3A_203 = arith.constant 0 : i32
      %cond3A_204 = arith.cmpi ne, %convert_element_type3A_202, %cond3A_203 : i32
      scf.if %cond3A_204 {
        %ge3A = arith.constant 1 : i32
        %ge3A_213 = arith.cmpi sge, %while3A_197, %ge3A : i32
        %convert_element_type3A_214 = arith.extui %ge3A_213 : i1 to i32
        %cond3A_215 = arith.constant 0 : i32
        %cond3A_216 = arith.cmpi ne, %convert_element_type3A_214, %cond3A_215 : i32
        scf.if %cond3A_216 {
          %dma_wait3A_228 = arith.constant 0 : i32
          %dma_wait3A_229 = arith.constant 0 : i32
          %dma_wait3A_230 = tpu.memref_slice %arg5[%dma_wait3A_228, %dma_wait3A_229] : memref<10240x128xf32, #tpu.memory_space<vmem_shared>> -> memref<10240x128xf32, #tpu.memory_space<vmem_shared>>
          tpu.wait_indirect_dma semaphore(%arg16 : memref<!tpu.dma_semaphore, #tpu.memory_space<semaphore_mem>>) src(%arg12 : memref<128x128xf32, #tpu.memory_space<vmem>>) dst(%dma_wait3A_230 : memref<10240x128xf32, #tpu.memory_space<vmem_shared>>)
        } else {
        }
        %add3A_217 = arith.constant 1 : i32
        %add3A_218 = arith.addi %while3A_197, %add3A_217 : i32
        %lt3A = arith.cmpi slt, %add3A_218, %select_n3A_2 : i32
        %convert_element_type3A_219 = arith.extui %lt3A : i1 to i32
        %cond3A_220 = arith.constant 0 : i32
        %cond3A_221 = arith.cmpi ne, %convert_element_type3A_219, %cond3A_220 : i32
        scf.if %cond3A_221 {
          %add3A_228 = arith.constant 1 : i32
          %add3A_229 = arith.addi %while3A_197, %add3A_228 : i32
          %mul3A_230 = arith.constant 128 : i32
          %mul3A_231 = arith.muli %add3A_229, %mul3A_230 : i32
          %add3A_232 = arith.constant 0 : i32
          %add3A_233 = arith.addi %mul3A_231, %add3A_232 : i32
          %get3A_234 = arith.index_cast %add3A_233 : i32 to index
          %get3A_235 = tpu.vector_load %arg6[%get3A_234] {strides = array<i32>} : memref<12800xi32, #tpu.memory_space<vmem>>, vector<16xi32>,
          %get3A_236 = vector.shape_cast %get3A_235 : vector<16xi32> to vector<16xi32>
          %shift_right_logical3A_237 = arith.constant 14 : i32
          %shift_right_logical3A_238 = vector.broadcast %shift_right_logical3A_237 : i32 to vector<16xi32>
          %shift_right_logical3A_239 = arith.shrui %get3A_236, %shift_right_logical3A_238 : vector<16xi32>
          %swap3A_240 = arith.constant 0 : index
          %swap3A_241 = tpu.vector_load %arg8[%swap3A_240] {strides = array<i32>} : memref<128xi32, #tpu.memory_space<vmem>>, vector<16xi32>,
          %swap3A_242 = vector.shape_cast %swap3A_241 : vector<16xi32> to vector<16xi32>
          %swap3A_243 = vector.shape_cast %shift_right_logical3A_239 : vector<16xi32> to vector<16xi32>
          tpu.vector_store %arg8[%swap3A_240], %swap3A_243 {strides = array<i32>} : memref<128xi32, #tpu.memory_space<vmem>>, vector<16xi32>,
          %and3A_244 = arith.constant 16383 : i32
          %and3A_245 = vector.broadcast %and3A_244 : i32 to vector<16xi32>
          %and3A_246 = arith.andi %get3A_236, %and3A_245 : vector<16xi32>
          %swap3A_247 = arith.constant 0 : index
          %swap3A_248 = tpu.vector_load %arg10[%swap3A_247] {strides = array<i32>} : memref<128xi32, #tpu.memory_space<vmem>>, vector<16xi32>,
          %swap3A_249 = vector.shape_cast %swap3A_248 : vector<16xi32> to vector<16xi32>
          %swap3A_250 = vector.shape_cast %and3A_246 : vector<16xi32> to vector<16xi32>
          tpu.vector_store %arg10[%swap3A_247], %swap3A_250 {strides = array<i32>} : memref<128xi32, #tpu.memory_space<vmem>>, vector<16xi32>,
          %mul3A_251 = arith.constant 128 : i32
          %mul3A_252 = arith.muli %add3A_229, %mul3A_251 : i32
          %add3A_253 = arith.constant 16 : i32
          %add3A_254 = arith.addi %mul3A_252, %add3A_253 : i32
          %get3A_255 = arith.index_cast %add3A_254 : i32 to index
          %get3A_256 = tpu.vector_load %arg6[%get3A_255] {strides = array<i32>} : memref<12800xi32, #tpu.memory_space<vmem>>, vector<16xi32>,
          %get3A_257 = vector.shape_cast %get3A_256 : vector<16xi32> to vector<16xi32>
          %shift_right_logical3A_258 = arith.constant 14 : i32
          %shift_right_logical3A_259 = vector.broadcast %shift_right_logical3A_258 : i32 to vector<16xi32>
          %shift_right_logical3A_260 = arith.shrui %get3A_257, %shift_right_logical3A_259 : vector<16xi32>
          %swap3A_261 = arith.constant 16 : index
          %swap3A_262 = tpu.vector_load %arg8[%swap3A_261] {strides = array<i32>} : memref<128xi32, #tpu.memory_space<vmem>>, vector<16xi32>,
          %swap3A_263 = vector.shape_cast %swap3A_262 : vector<16xi32> to vector<16xi32>
          %swap3A_264 = vector.shape_cast %shift_right_logical3A_260 : vector<16xi32> to vector<16xi32>
          tpu.vector_store %arg8[%swap3A_261], %swap3A_264 {strides = array<i32>} : memref<128xi32, #tpu.memory_space<vmem>>, vector<16xi32>,
          %and3A_265 = arith.constant 16383 : i32
          %and3A_266 = vector.broadcast %and3A_265 : i32 to vector<16xi32>
          %and3A_267 = arith.andi %get3A_257, %and3A_266 : vector<16xi32>
          %swap3A_268 = arith.constant 16 : index
          %swap3A_269 = tpu.vector_load %arg10[%swap3A_268] {strides = array<i32>} : memref<128xi32, #tpu.memory_space<vmem>>, vector<16xi32>,
          %swap3A_270 = vector.shape_cast %swap3A_269 : vector<16xi32> to vector<16xi32>
          %swap3A_271 = vector.shape_cast %and3A_267 : vector<16xi32> to vector<16xi32>
          tpu.vector_store %arg10[%swap3A_268], %swap3A_271 {strides = array<i32>} : memref<128xi32, #tpu.memory_space<vmem>>, vector<16xi32>,
          %mul3A_272 = arith.constant 128 : i32
          %mul3A_273 = arith.muli %add3A_229, %mul3A_272 : i32
          %add3A_274 = arith.constant 32 : i32
          %add3A_275 = arith.addi %mul3A_273, %add3A_274 : i32
          %get3A_276 = arith.index_cast %add3A_275 : i32 to index
          %get3A_277 = tpu.vector_load %arg6[%get3A_276] {strides = array<i32>} : memref<12800xi32, #tpu.memory_space<vmem>>, vector<16xi32>,
          %get3A_278 = vector.shape_cast %get3A_277 : vector<16xi32> to vector<16xi32>
          %shift_right_logical3A_279 = arith.constant 14 : i32
          %shift_right_logical3A_280 = vector.broadcast %shift_right_logical3A_279 : i32 to vector<16xi32>
          %shift_right_logical3A_281 = arith.shrui %get3A_278, %shift_right_logical3A_280 : vector<16xi32>
          %swap3A_282 = arith.constant 32 : index
          %swap3A_283 = tpu.vector_load %arg8[%swap3A_282] {strides = array<i32>} : memref<128xi32, #tpu.memory_space<vmem>>, vector<16xi32>,
          %swap3A_284 = vector.shape_cast %swap3A_283 : vector<16xi32> to vector<16xi32>
          %swap3A_285 = vector.shape_cast %shift_right_logical3A_281 : vector<16xi32> to vector<16xi32>
          tpu.vector_store %arg8[%swap3A_282], %swap3A_285 {strides = array<i32>} : memref<128xi32, #tpu.memory_space<vmem>>, vector<16xi32>,
          %and3A_286 = arith.constant 16383 : i32
          %and3A_287 = vector.broadcast %and3A_286 : i32 to vector<16xi32>
          %and3A_288 = arith.andi %get3A_278, %and3A_287 : vector<16xi32>
          %swap3A_289 = arith.constant 32 : index
          %swap3A_290 = tpu.vector_load %arg10[%swap3A_289] {strides = array<i32>} : memref<128xi32, #tpu.memory_space<vmem>>, vector<16xi32>,
          %swap3A_291 = vector.shape_cast %swap3A_290 : vector<16xi32> to vector<16xi32>
          %swap3A_292 = vector.shape_cast %and3A_288 : vector<16xi32> to vector<16xi32>
          tpu.vector_store %arg10[%swap3A_289], %swap3A_292 {strides = array<i32>} : memref<128xi32, #tpu.memory_space<vmem>>, vector<16xi32>,
          %mul3A_293 = arith.constant 128 : i32
          %mul3A_294 = arith.muli %add3A_229, %mul3A_293 : i32
          %add3A_295 = arith.constant 48 : i32
          %add3A_296 = arith.addi %mul3A_294, %add3A_295 : i32
          %get3A_297 = arith.index_cast %add3A_296 : i32 to index
          %get3A_298 = tpu.vector_load %arg6[%get3A_297] {strides = array<i32>} : memref<12800xi32, #tpu.memory_space<vmem>>, vector<16xi32>,
          %get3A_299 = vector.shape_cast %get3A_298 : vector<16xi32> to vector<16xi32>
          %shift_right_logical3A_300 = arith.constant 14 : i32
          %shift_right_logical3A_301 = vector.broadcast %shift_right_logical3A_300 : i32 to vector<16xi32>
          %shift_right_logical3A_302 = arith.shrui %get3A_299, %shift_right_logical3A_301 : vector<16xi32>
          %swap3A_303 = arith.constant 48 : index
          %swap3A_304 = tpu.vector_load %arg8[%swap3A_303] {strides = array<i32>} : memref<128xi32, #tpu.memory_space<vmem>>, vector<16xi32>,
          %swap3A_305 = vector.shape_cast %swap3A_304 : vector<16xi32> to vector<16xi32>
          %swap3A_306 = vector.shape_cast %shift_right_logical3A_302 : vector<16xi32> to vector<16xi32>
          tpu.vector_store %arg8[%swap3A_303], %swap3A_306 {strides = array<i32>} : memref<128xi32, #tpu.memory_space<vmem>>, vector<16xi32>,
          %and3A_307 = arith.constant 16383 : i32
          %and3A_308 = vector.broadcast %and3A_307 : i32 to vector<16xi32>
          %and3A_309 = arith.andi %get3A_299, %and3A_308 : vector<16xi32>
          %swap3A_310 = arith.constant 48 : index
          %swap3A_311 = tpu.vector_load %arg10[%swap3A_310] {strides = array<i32>} : memref<128xi32, #tpu.memory_space<vmem>>, vector<16xi32>,
          %swap3A_312 = vector.shape_cast %swap3A_311 : vector<16xi32> to vector<16xi32>
          %swap3A_313 = vector.shape_cast %and3A_309 : vector<16xi32> to vector<16xi32>
          tpu.vector_store %arg10[%swap3A_310], %swap3A_313 {strides = array<i32>} : memref<128xi32, #tpu.memory_space<vmem>>, vector<16xi32>,
          %mul3A_314 = arith.constant 128 : i32
          %mul3A_315 = arith.muli %add3A_229, %mul3A_314 : i32
          %add3A_316 = arith.constant 64 : i32
          %add3A_317 = arith.addi %mul3A_315, %add3A_316 : i32
          %get3A_318 = arith.index_cast %add3A_317 : i32 to index
          %get3A_319 = tpu.vector_load %arg6[%get3A_318] {strides = array<i32>} : memref<12800xi32, #tpu.memory_space<vmem>>, vector<16xi32>,
          %get3A_320 = vector.shape_cast %get3A_319 : vector<16xi32> to vector<16xi32>
          %shift_right_logical3A_321 = arith.constant 14 : i32
          %shift_right_logical3A_322 = vector.broadcast %shift_right_logical3A_321 : i32 to vector<16xi32>
          %shift_right_logical3A_323 = arith.shrui %get3A_320, %shift_right_logical3A_322 : vector<16xi32>
          %swap3A_324 = arith.constant 64 : index
          %swap3A_325 = tpu.vector_load %arg8[%swap3A_324] {strides = array<i32>} : memref<128xi32, #tpu.memory_space<vmem>>, vector<16xi32>,
          %swap3A_326 = vector.shape_cast %swap3A_325 : vector<16xi32> to vector<16xi32>
          %swap3A_327 = vector.shape_cast %shift_right_logical3A_323 : vector<16xi32> to vector<16xi32>
          tpu.vector_store %arg8[%swap3A_324], %swap3A_327 {strides = array<i32>} : memref<128xi32, #tpu.memory_space<vmem>>, vector<16xi32>,
          %and3A_328 = arith.constant 16383 : i32
          %and3A_329 = vector.broadcast %and3A_328 : i32 to vector<16xi32>
          %and3A_330 = arith.andi %get3A_320, %and3A_329 : vector<16xi32>
          %swap3A_331 = arith.constant 64 : index
          %swap3A_332 = tpu.vector_load %arg10[%swap3A_331] {strides = array<i32>} : memref<128xi32, #tpu.memory_space<vmem>>, vector<16xi32>,
          %swap3A_333 = vector.shape_cast %swap3A_332 : vector<16xi32> to vector<16xi32>
          %swap3A_334 = vector.shape_cast %and3A_330 : vector<16xi32> to vector<16xi32>
          tpu.vector_store %arg10[%swap3A_331], %swap3A_334 {strides = array<i32>} : memref<128xi32, #tpu.memory_space<vmem>>, vector<16xi32>,
          %mul3A_335 = arith.constant 128 : i32
          %mul3A_336 = arith.muli %add3A_229, %mul3A_335 : i32
          %add3A_337 = arith.constant 80 : i32
          %add3A_338 = arith.addi %mul3A_336, %add3A_337 : i32
          %get3A_339 = arith.index_cast %add3A_338 : i32 to index
          %get3A_340 = tpu.vector_load %arg6[%get3A_339] {strides = array<i32>} : memref<12800xi32, #tpu.memory_space<vmem>>, vector<16xi32>,
          %get3A_341 = vector.shape_cast %get3A_340 : vector<16xi32> to vector<16xi32>
          %shift_right_logical3A_342 = arith.constant 14 : i32
          %shift_right_logical3A_343 = vector.broadcast %shift_right_logical3A_342 : i32 to vector<16xi32>
          %shift_right_logical3A_344 = arith.shrui %get3A_341, %shift_right_logical3A_343 : vector<16xi32>
          %swap3A_345 = arith.constant 80 : index
          %swap3A_346 = tpu.vector_load %arg8[%swap3A_345] {strides = array<i32>} : memref<128xi32, #tpu.memory_space<vmem>>, vector<16xi32>,
          %swap3A_347 = vector.shape_cast %swap3A_346 : vector<16xi32> to vector<16xi32>
          %swap3A_348 = vector.shape_cast %shift_right_logical3A_344 : vector<16xi32> to vector<16xi32>
          tpu.vector_store %arg8[%swap3A_345], %swap3A_348 {strides = array<i32>} : memref<128xi32, #tpu.memory_space<vmem>>, vector<16xi32>,
          %and3A_349 = arith.constant 16383 : i32
          %and3A_350 = vector.broadcast %and3A_349 : i32 to vector<16xi32>
          %and3A_351 = arith.andi %get3A_341, %and3A_350 : vector<16xi32>
          %swap3A_352 = arith.constant 80 : index
          %swap3A_353 = tpu.vector_load %arg10[%swap3A_352] {strides = array<i32>} : memref<128xi32, #tpu.memory_space<vmem>>, vector<16xi32>,
          %swap3A_354 = vector.shape_cast %swap3A_353 : vector<16xi32> to vector<16xi32>
          %swap3A_355 = vector.shape_cast %and3A_351 : vector<16xi32> to vector<16xi32>
          tpu.vector_store %arg10[%swap3A_352], %swap3A_355 {strides = array<i32>} : memref<128xi32, #tpu.memory_space<vmem>>, vector<16xi32>,
          %mul3A_356 = arith.constant 128 : i32
          %mul3A_357 = arith.muli %add3A_229, %mul3A_356 : i32
          %add3A_358 = arith.constant 96 : i32
          %add3A_359 = arith.addi %mul3A_357, %add3A_358 : i32
          %get3A_360 = arith.index_cast %add3A_359 : i32 to index
          %get3A_361 = tpu.vector_load %arg6[%get3A_360] {strides = array<i32>} : memref<12800xi32, #tpu.memory_space<vmem>>, vector<16xi32>,
          %get3A_362 = vector.shape_cast %get3A_361 : vector<16xi32> to vector<16xi32>
          %shift_right_logical3A_363 = arith.constant 14 : i32
          %shift_right_logical3A_364 = vector.broadcast %shift_right_logical3A_363 : i32 to vector<16xi32>
          %shift_right_logical3A_365 = arith.shrui %get3A_362, %shift_right_logical3A_364 : vector<16xi32>
          %swap3A_366 = arith.constant 96 : index
          %swap3A_367 = tpu.vector_load %arg8[%swap3A_366] {strides = array<i32>} : memref<128xi32, #tpu.memory_space<vmem>>, vector<16xi32>,
          %swap3A_368 = vector.shape_cast %swap3A_367 : vector<16xi32> to vector<16xi32>
          %swap3A_369 = vector.shape_cast %shift_right_logical3A_365 : vector<16xi32> to vector<16xi32>
          tpu.vector_store %arg8[%swap3A_366], %swap3A_369 {strides = array<i32>} : memref<128xi32, #tpu.memory_space<vmem>>, vector<16xi32>,
          %and3A_370 = arith.constant 16383 : i32
          %and3A_371 = vector.broadcast %and3A_370 : i32 to vector<16xi32>
          %and3A_372 = arith.andi %get3A_362, %and3A_371 : vector<16xi32>
          %swap3A_373 = arith.constant 96 : index
          %swap3A_374 = tpu.vector_load %arg10[%swap3A_373] {strides = array<i32>} : memref<128xi32, #tpu.memory_space<vmem>>, vector<16xi32>,
          %swap3A_375 = vector.shape_cast %swap3A_374 : vector<16xi32> to vector<16xi32>
          %swap3A_376 = vector.shape_cast %and3A_372 : vector<16xi32> to vector<16xi32>
          tpu.vector_store %arg10[%swap3A_373], %swap3A_376 {strides = array<i32>} : memref<128xi32, #tpu.memory_space<vmem>>, vector<16xi32>,
          %mul3A_377 = arith.constant 128 : i32
          %mul3A_378 = arith.muli %add3A_229, %mul3A_377 : i32
          %add3A_379 = arith.constant 112 : i32
          %add3A_380 = arith.addi %mul3A_378, %add3A_379 : i32
          %get3A_381 = arith.index_cast %add3A_380 : i32 to index
          %get3A_382 = tpu.vector_load %arg6[%get3A_381] {strides = array<i32>} : memref<12800xi32, #tpu.memory_space<vmem>>, vector<16xi32>,
          %get3A_383 = vector.shape_cast %get3A_382 : vector<16xi32> to vector<16xi32>
          %shift_right_logical3A_384 = arith.constant 14 : i32
          %shift_right_logical3A_385 = vector.broadcast %shift_right_logical3A_384 : i32 to vector<16xi32>
          %shift_right_logical3A_386 = arith.shrui %get3A_383, %shift_right_logical3A_385 : vector<16xi32>
          %swap3A_387 = arith.constant 112 : index
          %swap3A_388 = tpu.vector_load %arg8[%swap3A_387] {strides = array<i32>} : memref<128xi32, #tpu.memory_space<vmem>>, vector<16xi32>,
          %swap3A_389 = vector.shape_cast %swap3A_388 : vector<16xi32> to vector<16xi32>
          %swap3A_390 = vector.shape_cast %shift_right_logical3A_386 : vector<16xi32> to vector<16xi32>
          tpu.vector_store %arg8[%swap3A_387], %swap3A_390 {strides = array<i32>} : memref<128xi32, #tpu.memory_space<vmem>>, vector<16xi32>,
          %and3A_391 = arith.constant 16383 : i32
          %and3A_392 = vector.broadcast %and3A_391 : i32 to vector<16xi32>
          %and3A_393 = arith.andi %get3A_383, %and3A_392 : vector<16xi32>
          %swap3A_394 = arith.constant 112 : index
          %swap3A_395 = tpu.vector_load %arg10[%swap3A_394] {strides = array<i32>} : memref<128xi32, #tpu.memory_space<vmem>>, vector<16xi32>,
          %swap3A_396 = vector.shape_cast %swap3A_395 : vector<16xi32> to vector<16xi32>
          %swap3A_397 = vector.shape_cast %and3A_393 : vector<16xi32> to vector<16xi32>
          tpu.vector_store %arg10[%swap3A_394], %swap3A_397 {strides = array<i32>} : memref<128xi32, #tpu.memory_space<vmem>>, vector<16xi32>,
          %dma_start3A_398 = arith.constant 0 : i32
          %dma_start3A_399 = arith.constant 0 : i32
          %dma_start3A_400 = tpu.memref_slice %arg3[%dma_start3A_398, %dma_start3A_399] : memref<10000x128xf32, #tpu.memory_space<hbm>> -> memref<10000x128xf32, #tpu.memory_space<hbm>>
          tpu.enqueue_indirect_dma source(%dma_start3A_400 : memref<10000x128xf32, #tpu.memory_space<hbm>>) target(%arg12 : memref<128x128xf32, #tpu.memory_space<vmem>>) offsets(%arg8 : memref<128xi32, #tpu.memory_space<vmem>>) semaphore(%arg14 : memref<!tpu.dma_semaphore, #tpu.memory_space<semaphore_mem>>)
        } else {
        }
        %dma_wait3A_222 = arith.constant 0 : i32
        %dma_wait3A_223 = arith.constant 0 : i32
        %dma_wait3A_224 = tpu.memref_slice %arg3[%dma_wait3A_222, %dma_wait3A_223] : memref<10000x128xf32, #tpu.memory_space<hbm>> -> memref<10000x128xf32, #tpu.memory_space<hbm>>
        tpu.wait_indirect_dma semaphore(%arg13 : memref<!tpu.dma_semaphore, #tpu.memory_space<semaphore_mem>>) src(%dma_wait3A_224 : memref<10000x128xf32, #tpu.memory_space<hbm>>) dst(%arg11 : memref<128x128xf32, #tpu.memory_space<vmem>>)
        %dma_start3A_225 = arith.constant 0 : i32
        %dma_start3A_226 = arith.constant 0 : i32
        %dma_start3A_227 = tpu.memref_slice %arg5[%dma_start3A_225, %dma_start3A_226] : memref<10240x128xf32, #tpu.memory_space<vmem_shared>> -> memref<10240x128xf32, #tpu.memory_space<vmem_shared>>
        tpu.enqueue_indirect_dma source(%arg11 : memref<128x128xf32, #tpu.memory_space<vmem>>) target(%dma_start3A_227 : memref<10240x128xf32, #tpu.memory_space<vmem_shared>>) offsets(%arg9 : memref<128xi32, #tpu.memory_space<vmem>>) semaphore(%arg15 : memref<!tpu.dma_semaphore, #tpu.memory_space<semaphore_mem>>) {add = true}
      } else {
      }
      %rem3A_205 = arith.constant 2 : i32
      %rem3A_206 = arith.remsi %while3A_197, %rem3A_205 : i32
      %eq3A_207 = arith.constant 1 : i32
      %eq3A_208 = arith.cmpi eq, %rem3A_206, %eq3A_207 : i32
      %convert_element_type3A_209 = arith.extui %eq3A_208 : i1 to i32
      %cond3A_210 = arith.constant 0 : i32
      %cond3A_211 = arith.cmpi ne, %convert_element_type3A_209, %cond3A_210 : i32
      scf.if %cond3A_211 {
        %ge3A = arith.constant 1 : i32
        %ge3A_213 = arith.cmpi sge, %while3A_197, %ge3A : i32
        %convert_element_type3A_214 = arith.extui %ge3A_213 : i1 to i32
        %cond3A_215 = arith.constant 0 : i32
        %cond3A_216 = arith.cmpi ne, %convert_element_type3A_214, %cond3A_215 : i32
        scf.if %cond3A_216 {
          %dma_wait3A_228 = arith.constant 0 : i32
          %dma_wait3A_229 = arith.constant 0 : i32
          %dma_wait3A_230 = tpu.memref_slice %arg5[%dma_wait3A_228, %dma_wait3A_229] : memref<10240x128xf32, #tpu.memory_space<vmem_shared>> -> memref<10240x128xf32, #tpu.memory_space<vmem_shared>>
          tpu.wait_indirect_dma semaphore(%arg15 : memref<!tpu.dma_semaphore, #tpu.memory_space<semaphore_mem>>) src(%arg11 : memref<128x128xf32, #tpu.memory_space<vmem>>) dst(%dma_wait3A_230 : memref<10240x128xf32, #tpu.memory_space<vmem_shared>>)
        } else {
        }
        %add3A_217 = arith.constant 1 : i32
        %add3A_218 = arith.addi %while3A_197, %add3A_217 : i32
        %lt3A = arith.cmpi slt, %add3A_218, %select_n3A_2 : i32
        %convert_element_type3A_219 = arith.extui %lt3A : i1 to i32
        %cond3A_220 = arith.constant 0 : i32
        %cond3A_221 = arith.cmpi ne, %convert_element_type3A_219, %cond3A_220 : i32
        scf.if %cond3A_221 {
          %add3A_228 = arith.constant 1 : i32
          %add3A_229 = arith.addi %while3A_197, %add3A_228 : i32
          %mul3A_230 = arith.constant 128 : i32
          %mul3A_231 = arith.muli %add3A_229, %mul3A_230 : i32
          %add3A_232 = arith.constant 0 : i32
          %add3A_233 = arith.addi %mul3A_231, %add3A_232 : i32
          %get3A_234 = arith.index_cast %add3A_233 : i32 to index
          %get3A_235 = tpu.vector_load %arg6[%get3A_234] {strides = array<i32>} : memref<12800xi32, #tpu.memory_space<vmem>>, vector<16xi32>,
          %get3A_236 = vector.shape_cast %get3A_235 : vector<16xi32> to vector<16xi32>
          %shift_right_logical3A_237 = arith.constant 14 : i32
          %shift_right_logical3A_238 = vector.broadcast %shift_right_logical3A_237 : i32 to vector<16xi32>
          %shift_right_logical3A_239 = arith.shrui %get3A_236, %shift_right_logical3A_238 : vector<16xi32>
          %swap3A_240 = arith.constant 0 : index
          %swap3A_241 = tpu.vector_load %arg7[%swap3A_240] {strides = array<i32>} : memref<128xi32, #tpu.memory_space<vmem>>, vector<16xi32>,
          %swap3A_242 = vector.shape_cast %swap3A_241 : vector<16xi32> to vector<16xi32>
          %swap3A_243 = vector.shape_cast %shift_right_logical3A_239 : vector<16xi32> to vector<16xi32>
          tpu.vector_store %arg7[%swap3A_240], %swap3A_243 {strides = array<i32>} : memref<128xi32, #tpu.memory_space<vmem>>, vector<16xi32>,
          %and3A_244 = arith.constant 16383 : i32
          %and3A_245 = vector.broadcast %and3A_244 : i32 to vector<16xi32>
          %and3A_246 = arith.andi %get3A_236, %and3A_245 : vector<16xi32>
          %swap3A_247 = arith.constant 0 : index
          %swap3A_248 = tpu.vector_load %arg9[%swap3A_247] {strides = array<i32>} : memref<128xi32, #tpu.memory_space<vmem>>, vector<16xi32>,
          %swap3A_249 = vector.shape_cast %swap3A_248 : vector<16xi32> to vector<16xi32>
          %swap3A_250 = vector.shape_cast %and3A_246 : vector<16xi32> to vector<16xi32>
          tpu.vector_store %arg9[%swap3A_247], %swap3A_250 {strides = array<i32>} : memref<128xi32, #tpu.memory_space<vmem>>, vector<16xi32>,
          %mul3A_251 = arith.constant 128 : i32
          %mul3A_252 = arith.muli %add3A_229, %mul3A_251 : i32
          %add3A_253 = arith.constant 16 : i32
          %add3A_254 = arith.addi %mul3A_252, %add3A_253 : i32
          %get3A_255 = arith.index_cast %add3A_254 : i32 to index
          %get3A_256 = tpu.vector_load %arg6[%get3A_255] {strides = array<i32>} : memref<12800xi32, #tpu.memory_space<vmem>>, vector<16xi32>,
          %get3A_257 = vector.shape_cast %get3A_256 : vector<16xi32> to vector<16xi32>
          %shift_right_logical3A_258 = arith.constant 14 : i32
          %shift_right_logical3A_259 = vector.broadcast %shift_right_logical3A_258 : i32 to vector<16xi32>
          %shift_right_logical3A_260 = arith.shrui %get3A_257, %shift_right_logical3A_259 : vector<16xi32>
          %swap3A_261 = arith.constant 16 : index
          %swap3A_262 = tpu.vector_load %arg7[%swap3A_261] {strides = array<i32>} : memref<128xi32, #tpu.memory_space<vmem>>, vector<16xi32>,
          %swap3A_263 = vector.shape_cast %swap3A_262 : vector<16xi32> to vector<16xi32>
          %swap3A_264 = vector.shape_cast %shift_right_logical3A_260 : vector<16xi32> to vector<16xi32>
          tpu.vector_store %arg7[%swap3A_261], %swap3A_264 {strides = array<i32>} : memref<128xi32, #tpu.memory_space<vmem>>, vector<16xi32>,
          %and3A_265 = arith.constant 16383 : i32
          %and3A_266 = vector.broadcast %and3A_265 : i32 to vector<16xi32>
          %and3A_267 = arith.andi %get3A_257, %and3A_266 : vector<16xi32>
          %swap3A_268 = arith.constant 16 : index
          %swap3A_269 = tpu.vector_load %arg9[%swap3A_268] {strides = array<i32>} : memref<128xi32, #tpu.memory_space<vmem>>, vector<16xi32>,
          %swap3A_270 = vector.shape_cast %swap3A_269 : vector<16xi32> to vector<16xi32>
          %swap3A_271 = vector.shape_cast %and3A_267 : vector<16xi32> to vector<16xi32>
          tpu.vector_store %arg9[%swap3A_268], %swap3A_271 {strides = array<i32>} : memref<128xi32, #tpu.memory_space<vmem>>, vector<16xi32>,
          %mul3A_272 = arith.constant 128 : i32
          %mul3A_273 = arith.muli %add3A_229, %mul3A_272 : i32
          %add3A_274 = arith.constant 32 : i32
          %add3A_275 = arith.addi %mul3A_273, %add3A_274 : i32
          %get3A_276 = arith.index_cast %add3A_275 : i32 to index
          %get3A_277 = tpu.vector_load %arg6[%get3A_276] {strides = array<i32>} : memref<12800xi32, #tpu.memory_space<vmem>>, vector<16xi32>,
          %get3A_278 = vector.shape_cast %get3A_277 : vector<16xi32> to vector<16xi32>
          %shift_right_logical3A_279 = arith.constant 14 : i32
          %shift_right_logical3A_280 = vector.broadcast %shift_right_logical3A_279 : i32 to vector<16xi32>
          %shift_right_logical3A_281 = arith.shrui %get3A_278, %shift_right_logical3A_280 : vector<16xi32>
          %swap3A_282 = arith.constant 32 : index
          %swap3A_283 = tpu.vector_load %arg7[%swap3A_282] {strides = array<i32>} : memref<128xi32, #tpu.memory_space<vmem>>, vector<16xi32>,
          %swap3A_284 = vector.shape_cast %swap3A_283 : vector<16xi32> to vector<16xi32>
          %swap3A_285 = vector.shape_cast %shift_right_logical3A_281 : vector<16xi32> to vector<16xi32>
          tpu.vector_store %arg7[%swap3A_282], %swap3A_285 {strides = array<i32>} : memref<128xi32, #tpu.memory_space<vmem>>, vector<16xi32>,
          %and3A_286 = arith.constant 16383 : i32
          %and3A_287 = vector.broadcast %and3A_286 : i32 to vector<16xi32>
          %and3A_288 = arith.andi %get3A_278, %and3A_287 : vector<16xi32>
          %swap3A_289 = arith.constant 32 : index
          %swap3A_290 = tpu.vector_load %arg9[%swap3A_289] {strides = array<i32>} : memref<128xi32, #tpu.memory_space<vmem>>, vector<16xi32>,
          %swap3A_291 = vector.shape_cast %swap3A_290 : vector<16xi32> to vector<16xi32>
          %swap3A_292 = vector.shape_cast %and3A_288 : vector<16xi32> to vector<16xi32>
          tpu.vector_store %arg9[%swap3A_289], %swap3A_292 {strides = array<i32>} : memref<128xi32, #tpu.memory_space<vmem>>, vector<16xi32>,
          %mul3A_293 = arith.constant 128 : i32
          %mul3A_294 = arith.muli %add3A_229, %mul3A_293 : i32
          %add3A_295 = arith.constant 48 : i32
          %add3A_296 = arith.addi %mul3A_294, %add3A_295 : i32
          %get3A_297 = arith.index_cast %add3A_296 : i32 to index
          %get3A_298 = tpu.vector_load %arg6[%get3A_297] {strides = array<i32>} : memref<12800xi32, #tpu.memory_space<vmem>>, vector<16xi32>,
          %get3A_299 = vector.shape_cast %get3A_298 : vector<16xi32> to vector<16xi32>
          %shift_right_logical3A_300 = arith.constant 14 : i32
          %shift_right_logical3A_301 = vector.broadcast %shift_right_logical3A_300 : i32 to vector<16xi32>
          %shift_right_logical3A_302 = arith.shrui %get3A_299, %shift_right_logical3A_301 : vector<16xi32>
          %swap3A_303 = arith.constant 48 : index
          %swap3A_304 = tpu.vector_load %arg7[%swap3A_303] {strides = array<i32>} : memref<128xi32, #tpu.memory_space<vmem>>, vector<16xi32>,
          %swap3A_305 = vector.shape_cast %swap3A_304 : vector<16xi32> to vector<16xi32>
          %swap3A_306 = vector.shape_cast %shift_right_logical3A_302 : vector<16xi32> to vector<16xi32>
          tpu.vector_store %arg7[%swap3A_303], %swap3A_306 {strides = array<i32>} : memref<128xi32, #tpu.memory_space<vmem>>, vector<16xi32>,
          %and3A_307 = arith.constant 16383 : i32
          %and3A_308 = vector.broadcast %and3A_307 : i32 to vector<16xi32>
          %and3A_309 = arith.andi %get3A_299, %and3A_308 : vector<16xi32>
          %swap3A_310 = arith.constant 48 : index
          %swap3A_311 = tpu.vector_load %arg9[%swap3A_310] {strides = array<i32>} : memref<128xi32, #tpu.memory_space<vmem>>, vector<16xi32>,
          %swap3A_312 = vector.shape_cast %swap3A_311 : vector<16xi32> to vector<16xi32>
          %swap3A_313 = vector.shape_cast %and3A_309 : vector<16xi32> to vector<16xi32>
          tpu.vector_store %arg9[%swap3A_310], %swap3A_313 {strides = array<i32>} : memref<128xi32, #tpu.memory_space<vmem>>, vector<16xi32>,
          %mul3A_314 = arith.constant 128 : i32
          %mul3A_315 = arith.muli %add3A_229, %mul3A_314 : i32
          %add3A_316 = arith.constant 64 : i32
          %add3A_317 = arith.addi %mul3A_315, %add3A_316 : i32
          %get3A_318 = arith.index_cast %add3A_317 : i32 to index
          %get3A_319 = tpu.vector_load %arg6[%get3A_318] {strides = array<i32>} : memref<12800xi32, #tpu.memory_space<vmem>>, vector<16xi32>,
          %get3A_320 = vector.shape_cast %get3A_319 : vector<16xi32> to vector<16xi32>
          %shift_right_logical3A_321 = arith.constant 14 : i32
          %shift_right_logical3A_322 = vector.broadcast %shift_right_logical3A_321 : i32 to vector<16xi32>
          %shift_right_logical3A_323 = arith.shrui %get3A_320, %shift_right_logical3A_322 : vector<16xi32>
          %swap3A_324 = arith.constant 64 : index
          %swap3A_325 = tpu.vector_load %arg7[%swap3A_324] {strides = array<i32>} : memref<128xi32, #tpu.memory_space<vmem>>, vector<16xi32>,
          %swap3A_326 = vector.shape_cast %swap3A_325 : vector<16xi32> to vector<16xi32>
          %swap3A_327 = vector.shape_cast %shift_right_logical3A_323 : vector<16xi32> to vector<16xi32>
          tpu.vector_store %arg7[%swap3A_324], %swap3A_327 {strides = array<i32>} : memref<128xi32, #tpu.memory_space<vmem>>, vector<16xi32>,
          %and3A_328 = arith.constant 16383 : i32
          %and3A_329 = vector.broadcast %and3A_328 : i32 to vector<16xi32>
          %and3A_330 = arith.andi %get3A_320, %and3A_329 : vector<16xi32>
          %swap3A_331 = arith.constant 64 : index
          %swap3A_332 = tpu.vector_load %arg9[%swap3A_331] {strides = array<i32>} : memref<128xi32, #tpu.memory_space<vmem>>, vector<16xi32>,
          %swap3A_333 = vector.shape_cast %swap3A_332 : vector<16xi32> to vector<16xi32>
          %swap3A_334 = vector.shape_cast %and3A_330 : vector<16xi32> to vector<16xi32>
          tpu.vector_store %arg9[%swap3A_331], %swap3A_334 {strides = array<i32>} : memref<128xi32, #tpu.memory_space<vmem>>, vector<16xi32>,
          %mul3A_335 = arith.constant 128 : i32
          %mul3A_336 = arith.muli %add3A_229, %mul3A_335 : i32
          %add3A_337 = arith.constant 80 : i32
          %add3A_338 = arith.addi %mul3A_336, %add3A_337 : i32
          %get3A_339 = arith.index_cast %add3A_338 : i32 to index
          %get3A_340 = tpu.vector_load %arg6[%get3A_339] {strides = array<i32>} : memref<12800xi32, #tpu.memory_space<vmem>>, vector<16xi32>,
          %get3A_341 = vector.shape_cast %get3A_340 : vector<16xi32> to vector<16xi32>
          %shift_right_logical3A_342 = arith.constant 14 : i32
          %shift_right_logical3A_343 = vector.broadcast %shift_right_logical3A_342 : i32 to vector<16xi32>
          %shift_right_logical3A_344 = arith.shrui %get3A_341, %shift_right_logical3A_343 : vector<16xi32>
          %swap3A_345 = arith.constant 80 : index
          %swap3A_346 = tpu.vector_load %arg7[%swap3A_345] {strides = array<i32>} : memref<128xi32, #tpu.memory_space<vmem>>, vector<16xi32>,
          %swap3A_347 = vector.shape_cast %swap3A_346 : vector<16xi32> to vector<16xi32>
          %swap3A_348 = vector.shape_cast %shift_right_logical3A_344 : vector<16xi32> to vector<16xi32>
          tpu.vector_store %arg7[%swap3A_345], %swap3A_348 {strides = array<i32>} : memref<128xi32, #tpu.memory_space<vmem>>, vector<16xi32>,
          %and3A_349 = arith.constant 16383 : i32
          %and3A_350 = vector.broadcast %and3A_349 : i32 to vector<16xi32>
          %and3A_351 = arith.andi %get3A_341, %and3A_350 : vector<16xi32>
          %swap3A_352 = arith.constant 80 : index
          %swap3A_353 = tpu.vector_load %arg9[%swap3A_352] {strides = array<i32>} : memref<128xi32, #tpu.memory_space<vmem>>, vector<16xi32>,
          %swap3A_354 = vector.shape_cast %swap3A_353 : vector<16xi32> to vector<16xi32>
          %swap3A_355 = vector.shape_cast %and3A_351 : vector<16xi32> to vector<16xi32>
          tpu.vector_store %arg9[%swap3A_352], %swap3A_355 {strides = array<i32>} : memref<128xi32, #tpu.memory_space<vmem>>, vector<16xi32>,
          %mul3A_356 = arith.constant 128 : i32
          %mul3A_357 = arith.muli %add3A_229, %mul3A_356 : i32
          %add3A_358 = arith.constant 96 : i32
          %add3A_359 = arith.addi %mul3A_357, %add3A_358 : i32
          %get3A_360 = arith.index_cast %add3A_359 : i32 to index
          %get3A_361 = tpu.vector_load %arg6[%get3A_360] {strides = array<i32>} : memref<12800xi32, #tpu.memory_space<vmem>>, vector<16xi32>,
          %get3A_362 = vector.shape_cast %get3A_361 : vector<16xi32> to vector<16xi32>
          %shift_right_logical3A_363 = arith.constant 14 : i32
          %shift_right_logical3A_364 = vector.broadcast %shift_right_logical3A_363 : i32 to vector<16xi32>
          %shift_right_logical3A_365 = arith.shrui %get3A_362, %shift_right_logical3A_364 : vector<16xi32>
          %swap3A_366 = arith.constant 96 : index
          %swap3A_367 = tpu.vector_load %arg7[%swap3A_366] {strides = array<i32>} : memref<128xi32, #tpu.memory_space<vmem>>, vector<16xi32>,
          %swap3A_368 = vector.shape_cast %swap3A_367 : vector<16xi32> to vector<16xi32>
          %swap3A_369 = vector.shape_cast %shift_right_logical3A_365 : vector<16xi32> to vector<16xi32>
          tpu.vector_store %arg7[%swap3A_366], %swap3A_369 {strides = array<i32>} : memref<128xi32, #tpu.memory_space<vmem>>, vector<16xi32>,
          %and3A_370 = arith.constant 16383 : i32
          %and3A_371 = vector.broadcast %and3A_370 : i32 to vector<16xi32>
          %and3A_372 = arith.andi %get3A_362, %and3A_371 : vector<16xi32>
          %swap3A_373 = arith.constant 96 : index
          %swap3A_374 = tpu.vector_load %arg9[%swap3A_373] {strides = array<i32>} : memref<128xi32, #tpu.memory_space<vmem>>, vector<16xi32>,
          %swap3A_375 = vector.shape_cast %swap3A_374 : vector<16xi32> to vector<16xi32>
          %swap3A_376 = vector.shape_cast %and3A_372 : vector<16xi32> to vector<16xi32>
          tpu.vector_store %arg9[%swap3A_373], %swap3A_376 {strides = array<i32>} : memref<128xi32, #tpu.memory_space<vmem>>, vector<16xi32>,
          %mul3A_377 = arith.constant 128 : i32
          %mul3A_378 = arith.muli %add3A_229, %mul3A_377 : i32
          %add3A_379 = arith.constant 112 : i32
          %add3A_380 = arith.addi %mul3A_378, %add3A_379 : i32
          %get3A_381 = arith.index_cast %add3A_380 : i32 to index
          %get3A_382 = tpu.vector_load %arg6[%get3A_381] {strides = array<i32>} : memref<12800xi32, #tpu.memory_space<vmem>>, vector<16xi32>,
          %get3A_383 = vector.shape_cast %get3A_382 : vector<16xi32> to vector<16xi32>
          %shift_right_logical3A_384 = arith.constant 14 : i32
          %shift_right_logical3A_385 = vector.broadcast %shift_right_logical3A_384 : i32 to vector<16xi32>
          %shift_right_logical3A_386 = arith.shrui %get3A_383, %shift_right_logical3A_385 : vector<16xi32>
          %swap3A_387 = arith.constant 112 : index
          %swap3A_388 = tpu.vector_load %arg7[%swap3A_387] {strides = array<i32>} : memref<128xi32, #tpu.memory_space<vmem>>, vector<16xi32>,
          %swap3A_389 = vector.shape_cast %swap3A_388 : vector<16xi32> to vector<16xi32>
          %swap3A_390 = vector.shape_cast %shift_right_logical3A_386 : vector<16xi32> to vector<16xi32>
          tpu.vector_store %arg7[%swap3A_387], %swap3A_390 {strides = array<i32>} : memref<128xi32, #tpu.memory_space<vmem>>, vector<16xi32>,
          %and3A_391 = arith.constant 16383 : i32
          %and3A_392 = vector.broadcast %and3A_391 : i32 to vector<16xi32>
          %and3A_393 = arith.andi %get3A_383, %and3A_392 : vector<16xi32>
          %swap3A_394 = arith.constant 112 : index
          %swap3A_395 = tpu.vector_load %arg9[%swap3A_394] {strides = array<i32>} : memref<128xi32, #tpu.memory_space<vmem>>, vector<16xi32>,
          %swap3A_396 = vector.shape_cast %swap3A_395 : vector<16xi32> to vector<16xi32>
          %swap3A_397 = vector.shape_cast %and3A_393 : vector<16xi32> to vector<16xi32>
          tpu.vector_store %arg9[%swap3A_394], %swap3A_397 {strides = array<i32>} : memref<128xi32, #tpu.memory_space<vmem>>, vector<16xi32>,
          %dma_start3A_398 = arith.constant 0 : i32
          %dma_start3A_399 = arith.constant 0 : i32
          %dma_start3A_400 = tpu.memref_slice %arg3[%dma_start3A_398, %dma_start3A_399] : memref<10000x128xf32, #tpu.memory_space<hbm>> -> memref<10000x128xf32, #tpu.memory_space<hbm>>
          tpu.enqueue_indirect_dma source(%dma_start3A_400 : memref<10000x128xf32, #tpu.memory_space<hbm>>) target(%arg11 : memref<128x128xf32, #tpu.memory_space<vmem>>) offsets(%arg7 : memref<128xi32, #tpu.memory_space<vmem>>) semaphore(%arg13 : memref<!tpu.dma_semaphore, #tpu.memory_space<semaphore_mem>>)
        } else {
        }
        %dma_wait3A_222 = arith.constant 0 : i32
        %dma_wait3A_223 = arith.constant 0 : i32
        %dma_wait3A_224 = tpu.memref_slice %arg3[%dma_wait3A_222, %dma_wait3A_223] : memref<10000x128xf32, #tpu.memory_space<hbm>> -> memref<10000x128xf32, #tpu.memory_space<hbm>>
        tpu.wait_indirect_dma semaphore(%arg14 : memref<!tpu.dma_semaphore, #tpu.memory_space<semaphore_mem>>) src(%dma_wait3A_224 : memref<10000x128xf32, #tpu.memory_space<hbm>>) dst(%arg12 : memref<128x128xf32, #tpu.memory_space<vmem>>)
        %dma_start3A_225 = arith.constant 0 : i32
        %dma_start3A_226 = arith.constant 0 : i32
        %dma_start3A_227 = tpu.memref_slice %arg5[%dma_start3A_225, %dma_start3A_226] : memref<10240x128xf32, #tpu.memory_space<vmem_shared>> -> memref<10240x128xf32, #tpu.memory_space<vmem_shared>>
        tpu.enqueue_indirect_dma source(%arg12 : memref<128x128xf32, #tpu.memory_space<vmem>>) target(%dma_start3A_227 : memref<10240x128xf32, #tpu.memory_space<vmem_shared>>) offsets(%arg10 : memref<128xi32, #tpu.memory_space<vmem>>) semaphore(%arg16 : memref<!tpu.dma_semaphore, #tpu.memory_space<semaphore_mem>>) {add = true}
      } else {
      }
      %while3A_212 = arith.constant 0 : i32
      scf.yield %while3A_212 : i32
    }
    %while3A_188 = arith.constant 1 : i32
    %while3A_189 = scf.for %while3A_197 = %while3A_185 to %while3A_181 step %while3A_188 iter_args(%while3A_198 = %while3A_187) -> (i32)  : i32 {
      %rem3A = arith.constant 2 : i32
      %rem3A_199 = arith.remsi %while3A_197, %rem3A : i32
      %eq3A_200 = arith.constant 0 : i32
      %eq3A_201 = arith.cmpi eq, %rem3A_199, %eq3A_200 : i32
      %convert_element_type3A_202 = arith.extui %eq3A_201 : i1 to i32
      %cond3A_203 = arith.constant 0 : i32
      %cond3A_204 = arith.cmpi ne, %convert_element_type3A_202, %cond3A_203 : i32
      scf.if %cond3A_204 {
        %ge3A = arith.constant 1 : i32
        %ge3A_213 = arith.cmpi sge, %while3A_197, %ge3A : i32
        %convert_element_type3A_214 = arith.extui %ge3A_213 : i1 to i32
        %cond3A_215 = arith.constant 0 : i32
        %cond3A_216 = arith.cmpi ne, %convert_element_type3A_214, %cond3A_215 : i32
        scf.if %cond3A_216 {
          %dma_wait3A_228 = arith.constant 0 : i32
          %dma_wait3A_229 = arith.constant 0 : i32
          %dma_wait3A_230 = tpu.memref_slice %arg5[%dma_wait3A_228, %dma_wait3A_229] : memref<10240x128xf32, #tpu.memory_space<vmem_shared>> -> memref<10240x128xf32, #tpu.memory_space<vmem_shared>>
          tpu.wait_indirect_dma semaphore(%arg16 : memref<!tpu.dma_semaphore, #tpu.memory_space<semaphore_mem>>) src(%arg12 : memref<128x128xf32, #tpu.memory_space<vmem>>) dst(%dma_wait3A_230 : memref<10240x128xf32, #tpu.memory_space<vmem_shared>>)
        } else {
        }
        %add3A_217 = arith.constant 1 : i32
        %add3A_218 = arith.addi %while3A_197, %add3A_217 : i32
        %lt3A = arith.cmpi slt, %add3A_218, %select_n3A_2 : i32
        %convert_element_type3A_219 = arith.extui %lt3A : i1 to i32
        %cond3A_220 = arith.constant 0 : i32
        %cond3A_221 = arith.cmpi ne, %convert_element_type3A_219, %cond3A_220 : i32
        scf.if %cond3A_221 {
          %add3A_228 = arith.constant 1 : i32
          %add3A_229 = arith.addi %while3A_197, %add3A_228 : i32
          %mul3A_230 = arith.constant 128 : i32
          %mul3A_231 = arith.muli %add3A_229, %mul3A_230 : i32
          %add3A_232 = arith.constant 0 : i32
          %add3A_233 = arith.addi %mul3A_231, %add3A_232 : i32
          %get3A_234 = arith.index_cast %add3A_233 : i32 to index
          %get3A_235 = tpu.vector_load %arg6[%get3A_234] {strides = array<i32>} : memref<12800xi32, #tpu.memory_space<vmem>>, vector<16xi32>,
          %get3A_236 = vector.shape_cast %get3A_235 : vector<16xi32> to vector<16xi32>
          %shift_right_logical3A_237 = arith.constant 14 : i32
          %shift_right_logical3A_238 = vector.broadcast %shift_right_logical3A_237 : i32 to vector<16xi32>
          %shift_right_logical3A_239 = arith.shrui %get3A_236, %shift_right_logical3A_238 : vector<16xi32>
          %swap3A_240 = arith.constant 0 : index
          %swap3A_241 = tpu.vector_load %arg8[%swap3A_240] {strides = array<i32>} : memref<128xi32, #tpu.memory_space<vmem>>, vector<16xi32>,
          %swap3A_242 = vector.shape_cast %swap3A_241 : vector<16xi32> to vector<16xi32>
          %swap3A_243 = vector.shape_cast %shift_right_logical3A_239 : vector<16xi32> to vector<16xi32>
          tpu.vector_store %arg8[%swap3A_240], %swap3A_243 {strides = array<i32>} : memref<128xi32, #tpu.memory_space<vmem>>, vector<16xi32>,
          %and3A_244 = arith.constant 16383 : i32
          %and3A_245 = vector.broadcast %and3A_244 : i32 to vector<16xi32>
          %and3A_246 = arith.andi %get3A_236, %and3A_245 : vector<16xi32>
          %swap3A_247 = arith.constant 0 : index
          %swap3A_248 = tpu.vector_load %arg10[%swap3A_247] {strides = array<i32>} : memref<128xi32, #tpu.memory_space<vmem>>, vector<16xi32>,
          %swap3A_249 = vector.shape_cast %swap3A_248 : vector<16xi32> to vector<16xi32>
          %swap3A_250 = vector.shape_cast %and3A_246 : vector<16xi32> to vector<16xi32>
          tpu.vector_store %arg10[%swap3A_247], %swap3A_250 {strides = array<i32>} : memref<128xi32, #tpu.memory_space<vmem>>, vector<16xi32>,
          %mul3A_251 = arith.constant 128 : i32
          %mul3A_252 = arith.muli %add3A_229, %mul3A_251 : i32
          %add3A_253 = arith.constant 16 : i32
          %add3A_254 = arith.addi %mul3A_252, %add3A_253 : i32
          %get3A_255 = arith.index_cast %add3A_254 : i32 to index
          %get3A_256 = tpu.vector_load %arg6[%get3A_255] {strides = array<i32>} : memref<12800xi32, #tpu.memory_space<vmem>>, vector<16xi32>,
          %get3A_257 = vector.shape_cast %get3A_256 : vector<16xi32> to vector<16xi32>
          %shift_right_logical3A_258 = arith.constant 14 : i32
          %shift_right_logical3A_259 = vector.broadcast %shift_right_logical3A_258 : i32 to vector<16xi32>
          %shift_right_logical3A_260 = arith.shrui %get3A_257, %shift_right_logical3A_259 : vector<16xi32>
          %swap3A_261 = arith.constant 16 : index
          %swap3A_262 = tpu.vector_load %arg8[%swap3A_261] {strides = array<i32>} : memref<128xi32, #tpu.memory_space<vmem>>, vector<16xi32>,
          %swap3A_263 = vector.shape_cast %swap3A_262 : vector<16xi32> to vector<16xi32>
          %swap3A_264 = vector.shape_cast %shift_right_logical3A_260 : vector<16xi32> to vector<16xi32>
          tpu.vector_store %arg8[%swap3A_261], %swap3A_264 {strides = array<i32>} : memref<128xi32, #tpu.memory_space<vmem>>, vector<16xi32>,
          %and3A_265 = arith.constant 16383 : i32
          %and3A_266 = vector.broadcast %and3A_265 : i32 to vector<16xi32>
          %and3A_267 = arith.andi %get3A_257, %and3A_266 : vector<16xi32>
          %swap3A_268 = arith.constant 16 : index
          %swap3A_269 = tpu.vector_load %arg10[%swap3A_268] {strides = array<i32>} : memref<128xi32, #tpu.memory_space<vmem>>, vector<16xi32>,
          %swap3A_270 = vector.shape_cast %swap3A_269 : vector<16xi32> to vector<16xi32>
          %swap3A_271 = vector.shape_cast %and3A_267 : vector<16xi32> to vector<16xi32>
          tpu.vector_store %arg10[%swap3A_268], %swap3A_271 {strides = array<i32>} : memref<128xi32, #tpu.memory_space<vmem>>, vector<16xi32>,
          %mul3A_272 = arith.constant 128 : i32
          %mul3A_273 = arith.muli %add3A_229, %mul3A_272 : i32
          %add3A_274 = arith.constant 32 : i32
          %add3A_275 = arith.addi %mul3A_273, %add3A_274 : i32
          %get3A_276 = arith.index_cast %add3A_275 : i32 to index
          %get3A_277 = tpu.vector_load %arg6[%get3A_276] {strides = array<i32>} : memref<12800xi32, #tpu.memory_space<vmem>>, vector<16xi32>,
          %get3A_278 = vector.shape_cast %get3A_277 : vector<16xi32> to vector<16xi32>
          %shift_right_logical3A_279 = arith.constant 14 : i32
          %shift_right_logical3A_280 = vector.broadcast %shift_right_logical3A_279 : i32 to vector<16xi32>
          %shift_right_logical3A_281 = arith.shrui %get3A_278, %shift_right_logical3A_280 : vector<16xi32>
          %swap3A_282 = arith.constant 32 : index
          %swap3A_283 = tpu.vector_load %arg8[%swap3A_282] {strides = array<i32>} : memref<128xi32, #tpu.memory_space<vmem>>, vector<16xi32>,
          %swap3A_284 = vector.shape_cast %swap3A_283 : vector<16xi32> to vector<16xi32>
          %swap3A_285 = vector.shape_cast %shift_right_logical3A_281 : vector<16xi32> to vector<16xi32>
          tpu.vector_store %arg8[%swap3A_282], %swap3A_285 {strides = array<i32>} : memref<128xi32, #tpu.memory_space<vmem>>, vector<16xi32>,
          %and3A_286 = arith.constant 16383 : i32
          %and3A_287 = vector.broadcast %and3A_286 : i32 to vector<16xi32>
          %and3A_288 = arith.andi %get3A_278, %and3A_287 : vector<16xi32>
          %swap3A_289 = arith.constant 32 : index
          %swap3A_290 = tpu.vector_load %arg10[%swap3A_289] {strides = array<i32>} : memref<128xi32, #tpu.memory_space<vmem>>, vector<16xi32>,
          %swap3A_291 = vector.shape_cast %swap3A_290 : vector<16xi32> to vector<16xi32>
          %swap3A_292 = vector.shape_cast %and3A_288 : vector<16xi32> to vector<16xi32>
          tpu.vector_store %arg10[%swap3A_289], %swap3A_292 {strides = array<i32>} : memref<128xi32, #tpu.memory_space<vmem>>, vector<16xi32>,
          %mul3A_293 = arith.constant 128 : i32
          %mul3A_294 = arith.muli %add3A_229, %mul3A_293 : i32
          %add3A_295 = arith.constant 48 : i32
          %add3A_296 = arith.addi %mul3A_294, %add3A_295 : i32
          %get3A_297 = arith.index_cast %add3A_296 : i32 to index
          %get3A_298 = tpu.vector_load %arg6[%get3A_297] {strides = array<i32>} : memref<12800xi32, #tpu.memory_space<vmem>>, vector<16xi32>,
          %get3A_299 = vector.shape_cast %get3A_298 : vector<16xi32> to vector<16xi32>
          %shift_right_logical3A_300 = arith.constant 14 : i32
          %shift_right_logical3A_301 = vector.broadcast %shift_right_logical3A_300 : i32 to vector<16xi32>
          %shift_right_logical3A_302 = arith.shrui %get3A_299, %shift_right_logical3A_301 : vector<16xi32>
          %swap3A_303 = arith.constant 48 : index
          %swap3A_304 = tpu.vector_load %arg8[%swap3A_303] {strides = array<i32>} : memref<128xi32, #tpu.memory_space<vmem>>, vector<16xi32>,
          %swap3A_305 = vector.shape_cast %swap3A_304 : vector<16xi32> to vector<16xi32>
          %swap3A_306 = vector.shape_cast %shift_right_logical3A_302 : vector<16xi32> to vector<16xi32>
          tpu.vector_store %arg8[%swap3A_303], %swap3A_306 {strides = array<i32>} : memref<128xi32, #tpu.memory_space<vmem>>, vector<16xi32>,
          %and3A_307 = arith.constant 16383 : i32
          %and3A_308 = vector.broadcast %and3A_307 : i32 to vector<16xi32>
          %and3A_309 = arith.andi %get3A_299, %and3A_308 : vector<16xi32>
          %swap3A_310 = arith.constant 48 : index
          %swap3A_311 = tpu.vector_load %arg10[%swap3A_310] {strides = array<i32>} : memref<128xi32, #tpu.memory_space<vmem>>, vector<16xi32>,
          %swap3A_312 = vector.shape_cast %swap3A_311 : vector<16xi32> to vector<16xi32>
          %swap3A_313 = vector.shape_cast %and3A_309 : vector<16xi32> to vector<16xi32>
          tpu.vector_store %arg10[%swap3A_310], %swap3A_313 {strides = array<i32>} : memref<128xi32, #tpu.memory_space<vmem>>, vector<16xi32>,
          %mul3A_314 = arith.constant 128 : i32
          %mul3A_315 = arith.muli %add3A_229, %mul3A_314 : i32
          %add3A_316 = arith.constant 64 : i32
          %add3A_317 = arith.addi %mul3A_315, %add3A_316 : i32
          %get3A_318 = arith.index_cast %add3A_317 : i32 to index
          %get3A_319 = tpu.vector_load %arg6[%get3A_318] {strides = array<i32>} : memref<12800xi32, #tpu.memory_space<vmem>>, vector<16xi32>,
          %get3A_320 = vector.shape_cast %get3A_319 : vector<16xi32> to vector<16xi32>
          %shift_right_logical3A_321 = arith.constant 14 : i32
          %shift_right_logical3A_322 = vector.broadcast %shift_right_logical3A_321 : i32 to vector<16xi32>
          %shift_right_logical3A_323 = arith.shrui %get3A_320, %shift_right_logical3A_322 : vector<16xi32>
          %swap3A_324 = arith.constant 64 : index
          %swap3A_325 = tpu.vector_load %arg8[%swap3A_324] {strides = array<i32>} : memref<128xi32, #tpu.memory_space<vmem>>, vector<16xi32>,
          %swap3A_326 = vector.shape_cast %swap3A_325 : vector<16xi32> to vector<16xi32>
          %swap3A_327 = vector.shape_cast %shift_right_logical3A_323 : vector<16xi32> to vector<16xi32>
          tpu.vector_store %arg8[%swap3A_324], %swap3A_327 {strides = array<i32>} : memref<128xi32, #tpu.memory_space<vmem>>, vector<16xi32>,
          %and3A_328 = arith.constant 16383 : i32
          %and3A_329 = vector.broadcast %and3A_328 : i32 to vector<16xi32>
          %and3A_330 = arith.andi %get3A_320, %and3A_329 : vector<16xi32>
          %swap3A_331 = arith.constant 64 : index
          %swap3A_332 = tpu.vector_load %arg10[%swap3A_331] {strides = array<i32>} : memref<128xi32, #tpu.memory_space<vmem>>, vector<16xi32>,
          %swap3A_333 = vector.shape_cast %swap3A_332 : vector<16xi32> to vector<16xi32>
          %swap3A_334 = vector.shape_cast %and3A_330 : vector<16xi32> to vector<16xi32>
          tpu.vector_store %arg10[%swap3A_331], %swap3A_334 {strides = array<i32>} : memref<128xi32, #tpu.memory_space<vmem>>, vector<16xi32>,
          %mul3A_335 = arith.constant 128 : i32
          %mul3A_336 = arith.muli %add3A_229, %mul3A_335 : i32
          %add3A_337 = arith.constant 80 : i32
          %add3A_338 = arith.addi %mul3A_336, %add3A_337 : i32
          %get3A_339 = arith.index_cast %add3A_338 : i32 to index
          %get3A_340 = tpu.vector_load %arg6[%get3A_339] {strides = array<i32>} : memref<12800xi32, #tpu.memory_space<vmem>>, vector<16xi32>,
          %get3A_341 = vector.shape_cast %get3A_340 : vector<16xi32> to vector<16xi32>
          %shift_right_logical3A_342 = arith.constant 14 : i32
          %shift_right_logical3A_343 = vector.broadcast %shift_right_logical3A_342 : i32 to vector<16xi32>
          %shift_right_logical3A_344 = arith.shrui %get3A_341, %shift_right_logical3A_343 : vector<16xi32>
          %swap3A_345 = arith.constant 80 : index
          %swap3A_346 = tpu.vector_load %arg8[%swap3A_345] {strides = array<i32>} : memref<128xi32, #tpu.memory_space<vmem>>, vector<16xi32>,
          %swap3A_347 = vector.shape_cast %swap3A_346 : vector<16xi32> to vector<16xi32>
          %swap3A_348 = vector.shape_cast %shift_right_logical3A_344 : vector<16xi32> to vector<16xi32>
          tpu.vector_store %arg8[%swap3A_345], %swap3A_348 {strides = array<i32>} : memref<128xi32, #tpu.memory_space<vmem>>, vector<16xi32>,
          %and3A_349 = arith.constant 16383 : i32
          %and3A_350 = vector.broadcast %and3A_349 : i32 to vector<16xi32>
          %and3A_351 = arith.andi %get3A_341, %and3A_350 : vector<16xi32>
          %swap3A_352 = arith.constant 80 : index
          %swap3A_353 = tpu.vector_load %arg10[%swap3A_352] {strides = array<i32>} : memref<128xi32, #tpu.memory_space<vmem>>, vector<16xi32>,
          %swap3A_354 = vector.shape_cast %swap3A_353 : vector<16xi32> to vector<16xi32>
          %swap3A_355 = vector.shape_cast %and3A_351 : vector<16xi32> to vector<16xi32>
          tpu.vector_store %arg10[%swap3A_352], %swap3A_355 {strides = array<i32>} : memref<128xi32, #tpu.memory_space<vmem>>, vector<16xi32>,
          %mul3A_356 = arith.constant 128 : i32
          %mul3A_357 = arith.muli %add3A_229, %mul3A_356 : i32
          %add3A_358 = arith.constant 96 : i32
          %add3A_359 = arith.addi %mul3A_357, %add3A_358 : i32
          %get3A_360 = arith.index_cast %add3A_359 : i32 to index
          %get3A_361 = tpu.vector_load %arg6[%get3A_360] {strides = array<i32>} : memref<12800xi32, #tpu.memory_space<vmem>>, vector<16xi32>,
          %get3A_362 = vector.shape_cast %get3A_361 : vector<16xi32> to vector<16xi32>
          %shift_right_logical3A_363 = arith.constant 14 : i32
          %shift_right_logical3A_364 = vector.broadcast %shift_right_logical3A_363 : i32 to vector<16xi32>
          %shift_right_logical3A_365 = arith.shrui %get3A_362, %shift_right_logical3A_364 : vector<16xi32>
          %swap3A_366 = arith.constant 96 : index
          %swap3A_367 = tpu.vector_load %arg8[%swap3A_366] {strides = array<i32>} : memref<128xi32, #tpu.memory_space<vmem>>, vector<16xi32>,
          %swap3A_368 = vector.shape_cast %swap3A_367 : vector<16xi32> to vector<16xi32>
          %swap3A_369 = vector.shape_cast %shift_right_logical3A_365 : vector<16xi32> to vector<16xi32>
          tpu.vector_store %arg8[%swap3A_366], %swap3A_369 {strides = array<i32>} : memref<128xi32, #tpu.memory_space<vmem>>, vector<16xi32>,
          %and3A_370 = arith.constant 16383 : i32
          %and3A_371 = vector.broadcast %and3A_370 : i32 to vector<16xi32>
          %and3A_372 = arith.andi %get3A_362, %and3A_371 : vector<16xi32>
          %swap3A_373 = arith.constant 96 : index
          %swap3A_374 = tpu.vector_load %arg10[%swap3A_373] {strides = array<i32>} : memref<128xi32, #tpu.memory_space<vmem>>, vector<16xi32>,
          %swap3A_375 = vector.shape_cast %swap3A_374 : vector<16xi32> to vector<16xi32>
          %swap3A_376 = vector.shape_cast %and3A_372 : vector<16xi32> to vector<16xi32>
          tpu.vector_store %arg10[%swap3A_373], %swap3A_376 {strides = array<i32>} : memref<128xi32, #tpu.memory_space<vmem>>, vector<16xi32>,
          %mul3A_377 = arith.constant 128 : i32
          %mul3A_378 = arith.muli %add3A_229, %mul3A_377 : i32
          %add3A_379 = arith.constant 112 : i32
          %add3A_380 = arith.addi %mul3A_378, %add3A_379 : i32
          %get3A_381 = arith.index_cast %add3A_380 : i32 to index
          %get3A_382 = tpu.vector_load %arg6[%get3A_381] {strides = array<i32>} : memref<12800xi32, #tpu.memory_space<vmem>>, vector<16xi32>,
          %get3A_383 = vector.shape_cast %get3A_382 : vector<16xi32> to vector<16xi32>
          %shift_right_logical3A_384 = arith.constant 14 : i32
          %shift_right_logical3A_385 = vector.broadcast %shift_right_logical3A_384 : i32 to vector<16xi32>
          %shift_right_logical3A_386 = arith.shrui %get3A_383, %shift_right_logical3A_385 : vector<16xi32>
          %swap3A_387 = arith.constant 112 : index
          %swap3A_388 = tpu.vector_load %arg8[%swap3A_387] {strides = array<i32>} : memref<128xi32, #tpu.memory_space<vmem>>, vector<16xi32>,
          %swap3A_389 = vector.shape_cast %swap3A_388 : vector<16xi32> to vector<16xi32>
          %swap3A_390 = vector.shape_cast %shift_right_logical3A_386 : vector<16xi32> to vector<16xi32>
          tpu.vector_store %arg8[%swap3A_387], %swap3A_390 {strides = array<i32>} : memref<128xi32, #tpu.memory_space<vmem>>, vector<16xi32>,
          %and3A_391 = arith.constant 16383 : i32
          %and3A_392 = vector.broadcast %and3A_391 : i32 to vector<16xi32>
          %and3A_393 = arith.andi %get3A_383, %and3A_392 : vector<16xi32>
          %swap3A_394 = arith.constant 112 : index
          %swap3A_395 = tpu.vector_load %arg10[%swap3A_394] {strides = array<i32>} : memref<128xi32, #tpu.memory_space<vmem>>, vector<16xi32>,
          %swap3A_396 = vector.shape_cast %swap3A_395 : vector<16xi32> to vector<16xi32>
          %swap3A_397 = vector.shape_cast %and3A_393 : vector<16xi32> to vector<16xi32>
          tpu.vector_store %arg10[%swap3A_394], %swap3A_397 {strides = array<i32>} : memref<128xi32, #tpu.memory_space<vmem>>, vector<16xi32>,
          %dma_start3A_398 = arith.constant 0 : i32
          %dma_start3A_399 = arith.constant 0 : i32
          %dma_start3A_400 = tpu.memref_slice %arg3[%dma_start3A_398, %dma_start3A_399] : memref<10000x128xf32, #tpu.memory_space<hbm>> -> memref<10000x128xf32, #tpu.memory_space<hbm>>
          tpu.enqueue_indirect_dma source(%dma_start3A_400 : memref<10000x128xf32, #tpu.memory_space<hbm>>) target(%arg12 : memref<128x128xf32, #tpu.memory_space<vmem>>) offsets(%arg8 : memref<128xi32, #tpu.memory_space<vmem>>) semaphore(%arg14 : memref<!tpu.dma_semaphore, #tpu.memory_space<semaphore_mem>>)
        } else {
        }
        %dma_wait3A_222 = arith.constant 0 : i32
        %dma_wait3A_223 = arith.constant 0 : i32
        %dma_wait3A_224 = tpu.memref_slice %arg3[%dma_wait3A_222, %dma_wait3A_223] : memref<10000x128xf32, #tpu.memory_space<hbm>> -> memref<10000x128xf32, #tpu.memory_space<hbm>>
        tpu.wait_indirect_dma semaphore(%arg13 : memref<!tpu.dma_semaphore, #tpu.memory_space<semaphore_mem>>) src(%dma_wait3A_224 : memref<10000x128xf32, #tpu.memory_space<hbm>>) dst(%arg11 : memref<128x128xf32, #tpu.memory_space<vmem>>)
        %dma_start3A_225 = arith.constant 0 : i32
        %dma_start3A_226 = arith.constant 0 : i32
        %dma_start3A_227 = tpu.memref_slice %arg5[%dma_start3A_225, %dma_start3A_226] : memref<10240x128xf32, #tpu.memory_space<vmem_shared>> -> memref<10240x128xf32, #tpu.memory_space<vmem_shared>>
        tpu.enqueue_indirect_dma source(%arg11 : memref<128x128xf32, #tpu.memory_space<vmem>>) target(%dma_start3A_227 : memref<10240x128xf32, #tpu.memory_space<vmem_shared>>) offsets(%arg9 : memref<128xi32, #tpu.memory_space<vmem>>) semaphore(%arg15 : memref<!tpu.dma_semaphore, #tpu.memory_space<semaphore_mem>>) {add = true}
      } else {
      }
      %rem3A_205 = arith.constant 2 : i32
      %rem3A_206 = arith.remsi %while3A_197, %rem3A_205 : i32
      %eq3A_207 = arith.constant 1 : i32
      %eq3A_208 = arith.cmpi eq, %rem3A_206, %eq3A_207 : i32
      %convert_element_type3A_209 = arith.extui %eq3A_208 : i1 to i32
      %cond3A_210 = arith.constant 0 : i32
      %cond3A_211 = arith.cmpi ne, %convert_element_type3A_209, %cond3A_210 : i32
      scf.if %cond3A_211 {
        %ge3A = arith.constant 1 : i32
        %ge3A_213 = arith.cmpi sge, %while3A_197, %ge3A : i32
        %convert_element_type3A_214 = arith.extui %ge3A_213 : i1 to i32
        %cond3A_215 = arith.constant 0 : i32
        %cond3A_216 = arith.cmpi ne, %convert_element_type3A_214, %cond3A_215 : i32
        scf.if %cond3A_216 {
          %dma_wait3A_228 = arith.constant 0 : i32
          %dma_wait3A_229 = arith.constant 0 : i32
          %dma_wait3A_230 = tpu.memref_slice %arg5[%dma_wait3A_228, %dma_wait3A_229] : memref<10240x128xf32, #tpu.memory_space<vmem_shared>> -> memref<10240x128xf32, #tpu.memory_space<vmem_shared>>
          tpu.wait_indirect_dma semaphore(%arg15 : memref<!tpu.dma_semaphore, #tpu.memory_space<semaphore_mem>>) src(%arg11 : memref<128x128xf32, #tpu.memory_space<vmem>>) dst(%dma_wait3A_230 : memref<10240x128xf32, #tpu.memory_space<vmem_shared>>)
        } else {
        }
        %add3A_217 = arith.constant 1 : i32
        %add3A_218 = arith.addi %while3A_197, %add3A_217 : i32
        %lt3A = arith.cmpi slt, %add3A_218, %select_n3A_2 : i32
        %convert_element_type3A_219 = arith.extui %lt3A : i1 to i32
        %cond3A_220 = arith.constant 0 : i32
        %cond3A_221 = arith.cmpi ne, %convert_element_type3A_219, %cond3A_220 : i32
        scf.if %cond3A_221 {
          %add3A_228 = arith.constant 1 : i32
          %add3A_229 = arith.addi %while3A_197, %add3A_228 : i32
          %mul3A_230 = arith.constant 128 : i32
          %mul3A_231 = arith.muli %add3A_229, %mul3A_230 : i32
          %add3A_232 = arith.constant 0 : i32
          %add3A_233 = arith.addi %mul3A_231, %add3A_232 : i32
          %get3A_234 = arith.index_cast %add3A_233 : i32 to index
          %get3A_235 = tpu.vector_load %arg6[%get3A_234] {strides = array<i32>} : memref<12800xi32, #tpu.memory_space<vmem>>, vector<16xi32>,
          %get3A_236 = vector.shape_cast %get3A_235 : vector<16xi32> to vector<16xi32>
          %shift_right_logical3A_237 = arith.constant 14 : i32
          %shift_right_logical3A_238 = vector.broadcast %shift_right_logical3A_237 : i32 to vector<16xi32>
          %shift_right_logical3A_239 = arith.shrui %get3A_236, %shift_right_logical3A_238 : vector<16xi32>
          %swap3A_240 = arith.constant 0 : index
          %swap3A_241 = tpu.vector_load %arg7[%swap3A_240] {strides = array<i32>} : memref<128xi32, #tpu.memory_space<vmem>>, vector<16xi32>,
          %swap3A_242 = vector.shape_cast %swap3A_241 : vector<16xi32> to vector<16xi32>
          %swap3A_243 = vector.shape_cast %shift_right_logical3A_239 : vector<16xi32> to vector<16xi32>
          tpu.vector_store %arg7[%swap3A_240], %swap3A_243 {strides = array<i32>} : memref<128xi32, #tpu.memory_space<vmem>>, vector<16xi32>,
          %and3A_244 = arith.constant 16383 : i32
          %and3A_245 = vector.broadcast %and3A_244 : i32 to vector<16xi32>
          %and3A_246 = arith.andi %get3A_236, %and3A_245 : vector<16xi32>
          %swap3A_247 = arith.constant 0 : index
          %swap3A_248 = tpu.vector_load %arg9[%swap3A_247] {strides = array<i32>} : memref<128xi32, #tpu.memory_space<vmem>>, vector<16xi32>,
          %swap3A_249 = vector.shape_cast %swap3A_248 : vector<16xi32> to vector<16xi32>
          %swap3A_250 = vector.shape_cast %and3A_246 : vector<16xi32> to vector<16xi32>
          tpu.vector_store %arg9[%swap3A_247], %swap3A_250 {strides = array<i32>} : memref<128xi32, #tpu.memory_space<vmem>>, vector<16xi32>,
          %mul3A_251 = arith.constant 128 : i32
          %mul3A_252 = arith.muli %add3A_229, %mul3A_251 : i32
          %add3A_253 = arith.constant 16 : i32
          %add3A_254 = arith.addi %mul3A_252, %add3A_253 : i32
          %get3A_255 = arith.index_cast %add3A_254 : i32 to index
          %get3A_256 = tpu.vector_load %arg6[%get3A_255] {strides = array<i32>} : memref<12800xi32, #tpu.memory_space<vmem>>, vector<16xi32>,
          %get3A_257 = vector.shape_cast %get3A_256 : vector<16xi32> to vector<16xi32>
          %shift_right_logical3A_258 = arith.constant 14 : i32
          %shift_right_logical3A_259 = vector.broadcast %shift_right_logical3A_258 : i32 to vector<16xi32>
          %shift_right_logical3A_260 = arith.shrui %get3A_257, %shift_right_logical3A_259 : vector<16xi32>
          %swap3A_261 = arith.constant 16 : index
          %swap3A_262 = tpu.vector_load %arg7[%swap3A_261] {strides = array<i32>} : memref<128xi32, #tpu.memory_space<vmem>>, vector<16xi32>,
          %swap3A_263 = vector.shape_cast %swap3A_262 : vector<16xi32> to vector<16xi32>
          %swap3A_264 = vector.shape_cast %shift_right_logical3A_260 : vector<16xi32> to vector<16xi32>
          tpu.vector_store %arg7[%swap3A_261], %swap3A_264 {strides = array<i32>} : memref<128xi32, #tpu.memory_space<vmem>>, vector<16xi32>,
          %and3A_265 = arith.constant 16383 : i32
          %and3A_266 = vector.broadcast %and3A_265 : i32 to vector<16xi32>
          %and3A_267 = arith.andi %get3A_257, %and3A_266 : vector<16xi32>
          %swap3A_268 = arith.constant 16 : index
          %swap3A_269 = tpu.vector_load %arg9[%swap3A_268] {strides = array<i32>} : memref<128xi32, #tpu.memory_space<vmem>>, vector<16xi32>,
          %swap3A_270 = vector.shape_cast %swap3A_269 : vector<16xi32> to vector<16xi32>
          %swap3A_271 = vector.shape_cast %and3A_267 : vector<16xi32> to vector<16xi32>
          tpu.vector_store %arg9[%swap3A_268], %swap3A_271 {strides = array<i32>} : memref<128xi32, #tpu.memory_space<vmem>>, vector<16xi32>,
          %mul3A_272 = arith.constant 128 : i32
          %mul3A_273 = arith.muli %add3A_229, %mul3A_272 : i32
          %add3A_274 = arith.constant 32 : i32
          %add3A_275 = arith.addi %mul3A_273, %add3A_274 : i32
          %get3A_276 = arith.index_cast %add3A_275 : i32 to index
          %get3A_277 = tpu.vector_load %arg6[%get3A_276] {strides = array<i32>} : memref<12800xi32, #tpu.memory_space<vmem>>, vector<16xi32>,
          %get3A_278 = vector.shape_cast %get3A_277 : vector<16xi32> to vector<16xi32>
          %shift_right_logical3A_279 = arith.constant 14 : i32
          %shift_right_logical3A_280 = vector.broadcast %shift_right_logical3A_279 : i32 to vector<16xi32>
          %shift_right_logical3A_281 = arith.shrui %get3A_278, %shift_right_logical3A_280 : vector<16xi32>
          %swap3A_282 = arith.constant 32 : index
          %swap3A_283 = tpu.vector_load %arg7[%swap3A_282] {strides = array<i32>} : memref<128xi32, #tpu.memory_space<vmem>>, vector<16xi32>,
          %swap3A_284 = vector.shape_cast %swap3A_283 : vector<16xi32> to vector<16xi32>
          %swap3A_285 = vector.shape_cast %shift_right_logical3A_281 : vector<16xi32> to vector<16xi32>
          tpu.vector_store %arg7[%swap3A_282], %swap3A_285 {strides = array<i32>} : memref<128xi32, #tpu.memory_space<vmem>>, vector<16xi32>,
          %and3A_286 = arith.constant 16383 : i32
          %and3A_287 = vector.broadcast %and3A_286 : i32 to vector<16xi32>
          %and3A_288 = arith.andi %get3A_278, %and3A_287 : vector<16xi32>
          %swap3A_289 = arith.constant 32 : index
          %swap3A_290 = tpu.vector_load %arg9[%swap3A_289] {strides = array<i32>} : memref<128xi32, #tpu.memory_space<vmem>>, vector<16xi32>,
          %swap3A_291 = vector.shape_cast %swap3A_290 : vector<16xi32> to vector<16xi32>
          %swap3A_292 = vector.shape_cast %and3A_288 : vector<16xi32> to vector<16xi32>
          tpu.vector_store %arg9[%swap3A_289], %swap3A_292 {strides = array<i32>} : memref<128xi32, #tpu.memory_space<vmem>>, vector<16xi32>,
          %mul3A_293 = arith.constant 128 : i32
          %mul3A_294 = arith.muli %add3A_229, %mul3A_293 : i32
          %add3A_295 = arith.constant 48 : i32
          %add3A_296 = arith.addi %mul3A_294, %add3A_295 : i32
          %get3A_297 = arith.index_cast %add3A_296 : i32 to index
          %get3A_298 = tpu.vector_load %arg6[%get3A_297] {strides = array<i32>} : memref<12800xi32, #tpu.memory_space<vmem>>, vector<16xi32>,
          %get3A_299 = vector.shape_cast %get3A_298 : vector<16xi32> to vector<16xi32>
          %shift_right_logical3A_300 = arith.constant 14 : i32
          %shift_right_logical3A_301 = vector.broadcast %shift_right_logical3A_300 : i32 to vector<16xi32>
          %shift_right_logical3A_302 = arith.shrui %get3A_299, %shift_right_logical3A_301 : vector<16xi32>
          %swap3A_303 = arith.constant 48 : index
          %swap3A_304 = tpu.vector_load %arg7[%swap3A_303] {strides = array<i32>} : memref<128xi32, #tpu.memory_space<vmem>>, vector<16xi32>,
          %swap3A_305 = vector.shape_cast %swap3A_304 : vector<16xi32> to vector<16xi32>
          %swap3A_306 = vector.shape_cast %shift_right_logical3A_302 : vector<16xi32> to vector<16xi32>
          tpu.vector_store %arg7[%swap3A_303], %swap3A_306 {strides = array<i32>} : memref<128xi32, #tpu.memory_space<vmem>>, vector<16xi32>,
          %and3A_307 = arith.constant 16383 : i32
          %and3A_308 = vector.broadcast %and3A_307 : i32 to vector<16xi32>
          %and3A_309 = arith.andi %get3A_299, %and3A_308 : vector<16xi32>
          %swap3A_310 = arith.constant 48 : index
          %swap3A_311 = tpu.vector_load %arg9[%swap3A_310] {strides = array<i32>} : memref<128xi32, #tpu.memory_space<vmem>>, vector<16xi32>,
          %swap3A_312 = vector.shape_cast %swap3A_311 : vector<16xi32> to vector<16xi32>
          %swap3A_313 = vector.shape_cast %and3A_309 : vector<16xi32> to vector<16xi32>
          tpu.vector_store %arg9[%swap3A_310], %swap3A_313 {strides = array<i32>} : memref<128xi32, #tpu.memory_space<vmem>>, vector<16xi32>,
          %mul3A_314 = arith.constant 128 : i32
          %mul3A_315 = arith.muli %add3A_229, %mul3A_314 : i32
          %add3A_316 = arith.constant 64 : i32
          %add3A_317 = arith.addi %mul3A_315, %add3A_316 : i32
          %get3A_318 = arith.index_cast %add3A_317 : i32 to index
          %get3A_319 = tpu.vector_load %arg6[%get3A_318] {strides = array<i32>} : memref<12800xi32, #tpu.memory_space<vmem>>, vector<16xi32>,
          %get3A_320 = vector.shape_cast %get3A_319 : vector<16xi32> to vector<16xi32>
          %shift_right_logical3A_321 = arith.constant 14 : i32
          %shift_right_logical3A_322 = vector.broadcast %shift_right_logical3A_321 : i32 to vector<16xi32>
          %shift_right_logical3A_323 = arith.shrui %get3A_320, %shift_right_logical3A_322 : vector<16xi32>
          %swap3A_324 = arith.constant 64 : index
          %swap3A_325 = tpu.vector_load %arg7[%swap3A_324] {strides = array<i32>} : memref<128xi32, #tpu.memory_space<vmem>>, vector<16xi32>,
          %swap3A_326 = vector.shape_cast %swap3A_325 : vector<16xi32> to vector<16xi32>
          %swap3A_327 = vector.shape_cast %shift_right_logical3A_323 : vector<16xi32> to vector<16xi32>
          tpu.vector_store %arg7[%swap3A_324], %swap3A_327 {strides = array<i32>} : memref<128xi32, #tpu.memory_space<vmem>>, vector<16xi32>,
          %and3A_328 = arith.constant 16383 : i32
          %and3A_329 = vector.broadcast %and3A_328 : i32 to vector<16xi32>
          %and3A_330 = arith.andi %get3A_320, %and3A_329 : vector<16xi32>
          %swap3A_331 = arith.constant 64 : index
          %swap3A_332 = tpu.vector_load %arg9[%swap3A_331] {strides = array<i32>} : memref<128xi32, #tpu.memory_space<vmem>>, vector<16xi32>,
          %swap3A_333 = vector.shape_cast %swap3A_332 : vector<16xi32> to vector<16xi32>
          %swap3A_334 = vector.shape_cast %and3A_330 : vector<16xi32> to vector<16xi32>
          tpu.vector_store %arg9[%swap3A_331], %swap3A_334 {strides = array<i32>} : memref<128xi32, #tpu.memory_space<vmem>>, vector<16xi32>,
          %mul3A_335 = arith.constant 128 : i32
          %mul3A_336 = arith.muli %add3A_229, %mul3A_335 : i32
          %add3A_337 = arith.constant 80 : i32
          %add3A_338 = arith.addi %mul3A_336, %add3A_337 : i32
          %get3A_339 = arith.index_cast %add3A_338 : i32 to index
          %get3A_340 = tpu.vector_load %arg6[%get3A_339] {strides = array<i32>} : memref<12800xi32, #tpu.memory_space<vmem>>, vector<16xi32>,
          %get3A_341 = vector.shape_cast %get3A_340 : vector<16xi32> to vector<16xi32>
          %shift_right_logical3A_342 = arith.constant 14 : i32
          %shift_right_logical3A_343 = vector.broadcast %shift_right_logical3A_342 : i32 to vector<16xi32>
          %shift_right_logical3A_344 = arith.shrui %get3A_341, %shift_right_logical3A_343 : vector<16xi32>
          %swap3A_345 = arith.constant 80 : index
          %swap3A_346 = tpu.vector_load %arg7[%swap3A_345] {strides = array<i32>} : memref<128xi32, #tpu.memory_space<vmem>>, vector<16xi32>,
          %swap3A_347 = vector.shape_cast %swap3A_346 : vector<16xi32> to vector<16xi32>
          %swap3A_348 = vector.shape_cast %shift_right_logical3A_344 : vector<16xi32> to vector<16xi32>
          tpu.vector_store %arg7[%swap3A_345], %swap3A_348 {strides = array<i32>} : memref<128xi32, #tpu.memory_space<vmem>>, vector<16xi32>,
          %and3A_349 = arith.constant 16383 : i32
          %and3A_350 = vector.broadcast %and3A_349 : i32 to vector<16xi32>
          %and3A_351 = arith.andi %get3A_341, %and3A_350 : vector<16xi32>
          %swap3A_352 = arith.constant 80 : index
          %swap3A_353 = tpu.vector_load %arg9[%swap3A_352] {strides = array<i32>} : memref<128xi32, #tpu.memory_space<vmem>>, vector<16xi32>,
          %swap3A_354 = vector.shape_cast %swap3A_353 : vector<16xi32> to vector<16xi32>
          %swap3A_355 = vector.shape_cast %and3A_351 : vector<16xi32> to vector<16xi32>
          tpu.vector_store %arg9[%swap3A_352], %swap3A_355 {strides = array<i32>} : memref<128xi32, #tpu.memory_space<vmem>>, vector<16xi32>,
          %mul3A_356 = arith.constant 128 : i32
          %mul3A_357 = arith.muli %add3A_229, %mul3A_356 : i32
          %add3A_358 = arith.constant 96 : i32
          %add3A_359 = arith.addi %mul3A_357, %add3A_358 : i32
          %get3A_360 = arith.index_cast %add3A_359 : i32 to index
          %get3A_361 = tpu.vector_load %arg6[%get3A_360] {strides = array<i32>} : memref<12800xi32, #tpu.memory_space<vmem>>, vector<16xi32>,
          %get3A_362 = vector.shape_cast %get3A_361 : vector<16xi32> to vector<16xi32>
          %shift_right_logical3A_363 = arith.constant 14 : i32
          %shift_right_logical3A_364 = vector.broadcast %shift_right_logical3A_363 : i32 to vector<16xi32>
          %shift_right_logical3A_365 = arith.shrui %get3A_362, %shift_right_logical3A_364 : vector<16xi32>
          %swap3A_366 = arith.constant 96 : index
          %swap3A_367 = tpu.vector_load %arg7[%swap3A_366] {strides = array<i32>} : memref<128xi32, #tpu.memory_space<vmem>>, vector<16xi32>,
          %swap3A_368 = vector.shape_cast %swap3A_367 : vector<16xi32> to vector<16xi32>
          %swap3A_369 = vector.shape_cast %shift_right_logical3A_365 : vector<16xi32> to vector<16xi32>
          tpu.vector_store %arg7[%swap3A_366], %swap3A_369 {strides = array<i32>} : memref<128xi32, #tpu.memory_space<vmem>>, vector<16xi32>,
          %and3A_370 = arith.constant 16383 : i32
          %and3A_371 = vector.broadcast %and3A_370 : i32 to vector<16xi32>
          %and3A_372 = arith.andi %get3A_362, %and3A_371 : vector<16xi32>
          %swap3A_373 = arith.constant 96 : index
          %swap3A_374 = tpu.vector_load %arg9[%swap3A_373] {strides = array<i32>} : memref<128xi32, #tpu.memory_space<vmem>>, vector<16xi32>,
          %swap3A_375 = vector.shape_cast %swap3A_374 : vector<16xi32> to vector<16xi32>
          %swap3A_376 = vector.shape_cast %and3A_372 : vector<16xi32> to vector<16xi32>
          tpu.vector_store %arg9[%swap3A_373], %swap3A_376 {strides = array<i32>} : memref<128xi32, #tpu.memory_space<vmem>>, vector<16xi32>,
          %mul3A_377 = arith.constant 128 : i32
          %mul3A_378 = arith.muli %add3A_229, %mul3A_377 : i32
          %add3A_379 = arith.constant 112 : i32
          %add3A_380 = arith.addi %mul3A_378, %add3A_379 : i32
          %get3A_381 = arith.index_cast %add3A_380 : i32 to index
          %get3A_382 = tpu.vector_load %arg6[%get3A_381] {strides = array<i32>} : memref<12800xi32, #tpu.memory_space<vmem>>, vector<16xi32>,
          %get3A_383 = vector.shape_cast %get3A_382 : vector<16xi32> to vector<16xi32>
          %shift_right_logical3A_384 = arith.constant 14 : i32
          %shift_right_logical3A_385 = vector.broadcast %shift_right_logical3A_384 : i32 to vector<16xi32>
          %shift_right_logical3A_386 = arith.shrui %get3A_383, %shift_right_logical3A_385 : vector<16xi32>
          %swap3A_387 = arith.constant 112 : index
          %swap3A_388 = tpu.vector_load %arg7[%swap3A_387] {strides = array<i32>} : memref<128xi32, #tpu.memory_space<vmem>>, vector<16xi32>,
          %swap3A_389 = vector.shape_cast %swap3A_388 : vector<16xi32> to vector<16xi32>
          %swap3A_390 = vector.shape_cast %shift_right_logical3A_386 : vector<16xi32> to vector<16xi32>
          tpu.vector_store %arg7[%swap3A_387], %swap3A_390 {strides = array<i32>} : memref<128xi32, #tpu.memory_space<vmem>>, vector<16xi32>,
          %and3A_391 = arith.constant 16383 : i32
          %and3A_392 = vector.broadcast %and3A_391 : i32 to vector<16xi32>
          %and3A_393 = arith.andi %get3A_383, %and3A_392 : vector<16xi32>
          %swap3A_394 = arith.constant 112 : index
          %swap3A_395 = tpu.vector_load %arg9[%swap3A_394] {strides = array<i32>} : memref<128xi32, #tpu.memory_space<vmem>>, vector<16xi32>,
          %swap3A_396 = vector.shape_cast %swap3A_395 : vector<16xi32> to vector<16xi32>
          %swap3A_397 = vector.shape_cast %and3A_393 : vector<16xi32> to vector<16xi32>
          tpu.vector_store %arg9[%swap3A_394], %swap3A_397 {strides = array<i32>} : memref<128xi32, #tpu.memory_space<vmem>>, vector<16xi32>,
          %dma_start3A_398 = arith.constant 0 : i32
          %dma_start3A_399 = arith.constant 0 : i32
          %dma_start3A_400 = tpu.memref_slice %arg3[%dma_start3A_398, %dma_start3A_399] : memref<10000x128xf32, #tpu.memory_space<hbm>> -> memref<10000x128xf32, #tpu.memory_space<hbm>>
          tpu.enqueue_indirect_dma source(%dma_start3A_400 : memref<10000x128xf32, #tpu.memory_space<hbm>>) target(%arg11 : memref<128x128xf32, #tpu.memory_space<vmem>>) offsets(%arg7 : memref<128xi32, #tpu.memory_space<vmem>>) semaphore(%arg13 : memref<!tpu.dma_semaphore, #tpu.memory_space<semaphore_mem>>)
        } else {
        }
        %dma_wait3A_222 = arith.constant 0 : i32
        %dma_wait3A_223 = arith.constant 0 : i32
        %dma_wait3A_224 = tpu.memref_slice %arg3[%dma_wait3A_222, %dma_wait3A_223] : memref<10000x128xf32, #tpu.memory_space<hbm>> -> memref<10000x128xf32, #tpu.memory_space<hbm>>
        tpu.wait_indirect_dma semaphore(%arg14 : memref<!tpu.dma_semaphore, #tpu.memory_space<semaphore_mem>>) src(%dma_wait3A_224 : memref<10000x128xf32, #tpu.memory_space<hbm>>) dst(%arg12 : memref<128x128xf32, #tpu.memory_space<vmem>>)
        %dma_start3A_225 = arith.constant 0 : i32
        %dma_start3A_226 = arith.constant 0 : i32
        %dma_start3A_227 = tpu.memref_slice %arg5[%dma_start3A_225, %dma_start3A_226] : memref<10240x128xf32, #tpu.memory_space<vmem_shared>> -> memref<10240x128xf32, #tpu.memory_space<vmem_shared>>
        tpu.enqueue_indirect_dma source(%arg12 : memref<128x128xf32, #tpu.memory_space<vmem>>) target(%dma_start3A_227 : memref<10240x128xf32, #tpu.memory_space<vmem_shared>>) offsets(%arg10 : memref<128xi32, #tpu.memory_space<vmem>>) semaphore(%arg16 : memref<!tpu.dma_semaphore, #tpu.memory_space<semaphore_mem>>) {add = true}
      } else {
      }
      %while3A_212 = arith.constant 0 : i32
      scf.yield %while3A_212 : i32
    }
    %dma_wait3A = arith.constant 0 : i32
    %dma_wait3A_190 = arith.constant 0 : i32
    %dma_wait3A_191 = tpu.memref_slice %arg5[%dma_wait3A, %dma_wait3A_190] : memref<10240x128xf32, #tpu.memory_space<vmem_shared>> -> memref<10240x128xf32, #tpu.memory_space<vmem_shared>>
    tpu.wait_indirect_dma semaphore(%arg16 : memref<!tpu.dma_semaphore, #tpu.memory_space<semaphore_mem>>) src(%arg12 : memref<128x128xf32, #tpu.memory_space<vmem>>) dst(%dma_wait3A_191 : memref<10240x128xf32, #tpu.memory_space<vmem_shared>>)
    %barrier3A_192 = arith.constant 0 : index
    tpu.barrier barrier_id(%barrier3A_192)
    %mul3A_193 = arith.constant 640 : i32
    %mul3A_194 = arith.muli %arg1, %mul3A_193 : i32
    %mul3A_195 = arith.constant 640 : i32
    %mul3A_196 = arith.muli %arg1, %mul3A_195 : i32
    "tpu.region"() ({
      %run_scoped3A = tpu.sem_alloc : memref<!tpu.dma_semaphore, #tpu.memory_space<semaphore_mem>>
      %dma_start3A_197 = arith.constant 0 : i32
      %dma_start3A_198 = tpu.memref_slice %arg4[%arg0, %mul3A_196, %dma_start3A_197] : memref<2x10240x128xf32, #tpu.memory_space<hbm>> -> memref<1x640x128xf32, #tpu.memory_space<hbm>>
      %dma_start3A_199 = tpu.memref_squeeze %dma_start3A_198 : memref<1x640x128xf32, #tpu.memory_space<hbm>> -> memref<640x128xf32, #tpu.memory_space<hbm>>
      %dma_start3A_200 = arith.constant 0 : i32
      %dma_start3A_201 = tpu.memref_slice %arg5[%mul3A_194, %dma_start3A_200] : memref<10240x128xf32, #tpu.memory_space<vmem_shared>> -> memref<640x128xf32, #tpu.memory_space<vmem_shared>>
      tpu.enqueue_dma source(%dma_start3A_201 : memref<640x128xf32, #tpu.memory_space<vmem_shared>>) target(%dma_start3A_199 : memref<640x128xf32, #tpu.memory_space<hbm>>) target_semaphore(%run_scoped3A : memref<!tpu.dma_semaphore, #tpu.memory_space<semaphore_mem>>)
      %dma_wait3A_202 = arith.constant 0 : i32
      %dma_wait3A_203 = tpu.memref_slice %arg4[%arg0, %mul3A_196, %dma_wait3A_202] : memref<2x10240x128xf32, #tpu.memory_space<hbm>> -> memref<1x640x128xf32, #tpu.memory_space<hbm>>
      %dma_wait3A_204 = tpu.memref_squeeze %dma_wait3A_203 : memref<1x640x128xf32, #tpu.memory_space<hbm>> -> memref<640x128xf32, #tpu.memory_space<hbm>>
      %dma_wait3A_205 = arith.constant 0 : i32
      %dma_wait3A_206 = tpu.memref_slice %arg5[%mul3A_194, %dma_wait3A_205] : memref<10240x128xf32, #tpu.memory_space<vmem_shared>> -> memref<640x128xf32, #tpu.memory_space<vmem_shared>>
      tpu.wait_dma2 semaphore(%run_scoped3A : memref<!tpu.dma_semaphore, #tpu.memory_space<semaphore_mem>>) src(%dma_wait3A_206 : memref<640x128xf32, #tpu.memory_space<vmem_shared>>) dst(%dma_wait3A_204 : memref<640x128xf32, #tpu.memory_space<hbm>>)
      tpu.yield
    }) : () -> ()
    return
  }
}

module attributes {stable_mosaic.version = 14 : i64} {
  func.func @_tc1_body(%arg0: memref<2x10240xf32, #tpu.memory_space<vmem>>, %arg1: memref<10000x128xf32, #tpu.memory_space<vmem>>, %arg2: memref<128x128xf32, #tpu.memory_space<vmem>>, %arg3: memref<10000x128xf32, #tpu.memory_space<vmem>>) attributes {dimension_semantics = [], scalar_prefetch = 0 : i64, scratch_operands = 0 : i64, tpu.core_type = #tpu.core_type<tc>} {
    %get3A = arith.constant 0 : index
    %get3A_0 = arith.constant 0 : index
    %get3A_1 = vector.load %arg1[%get3A, %get3A_0] : memref<10000x128xf32, #tpu.memory_space<vmem>>, vector<10000x128xf32>
    %get3A_2 = arith.constant 0 : index
    %get3A_3 = arith.constant 0 : index
    %get3A_4 = vector.load %arg2[%get3A_2, %get3A_3] : memref<128x128xf32, #tpu.memory_space<vmem>>, vector<128x128xf32>
    %dot_general3A = arith.constant dense<0.000000e+00> : vector<10000x128xf32>
    %dot_general3A_5 = tpu.matmul %get3A_1, %get3A_4, %dot_general3A {dimension_numbers = #tpu.dot_dimension_numbers<[1], [0], [0], [1], [0, 0, 1, 1], [], []>, transpose_lhs_hint = false} : vector<10000x128xf32>, vector<128x128xf32>, vector<10000x128xf32> -> vector<10000x128xf32>
    %get3A_6 = arith.constant 0 : index
    %get3A_7 = arith.constant 0 : index
    %get3A_8 = vector.load %arg0[%get3A_6, %get3A_7] : memref<2x10240xf32, #tpu.memory_space<vmem>>, vector<1x10240xf32>
    %get3A_9 = vector.shape_cast %get3A_8 : vector<1x10240xf32> to vector<10240xf32>
    %get3A_10 = arith.constant 1 : index
    %get3A_11 = arith.constant 0 : index
    %get3A_12 = vector.load %arg0[%get3A_10, %get3A_11] : memref<2x10240xf32, #tpu.memory_space<vmem>>, vector<1x10240xf32>
    %get3A_13 = vector.shape_cast %get3A_12 : vector<1x10240xf32> to vector<10240xf32>
    %add3A = arith.addf %get3A_9, %get3A_13 : vector<10240xf32>
    %gt3A = arith.constant 0.000000e+00 : f32
    %gt3A_14 = vector.broadcast %gt3A : f32 to vector<10240xf32>
    %gt3A_15 = arith.cmpf ogt, %add3A, %gt3A_14 : vector<10240xf32>
    %rsqrt3A = math.rsqrt %add3A : vector<10240xf32>
    %jit3A = arith.constant 0.000000e+00 : f32
    %broadcast_in_dim3A = vector.broadcast %jit3A : f32 to vector<10240xf32>
    %select_n3A = arith.select %gt3A_15, %rsqrt3A, %broadcast_in_dim3A : vector<10240xi1>, vector<10240xf32>
    %slice3A = vector.extract_strided_slice %select_n3A {offsets = [0], sizes = [10000], strides = [1]} : vector<10240xf32> to vector<10000xf32>
    %broadcast_in_dim3A_16 = vector.shape_cast %slice3A : vector<10000xf32> to vector<10000x1xf32>
    %mul3A = vector.broadcast %broadcast_in_dim3A_16 : vector<10000x1xf32> to vector<10000x128xf32>
    %mul3A_17 = arith.mulf %dot_general3A_5, %mul3A : vector<10000x128xf32>
    %swap3A = arith.constant 0 : index
    %swap3A_18 = arith.constant 0 : index
    %swap3A_19 = vector.load %arg3[%swap3A, %swap3A_18] : memref<10000x128xf32, #tpu.memory_space<vmem>>, vector<10000x128xf32>
    tpu.vector_store %arg3[%swap3A, %swap3A_18], %mul3A_17 {strides = array<i32>} : memref<10000x128xf32, #tpu.memory_space<vmem>>, vector<10000x128xf32>,
    return
  }
}

module attributes {stable_mosaic.version = 14 : i64} {
  func.func @_tc2_body(%arg0: memref<2x10240xf32, #tpu.memory_space<vmem>>, %arg1: memref<2x10240x128xf32, #tpu.memory_space<vmem>>, %arg2: memref<1x128xf32, #tpu.memory_space<vmem>>, %arg3: memref<128x128xf32, #tpu.memory_space<vmem>>, %arg4: memref<10000x128xf32, #tpu.memory_space<vmem>>) attributes {dimension_semantics = [], scalar_prefetch = 0 : i64, scratch_operands = 0 : i64, tpu.core_type = #tpu.core_type<tc>} {
    %get3A = arith.constant 0 : index
    %get3A_0 = arith.constant 0 : index
    %get3A_1 = vector.load %arg0[%get3A, %get3A_0] : memref<2x10240xf32, #tpu.memory_space<vmem>>, vector<1x10240xf32>
    %get3A_2 = vector.shape_cast %get3A_1 : vector<1x10240xf32> to vector<10240xf32>
    %get3A_3 = arith.constant 1 : index
    %get3A_4 = arith.constant 0 : index
    %get3A_5 = vector.load %arg0[%get3A_3, %get3A_4] : memref<2x10240xf32, #tpu.memory_space<vmem>>, vector<1x10240xf32>
    %get3A_6 = vector.shape_cast %get3A_5 : vector<1x10240xf32> to vector<10240xf32>
    %add3A = arith.addf %get3A_2, %get3A_6 : vector<10240xf32>
    %gt3A = arith.constant 0.000000e+00 : f32
    %gt3A_7 = vector.broadcast %gt3A : f32 to vector<10240xf32>
    %gt3A_8 = arith.cmpf ogt, %add3A, %gt3A_7 : vector<10240xf32>
    %rsqrt3A = math.rsqrt %add3A : vector<10240xf32>
    %jit3A = arith.constant 0.000000e+00 : f32
    %broadcast_in_dim3A = vector.broadcast %jit3A : f32 to vector<10240xf32>
    %select_n3A = arith.select %gt3A_8, %rsqrt3A, %broadcast_in_dim3A : vector<10240xi1>, vector<10240xf32>
    %slice3A = vector.extract_strided_slice %select_n3A {offsets = [0], sizes = [10000], strides = [1]} : vector<10240xf32> to vector<10000xf32>
    %broadcast_in_dim3A_9 = vector.shape_cast %slice3A : vector<10000xf32> to vector<10000x1xf32>
    %get3A_10 = arith.constant 0 : index
    %get3A_11 = arith.constant 0 : index
    %get3A_12 = arith.constant 0 : index
    %get3A_13 = vector.load %arg1[%get3A_10, %get3A_11, %get3A_12] : memref<2x10240x128xf32, #tpu.memory_space<vmem>>, vector<1x10000x128xf32>
    %get3A_14 = vector.shape_cast %get3A_13 : vector<1x10000x128xf32> to vector<10000x128xf32>
    %get3A_15 = arith.constant 1 : index
    %get3A_16 = arith.constant 0 : index
    %get3A_17 = arith.constant 0 : index
    %get3A_18 = vector.load %arg1[%get3A_15, %get3A_16, %get3A_17] : memref<2x10240x128xf32, #tpu.memory_space<vmem>>, vector<1x10000x128xf32>
    %get3A_19 = vector.shape_cast %get3A_18 : vector<1x10000x128xf32> to vector<10000x128xf32>
    %add3A_20 = arith.addf %get3A_14, %get3A_19 : vector<10000x128xf32>
    %mul3A = vector.broadcast %broadcast_in_dim3A_9 : vector<10000x1xf32> to vector<10000x128xf32>
    %mul3A_21 = arith.mulf %add3A_20, %mul3A : vector<10000x128xf32>
    %get3A_22 = arith.constant 0 : index
    %get3A_23 = arith.constant 0 : index
    %get3A_24 = vector.load %arg2[%get3A_22, %get3A_23] : memref<1x128xf32, #tpu.memory_space<vmem>>, vector<1x128xf32>
    %add3A_25 = vector.broadcast %get3A_24 : vector<1x128xf32> to vector<10000x128xf32>
    %add3A_26 = arith.addf %mul3A_21, %add3A_25 : vector<10000x128xf32>
    %max3A = arith.constant 0.000000e+00 : f32
    %max3A_27 = vector.broadcast %max3A : f32 to vector<10000x128xf32>
    %max3A_28 = arith.maximumf %add3A_26, %max3A_27 : vector<10000x128xf32>
    %get3A_29 = arith.constant 0 : index
    %get3A_30 = arith.constant 0 : index
    %get3A_31 = vector.load %arg3[%get3A_29, %get3A_30] : memref<128x128xf32, #tpu.memory_space<vmem>>, vector<128x128xf32>
    %dot_general3A = arith.constant dense<0.000000e+00> : vector<10000x128xf32>
    %dot_general3A_32 = tpu.matmul %max3A_28, %get3A_31, %dot_general3A {dimension_numbers = #tpu.dot_dimension_numbers<[1], [0], [0], [1], [0, 0, 1, 1], [], []>, transpose_lhs_hint = false} : vector<10000x128xf32>, vector<128x128xf32>, vector<10000x128xf32> -> vector<10000x128xf32>
    %mul3A_33 = vector.broadcast %broadcast_in_dim3A_9 : vector<10000x1xf32> to vector<10000x128xf32>
    %mul3A_34 = arith.mulf %dot_general3A_32, %mul3A_33 : vector<10000x128xf32>
    %swap3A = arith.constant 0 : index
    %swap3A_35 = arith.constant 0 : index
    %swap3A_36 = vector.load %arg4[%swap3A, %swap3A_35] : memref<10000x128xf32, #tpu.memory_space<vmem>>, vector<10000x128xf32>
    tpu.vector_store %arg4[%swap3A, %swap3A_35], %mul3A_34 {strides = array<i32>} : memref<10000x128xf32, #tpu.memory_space<vmem>>, vector<10000x128xf32>,
    return
  }
}

module attributes {stable_mosaic.version = 14 : i64} {
  func.func @_tc3_body(%arg0: memref<2x10240xf32, #tpu.memory_space<vmem>>, %arg1: memref<2x10240x128xf32, #tpu.memory_space<vmem>>, %arg2: memref<1x128xf32, #tpu.memory_space<vmem>>, %arg3: memref<128x40xf32, #tpu.memory_space<vmem>>, %arg4: memref<1x40xf32, #tpu.memory_space<vmem>>, %arg5: memref<10000x40xf32, #tpu.memory_space<vmem>>) attributes {dimension_semantics = [], scalar_prefetch = 0 : i64, scratch_operands = 0 : i64, tpu.core_type = #tpu.core_type<tc>} {
    %get3A = arith.constant 0 : index
    %get3A_0 = arith.constant 0 : index
    %get3A_1 = vector.load %arg0[%get3A, %get3A_0] : memref<2x10240xf32, #tpu.memory_space<vmem>>, vector<1x10240xf32>
    %get3A_2 = vector.shape_cast %get3A_1 : vector<1x10240xf32> to vector<10240xf32>
    %get3A_3 = arith.constant 1 : index
    %get3A_4 = arith.constant 0 : index
    %get3A_5 = vector.load %arg0[%get3A_3, %get3A_4] : memref<2x10240xf32, #tpu.memory_space<vmem>>, vector<1x10240xf32>
    %get3A_6 = vector.shape_cast %get3A_5 : vector<1x10240xf32> to vector<10240xf32>
    %add3A = arith.addf %get3A_2, %get3A_6 : vector<10240xf32>
    %gt3A = arith.constant 0.000000e+00 : f32
    %gt3A_7 = vector.broadcast %gt3A : f32 to vector<10240xf32>
    %gt3A_8 = arith.cmpf ogt, %add3A, %gt3A_7 : vector<10240xf32>
    %rsqrt3A = math.rsqrt %add3A : vector<10240xf32>
    %jit3A = arith.constant 0.000000e+00 : f32
    %broadcast_in_dim3A = vector.broadcast %jit3A : f32 to vector<10240xf32>
    %select_n3A = arith.select %gt3A_8, %rsqrt3A, %broadcast_in_dim3A : vector<10240xi1>, vector<10240xf32>
    %slice3A = vector.extract_strided_slice %select_n3A {offsets = [0], sizes = [10000], strides = [1]} : vector<10240xf32> to vector<10000xf32>
    %broadcast_in_dim3A_9 = vector.shape_cast %slice3A : vector<10000xf32> to vector<10000x1xf32>
    %get3A_10 = arith.constant 0 : index
    %get3A_11 = arith.constant 0 : index
    %get3A_12 = arith.constant 0 : index
    %get3A_13 = vector.load %arg1[%get3A_10, %get3A_11, %get3A_12] : memref<2x10240x128xf32, #tpu.memory_space<vmem>>, vector<1x10000x128xf32>
    %get3A_14 = vector.shape_cast %get3A_13 : vector<1x10000x128xf32> to vector<10000x128xf32>
    %get3A_15 = arith.constant 1 : index
    %get3A_16 = arith.constant 0 : index
    %get3A_17 = arith.constant 0 : index
    %get3A_18 = vector.load %arg1[%get3A_15, %get3A_16, %get3A_17] : memref<2x10240x128xf32, #tpu.memory_space<vmem>>, vector<1x10000x128xf32>
    %get3A_19 = vector.shape_cast %get3A_18 : vector<1x10000x128xf32> to vector<10000x128xf32>
    %add3A_20 = arith.addf %get3A_14, %get3A_19 : vector<10000x128xf32>
    %mul3A = vector.broadcast %broadcast_in_dim3A_9 : vector<10000x1xf32> to vector<10000x128xf32>
    %mul3A_21 = arith.mulf %add3A_20, %mul3A : vector<10000x128xf32>
    %get3A_22 = arith.constant 0 : index
    %get3A_23 = arith.constant 0 : index
    %get3A_24 = vector.load %arg2[%get3A_22, %get3A_23] : memref<1x128xf32, #tpu.memory_space<vmem>>, vector<1x128xf32>
    %add3A_25 = vector.broadcast %get3A_24 : vector<1x128xf32> to vector<10000x128xf32>
    %add3A_26 = arith.addf %mul3A_21, %add3A_25 : vector<10000x128xf32>
    %max3A = arith.constant 0.000000e+00 : f32
    %max3A_27 = vector.broadcast %max3A : f32 to vector<10000x128xf32>
    %max3A_28 = arith.maximumf %add3A_26, %max3A_27 : vector<10000x128xf32>
    %get3A_29 = arith.constant 0 : index
    %get3A_30 = arith.constant 0 : index
    %get3A_31 = vector.load %arg3[%get3A_29, %get3A_30] : memref<128x40xf32, #tpu.memory_space<vmem>>, vector<128x40xf32>
    %dot_general3A = arith.constant dense<0.000000e+00> : vector<10000x40xf32>
    %dot_general3A_32 = tpu.matmul %max3A_28, %get3A_31, %dot_general3A {dimension_numbers = #tpu.dot_dimension_numbers<[1], [0], [0], [1], [0, 0, 1, 1], [], []>, transpose_lhs_hint = false} : vector<10000x128xf32>, vector<128x40xf32>, vector<10000x40xf32> -> vector<10000x40xf32>
    %get3A_33 = arith.constant 0 : index
    %get3A_34 = arith.constant 0 : index
    %get3A_35 = vector.load %arg4[%get3A_33, %get3A_34] : memref<1x40xf32, #tpu.memory_space<vmem>>, vector<1x40xf32>
    %add3A_36 = vector.broadcast %get3A_35 : vector<1x40xf32> to vector<10000x40xf32>
    %add3A_37 = arith.addf %dot_general3A_32, %add3A_36 : vector<10000x40xf32>
    %swap3A = arith.constant 0 : index
    %swap3A_38 = arith.constant 0 : index
    %swap3A_39 = vector.load %arg5[%swap3A, %swap3A_38] : memref<10000x40xf32, #tpu.memory_space<vmem>>, vector<10000x40xf32>
    tpu.vector_store %arg5[%swap3A, %swap3A_38], %add3A_37 {strides = array<i32>} : memref<10000x40xf32, #tpu.memory_space<vmem>>, vector<10000x40xf32>,
    return
  }
}

</mosaic_0001>

<sc_bundles>
// kernel: kernel.11.cloned.1.call-start
scs
__scs_entry_jumppad:
0x0: {  	(pc) =	sbr.rel $0x88, $3  }
0x1: {  	(tag) =	ssettag $0x0;
	lr =	simm.s32 $0x1  }
0x2: {  	[smem:$0x3F99] =	sst lr;
	_ =	strace $0xD0000000  }
0x3: {  	_ = 	snop  }
0x4: {  	_ = 	snop  }
0x5: {  	_ = 	snop  }
0x6: {  	_ = 	snop  }
0x7: {  	_ = 	snop  }
__scs_overlays_trampoline_lowered:
0x8: {  	[smem:$0x3FA8] =	sst s0  }
0x9: {  	[smem:$0x3FA9] =	sst s1  }
0xa: {  	[smem:$0x3FAA] =	sst s2  }
0xb: {  	[smem:$0x3FAB] =	sst s3  }
0xc: {  	[smem:$0x3FAC] =	sst s4  }
0xd: {  	[smem:$0x3FAD] =	sst s5  }
0xe: {  	[smem:$0x3FAE] =	sst s6  }
0xf: {  	[smem:$0x3FAF] =	sst s7  }
0x10: {  	[smem:$0x3FB0] =	sst s8  }
0x11: {  	[smem:$0x3FB1] =	sst s9;
	s0 =	simm.s32 @!p0 $0x0  }
0x12: {  	s1 =	sld [smem:$0x3F97];
	s0 =	simm.s32 @p0 $0x1  }
0x13: {  	[smem:$0x3FB2] =	sst s0;
	s0 =	simm.s32 @!p1 $0x0  }
0x14: {  	s2 =	sld [smem:$0x3F96];
	s0 =	simm.s32 @p1 $0x1  }
0x15: {  	[smem:$0x3FB3] =	sst s0;
	s0 =	simm.s32 @!p2 $0x0  }
0x16: {  	s3 =	sld [smem:$0x3FDB];
	s0 =	simm.s32 @p2 $0x1  }
0x17: {  	s4 =	simm.s32 $0x1BF5;
	[smem:$0x3FB5] =	sst s0  }
0x18: {  	s0 =	sld [smem:$0x3F98];
	_ =	swait.ge [sflag:s4], $0x0  }
0x19: {  	s7 =	sld [smem:$0x3F99]  }
0x1a: {  	s8 =	sadd.s32 $0xFFFFE003, lr  }
0x1b: {  	s9 =	sadd.s32 $0xFFFFFEF7, lr;
	s5 =	simm.s32 $0xFFFFFFFF;
	p2 =	slt.u32 s8, $0xFFFFF086  }
0x1c: {  	p1 =	slt.u32 s9, $0xF7A;
	s5 =	simm.s32 @!p2 $0x0  }
0x1d: {  	s5 =	simm.s32 @p1 $0x1;
	p0 =	seq.s32 s7, s2  }
0x1e: {  	s7 =	smul.u32 @!p0 $0xF7A, s2;
	p2 =	seq.s32 @!p0 s5, $0x0  }
0x1f: {  	s9 =	smul.u32 $0xF7A, s1;
	s8 =	simm.s32 @!p0 $0x1BF5;
	p2 =	por !p2, p0  }
0x20: {  	[sflag:s8] =	ssyncset.s32 @!p0 $0xFFFFF086;
	s6 =	sadd.s32 @!p0 s3, s7;
	s7 =	simm.s32 @!p0 $0x108  }
0x21: {  	s3 =	sadd.s32 s3, s9;
	s6 =	sadd.s32 @!p0 $0x88, s6;
	s7 =	simm.s32 @p2 $0x1082  }
0x22: {  	[simem:s7], [sflag:s8] =	dma.local @!p0 [hbm:s6], $0xF7A  }
0x23: {  	s9 =	sor.u32 $0xD0000000, s2;
	s6 =	simm.s32 $0x108;
	_ =	swait.ge @!p0 [sflag:s8], $0x0  }
0x24: {  	s3 =	sadd.s32 $0x88, s3;
	s6 =	simm.s32 @!p1 $0x1082;
	[sflag:s4] =	ssyncset.s32 $0xFFFFF086  }
0x25: {  	[simem:s6], [sflag:s4] =	dma.local [hbm:s3], $0xF7A  }
0x26: {  	[smem:$0x3F99] =	sst s1;
	(tag) =	ssettag s2;
	_ =	strace s9  }
0x27: {  	s1 =	sld [smem:$0x3FA9]  }
0x28: {  	s2 =	sld [smem:$0x3FAA]  }
0x29: {  	s4 =	sld [smem:$0x3FAC]  }
0x2a: {  	p0 =	seq.s32 s5, $0x0;
	s5 =	sld [smem:$0x3FAD]  }
0x2b: {  	s6 =	sld [smem:$0x3FAE]  }
0x2c: {  	s7 =	sld [smem:$0x3FAF]  }
0x2d: {  	s3 =	simm.s32 $0x108;
	s8 =	sld [smem:$0x3FB0]  }
0x2e: {  	s3 =	simm.s32 @!p0 $0x1082;
	s9 =	sld [smem:$0x3FB1]  }
0x2f: {  	lr =	sadd.s32 s0, s3;
	s0 =	sld [smem:$0x3FA8]  }
0x30: {  	s3 =	sld [smem:$0x3FAB]  }
0x31: {  	[smem:$0x3FB4] =	sst s10  }
0x32: {  	s10 =	sld [smem:$0x3FB2];
	_ =	sdelay $0x3  }
0x33: {  	p0 =	seq.s32 s10, $0x1;
	s10 =	sld [smem:$0x3FB4];
	_ =	sdelay $0x3  }
0x34: {  	[smem:$0x3FB4] =	sst s10  }
0x35: {  	s10 =	sld [smem:$0x3FB3];
	_ =	sdelay $0x3  }
0x36: {  	p1 =	seq.s32 s10, $0x1;
	s10 =	sld [smem:$0x3FB4];
	_ =	sdelay $0x3  }
0x37: {  	[smem:$0x3FB4] =	sst s10  }
0x38: {  	s10 =	sld [smem:$0x3FB5]  }
0x39: {  	_ = 	snop;
	(pc) =	sbr.ind lr, $3  }
0x3a: {  	_ = 	snop  }
0x3b: {  	_ = 	snop  }
0x3c: {  	p2 =	seq.s32 s10, $0x1;
	s10 =	sld [smem:$0x3FB4]  }
0x3d: {  	_ =	shalt  }
0x3e: {  	_ =	shalt  }
0x3f: {  	_ =	shalt  }
0x40: {  	_ =	shalt  }
0x41: {  	_ =	shalt  }
0x42: {  	_ =	shalt  }
0x43: {  	_ =	shalt  }
0x44: {  	_ =	shalt  }
0x45: {  	_ =	shalt  }
0x46: {  	_ =	shalt  }
0x47: {  	_ =	shalt  }
0x48: {  	_ =	shalt  }
0x49: {  	_ =	shalt  }
0x4a: {  	_ =	shalt  }
0x4b: {  	_ =	shalt  }
0x4c: {  	_ =	shalt  }
0x4d: {  	_ =	shalt  }
0x4e: {  	_ =	shalt  }
0x4f: {  	_ =	shalt  }
0x50: {  	_ =	shalt  }
0x51: {  	_ =	shalt  }
0x52: {  	_ =	shalt  }
0x53: {  	_ =	shalt  }
0x54: {  	_ =	shalt  }
0x55: {  	_ =	shalt  }
0x56: {  	_ =	shalt  }
0x57: {  	_ =	shalt  }
0x58: {  	_ =	shalt  }
0x59: {  	_ =	shalt  }
0x5a: {  	_ =	shalt  }
0x5b: {  	_ =	shalt  }
0x5c: {  	_ =	shalt  }
0x5d: {  	_ =	shalt  }
0x5e: {  	_ =	shalt  }
0x5f: {  	_ =	shalt  }
0x60: {  	_ =	shalt  }
0x61: {  	_ =	shalt  }
0x62: {  	_ =	shalt  }
0x63: {  	_ =	shalt  }
0x64: {  	_ =	shalt  }
0x65: {  	_ =	shalt  }
0x66: {  	_ =	shalt  }
0x67: {  	_ =	shalt  }
0x68: {  	_ =	shalt  }
0x69: {  	_ =	shalt  }
0x6a: {  	_ =	shalt  }
0x6b: {  	_ =	shalt  }
0x6c: {  	_ =	shalt  }
0x6d: {  	_ =	shalt  }
0x6e: {  	_ =	shalt  }
0x6f: {  	_ =	shalt  }
0x70: {  	_ =	shalt  }
0x71: {  	_ =	shalt  }
0x72: {  	_ =	shalt  }
0x73: {  	_ =	shalt  }
0x74: {  	_ =	shalt  }
0x75: {  	_ =	shalt  }
0x76: {  	_ =	shalt  }
0x77: {  	_ =	shalt  }
0x78: {  	_ =	shalt  }
0x79: {  	_ =	shalt  }
0x7a: {  	_ =	shalt  }
0x7b: {  	_ =	shalt  }
0x7c: {  	_ =	shalt  }
0x7d: {  	_ =	shalt  }
0x7e: {  	_ =	shalt  }
0x7f: {  	_ =	shalt  }
0x80: {  	_ =	shalt  }
0x81: {  	_ =	shalt  }
0x82: {  	_ =	shalt  }
0x83: {  	_ =	shalt  }
0x84: {  	_ =	shalt  }
0x85: {  	_ =	shalt  }
0x86: {  	_ =	shalt  }
0x87: {  	_ =	shalt  }
.Lfunc_end0:
.L_simem_size_0:
called_computation.1_lowered:
.L_overlay_start_0:
0x88: {  	s2 =	sld [smem:$0x3FD9]  }
0x89: {  	s3 =	sld [smem:$0x3FFE];
	_ =	sdelay $0x1  }
0x8a: {  	s1 =	srdreg.scid  }
0x8b: {  	s0 =	sand.u32 $0x1, s1  }
0x8c: {  	s16 =	sshll.u32 s0, $0xA;
	s2 =	sadd.s32 s3, s2  }
0x8d: {  	s2 =	sadd.s32 s2, s16  }
0x8e: {  	[smem:$0x3FC0] =	sst s2  }
0x8f: {  	_ = 	snop  }
0x90: {  	(tm) =	ssettm $0x1  }
0x91: {  	s17 =	sld [smem:$0x3FFB];
	_ =	sdelay $0x3  }
0x92: {  	_ =	strace s17  }
0x93: {  	s2 =	sld [smem:$0x3FFC];
	_ =	sdelay $0x3  }
0x94: {  	_ =	strace s2  }
0x95: {  	s2 =	sld [smem:$0x3FFD];
	_ =	sdelay $0x3  }
0x96: {  	_ =	strace s2  }
0x97: {  	_ =	strace $0x8FFFFFFF  }
0x98: {  	s18 =	sld [smem:$0x3FDB];
	_ =	sdelay $0x1  }
0x99: {  	s19 =	simm.s32 $_scs_section_size  }
0x9a: {  	s4 =	simm.s32 $_size__tile_overlayer_lowered;
	s5 =	simm.s32 $_tile_overlayer_lowered  }
0x9b: {  	s22 =	simm.s32 $0x1BFF;
	s21 =	sshll.u32 s5, $0x1;
	s2 =	sadd.s32 s19, s18  }
0x9c: {  	s6 =	simm.s32 $0x0;
	s20 =	sshll.u32 s4, $0x1;
	s4 =	sadd.s32 s21, s2  }
0x9d: {  	[timem:s6], [sflag:s22] =	dma.local [hbm:s4], s20  }
0x9e: {  	_ =	swait.ge [sflag:s22], s20  }
0x9f: {  	s3 =	ssub.s32 $0x0, s20;
	[sflag:s22] =	ssyncset.done $0x0  }
0xa0: {  	[sflag:s22] =	ssyncadd.s32 s3;
	_ =	sdelay $0x1  }
0xa1: {  	s23 =	simm.s32 $0x1B8B  }
0xa2: {  	_ =	swait.ge [sflag:s23], $0x1  }
0xa3: {  	[sflag:s23] =	ssyncset.done $0x0  }
0xa4: {  	s25 =	simm.s32 $0x1B8E;
	s24 =	sld [smem:$0x3FFE];
	[sflag:s23] =	ssyncadd.s32 $0xFFFFFFFF  }
0xa5: {  	s26 =	simm.s32 $execute0_lowered;
	[smem:$0x3FD2] =	sst s25  }
0xa6: {  	s4 =	sshll.u32 s26, $0x1;
	_ =	strace $0x80000049;
	[dreg:$0x1] =	wrdreg $0xFFFFFFFF  }
0xa7: {  	s28 =	simm.s32 $_size_execute0_lowered;
	s2 =	sadd.s32 s2, s4;
	[dreg:$0x0] =	wrdreg $0x0  }
0xa8: {  	s4 =	sshll.u32 s28, $0x1;
	[dreg:$0x2] =	wrdreg s2  }
0xa9: {  	[dreg:$0x3] =	wrdreg s4  }
0xaa: {  	[dreg:$0x4] =	wrdreg $0xC0  }
0xab: {  	_ =	task [dreg:s6], $0x5FFFF  }
0xac: {  	[dreg:$0x1] =	wrdreg $0xFFFFFFFF  }
0xad: {  	[dreg:$0x0] =	wrdreg $0x60  }
0xae: {  	[dreg:$0x2] =	wrdreg s24  }
0xaf: {  	[dreg:$0x3] =	wrdreg $0x0  }
0xb0: {  	[dreg:$0x4] =	wrdreg $0x9  }
0xb1: {  	_ =	task.clear_ibuf [dreg:s6], $0x5FFFF;
	_ =	strace $0x90000049  }
0xb2: {  	s29 =	simm.s32 $0x9;
	_ =	strace $0x8000004B  }
0xb3: {  	_ =	swait.ge [sflag:s29], $0x1  }
0xb4: {  	[sflag:s29] =	ssyncadd.s32 $0xFFFFFFFF  }
0xb5: {  	_ =	strace $0x9000004B  }
0xb6: {  	_ =	sfence  }
0xb7: {  	s30 =	sld [smem:$0x0];
	_ =	sdelay $0x2  }
0xb8: {  	s31 =	sshll.u32 s1, $0xD;
	s1 =	sshrl.u32 s1, $0x2  }
0xb9: {  	s3 =	sand.u32 $0x4000, s31;
	s1 =	sadd.s32 s1, s30  }
0xba: {  	s0 =	sor.u32 s3, s0;
	s1 =	sshll.u32 s1, $0x11  }
0xbb: {  	s0 =	sor.u32 s1, s0  }
0xbc: {  	s0 =	sadd.s32 $0x8F2B, s0  }
0xbd: {  	[sflag:s0] =	ssyncadd.remote.s32 $0x1  }
0xbe: {  	_ =	sfence.sel $0xFFFF  }
0xbf: {  	[dreg:$0x0] =	wrdreg $0xFFFFFFFF;
	(pc) =	sbr.abs _section_cstart, $3  }
0xc0: {  	[dreg:$0x1] =	wrdreg $0xFFFFFFFF  }
0xc1: {  	_ =	task.clear_ibuf [dreg:s6], $0x2FFFF;
	_ =	strace $0x9FFFFFFF  }
0xc2: {  	(tm) =	ssettm $0x7FFFFFFF  }
0xc3: {  	_ =	shalt  }
tec
execute0_lowered:
.L_overlay_start_1:
0x0: {  	(tag) =	ssettag $0x1  }
0x1: {  	s5 =	rddreg [dreg:$0x0];
	s0 =	srdreg.scid  }
0x2: {  	s2 =	rddreg [dreg:$0x1];
	s1 =	stileid.u32  }
0x3: {  	s3 =	simm.s32 $0x0;
	s16 =	simm.s32 $0x6;
	s6 =	smul.u32 $0x14000, s1  }
0x4: {  	s17 =	simm.s32 $0x80;
	s18 =	simm.s32 $0x17200;
	s30 =	smul.u32 $0x1F00, s1  }
0x5: {  	s15 =	sand.u32 $0x1, s0;
	s0 =	rddreg [dreg:$0x2];
	s31 =	smul.u32 $0x50000, s1  }
0x6: {  	s19 =	simm.s32 $0x4;
	[smem:$0x7FF] =	sst s3;
	s9 =	smul.u32 $0x640, s1  }
0x7: {  	s7 =	sadd.s32 $0x2200, s5;
	s4 =	smul.u32 $0x140000, s15;
	s8 =	ssub.s32 $0x2, s15  }
0x8: {  	_ =	strace $0x8000004A;
	p0 =	seq.s32 s15, $0x0;
	s29 =	sshrl.u32 s8, $0x1  }
0x9: {  	s6 =	sadd.s32 s6, s4;
	s14 =	ssub.s32 s8, s29;
	s8 =	sshrl.u32 s31, $0x2  }
0xa: {  	s4 =	sadd.s32 $0xC400, s5;
	s6 =	sshrl.u32 s6, $0x3;
	s8 =	sadd.s32 s8, s2  }
0xb: {  	s14 =	smax.u32 s14, $0x1;
	s13 =	sadd.s32 s6, s5;
	s5 =	simm.s32 $0x64  }
0xc: {  	s6 =	sshrl.u32 s30, $0x3;
	s10 =	sadd.s32 $0x8000, s8;
	s11 =	sadd.s32 $0xC000, s8  }
0xd: {  	s12 =	sadd.s32 $0x10000, s8;
	s5 =	simm.s32 @!p0 $0x3E;
	s6 =	sadd.s32 s7, s6  }
0xe: {  	s7 =	sadd.s32 s7, s9;
	s9 =	sadd.s32 $0x4000, s8;
	s13 =	sadd.s32 $0x33600, s13  }
0xf: {  	v0 =	vimm.f32 $0.0e+00;
	p0 =	sne.s32 s15, $0x0;
	s15 =	simm.s32 $0x17400;
	s6 =	sadd.s32 $0x6400, s6  }
.LBB2_1:
0x10: {  	s20 =	simm.s32 @p0 $0x0;
	s21 =	simm.s32 @p0 $0x14000  }
0x11: {  	[tilespmem:s21], [sflag:$0x5] =	stream.linear.gather @p0 [hbm4b:s6+s20], $0x1F00, $0x38;
	[tilespmem:$0x1F400] =	vst v63  }
0x12: {  	s20 =	simm.s32 @!p0 $0x0;
	s21 =	simm.s32 @!p0 $0x14000  }
0x13: {  	[tilespmem:s21], [sflag:$0x5] =	stream.linear.gather @!p0 [hbm4b:s7+s20], $0x3200, $0x38;
	[tilespmem:$0x1F400] =	vst v63  }
0x14: {  	s20 =	simm.s32 $0x0;
	s21 =	simm.s32 $0x200  }
.LBB2_2:
0x15: {  	p1 =	sne.s32 s21, $0xFE00;
	[tilespmem:s20+$0x17470] =	vst v0  }
0x16: {  	[tilespmem:s20+$0x17400] =	vst v0  }
0x17: {  	[tilespmem:s20+$0x17410] =	vst v0  }
.Ltmp0:
0x18: {  	[tilespmem:s20+$0x17420] =	vst v0;
	(pc) =	sbr.rel @p1 .LBB2_2-.Ltmp0, $4  }
0x19: {  	[tilespmem:s20+$0x17430] =	vst v0  }
0x1a: {  	[tilespmem:s20+$0x17440] =	vst v0  }
0x1b: {  	[tilespmem:s20+$0x17450] =	vst v0  }
0x1c: {  	[tilespmem:s20+$0x17460] =	vst v0;
	s20 =	sshra.s32 s21, $0x2;
	s21 =	sadd.s32 $0x200, s21  }
0x1d: {  	[tilespmem:s20+$0x17470] =	vst v0  }
0x1e: {  	[tilespmem:s20+$0x17400] =	vst v0  }
0x1f: {  	[tilespmem:s20+$0x17410] =	vst v0  }
0x20: {  	[tilespmem:s20+$0x17420] =	vst v0  }
0x21: {  	[tilespmem:s20+$0x17430] =	vst v0  }
0x22: {  	[tilespmem:s20+$0x17440] =	vst v0  }
0x23: {  	[tilespmem:s20+$0x17450] =	vst v0  }
0x24: {  	[tilespmem:s20+$0x17460] =	vst v0  }
0x25: {  	[spmem:s8] =	stream.linear.scatter [tilespmem:s15], [sflag:$0x6], $0x4000, $0x38;
	[tilespmem:$0x1F400] =	vst v63  }
0x26: {  	_ =	swait.ge [sflag:s16], $0x4000  }
0x27: {  	[sflag:s16] =	ssyncset.done $0x0  }
0x28: {  	[sflag:s16] =	ssyncadd.s32 $0xFFFFC000  }
0x29: {  	[spmem:s9] =	stream.linear.scatter [tilespmem:s15], [sflag:$0x6], $0x4000, $0x38;
	[tilespmem:$0x1F400] =	vst v63  }
0x2a: {  	_ =	swait.ge [sflag:s16], $0x4000  }
0x2b: {  	[sflag:s16] =	ssyncset.done $0x0  }
0x2c: {  	[sflag:s16] =	ssyncadd.s32 $0xFFFFC000  }
0x2d: {  	[spmem:s10] =	stream.linear.scatter [tilespmem:s15], [sflag:$0x6], $0x4000, $0x38;
	[tilespmem:$0x1F400] =	vst v63  }
0x2e: {  	_ =	swait.ge [sflag:s16], $0x4000  }
0x2f: {  	[sflag:s16] =	ssyncset.done $0x0  }
0x30: {  	[sflag:s16] =	ssyncadd.s32 $0xFFFFC000  }
0x31: {  	[spmem:s11] =	stream.linear.scatter [tilespmem:s15], [sflag:$0x6], $0x4000, $0x38;
	[tilespmem:$0x1F400] =	vst v63  }
0x32: {  	_ =	swait.ge [sflag:s16], $0x4000  }
0x33: {  	[sflag:s16] =	ssyncset.done $0x0  }
0x34: {  	[sflag:s16] =	ssyncadd.s32 $0xFFFFC000  }
0x35: {  	[spmem:s12] =	stream.linear.scatter [tilespmem:s15], [sflag:$0x6], $0x4000, $0x38;
	[tilespmem:$0x1F400] =	vst v63  }
0x36: {  	_ =	swait.ge [sflag:s16], $0x4000  }
0x37: {  	[sflag:s16] =	ssyncset.done $0x0  }
0x38: {  	s20 =	simm.s32 @p0 $0x5;
	[sflag:s16] =	ssyncadd.s32 $0xFFFFC000  }
0x39: {  	_ =	swait.ge @p0 [sflag:s20], $0x1F00  }
0x3a: {  	[sflag:s20] =	ssyncset.done @p0 $0x0  }
0x3b: {  	[sflag:s20] =	ssyncadd.s32 @p0 $0xFFFFE100;
	s20 =	simm.s32 @!p0 $0x5  }
0x3c: {  	_ =	swait.ge @!p0 [sflag:s20], $0x3200  }
0x3d: {  	[sflag:s20] =	ssyncset.done @!p0 $0x0  }
0x3e: {  	[sflag:s20] =	ssyncadd.s32 @!p0 $0xFFFFCE00  }
0x3f: {  	[bflag:$0x0] =	sbarrier.arrive $0xFFFF  }
0x40: {  	v1 =	vld [tilespmem:$0x14000];
	_ =	sdelay $0x1  }
0x41: {  	v2 =	vld [tilespmem:$0x14010];
	_ =	sdelay $0x1  }
0x42: {  	v3 =	vld [tilespmem:$0x14020]  }
0x43: {  	v4 =	vshrl.u32 v1, $0xE  }
0x44: {  	v62 =	vld [tilespmem:$0x14030];
	v1 =	vand.u32 $0x3FFF, v1;
	[tilespmem:$0x17200] =	vst v4  }
0x45: {  	[tilespmem:$0x17300] =	vst v1;
	v1 =	vshrl.u32 v2, $0xE  }
0x46: {  	[tilespmem:$0x17210] =	vst v1;
	v1 =	vand.u32 $0x3FFF, v2;
	v2 =	vld [tilespmem:$0x14040]  }
0x47: {  	[tilespmem:$0x17310] =	vst v1;
	v1 =	vshrl.u32 v3, $0xE  }
0x48: {  	[tilespmem:$0x17220] =	vst v1;
	v1 =	vand.u32 $0x3FFF, v3;
	v3 =	vld [tilespmem:$0x14050]  }
0x49: {  	[tilespmem:$0x17320] =	vst v1;
	v1 =	vshrl.u32 v62, $0xE  }
0x4a: {  	v63 =	vld [tilespmem:$0x14060];
	[tilespmem:$0x17230] =	vst v1;
	v1 =	vand.u32 $0x3FFF, v62  }
0x4b: {  	[tilespmem:$0x17330] =	vst v1;
	v1 =	vshrl.u32 v2, $0xE  }
0x4c: {  	[tilespmem:$0x17240] =	vst v1;
	v1 =	vand.u32 $0x3FFF, v2;
	v2 =	vld [tilespmem:$0x14070]  }
0x4d: {  	[tilespmem:$0x17340] =	vst v1;
	v1 =	vshrl.u32 v3, $0xE  }
0x4e: {  	[tilespmem:$0x17250] =	vst v1;
	v1 =	vand.u32 $0x3FFF, v3  }
0x4f: {  	[tilespmem:$0x17350] =	vst v1;
	v1 =	vshrl.u32 v63, $0xE  }
0x50: {  	[tilespmem:$0x17260] =	vst v1;
	v1 =	vand.u32 $0x3FFF, v63  }
0x51: {  	[tilespmem:$0x17360] =	vst v1;
	v1 =	vshrl.u32 v2, $0xE  }
0x52: {  	[tilespmem:$0x17270] =	vst v1;
	v1 =	vand.u32 $0x3FFF, v2  }
0x53: {  	s20 =	simm.s32 $0x0;
	[tilespmem:$0x17370] =	vst v1  }
0x54: {  	[tilespmem:s15], [sflag:$0x1] =	stream.indirect.gather [hbm4b:s4+s17], $0x80, s18, s17, $0xb8;
	[tilespmem:$0x1F400] =	vst v63  }
.LBB2_4:
0x55: {  	s21 =	sand.u32 $0x1, s20  }
0x56: {  	p1 =	seq.s32 s21, $0x1  }
0x57: {  	s21 =	sadd.s32 @p1 $0x1, s20  }
0x58: {  	s22 =	simm.s32 @p1 $0x3;
	p2 =	sge.u32 @p1 s21, s5  }
0x59: {  	_ =	swait.ge @p1 [sflag:s22], $0x4000;
	p2 =	por p2, !p1  }
0x5a: {  	[sflag:s22] =	ssyncset.done @p1 $0x0;
	s23 =	sshll.u32 @!p2 s21, $0x7  }
0x5b: {  	[sflag:s22] =	ssyncadd.s32 @p1 $0xFFFFC000;
	s22 =	sand.u32 @!p2 $0x3FFFFF80, s23  }
0x5c: {  	v1 =	vld @!p2 [tilespmem:s22+$0x14000];
	_ =	sdelay $0x4  }
0x5d: {  	v2 =	vshrl.u32 @!p2 v1, $0xE  }
0x5e: {  	v1 =	vand.u32 @!p2 $0x3FFF, v1;
	[tilespmem:$0x17200] =	vst @!p2 v2  }
0x5f: {  	[tilespmem:$0x17300] =	vst @!p2 v1  }
0x60: {  	v1 =	vld @!p2 [tilespmem:s22+$0x14010];
	_ =	sdelay $0x4  }
0x61: {  	v2 =	vshrl.u32 @!p2 v1, $0xE  }
0x62: {  	v1 =	vand.u32 @!p2 $0x3FFF, v1;
	[tilespmem:$0x17210] =	vst @!p2 v2  }
0x63: {  	[tilespmem:$0x17310] =	vst @!p2 v1  }
0x64: {  	v1 =	vld @!p2 [tilespmem:s22+$0x14020];
	_ =	sdelay $0x4  }
0x65: {  	v2 =	vshrl.u32 @!p2 v1, $0xE  }
0x66: {  	v1 =	vand.u32 @!p2 $0x3FFF, v1;
	[tilespmem:$0x17220] =	vst @!p2 v2  }
0x67: {  	[tilespmem:$0x17320] =	vst @!p2 v1  }
0x68: {  	v1 =	vld @!p2 [tilespmem:s22+$0x14030];
	_ =	sdelay $0x4  }
0x69: {  	v2 =	vshrl.u32 @!p2 v1, $0xE  }
0x6a: {  	v1 =	vand.u32 @!p2 $0x3FFF, v1;
	[tilespmem:$0x17230] =	vst @!p2 v2  }
0x6b: {  	[tilespmem:$0x17330] =	vst @!p2 v1  }
0x6c: {  	v1 =	vld @!p2 [tilespmem:s22+$0x14040];
	_ =	sdelay $0x4  }
0x6d: {  	v2 =	vshrl.u32 @!p2 v1, $0xE  }
0x6e: {  	v1 =	vand.u32 @!p2 $0x3FFF, v1;
	[tilespmem:$0x17240] =	vst @!p2 v2  }
0x6f: {  	[tilespmem:$0x17340] =	vst @!p2 v1  }
0x70: {  	v1 =	vld @!p2 [tilespmem:s22+$0x14050];
	_ =	sdelay $0x4  }
0x71: {  	v2 =	vshrl.u32 @!p2 v1, $0xE  }
0x72: {  	v1 =	vand.u32 @!p2 $0x3FFF, v1;
	[tilespmem:$0x17250] =	vst @!p2 v2  }
0x73: {  	[tilespmem:$0x17350] =	vst @!p2 v1  }
0x74: {  	v1 =	vld @!p2 [tilespmem:s22+$0x14060];
	_ =	sdelay $0x4  }
0x75: {  	v2 =	vshrl.u32 @!p2 v1, $0xE  }
0x76: {  	v1 =	vand.u32 @!p2 $0x3FFF, v1;
	[tilespmem:$0x17260] =	vst @!p2 v2  }
0x77: {  	[tilespmem:$0x17360] =	vst @!p2 v1  }
0x78: {  	v1 =	vld @!p2 [tilespmem:s22+$0x14070];
	_ =	sdelay $0x4  }
0x79: {  	v2 =	vshrl.u32 @!p2 v1, $0xE  }
0x7a: {  	v1 =	vand.u32 @!p2 $0x3FFF, v1;
	[tilespmem:$0x17270] =	vst @!p2 v2  }
0x7b: {  	s24 =	simm.s32 @!p2 $0x17400;
	s23 =	simm.s32 @!p2 $0x17200;
	s22 =	simm.s32 @!p2 $0x80;
	[tilespmem:$0x17370] =	vst @!p2 v1  }
0x7c: {  	[tilespmem:s24], [sflag:$0x1] =	stream.indirect.gather @!p2 [hbm4b:s4+s22], $0x80, s23, s22, $0xb8;
	[tilespmem:$0x1F400] =	vst v63  }
0x7d: {  	s22 =	simm.s32 @p1 $0x2  }
0x7e: {  	s23 =	simm.s32 @p1 $0x17380;
	s24 =	simm.s32 @p1 $0x1B400;
	_ =	swait.ge @p1 [sflag:s22], $0x4000  }
0x7f: {  	p2 =	seq.s32 @!p1 s20, $0x0;
	s20 =	sor.u32 @!p1 $0x1, s20;
	[sflag:s22] =	ssyncset.done @p1 $0x0  }
0x80: {  	p3 =	por p2, p1;
	[sflag:s22] =	ssyncadd.s32 @p1 $0xFFFFC000;
	s22 =	simm.s32 @p1 $0x80  }
0x81: {  	[spmem:s2] =	stream.indirect.scatter.add.f32 @p1 [tilespmem:s24], [sflag:$0x4], $0x80, s23, s22, $0xb8;
	[tilespmem:$0x1F400] =	vst v63  }
0x82: {  	p2 =	sge.u32 @!p1 s20, s5;
	s22 =	simm.s32 @!p3 $0x4  }
0x83: {  	p2 =	por p2, p1;
	_ =	swait.ge @!p3 [sflag:s22], $0x4000  }
0x84: {  	s23 =	sshll.u32 @!p2 s20, $0x7;
	[sflag:s22] =	ssyncset.done @!p3 $0x0  }
0x85: {  	[sflag:s22] =	ssyncadd.s32 @!p3 $0xFFFFC000;
	s22 =	sand.u32 @!p2 $0x3FFFFF80, s23  }
0x86: {  	v1 =	vld @!p2 [tilespmem:s22+$0x14000];
	_ =	sdelay $0x4  }
0x87: {  	v2 =	vshrl.u32 @!p2 v1, $0xE  }
0x88: {  	v1 =	vand.u32 @!p2 $0x3FFF, v1;
	[tilespmem:$0x17280] =	vst @!p2 v2  }
0x89: {  	[tilespmem:$0x17380] =	vst @!p2 v1  }
0x8a: {  	v1 =	vld @!p2 [tilespmem:s22+$0x14010];
	_ =	sdelay $0x4  }
0x8b: {  	v2 =	vshrl.u32 @!p2 v1, $0xE  }
0x8c: {  	v1 =	vand.u32 @!p2 $0x3FFF, v1;
	[tilespmem:$0x17290] =	vst @!p2 v2  }
0x8d: {  	[tilespmem:$0x17390] =	vst @!p2 v1  }
0x8e: {  	v1 =	vld @!p2 [tilespmem:s22+$0x14020];
	_ =	sdelay $0x4  }
0x8f: {  	v2 =	vshrl.u32 @!p2 v1, $0xE  }
0x90: {  	v1 =	vand.u32 @!p2 $0x3FFF, v1;
	[tilespmem:$0x172A0] =	vst @!p2 v2  }
0x91: {  	[tilespmem:$0x173A0] =	vst @!p2 v1  }
0x92: {  	v1 =	vld @!p2 [tilespmem:s22+$0x14030];
	_ =	sdelay $0x4  }
0x93: {  	v2 =	vshrl.u32 @!p2 v1, $0xE  }
0x94: {  	v1 =	vand.u32 @!p2 $0x3FFF, v1;
	[tilespmem:$0x172B0] =	vst @!p2 v2  }
0x95: {  	[tilespmem:$0x173B0] =	vst @!p2 v1  }
0x96: {  	v1 =	vld @!p2 [tilespmem:s22+$0x14040];
	_ =	sdelay $0x4  }
0x97: {  	v2 =	vshrl.u32 @!p2 v1, $0xE  }
0x98: {  	v1 =	vand.u32 @!p2 $0x3FFF, v1;
	[tilespmem:$0x172C0] =	vst @!p2 v2  }
0x99: {  	[tilespmem:$0x173C0] =	vst @!p2 v1  }
0x9a: {  	v1 =	vld @!p2 [tilespmem:s22+$0x14050];
	_ =	sdelay $0x4  }
0x9b: {  	v2 =	vshrl.u32 @!p2 v1, $0xE  }
0x9c: {  	v1 =	vand.u32 @!p2 $0x3FFF, v1;
	[tilespmem:$0x172D0] =	vst @!p2 v2  }
0x9d: {  	[tilespmem:$0x173D0] =	vst @!p2 v1  }
0x9e: {  	v1 =	vld @!p2 [tilespmem:s22+$0x14060];
	_ =	sdelay $0x4  }
0x9f: {  	v2 =	vshrl.u32 @!p2 v1, $0xE  }
0xa0: {  	v1 =	vand.u32 @!p2 $0x3FFF, v1;
	[tilespmem:$0x172E0] =	vst @!p2 v2  }
0xa1: {  	[tilespmem:$0x173E0] =	vst @!p2 v1  }
0xa2: {  	v1 =	vld @!p2 [tilespmem:s22+$0x14070];
	_ =	sdelay $0x4  }
0xa3: {  	v2 =	vshrl.u32 @!p2 v1, $0xE  }
0xa4: {  	v1 =	vand.u32 @!p2 $0x3FFF, v1;
	[tilespmem:$0x172F0] =	vst @!p2 v2  }
0xa5: {  	s24 =	simm.s32 @!p2 $0x1B400;
	s23 =	simm.s32 @!p2 $0x17280;
	s22 =	simm.s32 @!p2 $0x80;
	[tilespmem:$0x173F0] =	vst @!p2 v1  }
0xa6: {  	[tilespmem:s24], [sflag:$0x2] =	stream.indirect.gather @!p2 [hbm4b:s4+s22], $0x80, s23, s22, $0xb8;
	[tilespmem:$0x1F400] =	vst v63  }
0xa7: {  	s22 =	simm.s32 @!p1 $0x1  }
0xa8: {  	_ =	swait.ge @!p1 [sflag:s22], $0x4000  }
0xa9: {  	s20 =	smov.u32 @p1 s21;
	s23 =	simm.s32 @!p1 $0x17300;
	[sflag:s22] =	ssyncset.done @!p1 $0x0  }
0xaa: {  	s24 =	simm.s32 @!p1 $0x17400;
	[sflag:s22] =	ssyncadd.s32 @!p1 $0xFFFFC000;
	s22 =	simm.s32 @!p1 $0x80  }
0xab: {  	[spmem:s2] =	stream.indirect.scatter.add.f32 @!p1 [tilespmem:s24], [sflag:$0x3], $0x80, s23, s22, $0xb8;
	[tilespmem:$0x1F400] =	vst v63  }
0xac: {  	p1 =	sne.s32 s20, s5  }
.Ltmp1:
0xad: {  	_ = 	snop;
	(pc) =	sbr.rel @p1 .LBB2_4-.Ltmp1, $1  }
0xae: {  	_ =	sdelay $0x3  }
0xaf: {  	_ =	swait.ge [sflag:s19], $0x4000  }
0xb0: {  	s20 =	sshll.u32 s1, $0x6;
	s3 =	sadd.s32 $0x1, s3;
	[sflag:s19] =	ssyncset.done $0x0  }
0xb1: {  	s21 =	sshrl.u32 s8, $0x3;
	p1 =	sne.s32 s3, s14;
	[sflag:s19] =	ssyncadd.s32 $0xFFFFC000  }
.Ltmp2:
0xb2: {  	s20 =	sor.u32 $0x1C06, s20;
	[bflag:$0x0] =	sbarrier.arrive $0xFFFF;
	(pc) =	sbr.rel @p1 .LBB2_1-.Ltmp2, $4  }
0xb3: {  	[hbm:s13], [sflag:s20] =	dma.local [spmem:s21], $0x2800  }
0xb4: {  	_ =	swait.ge [sflag:s16], $0x2800  }
0xb5: {  	[sflag:s16] =	ssyncset.done $0x0  }
0xb6: {  	[sflag:s16] =	ssyncadd.s32 $0xFFFFD800  }
0xb7: {  	_ =	sfence.sel $0x180000  }
0xb8: {  	[bflag:$0x0] =	sbarrier.arrive $0xFFFF  }
0xb9: {  	p0 =	sne.s32 s1, $0x0;
	_ =	strace $0x9000004A  }
0xba: {  	s0 =	sadd.s32 @!p0 $0x100000, s0;
	[bflag:$0x2] =	sbarrier.arrive $0xFFFF  }
0xbb: {  	[sflag:s0] =	ssyncadd.tile.s32 @!p0 $0x1;
	_ =	shalt  }
.Lfunc_end2:
_tile_overlayer_lowered:
.L_overlay_start_2:
0xbc: {  	(tag) =	ssettag $0x2  }
0xbd: {  	s0 =	rddreg [dreg:$0x0];
	s2 =	stileid.u32  }
0xbe: {  	s1 =	rddreg [dreg:$0x1];
	p0 =	sne.s32 s2, $0x0  }
0xbf: {  	s3 =	rddreg [dreg:$0x2];
	[bflag:$0x3] =	sbarrier.arrive $0xFFFF;
	s2 =	simm.s32 @!p0 $0x1C06  }
0xc0: {  	[timem:s3], [sflag:s2] =	dma.local @!p0 [hbm:s0], s1  }
0xc1: {  	s0 =	simm.s32 @!p0 $0x6  }
0xc2: {  	_ =	swait.ge @!p0 [sflag:s0], s1  }
0xc3: {  	s1 =	ssub.s32 @!p0 $0x0, s1;
	[sflag:s0] =	ssyncset.done @!p0 $0x0  }
0xc4: {  	[sflag:s0] =	ssyncadd.s32 @!p0 s1  }
0xc5: {  	[bflag:$0x3] =	sbarrier.arrive $0xFFFF  }
0xc6: {  	_ =	shalt  }

// kernel: kernel.14.cloned.1.call-start
scs
__scs_entry_jumppad:
0x0: {  	(pc) =	sbr.rel $0x88, $3  }
0x1: {  	(tag) =	ssettag $0x0;
	lr =	simm.s32 $0x1  }
0x2: {  	[smem:$0x3F99] =	sst lr;
	_ =	strace $0xD0000000  }
0x3: {  	_ = 	snop  }
0x4: {  	_ = 	snop  }
0x5: {  	_ = 	snop  }
0x6: {  	_ = 	snop  }
0x7: {  	_ = 	snop  }
__scs_overlays_trampoline_lowered:
0x8: {  	[smem:$0x3FA8] =	sst s0  }
0x9: {  	[smem:$0x3FA9] =	sst s1  }
0xa: {  	[smem:$0x3FAA] =	sst s2  }
0xb: {  	[smem:$0x3FAB] =	sst s3  }
0xc: {  	[smem:$0x3FAC] =	sst s4  }
0xd: {  	[smem:$0x3FAD] =	sst s5  }
0xe: {  	[smem:$0x3FAE] =	sst s6  }
0xf: {  	[smem:$0x3FAF] =	sst s7  }
0x10: {  	[smem:$0x3FB0] =	sst s8  }
0x11: {  	[smem:$0x3FB1] =	sst s9;
	s0 =	simm.s32 @!p0 $0x0  }
0x12: {  	s1 =	sld [smem:$0x3F97];
	s0 =	simm.s32 @p0 $0x1  }
0x13: {  	[smem:$0x3FB2] =	sst s0;
	s0 =	simm.s32 @!p1 $0x0  }
0x14: {  	s2 =	sld [smem:$0x3F96];
	s0 =	simm.s32 @p1 $0x1  }
0x15: {  	[smem:$0x3FB3] =	sst s0;
	s0 =	simm.s32 @!p2 $0x0  }
0x16: {  	s3 =	sld [smem:$0x3FDB];
	s0 =	simm.s32 @p2 $0x1  }
0x17: {  	s4 =	simm.s32 $0x1BF5;
	[smem:$0x3FB5] =	sst s0  }
0x18: {  	s0 =	sld [smem:$0x3F98];
	_ =	swait.ge [sflag:s4], $0x0  }
0x19: {  	s7 =	sld [smem:$0x3F99]  }
0x1a: {  	s8 =	sadd.s32 $0xFFFFE003, lr  }
0x1b: {  	s9 =	sadd.s32 $0xFFFFFEF7, lr;
	s5 =	simm.s32 $0xFFFFFFFF;
	p2 =	slt.u32 s8, $0xFFFFF086  }
0x1c: {  	p1 =	slt.u32 s9, $0xF7A;
	s5 =	simm.s32 @!p2 $0x0  }
0x1d: {  	s5 =	simm.s32 @p1 $0x1;
	p0 =	seq.s32 s7, s2  }
0x1e: {  	s7 =	smul.u32 @!p0 $0xF7A, s2;
	p2 =	seq.s32 @!p0 s5, $0x0  }
0x1f: {  	s9 =	smul.u32 $0xF7A, s1;
	s8 =	simm.s32 @!p0 $0x1BF5;
	p2 =	por !p2, p0  }
0x20: {  	[sflag:s8] =	ssyncset.s32 @!p0 $0xFFFFF086;
	s6 =	sadd.s32 @!p0 s3, s7;
	s7 =	simm.s32 @!p0 $0x108  }
0x21: {  	s3 =	sadd.s32 s3, s9;
	s6 =	sadd.s32 @!p0 $0x88, s6;
	s7 =	simm.s32 @p2 $0x1082  }
0x22: {  	[simem:s7], [sflag:s8] =	dma.local @!p0 [hbm:s6], $0xF7A  }
0x23: {  	s9 =	sor.u32 $0xD0000000, s2;
	s6 =	simm.s32 $0x108;
	_ =	swait.ge @!p0 [sflag:s8], $0x0  }
0x24: {  	s3 =	sadd.s32 $0x88, s3;
	s6 =	simm.s32 @!p1 $0x1082;
	[sflag:s4] =	ssyncset.s32 $0xFFFFF086  }
0x25: {  	[simem:s6], [sflag:s4] =	dma.local [hbm:s3], $0xF7A  }
0x26: {  	[smem:$0x3F99] =	sst s1;
	(tag) =	ssettag s2;
	_ =	strace s9  }
0x27: {  	s1 =	sld [smem:$0x3FA9]  }
0x28: {  	s2 =	sld [smem:$0x3FAA]  }
0x29: {  	s4 =	sld [smem:$0x3FAC]  }
0x2a: {  	p0 =	seq.s32 s5, $0x0;
	s5 =	sld [smem:$0x3FAD]  }
0x2b: {  	s6 =	sld [smem:$0x3FAE]  }
0x2c: {  	s7 =	sld [smem:$0x3FAF]  }
0x2d: {  	s3 =	simm.s32 $0x108;
	s8 =	sld [smem:$0x3FB0]  }
0x2e: {  	s3 =	simm.s32 @!p0 $0x1082;
	s9 =	sld [smem:$0x3FB1]  }
0x2f: {  	lr =	sadd.s32 s0, s3;
	s0 =	sld [smem:$0x3FA8]  }
0x30: {  	s3 =	sld [smem:$0x3FAB]  }
0x31: {  	[smem:$0x3FB4] =	sst s10  }
0x32: {  	s10 =	sld [smem:$0x3FB2];
	_ =	sdelay $0x3  }
0x33: {  	p0 =	seq.s32 s10, $0x1;
	s10 =	sld [smem:$0x3FB4];
	_ =	sdelay $0x3  }
0x34: {  	[smem:$0x3FB4] =	sst s10  }
0x35: {  	s10 =	sld [smem:$0x3FB3];
	_ =	sdelay $0x3  }
0x36: {  	p1 =	seq.s32 s10, $0x1;
	s10 =	sld [smem:$0x3FB4];
	_ =	sdelay $0x3  }
0x37: {  	[smem:$0x3FB4] =	sst s10  }
0x38: {  	s10 =	sld [smem:$0x3FB5]  }
0x39: {  	_ = 	snop;
	(pc) =	sbr.ind lr, $3  }
0x3a: {  	_ = 	snop  }
0x3b: {  	_ = 	snop  }
0x3c: {  	p2 =	seq.s32 s10, $0x1;
	s10 =	sld [smem:$0x3FB4]  }
0x3d: {  	_ =	shalt  }
0x3e: {  	_ =	shalt  }
0x3f: {  	_ =	shalt  }
0x40: {  	_ =	shalt  }
0x41: {  	_ =	shalt  }
0x42: {  	_ =	shalt  }
0x43: {  	_ =	shalt  }
0x44: {  	_ =	shalt  }
0x45: {  	_ =	shalt  }
0x46: {  	_ =	shalt  }
0x47: {  	_ =	shalt  }
0x48: {  	_ =	shalt  }
0x49: {  	_ =	shalt  }
0x4a: {  	_ =	shalt  }
0x4b: {  	_ =	shalt  }
0x4c: {  	_ =	shalt  }
0x4d: {  	_ =	shalt  }
0x4e: {  	_ =	shalt  }
0x4f: {  	_ =	shalt  }
0x50: {  	_ =	shalt  }
0x51: {  	_ =	shalt  }
0x52: {  	_ =	shalt  }
0x53: {  	_ =	shalt  }
0x54: {  	_ =	shalt  }
0x55: {  	_ =	shalt  }
0x56: {  	_ =	shalt  }
0x57: {  	_ =	shalt  }
0x58: {  	_ =	shalt  }
0x59: {  	_ =	shalt  }
0x5a: {  	_ =	shalt  }
0x5b: {  	_ =	shalt  }
0x5c: {  	_ =	shalt  }
0x5d: {  	_ =	shalt  }
0x5e: {  	_ =	shalt  }
0x5f: {  	_ =	shalt  }
0x60: {  	_ =	shalt  }
0x61: {  	_ =	shalt  }
0x62: {  	_ =	shalt  }
0x63: {  	_ =	shalt  }
0x64: {  	_ =	shalt  }
0x65: {  	_ =	shalt  }
0x66: {  	_ =	shalt  }
0x67: {  	_ =	shalt  }
0x68: {  	_ =	shalt  }
0x69: {  	_ =	shalt  }
0x6a: {  	_ =	shalt  }
0x6b: {  	_ =	shalt  }
0x6c: {  	_ =	shalt  }
0x6d: {  	_ =	shalt  }
0x6e: {  	_ =	shalt  }
0x6f: {  	_ =	shalt  }
0x70: {  	_ =	shalt  }
0x71: {  	_ =	shalt  }
0x72: {  	_ =	shalt  }
0x73: {  	_ =	shalt  }
0x74: {  	_ =	shalt  }
0x75: {  	_ =	shalt  }
0x76: {  	_ =	shalt  }
0x77: {  	_ =	shalt  }
0x78: {  	_ =	shalt  }
0x79: {  	_ =	shalt  }
0x7a: {  	_ =	shalt  }
0x7b: {  	_ =	shalt  }
0x7c: {  	_ =	shalt  }
0x7d: {  	_ =	shalt  }
0x7e: {  	_ =	shalt  }
0x7f: {  	_ =	shalt  }
0x80: {  	_ =	shalt  }
0x81: {  	_ =	shalt  }
0x82: {  	_ =	shalt  }
0x83: {  	_ =	shalt  }
0x84: {  	_ =	shalt  }
0x85: {  	_ =	shalt  }
0x86: {  	_ =	shalt  }
0x87: {  	_ =	shalt  }
.Lfunc_end0:
.L_simem_size_0:
called_computation.2_lowered:
.L_overlay_start_0:
0x88: {  	s2 =	sld [smem:$0x3FD9]  }
0x89: {  	s3 =	sld [smem:$0x3FFE];
	_ =	sdelay $0x1  }
0x8a: {  	s1 =	srdreg.scid  }
0x8b: {  	s0 =	sand.u32 $0x1, s1  }
0x8c: {  	s16 =	sshll.u32 s0, $0xA;
	s2 =	sadd.s32 s3, s2  }
0x8d: {  	s2 =	sadd.s32 s2, s16  }
0x8e: {  	[smem:$0x3FC0] =	sst s2  }
0x8f: {  	_ = 	snop  }
0x90: {  	(tm) =	ssettm $0x1  }
0x91: {  	s17 =	sld [smem:$0x3FFB];
	_ =	sdelay $0x3  }
0x92: {  	_ =	strace s17  }
0x93: {  	s2 =	sld [smem:$0x3FFC];
	_ =	sdelay $0x3  }
0x94: {  	_ =	strace s2  }
0x95: {  	s2 =	sld [smem:$0x3FFD];
	_ =	sdelay $0x3  }
0x96: {  	_ =	strace s2  }
0x97: {  	_ =	strace $0x8FFFFFFF  }
0x98: {  	s18 =	sld [smem:$0x3FDB];
	_ =	sdelay $0x1  }
0x99: {  	s19 =	simm.s32 $_scs_section_size  }
0x9a: {  	s4 =	simm.s32 $_size__tile_overlayer_lowered;
	s5 =	simm.s32 $_tile_overlayer_lowered  }
0x9b: {  	s22 =	simm.s32 $0x1BFF;
	s21 =	sshll.u32 s5, $0x1;
	s2 =	sadd.s32 s19, s18  }
0x9c: {  	s6 =	simm.s32 $0x0;
	s20 =	sshll.u32 s4, $0x1;
	s4 =	sadd.s32 s21, s2  }
0x9d: {  	[timem:s6], [sflag:s22] =	dma.local [hbm:s4], s20  }
0x9e: {  	_ =	swait.ge [sflag:s22], s20  }
0x9f: {  	s3 =	ssub.s32 $0x0, s20;
	[sflag:s22] =	ssyncset.done $0x0  }
0xa0: {  	[sflag:s22] =	ssyncadd.s32 s3;
	_ =	sdelay $0x1  }
0xa1: {  	s23 =	simm.s32 $0x1B8B  }
0xa2: {  	_ =	swait.ge [sflag:s23], $0x1  }
0xa3: {  	[sflag:s23] =	ssyncset.done $0x0  }
0xa4: {  	s25 =	simm.s32 $0x1B8E;
	s24 =	sld [smem:$0x3FFE];
	[sflag:s23] =	ssyncadd.s32 $0xFFFFFFFF  }
0xa5: {  	s26 =	simm.s32 $execute0_lowered;
	[smem:$0x3FD2] =	sst s25  }
0xa6: {  	s4 =	sshll.u32 s26, $0x1;
	_ =	strace $0x8000004C;
	[dreg:$0x1] =	wrdreg $0xFFFFFFFF  }
0xa7: {  	s28 =	simm.s32 $_size_execute0_lowered;
	s2 =	sadd.s32 s2, s4;
	[dreg:$0x0] =	wrdreg $0x0  }
0xa8: {  	s4 =	sshll.u32 s28, $0x1;
	[dreg:$0x2] =	wrdreg s2  }
0xa9: {  	[dreg:$0x3] =	wrdreg s4  }
0xaa: {  	[dreg:$0x4] =	wrdreg $0xC0  }
0xab: {  	_ =	task [dreg:s6], $0x5FFFF  }
0xac: {  	[dreg:$0x1] =	wrdreg $0xFFFFFFFF  }
0xad: {  	[dreg:$0x0] =	wrdreg $0x60  }
0xae: {  	[dreg:$0x2] =	wrdreg s24  }
0xaf: {  	[dreg:$0x3] =	wrdreg $0x0  }
0xb0: {  	[dreg:$0x4] =	wrdreg $0x9  }
0xb1: {  	_ =	task.clear_ibuf [dreg:s6], $0x5FFFF;
	_ =	strace $0x9000004C  }
0xb2: {  	s29 =	simm.s32 $0x9;
	_ =	strace $0x8000004E  }
0xb3: {  	_ =	swait.ge [sflag:s29], $0x1  }
0xb4: {  	[sflag:s29] =	ssyncadd.s32 $0xFFFFFFFF  }
0xb5: {  	_ =	strace $0x9000004E  }
0xb6: {  	_ =	sfence  }
0xb7: {  	s30 =	sld [smem:$0x0];
	_ =	sdelay $0x2  }
0xb8: {  	s31 =	sshll.u32 s1, $0xD;
	s1 =	sshrl.u32 s1, $0x2  }
0xb9: {  	s3 =	sand.u32 $0x4000, s31;
	s1 =	sadd.s32 s1, s30  }
0xba: {  	s0 =	sor.u32 s3, s0;
	s1 =	sshll.u32 s1, $0x11  }
0xbb: {  	s0 =	sor.u32 s1, s0  }
0xbc: {  	s0 =	sadd.s32 $0x8F2B, s0  }
0xbd: {  	[sflag:s0] =	ssyncadd.remote.s32 $0x1  }
0xbe: {  	_ =	sfence.sel $0xFFFF  }
0xbf: {  	[dreg:$0x0] =	wrdreg $0xFFFFFFFF;
	(pc) =	sbr.abs _section_cstart, $3  }
0xc0: {  	[dreg:$0x1] =	wrdreg $0xFFFFFFFF  }
0xc1: {  	_ =	task.clear_ibuf [dreg:s6], $0x2FFFF;
	_ =	strace $0x9FFFFFFF  }
0xc2: {  	(tm) =	ssettm $0x7FFFFFFF  }
0xc3: {  	_ =	shalt  }
tec
execute0_lowered:
.L_overlay_start_1:
0x0: {  	(tag) =	ssettag $0x1  }
0x1: {  	s5 =	rddreg [dreg:$0x0];
	s0 =	srdreg.scid  }
0x2: {  	s2 =	rddreg [dreg:$0x1];
	s1 =	stileid.u32  }
0x3: {  	s3 =	simm.s32 $0x0;
	s16 =	simm.s32 $0x6;
	s6 =	smul.u32 $0x14000, s1  }
0x4: {  	s17 =	simm.s32 $0x80;
	s18 =	simm.s32 $0x17200;
	s30 =	smul.u32 $0x1F00, s1  }
0x5: {  	s15 =	sand.u32 $0x1, s0;
	s0 =	rddreg [dreg:$0x2];
	s31 =	smul.u32 $0x50000, s1  }
0x6: {  	s19 =	simm.s32 $0x4;
	[smem:$0x7FF] =	sst s3;
	s9 =	smul.u32 $0x640, s1  }
0x7: {  	s7 =	sadd.s32 $0x2200, s5;
	s4 =	smul.u32 $0x140000, s15;
	s8 =	ssub.s32 $0x2, s15  }
0x8: {  	_ =	strace $0x8000004D;
	p0 =	seq.s32 s15, $0x0;
	s29 =	sshrl.u32 s8, $0x1  }
0x9: {  	s6 =	sadd.s32 s6, s4;
	s14 =	ssub.s32 s8, s29;
	s8 =	sshrl.u32 s31, $0x2  }
0xa: {  	s4 =	sadd.s32 $0xC400, s5;
	s6 =	sshrl.u32 s6, $0x3;
	s8 =	sadd.s32 s8, s2  }
0xb: {  	s14 =	smax.u32 s14, $0x1;
	s13 =	sadd.s32 s6, s5;
	s5 =	simm.s32 $0x64  }
0xc: {  	s6 =	sshrl.u32 s30, $0x3;
	s10 =	sadd.s32 $0x8000, s8;
	s11 =	sadd.s32 $0xC000, s8  }
0xd: {  	s12 =	sadd.s32 $0x10000, s8;
	s5 =	simm.s32 @!p0 $0x3E;
	s6 =	sadd.s32 s7, s6  }
0xe: {  	s7 =	sadd.s32 s7, s9;
	s9 =	sadd.s32 $0x4000, s8;
	s13 =	sadd.s32 $0x33600, s13  }
0xf: {  	v0 =	vimm.f32 $0.0e+00;
	p0 =	sne.s32 s15, $0x0;
	s15 =	simm.s32 $0x17400;
	s6 =	sadd.s32 $0x6400, s6  }
.LBB2_1:
0x10: {  	s20 =	simm.s32 @p0 $0x0;
	s21 =	simm.s32 @p0 $0x14000  }
0x11: {  	[tilespmem:s21], [sflag:$0x5] =	stream.linear.gather @p0 [hbm4b:s6+s20], $0x1F00, $0x38;
	[tilespmem:$0x1F400] =	vst v63  }
0x12: {  	s20 =	simm.s32 @!p0 $0x0;
	s21 =	simm.s32 @!p0 $0x14000  }
0x13: {  	[tilespmem:s21], [sflag:$0x5] =	stream.linear.gather @!p0 [hbm4b:s7+s20], $0x3200, $0x38;
	[tilespmem:$0x1F400] =	vst v63  }
0x14: {  	s20 =	simm.s32 $0x0;
	s21 =	simm.s32 $0x200  }
.LBB2_2:
0x15: {  	p1 =	sne.s32 s21, $0xFE00;
	[tilespmem:s20+$0x17470] =	vst v0  }
0x16: {  	[tilespmem:s20+$0x17400] =	vst v0  }
0x17: {  	[tilespmem:s20+$0x17410] =	vst v0  }
.Ltmp0:
0x18: {  	[tilespmem:s20+$0x17420] =	vst v0;
	(pc) =	sbr.rel @p1 .LBB2_2-.Ltmp0, $4  }
0x19: {  	[tilespmem:s20+$0x17430] =	vst v0  }
0x1a: {  	[tilespmem:s20+$0x17440] =	vst v0  }
0x1b: {  	[tilespmem:s20+$0x17450] =	vst v0  }
0x1c: {  	[tilespmem:s20+$0x17460] =	vst v0;
	s20 =	sshra.s32 s21, $0x2;
	s21 =	sadd.s32 $0x200, s21  }
0x1d: {  	[tilespmem:s20+$0x17470] =	vst v0  }
0x1e: {  	[tilespmem:s20+$0x17400] =	vst v0  }
0x1f: {  	[tilespmem:s20+$0x17410] =	vst v0  }
0x20: {  	[tilespmem:s20+$0x17420] =	vst v0  }
0x21: {  	[tilespmem:s20+$0x17430] =	vst v0  }
0x22: {  	[tilespmem:s20+$0x17440] =	vst v0  }
0x23: {  	[tilespmem:s20+$0x17450] =	vst v0  }
0x24: {  	[tilespmem:s20+$0x17460] =	vst v0  }
0x25: {  	[spmem:s8] =	stream.linear.scatter [tilespmem:s15], [sflag:$0x6], $0x4000, $0x38;
	[tilespmem:$0x1F400] =	vst v63  }
0x26: {  	_ =	swait.ge [sflag:s16], $0x4000  }
0x27: {  	[sflag:s16] =	ssyncset.done $0x0  }
0x28: {  	[sflag:s16] =	ssyncadd.s32 $0xFFFFC000  }
0x29: {  	[spmem:s9] =	stream.linear.scatter [tilespmem:s15], [sflag:$0x6], $0x4000, $0x38;
	[tilespmem:$0x1F400] =	vst v63  }
0x2a: {  	_ =	swait.ge [sflag:s16], $0x4000  }
0x2b: {  	[sflag:s16] =	ssyncset.done $0x0  }
0x2c: {  	[sflag:s16] =	ssyncadd.s32 $0xFFFFC000  }
0x2d: {  	[spmem:s10] =	stream.linear.scatter [tilespmem:s15], [sflag:$0x6], $0x4000, $0x38;
	[tilespmem:$0x1F400] =	vst v63  }
0x2e: {  	_ =	swait.ge [sflag:s16], $0x4000  }
0x2f: {  	[sflag:s16] =	ssyncset.done $0x0  }
0x30: {  	[sflag:s16] =	ssyncadd.s32 $0xFFFFC000  }
0x31: {  	[spmem:s11] =	stream.linear.scatter [tilespmem:s15], [sflag:$0x6], $0x4000, $0x38;
	[tilespmem:$0x1F400] =	vst v63  }
0x32: {  	_ =	swait.ge [sflag:s16], $0x4000  }
0x33: {  	[sflag:s16] =	ssyncset.done $0x0  }
0x34: {  	[sflag:s16] =	ssyncadd.s32 $0xFFFFC000  }
0x35: {  	[spmem:s12] =	stream.linear.scatter [tilespmem:s15], [sflag:$0x6], $0x4000, $0x38;
	[tilespmem:$0x1F400] =	vst v63  }
0x36: {  	_ =	swait.ge [sflag:s16], $0x4000  }
0x37: {  	[sflag:s16] =	ssyncset.done $0x0  }
0x38: {  	s20 =	simm.s32 @p0 $0x5;
	[sflag:s16] =	ssyncadd.s32 $0xFFFFC000  }
0x39: {  	_ =	swait.ge @p0 [sflag:s20], $0x1F00  }
0x3a: {  	[sflag:s20] =	ssyncset.done @p0 $0x0  }
0x3b: {  	[sflag:s20] =	ssyncadd.s32 @p0 $0xFFFFE100;
	s20 =	simm.s32 @!p0 $0x5  }
0x3c: {  	_ =	swait.ge @!p0 [sflag:s20], $0x3200  }
0x3d: {  	[sflag:s20] =	ssyncset.done @!p0 $0x0  }
0x3e: {  	[sflag:s20] =	ssyncadd.s32 @!p0 $0xFFFFCE00  }
0x3f: {  	[bflag:$0x0] =	sbarrier.arrive $0xFFFF  }
0x40: {  	v1 =	vld [tilespmem:$0x14000];
	_ =	sdelay $0x1  }
0x41: {  	v2 =	vld [tilespmem:$0x14010];
	_ =	sdelay $0x1  }
0x42: {  	v3 =	vld [tilespmem:$0x14020]  }
0x43: {  	v4 =	vshrl.u32 v1, $0xE  }
0x44: {  	v62 =	vld [tilespmem:$0x14030];
	v1 =	vand.u32 $0x3FFF, v1;
	[tilespmem:$0x17200] =	vst v4  }
0x45: {  	[tilespmem:$0x17300] =	vst v1;
	v1 =	vshrl.u32 v2, $0xE  }
0x46: {  	[tilespmem:$0x17210] =	vst v1;
	v1 =	vand.u32 $0x3FFF, v2;
	v2 =	vld [tilespmem:$0x14040]  }
0x47: {  	[tilespmem:$0x17310] =	vst v1;
	v1 =	vshrl.u32 v3, $0xE  }
0x48: {  	[tilespmem:$0x17220] =	vst v1;
	v1 =	vand.u32 $0x3FFF, v3;
	v3 =	vld [tilespmem:$0x14050]  }
0x49: {  	[tilespmem:$0x17320] =	vst v1;
	v1 =	vshrl.u32 v62, $0xE  }
0x4a: {  	v63 =	vld [tilespmem:$0x14060];
	[tilespmem:$0x17230] =	vst v1;
	v1 =	vand.u32 $0x3FFF, v62  }
0x4b: {  	[tilespmem:$0x17330] =	vst v1;
	v1 =	vshrl.u32 v2, $0xE  }
0x4c: {  	[tilespmem:$0x17240] =	vst v1;
	v1 =	vand.u32 $0x3FFF, v2;
	v2 =	vld [tilespmem:$0x14070]  }
0x4d: {  	[tilespmem:$0x17340] =	vst v1;
	v1 =	vshrl.u32 v3, $0xE  }
0x4e: {  	[tilespmem:$0x17250] =	vst v1;
	v1 =	vand.u32 $0x3FFF, v3  }
0x4f: {  	[tilespmem:$0x17350] =	vst v1;
	v1 =	vshrl.u32 v63, $0xE  }
0x50: {  	[tilespmem:$0x17260] =	vst v1;
	v1 =	vand.u32 $0x3FFF, v63  }
0x51: {  	[tilespmem:$0x17360] =	vst v1;
	v1 =	vshrl.u32 v2, $0xE  }
0x52: {  	[tilespmem:$0x17270] =	vst v1;
	v1 =	vand.u32 $0x3FFF, v2  }
0x53: {  	s20 =	simm.s32 $0x0;
	[tilespmem:$0x17370] =	vst v1  }
0x54: {  	[tilespmem:s15], [sflag:$0x1] =	stream.indirect.gather [hbm4b:s4+s17], $0x80, s18, s17, $0xb8;
	[tilespmem:$0x1F400] =	vst v63  }
.LBB2_4:
0x55: {  	s21 =	sand.u32 $0x1, s20  }
0x56: {  	p1 =	seq.s32 s21, $0x1  }
0x57: {  	s21 =	sadd.s32 @p1 $0x1, s20  }
0x58: {  	s22 =	simm.s32 @p1 $0x3;
	p2 =	sge.u32 @p1 s21, s5  }
0x59: {  	_ =	swait.ge @p1 [sflag:s22], $0x4000;
	p2 =	por p2, !p1  }
0x5a: {  	[sflag:s22] =	ssyncset.done @p1 $0x0;
	s23 =	sshll.u32 @!p2 s21, $0x7  }
0x5b: {  	[sflag:s22] =	ssyncadd.s32 @p1 $0xFFFFC000;
	s22 =	sand.u32 @!p2 $0x3FFFFF80, s23  }
0x5c: {  	v1 =	vld @!p2 [tilespmem:s22+$0x14000];
	_ =	sdelay $0x4  }
0x5d: {  	v2 =	vshrl.u32 @!p2 v1, $0xE  }
0x5e: {  	v1 =	vand.u32 @!p2 $0x3FFF, v1;
	[tilespmem:$0x17200] =	vst @!p2 v2  }
0x5f: {  	[tilespmem:$0x17300] =	vst @!p2 v1  }
0x60: {  	v1 =	vld @!p2 [tilespmem:s22+$0x14010];
	_ =	sdelay $0x4  }
0x61: {  	v2 =	vshrl.u32 @!p2 v1, $0xE  }
0x62: {  	v1 =	vand.u32 @!p2 $0x3FFF, v1;
	[tilespmem:$0x17210] =	vst @!p2 v2  }
0x63: {  	[tilespmem:$0x17310] =	vst @!p2 v1  }
0x64: {  	v1 =	vld @!p2 [tilespmem:s22+$0x14020];
	_ =	sdelay $0x4  }
0x65: {  	v2 =	vshrl.u32 @!p2 v1, $0xE  }
0x66: {  	v1 =	vand.u32 @!p2 $0x3FFF, v1;
	[tilespmem:$0x17220] =	vst @!p2 v2  }
0x67: {  	[tilespmem:$0x17320] =	vst @!p2 v1  }
0x68: {  	v1 =	vld @!p2 [tilespmem:s22+$0x14030];
	_ =	sdelay $0x4  }
0x69: {  	v2 =	vshrl.u32 @!p2 v1, $0xE  }
0x6a: {  	v1 =	vand.u32 @!p2 $0x3FFF, v1;
	[tilespmem:$0x17230] =	vst @!p2 v2  }
0x6b: {  	[tilespmem:$0x17330] =	vst @!p2 v1  }
0x6c: {  	v1 =	vld @!p2 [tilespmem:s22+$0x14040];
	_ =	sdelay $0x4  }
0x6d: {  	v2 =	vshrl.u32 @!p2 v1, $0xE  }
0x6e: {  	v1 =	vand.u32 @!p2 $0x3FFF, v1;
	[tilespmem:$0x17240] =	vst @!p2 v2  }
0x6f: {  	[tilespmem:$0x17340] =	vst @!p2 v1  }
0x70: {  	v1 =	vld @!p2 [tilespmem:s22+$0x14050];
	_ =	sdelay $0x4  }
0x71: {  	v2 =	vshrl.u32 @!p2 v1, $0xE  }
0x72: {  	v1 =	vand.u32 @!p2 $0x3FFF, v1;
	[tilespmem:$0x17250] =	vst @!p2 v2  }
0x73: {  	[tilespmem:$0x17350] =	vst @!p2 v1  }
0x74: {  	v1 =	vld @!p2 [tilespmem:s22+$0x14060];
	_ =	sdelay $0x4  }
0x75: {  	v2 =	vshrl.u32 @!p2 v1, $0xE  }
0x76: {  	v1 =	vand.u32 @!p2 $0x3FFF, v1;
	[tilespmem:$0x17260] =	vst @!p2 v2  }
0x77: {  	[tilespmem:$0x17360] =	vst @!p2 v1  }
0x78: {  	v1 =	vld @!p2 [tilespmem:s22+$0x14070];
	_ =	sdelay $0x4  }
0x79: {  	v2 =	vshrl.u32 @!p2 v1, $0xE  }
0x7a: {  	v1 =	vand.u32 @!p2 $0x3FFF, v1;
	[tilespmem:$0x17270] =	vst @!p2 v2  }
0x7b: {  	s24 =	simm.s32 @!p2 $0x17400;
	s23 =	simm.s32 @!p2 $0x17200;
	s22 =	simm.s32 @!p2 $0x80;
	[tilespmem:$0x17370] =	vst @!p2 v1  }
0x7c: {  	[tilespmem:s24], [sflag:$0x1] =	stream.indirect.gather @!p2 [hbm4b:s4+s22], $0x80, s23, s22, $0xb8;
	[tilespmem:$0x1F400] =	vst v63  }
0x7d: {  	s22 =	simm.s32 @p1 $0x2  }
0x7e: {  	s23 =	simm.s32 @p1 $0x17380;
	s24 =	simm.s32 @p1 $0x1B400;
	_ =	swait.ge @p1 [sflag:s22], $0x4000  }
0x7f: {  	p2 =	seq.s32 @!p1 s20, $0x0;
	s20 =	sor.u32 @!p1 $0x1, s20;
	[sflag:s22] =	ssyncset.done @p1 $0x0  }
0x80: {  	p3 =	por p2, p1;
	[sflag:s22] =	ssyncadd.s32 @p1 $0xFFFFC000;
	s22 =	simm.s32 @p1 $0x80  }
0x81: {  	[spmem:s2] =	stream.indirect.scatter.add.f32 @p1 [tilespmem:s24], [sflag:$0x4], $0x80, s23, s22, $0xb8;
	[tilespmem:$0x1F400] =	vst v63  }
0x82: {  	p2 =	sge.u32 @!p1 s20, s5;
	s22 =	simm.s32 @!p3 $0x4  }
0x83: {  	p2 =	por p2, p1;
	_ =	swait.ge @!p3 [sflag:s22], $0x4000  }
0x84: {  	s23 =	sshll.u32 @!p2 s20, $0x7;
	[sflag:s22] =	ssyncset.done @!p3 $0x0  }
0x85: {  	[sflag:s22] =	ssyncadd.s32 @!p3 $0xFFFFC000;
	s22 =	sand.u32 @!p2 $0x3FFFFF80, s23  }
0x86: {  	v1 =	vld @!p2 [tilespmem:s22+$0x14000];
	_ =	sdelay $0x4  }
0x87: {  	v2 =	vshrl.u32 @!p2 v1, $0xE  }
0x88: {  	v1 =	vand.u32 @!p2 $0x3FFF, v1;
	[tilespmem:$0x17280] =	vst @!p2 v2  }
0x89: {  	[tilespmem:$0x17380] =	vst @!p2 v1  }
0x8a: {  	v1 =	vld @!p2 [tilespmem:s22+$0x14010];
	_ =	sdelay $0x4  }
0x8b: {  	v2 =	vshrl.u32 @!p2 v1, $0xE  }
0x8c: {  	v1 =	vand.u32 @!p2 $0x3FFF, v1;
	[tilespmem:$0x17290] =	vst @!p2 v2  }
0x8d: {  	[tilespmem:$0x17390] =	vst @!p2 v1  }
0x8e: {  	v1 =	vld @!p2 [tilespmem:s22+$0x14020];
	_ =	sdelay $0x4  }
0x8f: {  	v2 =	vshrl.u32 @!p2 v1, $0xE  }
0x90: {  	v1 =	vand.u32 @!p2 $0x3FFF, v1;
	[tilespmem:$0x172A0] =	vst @!p2 v2  }
0x91: {  	[tilespmem:$0x173A0] =	vst @!p2 v1  }
0x92: {  	v1 =	vld @!p2 [tilespmem:s22+$0x14030];
	_ =	sdelay $0x4  }
0x93: {  	v2 =	vshrl.u32 @!p2 v1, $0xE  }
0x94: {  	v1 =	vand.u32 @!p2 $0x3FFF, v1;
	[tilespmem:$0x172B0] =	vst @!p2 v2  }
0x95: {  	[tilespmem:$0x173B0] =	vst @!p2 v1  }
0x96: {  	v1 =	vld @!p2 [tilespmem:s22+$0x14040];
	_ =	sdelay $0x4  }
0x97: {  	v2 =	vshrl.u32 @!p2 v1, $0xE  }
0x98: {  	v1 =	vand.u32 @!p2 $0x3FFF, v1;
	[tilespmem:$0x172C0] =	vst @!p2 v2  }
0x99: {  	[tilespmem:$0x173C0] =	vst @!p2 v1  }
0x9a: {  	v1 =	vld @!p2 [tilespmem:s22+$0x14050];
	_ =	sdelay $0x4  }
0x9b: {  	v2 =	vshrl.u32 @!p2 v1, $0xE  }
0x9c: {  	v1 =	vand.u32 @!p2 $0x3FFF, v1;
	[tilespmem:$0x172D0] =	vst @!p2 v2  }
0x9d: {  	[tilespmem:$0x173D0] =	vst @!p2 v1  }
0x9e: {  	v1 =	vld @!p2 [tilespmem:s22+$0x14060];
	_ =	sdelay $0x4  }
0x9f: {  	v2 =	vshrl.u32 @!p2 v1, $0xE  }
0xa0: {  	v1 =	vand.u32 @!p2 $0x3FFF, v1;
	[tilespmem:$0x172E0] =	vst @!p2 v2  }
0xa1: {  	[tilespmem:$0x173E0] =	vst @!p2 v1  }
0xa2: {  	v1 =	vld @!p2 [tilespmem:s22+$0x14070];
	_ =	sdelay $0x4  }
0xa3: {  	v2 =	vshrl.u32 @!p2 v1, $0xE  }
0xa4: {  	v1 =	vand.u32 @!p2 $0x3FFF, v1;
	[tilespmem:$0x172F0] =	vst @!p2 v2  }
0xa5: {  	s24 =	simm.s32 @!p2 $0x1B400;
	s23 =	simm.s32 @!p2 $0x17280;
	s22 =	simm.s32 @!p2 $0x80;
	[tilespmem:$0x173F0] =	vst @!p2 v1  }
0xa6: {  	[tilespmem:s24], [sflag:$0x2] =	stream.indirect.gather @!p2 [hbm4b:s4+s22], $0x80, s23, s22, $0xb8;
	[tilespmem:$0x1F400] =	vst v63  }
0xa7: {  	s22 =	simm.s32 @!p1 $0x1  }
0xa8: {  	_ =	swait.ge @!p1 [sflag:s22], $0x4000  }
0xa9: {  	s20 =	smov.u32 @p1 s21;
	s23 =	simm.s32 @!p1 $0x17300;
	[sflag:s22] =	ssyncset.done @!p1 $0x0  }
0xaa: {  	s24 =	simm.s32 @!p1 $0x17400;
	[sflag:s22] =	ssyncadd.s32 @!p1 $0xFFFFC000;
	s22 =	simm.s32 @!p1 $0x80  }
0xab: {  	[spmem:s2] =	stream.indirect.scatter.add.f32 @!p1 [tilespmem:s24], [sflag:$0x3], $0x80, s23, s22, $0xb8;
	[tilespmem:$0x1F400] =	vst v63  }
0xac: {  	p1 =	sne.s32 s20, s5  }
.Ltmp1:
0xad: {  	_ = 	snop;
	(pc) =	sbr.rel @p1 .LBB2_4-.Ltmp1, $1  }
0xae: {  	_ =	sdelay $0x3  }
0xaf: {  	_ =	swait.ge [sflag:s19], $0x4000  }
0xb0: {  	s20 =	sshll.u32 s1, $0x6;
	s3 =	sadd.s32 $0x1, s3;
	[sflag:s19] =	ssyncset.done $0x0  }
0xb1: {  	s21 =	sshrl.u32 s8, $0x3;
	p1 =	sne.s32 s3, s14;
	[sflag:s19] =	ssyncadd.s32 $0xFFFFC000  }
.Ltmp2:
0xb2: {  	s20 =	sor.u32 $0x1C06, s20;
	[bflag:$0x0] =	sbarrier.arrive $0xFFFF;
	(pc) =	sbr.rel @p1 .LBB2_1-.Ltmp2, $4  }
0xb3: {  	[hbm:s13], [sflag:s20] =	dma.local [spmem:s21], $0x2800  }
0xb4: {  	_ =	swait.ge [sflag:s16], $0x2800  }
0xb5: {  	[sflag:s16] =	ssyncset.done $0x0  }
0xb6: {  	[sflag:s16] =	ssyncadd.s32 $0xFFFFD800  }
0xb7: {  	_ =	sfence.sel $0x180000  }
0xb8: {  	[bflag:$0x0] =	sbarrier.arrive $0xFFFF  }
0xb9: {  	p0 =	sne.s32 s1, $0x0;
	_ =	strace $0x9000004D  }
0xba: {  	s0 =	sadd.s32 @!p0 $0x100000, s0;
	[bflag:$0x2] =	sbarrier.arrive $0xFFFF  }
0xbb: {  	[sflag:s0] =	ssyncadd.tile.s32 @!p0 $0x1;
	_ =	shalt  }
.Lfunc_end2:
_tile_overlayer_lowered:
.L_overlay_start_2:
0xbc: {  	(tag) =	ssettag $0x2  }
0xbd: {  	s0 =	rddreg [dreg:$0x0];
	s2 =	stileid.u32  }
0xbe: {  	s1 =	rddreg [dreg:$0x1];
	p0 =	sne.s32 s2, $0x0  }
0xbf: {  	s3 =	rddreg [dreg:$0x2];
	[bflag:$0x3] =	sbarrier.arrive $0xFFFF;
	s2 =	simm.s32 @!p0 $0x1C06  }
0xc0: {  	[timem:s3], [sflag:s2] =	dma.local @!p0 [hbm:s0], s1  }
0xc1: {  	s0 =	simm.s32 @!p0 $0x6  }
0xc2: {  	_ =	swait.ge @!p0 [sflag:s0], s1  }
0xc3: {  	s1 =	ssub.s32 @!p0 $0x0, s1;
	[sflag:s0] =	ssyncset.done @!p0 $0x0  }
0xc4: {  	[sflag:s0] =	ssyncadd.s32 @!p0 s1  }
0xc5: {  	[bflag:$0x3] =	sbarrier.arrive $0xFFFF  }
0xc6: {  	_ =	shalt  }

// kernel: kernel.8.cloned.1.call-start
scs
__scs_entry_jumppad:
0x0: {  	(pc) =	sbr.rel $0x88, $3  }
0x1: {  	(tag) =	ssettag $0x0;
	lr =	simm.s32 $0x1  }
0x2: {  	[smem:$0x3F99] =	sst lr;
	_ =	strace $0xD0000000  }
0x3: {  	_ = 	snop  }
0x4: {  	_ = 	snop  }
0x5: {  	_ = 	snop  }
0x6: {  	_ = 	snop  }
0x7: {  	_ = 	snop  }
__scs_overlays_trampoline_lowered:
0x8: {  	[smem:$0x3FA8] =	sst s0  }
0x9: {  	[smem:$0x3FA9] =	sst s1  }
0xa: {  	[smem:$0x3FAA] =	sst s2  }
0xb: {  	[smem:$0x3FAB] =	sst s3  }
0xc: {  	[smem:$0x3FAC] =	sst s4  }
0xd: {  	[smem:$0x3FAD] =	sst s5  }
0xe: {  	[smem:$0x3FAE] =	sst s6  }
0xf: {  	[smem:$0x3FAF] =	sst s7  }
0x10: {  	[smem:$0x3FB0] =	sst s8  }
0x11: {  	[smem:$0x3FB1] =	sst s9;
	s0 =	simm.s32 @!p0 $0x0  }
0x12: {  	s1 =	sld [smem:$0x3F97];
	s0 =	simm.s32 @p0 $0x1  }
0x13: {  	[smem:$0x3FB2] =	sst s0;
	s0 =	simm.s32 @!p1 $0x0  }
0x14: {  	s2 =	sld [smem:$0x3F96];
	s0 =	simm.s32 @p1 $0x1  }
0x15: {  	[smem:$0x3FB3] =	sst s0;
	s0 =	simm.s32 @!p2 $0x0  }
0x16: {  	s3 =	sld [smem:$0x3FDB];
	s0 =	simm.s32 @p2 $0x1  }
0x17: {  	s4 =	simm.s32 $0x1BF5;
	[smem:$0x3FB5] =	sst s0  }
0x18: {  	s0 =	sld [smem:$0x3F98];
	_ =	swait.ge [sflag:s4], $0x0  }
0x19: {  	s7 =	sld [smem:$0x3F99]  }
0x1a: {  	s8 =	sadd.s32 $0xFFFFE003, lr  }
0x1b: {  	s9 =	sadd.s32 $0xFFFFFEF7, lr;
	s5 =	simm.s32 $0xFFFFFFFF;
	p2 =	slt.u32 s8, $0xFFFFF086  }
0x1c: {  	p1 =	slt.u32 s9, $0xF7A;
	s5 =	simm.s32 @!p2 $0x0  }
0x1d: {  	s5 =	simm.s32 @p1 $0x1;
	p0 =	seq.s32 s7, s2  }
0x1e: {  	s7 =	smul.u32 @!p0 $0xF7A, s2;
	p2 =	seq.s32 @!p0 s5, $0x0  }
0x1f: {  	s9 =	smul.u32 $0xF7A, s1;
	s8 =	simm.s32 @!p0 $0x1BF5;
	p2 =	por !p2, p0  }
0x20: {  	[sflag:s8] =	ssyncset.s32 @!p0 $0xFFFFF086;
	s6 =	sadd.s32 @!p0 s3, s7;
	s7 =	simm.s32 @!p0 $0x108  }
0x21: {  	s3 =	sadd.s32 s3, s9;
	s6 =	sadd.s32 @!p0 $0x88, s6;
	s7 =	simm.s32 @p2 $0x1082  }
0x22: {  	[simem:s7], [sflag:s8] =	dma.local @!p0 [hbm:s6], $0xF7A  }
0x23: {  	s9 =	sor.u32 $0xD0000000, s2;
	s6 =	simm.s32 $0x108;
	_ =	swait.ge @!p0 [sflag:s8], $0x0  }
0x24: {  	s3 =	sadd.s32 $0x88, s3;
	s6 =	simm.s32 @!p1 $0x1082;
	[sflag:s4] =	ssyncset.s32 $0xFFFFF086  }
0x25: {  	[simem:s6], [sflag:s4] =	dma.local [hbm:s3], $0xF7A  }
0x26: {  	[smem:$0x3F99] =	sst s1;
	(tag) =	ssettag s2;
	_ =	strace s9  }
0x27: {  	s1 =	sld [smem:$0x3FA9]  }
0x28: {  	s2 =	sld [smem:$0x3FAA]  }
0x29: {  	s4 =	sld [smem:$0x3FAC]  }
0x2a: {  	p0 =	seq.s32 s5, $0x0;
	s5 =	sld [smem:$0x3FAD]  }
0x2b: {  	s6 =	sld [smem:$0x3FAE]  }
0x2c: {  	s7 =	sld [smem:$0x3FAF]  }
0x2d: {  	s3 =	simm.s32 $0x108;
	s8 =	sld [smem:$0x3FB0]  }
0x2e: {  	s3 =	simm.s32 @!p0 $0x1082;
	s9 =	sld [smem:$0x3FB1]  }
0x2f: {  	lr =	sadd.s32 s0, s3;
	s0 =	sld [smem:$0x3FA8]  }
0x30: {  	s3 =	sld [smem:$0x3FAB]  }
0x31: {  	[smem:$0x3FB4] =	sst s10  }
0x32: {  	s10 =	sld [smem:$0x3FB2];
	_ =	sdelay $0x3  }
0x33: {  	p0 =	seq.s32 s10, $0x1;
	s10 =	sld [smem:$0x3FB4];
	_ =	sdelay $0x3  }
0x34: {  	[smem:$0x3FB4] =	sst s10  }
0x35: {  	s10 =	sld [smem:$0x3FB3];
	_ =	sdelay $0x3  }
0x36: {  	p1 =	seq.s32 s10, $0x1;
	s10 =	sld [smem:$0x3FB4];
	_ =	sdelay $0x3  }
0x37: {  	[smem:$0x3FB4] =	sst s10  }
0x38: {  	s10 =	sld [smem:$0x3FB5]  }
0x39: {  	_ = 	snop;
	(pc) =	sbr.ind lr, $3  }
0x3a: {  	_ = 	snop  }
0x3b: {  	_ = 	snop  }
0x3c: {  	p2 =	seq.s32 s10, $0x1;
	s10 =	sld [smem:$0x3FB4]  }
0x3d: {  	_ =	shalt  }
0x3e: {  	_ =	shalt  }
0x3f: {  	_ =	shalt  }
0x40: {  	_ =	shalt  }
0x41: {  	_ =	shalt  }
0x42: {  	_ =	shalt  }
0x43: {  	_ =	shalt  }
0x44: {  	_ =	shalt  }
0x45: {  	_ =	shalt  }
0x46: {  	_ =	shalt  }
0x47: {  	_ =	shalt  }
0x48: {  	_ =	shalt  }
0x49: {  	_ =	shalt  }
0x4a: {  	_ =	shalt  }
0x4b: {  	_ =	shalt  }
0x4c: {  	_ =	shalt  }
0x4d: {  	_ =	shalt  }
0x4e: {  	_ =	shalt  }
0x4f: {  	_ =	shalt  }
0x50: {  	_ =	shalt  }
0x51: {  	_ =	shalt  }
0x52: {  	_ =	shalt  }
0x53: {  	_ =	shalt  }
0x54: {  	_ =	shalt  }
0x55: {  	_ =	shalt  }
0x56: {  	_ =	shalt  }
0x57: {  	_ =	shalt  }
0x58: {  	_ =	shalt  }
0x59: {  	_ =	shalt  }
0x5a: {  	_ =	shalt  }
0x5b: {  	_ =	shalt  }
0x5c: {  	_ =	shalt  }
0x5d: {  	_ =	shalt  }
0x5e: {  	_ =	shalt  }
0x5f: {  	_ =	shalt  }
0x60: {  	_ =	shalt  }
0x61: {  	_ =	shalt  }
0x62: {  	_ =	shalt  }
0x63: {  	_ =	shalt  }
0x64: {  	_ =	shalt  }
0x65: {  	_ =	shalt  }
0x66: {  	_ =	shalt  }
0x67: {  	_ =	shalt  }
0x68: {  	_ =	shalt  }
0x69: {  	_ =	shalt  }
0x6a: {  	_ =	shalt  }
0x6b: {  	_ =	shalt  }
0x6c: {  	_ =	shalt  }
0x6d: {  	_ =	shalt  }
0x6e: {  	_ =	shalt  }
0x6f: {  	_ =	shalt  }
0x70: {  	_ =	shalt  }
0x71: {  	_ =	shalt  }
0x72: {  	_ =	shalt  }
0x73: {  	_ =	shalt  }
0x74: {  	_ =	shalt  }
0x75: {  	_ =	shalt  }
0x76: {  	_ =	shalt  }
0x77: {  	_ =	shalt  }
0x78: {  	_ =	shalt  }
0x79: {  	_ =	shalt  }
0x7a: {  	_ =	shalt  }
0x7b: {  	_ =	shalt  }
0x7c: {  	_ =	shalt  }
0x7d: {  	_ =	shalt  }
0x7e: {  	_ =	shalt  }
0x7f: {  	_ =	shalt  }
0x80: {  	_ =	shalt  }
0x81: {  	_ =	shalt  }
0x82: {  	_ =	shalt  }
0x83: {  	_ =	shalt  }
0x84: {  	_ =	shalt  }
0x85: {  	_ =	shalt  }
0x86: {  	_ =	shalt  }
0x87: {  	_ =	shalt  }
.Lfunc_end0:
.L_simem_size_0:
called_computation_lowered:
.L_overlay_start_0:
0x88: {  	s2 =	sld [smem:$0x3FD9]  }
0x89: {  	s3 =	sld [smem:$0x3FFE];
	_ =	sdelay $0x1  }
0x8a: {  	s1 =	srdreg.scid  }
0x8b: {  	s0 =	sand.u32 $0x1, s1  }
0x8c: {  	s17 =	sshll.u32 s0, $0xA;
	s2 =	sadd.s32 s3, s2  }
0x8d: {  	s2 =	sadd.s32 s2, s17  }
0x8e: {  	[smem:$0x3FC0] =	sst s2  }
0x8f: {  	_ = 	snop  }
0x90: {  	s2 =	sld [smem:$0x3FD0];
	(tm) =	ssettm $0x1  }
0x91: {  	s18 =	sld [smem:$0x3FFB];
	_ =	sdelay $0x3  }
0x92: {  	_ =	strace s18  }
0x93: {  	s3 =	sld [smem:$0x3FFC];
	_ =	sdelay $0x3  }
0x94: {  	_ =	strace s3  }
0x95: {  	s3 =	sld [smem:$0x3FFD];
	_ =	sdelay $0x3  }
0x96: {  	_ =	strace s3  }
0x97: {  	_ =	strace $0x8FFFFFFF  }
0x98: {  	s19 =	sld [smem:$0x3FDB];
	_ =	sdelay $0x1  }
0x99: {  	s4 =	simm.s32 $_scs_section_size  }
0x9a: {  	s5 =	simm.s32 $_size__tile_overlayer_lowered;
	s6 =	simm.s32 $_tile_overlayer_lowered  }
0x9b: {  	s22 =	simm.s32 $0x1BFF;
	s21 =	sshll.u32 s6, $0x1;
	s3 =	sadd.s32 s4, s19  }
0x9c: {  	s7 =	simm.s32 $0x0;
	s20 =	sshll.u32 s5, $0x1;
	s5 =	sadd.s32 s21, s3  }
0x9d: {  	[timem:s7], [sflag:s22] =	dma.local [hbm:s5], s20  }
0x9e: {  	_ =	swait.ge [sflag:s22], s20  }
0x9f: {  	s4 =	ssub.s32 $0x0, s20;
	[sflag:s22] =	ssyncset.done $0x0  }
0xa0: {  	[sflag:s22] =	ssyncadd.s32 s4;
	_ =	sdelay $0x1  }
0xa1: {  	s23 =	simm.s32 $0x1B8B  }
0xa2: {  	_ =	swait.ge [sflag:s23], $0x1  }
0xa3: {  	[sflag:s23] =	ssyncset.done $0x0  }
0xa4: {  	s25 =	simm.s32 $0x1B8E;
	s24 =	sld [smem:$0x3FFE];
	[sflag:s23] =	ssyncadd.s32 $0xFFFFFFFF  }
0xa5: {  	s26 =	simm.s32 $execute0_lowered;
	[smem:$0x3FD2] =	sst s25  }
0xa6: {  	s5 =	sshll.u32 s26, $0x1;
	_ =	strace $0x80000046;
	[dreg:$0x1] =	wrdreg $0xFFFFFFFF  }
0xa7: {  	s28 =	simm.s32 $_size_execute0_lowered;
	s3 =	sadd.s32 s3, s5;
	[dreg:$0x0] =	wrdreg $0x0  }
0xa8: {  	s5 =	sshll.u32 s28, $0x1;
	[dreg:$0x2] =	wrdreg s3  }
0xa9: {  	[dreg:$0x3] =	wrdreg s5  }
0xaa: {  	[dreg:$0x4] =	wrdreg $0xC0  }
0xab: {  	_ =	task [dreg:s7], $0x5FFFF  }
0xac: {  	[dreg:$0x1] =	wrdreg $0xFFFFFFFF  }
0xad: {  	[dreg:$0x0] =	wrdreg $0x60  }
0xae: {  	[dreg:$0x2] =	wrdreg s2  }
0xaf: {  	[dreg:$0x3] =	wrdreg s24  }
0xb0: {  	[dreg:$0x4] =	wrdreg $0x0  }
0xb1: {  	[dreg:$0x5] =	wrdreg $0x9  }
0xb2: {  	_ =	task.clear_ibuf [dreg:s7], $0x6FFFF;
	_ =	strace $0x90000046  }
0xb3: {  	s29 =	simm.s32 $0x9;
	_ =	strace $0x80000048  }
0xb4: {  	_ =	swait.ge [sflag:s29], $0x1  }
0xb5: {  	[sflag:s29] =	ssyncadd.s32 $0xFFFFFFFF  }
0xb6: {  	_ =	strace $0x90000048  }
0xb7: {  	_ =	sfence  }
0xb8: {  	s30 =	sld [smem:$0x0];
	_ =	sdelay $0x2  }
0xb9: {  	s31 =	sshll.u32 s1, $0xD;
	s1 =	sshrl.u32 s1, $0x2  }
0xba: {  	s3 =	sand.u32 $0x4000, s31;
	s1 =	sadd.s32 s1, s30  }
0xbb: {  	s0 =	sor.u32 s3, s0;
	s1 =	sshll.u32 s1, $0x11  }
0xbc: {  	s0 =	sor.u32 s1, s0  }
0xbd: {  	s0 =	sadd.s32 $0x8F2B, s0  }
0xbe: {  	[sflag:s0] =	ssyncadd.remote.s32 $0x1  }
0xbf: {  	_ =	sfence.sel $0xFFFF  }
0xc0: {  	[dreg:$0x0] =	wrdreg $0xFFFFFFFF;
	(pc) =	sbr.abs _section_cstart, $3  }
0xc1: {  	[dreg:$0x1] =	wrdreg $0xFFFFFFFF  }
0xc2: {  	_ =	task.clear_ibuf [dreg:s7], $0x2FFFF;
	_ =	strace $0x9FFFFFFF  }
0xc3: {  	(tm) =	ssettm $0x7FFFFFFF  }
tec
execute0_lowered:
.L_overlay_start_1:
0x0: {  	(tag) =	ssettag $0x1  }
0x1: {  	s4 =	rddreg [dreg:$0x0]  }
0x2: {  	s5 =	rddreg [dreg:$0x1]  }
0x3: {  	s2 =	rddreg [dreg:$0x2]  }
0x4: {  	s0 =	rddreg [dreg:$0x3]  }
0x5: {  	s3 =	simm.s32 $0x0;
	s6 =	srdreg.scid;
	s1 =	stileid.u32  }
0x6: {  	s11 =	simm.s32 $0x1;
	s12 =	simm.s32 $0x80;
	s13 =	simm.s32 $0x2E80  }
0x7: {  	s14 =	simm.s32 $0x2;
	s17 =	simm.s32 $0x20;
	s18 =	simm.s32 $0x10  }
0x8: {  	s19 =	simm.s32 $0x0;
	[smem:$0x7FF] =	sst s3;
	s7 =	smul.u32 $0x500, s1  }
0x9: {  	s6 =	sand.u32 $0x1, s6;
	s30 =	smul.u32 $0xA00, s1;
	s15 =	sshll.u32 s1, $0x6  }
0xa: {  	_ =	strace $0x80000047;
	s8 =	sshll.u32 s6, $0x7;
	s9 =	sshll.u32 s6, $0x4  }
0xb: {  	s6 =	ssub.s32 $0x2, s6;
	s15 =	sor.u32 $0x1C03, s15;
	s7 =	sor.u32 s8, s7  }
0xc: {  	s29 =	sor.u32 s1, s9;
	s31 =	sshrl.u32 s6, $0x1;
	s9 =	sshrl.u32 s30, $0x2  }
0xd: {  	s7 =	sshrl.u32 s7, $0x3;
	s8 =	smul.u32 $0x580, s29;
	s10 =	ssub.s32 s6, s31  }
0xe: {  	s7 =	sadd.s32 s7, s5;
	s5 =	sadd.s32 s9, s2;
	s9 =	simm.s32 $0x2F00  }
0xf: {  	s4 =	sadd.s32 s4, s8;
	s6 =	sadd.s32 $0xC400, s7;
	s7 =	smax.u32 s10, $0x1  }
0x10: {  	v0 =	vimm.f32 $0.0e+00;
	v1 =	vimm.f32 $1.000000000e+00;
	s8 =	simm.s32 $0x280;
	s10 =	simm.s32 $0x3;
	s16 =	sshrl.u32 s5, $0x3  }
.LBB2_1:
0x11: {  	[tilespmem:s8], [sflag:$0x1] =	stream.linear.gather [hbm4b:s4+s3], $0x2880, $0x38;
	[tilespmem:$0x3180] =	vst v63  }
0x12: {  	[tilespmem:$0x2F00] =	vst v0  }
0x13: {  	[tilespmem:$0x2F10] =	vst v0  }
0x14: {  	[tilespmem:$0x2F20] =	vst v0  }
0x15: {  	[tilespmem:$0x2F30] =	vst v0  }
0x16: {  	[tilespmem:$0x2F40] =	vst v0  }
0x17: {  	[tilespmem:$0x2F50] =	vst v0  }
0x18: {  	[tilespmem:$0x2F60] =	vst v0  }
0x19: {  	[tilespmem:$0x2F70] =	vst v0  }
0x1a: {  	[tilespmem:$0x2F80] =	vst v0  }
0x1b: {  	[tilespmem:$0x2F90] =	vst v0  }
0x1c: {  	[tilespmem:$0x2FA0] =	vst v0  }
0x1d: {  	[tilespmem:$0x2FB0] =	vst v0  }
0x1e: {  	[tilespmem:$0x2FC0] =	vst v0  }
0x1f: {  	[tilespmem:$0x2FD0] =	vst v0  }
0x20: {  	[tilespmem:$0x2FE0] =	vst v0  }
0x21: {  	[tilespmem:$0x2FF0] =	vst v0  }
0x22: {  	[tilespmem:$0x3000] =	vst v0  }
0x23: {  	[tilespmem:$0x3010] =	vst v0  }
0x24: {  	[tilespmem:$0x3020] =	vst v0  }
0x25: {  	[tilespmem:$0x3030] =	vst v0  }
0x26: {  	[tilespmem:$0x3040] =	vst v0  }
0x27: {  	[tilespmem:$0x3050] =	vst v0  }
0x28: {  	[tilespmem:$0x3060] =	vst v0  }
0x29: {  	[tilespmem:$0x3070] =	vst v0  }
0x2a: {  	[tilespmem:$0x3080] =	vst v0  }
0x2b: {  	[tilespmem:$0x3090] =	vst v0  }
0x2c: {  	[tilespmem:$0x30A0] =	vst v0  }
0x2d: {  	[tilespmem:$0x30B0] =	vst v0  }
0x2e: {  	[tilespmem:$0x30C0] =	vst v0  }
0x2f: {  	[tilespmem:$0x30D0] =	vst v0  }
0x30: {  	[tilespmem:$0x30E0] =	vst v0  }
0x31: {  	[tilespmem:$0x30F0] =	vst v0  }
0x32: {  	[tilespmem:$0x3100] =	vst v0  }
0x33: {  	[tilespmem:$0x3110] =	vst v0  }
0x34: {  	[tilespmem:$0x3120] =	vst v0  }
0x35: {  	[tilespmem:$0x3130] =	vst v0  }
0x36: {  	[tilespmem:$0x3140] =	vst v0  }
0x37: {  	[tilespmem:$0x3150] =	vst v0  }
0x38: {  	[tilespmem:$0x3160] =	vst v0  }
0x39: {  	[tilespmem:$0x3170] =	vst v0  }
0x3a: {  	[tilespmem:$0x2E80] =	vst v1  }
0x3b: {  	[tilespmem:$0x2E90] =	vst v1  }
0x3c: {  	[tilespmem:$0x2EA0] =	vst v1  }
0x3d: {  	[tilespmem:$0x2EB0] =	vst v1  }
0x3e: {  	[tilespmem:$0x2EC0] =	vst v1  }
0x3f: {  	[tilespmem:$0x2ED0] =	vst v1  }
0x40: {  	[tilespmem:$0x2EE0] =	vst v1  }
0x41: {  	[tilespmem:$0x2EF0] =	vst v1  }
0x42: {  	[spmem:s5] =	stream.linear.scatter [tilespmem:s9], [sflag:$0x3], $0x280, $0x38;
	[tilespmem:$0x3180] =	vst v63  }
0x43: {  	_ =	swait.ge [sflag:s10], $0x280  }
0x44: {  	[sflag:s10] =	ssyncset.done $0x0  }
0x45: {  	[sflag:s10] =	ssyncadd.s32 $0xFFFFFD80  }
0x46: {  	_ =	swait.ge [sflag:s11], $0x2880  }
0x47: {  	[sflag:s11] =	ssyncset.done $0x0  }
0x48: {  	s20 =	simm.s32 $0x0;
	[sflag:s11] =	ssyncadd.s32 $0xFFFFD780  }
0x49: {  	v4 =	vld [tilespmem:s20+$0x280]  }
0x4a: {  	v6 =	vld [tilespmem:s20+$0x290]  }
0x4b: {  	v5 =	vld [tilespmem:s20+$0x2A0]  }
0x4c: {  	v3 =	vld [tilespmem:s20+$0x2B0]  }
0x4d: {  	v2 =	vld [tilespmem:s20+$0x2C0]  }
0x4e: {  	v7 =	vand.u32 $0x3FFF, v4;
	v4 =	vld [tilespmem:s20+$0x2D0]  }
0x4f: {  	s21 =	simm.s32 $0x200;
	[tilespmem:s20+$0x280] =	vst v7;
	v7 =	vand.u32 $0x3FFF, v6;
	v6 =	vld [tilespmem:s20+$0x2E0]  }
.LBB2_2:
0x50: {  	s22 =	sshra.s32 s21, $0x2;
	p0 =	sne.s32 s21, $0xA000;
	[tilespmem:s20+$0x290] =	vst v7;
	v5 =	vand.u32 $0x3FFF, v5;
	v7 =	vld [tilespmem:s20+$0x2F0]  }
0x51: {  	v8 =	vld [tilespmem:s22+$0x280];
	[tilespmem:s20+$0x2A0] =	vst v5;
	v3 =	vand.u32 $0x3FFF, v3  }
0x52: {  	v9 =	vld [tilespmem:s22+$0x290];
	[tilespmem:s20+$0x2B0] =	vst v3;
	v2 =	vand.u32 $0x3FFF, v2  }
.Ltmp0:
0x53: {  	v5 =	vld [tilespmem:s22+$0x2A0];
	[tilespmem:s20+$0x2C0] =	vst v2;
	v2 =	vand.u32 $0x3FFF, v4;
	(pc) =	sbr.rel @p0 .LBB2_2-.Ltmp0, $4  }
0x54: {  	v3 =	vld [tilespmem:s22+$0x2B0];
	[tilespmem:s20+$0x2D0] =	vst v2;
	v4 =	vand.u32 $0x3FFF, v6  }
0x55: {  	v2 =	vld [tilespmem:s22+$0x2C0];
	[tilespmem:s20+$0x2E0] =	vst v4;
	v6 =	vand.u32 $0x3FFF, v7  }
0x56: {  	v7 =	vand.u32 $0x3FFF, v8;
	v4 =	vld [tilespmem:s22+$0x2D0];
	[tilespmem:s20+$0x2F0] =	vst v6;
	s20 =	smov.u32 s22  }
0x57: {  	s21 =	sadd.s32 $0x200, s21;
	[tilespmem:s20+$0x280] =	vst v7;
	v7 =	vand.u32 $0x3FFF, v9;
	v6 =	vld [tilespmem:s20+$0x2E0]  }
0x58: {  	[tilespmem:s20+$0x290] =	vst v7;
	v5 =	vand.u32 $0x3FFF, v5;
	v63 =	vld [tilespmem:s20+$0x2F0]  }
0x59: {  	[tilespmem:s20+$0x2A0] =	vst v5;
	v3 =	vand.u32 $0x3FFF, v3  }
0x5a: {  	[tilespmem:s20+$0x2B0] =	vst v3;
	v2 =	vand.u32 $0x3FFF, v2  }
0x5b: {  	[tilespmem:s20+$0x2C0] =	vst v2;
	v2 =	vand.u32 $0x3FFF, v4  }
0x5c: {  	[tilespmem:s20+$0x2D0] =	vst v2;
	v2 =	vand.u32 $0x3FFF, v6  }
0x5d: {  	[tilespmem:s20+$0x2E0] =	vst v2;
	v2 =	vand.u32 $0x3FFF, v63  }
0x5e: {  	[tilespmem:s20+$0x2F0] =	vst v2  }
0x5f: {  	s20 =	simm.s32 $0x0;
	[bflag:$0x0] =	sbarrier.arrive $0xFFFF  }
.LBB2_4:
0x60: {  	p0 =	sne.s32 s20, $0xA000  }
.Ltmp1:
0x61: {  	_ = 	snop;
	(pc) =	sbr.rel @p0 .LBB2_4-.Ltmp1, $4  }
0x62: {  	_ = 	snop  }
0x63: {  	s21 =	sshra.s32 s20, $0x2  }
0x64: {  	s20 =	sadd.s32 $0x200, s20;
	s21 =	sadd.s32 $0x280, s21  }
0x65: {  	[spmem:s2] =	stream.indirect.scatter.add.f32 [tilespmem:s13], [sflag:$0x2], $0x1, s21, s12, $0xb8;
	[tilespmem:$0x3180] =	vst v63  }
0x66: {  	_ =	swait.ge [sflag:s14], $0x80  }
0x67: {  	s20 =	simm.s32 $0x50;
	[sflag:s14] =	ssyncset.done $0x0  }
.LBB2_6:
0x68: {  	p0 =	sne.s32 s20, $0x1;
	s20 =	sadd.s32 $0xFFFFFFFF, s20;
	[sflag:s14] =	ssyncadd.s32 $0xFFFFFF80  }
.Ltmp2:
0x69: {  	(pc) =	sbr.rel @p0 .LBB2_6-.Ltmp2, $3  }
0x6a: {  	_ =	sdelay $0x1  }
0x6b: {  	_ =	swait.ge [sflag:s14], $0x80  }
0x6c: {  	[sflag:s14] =	ssyncset.done $0x0  }
0x6d: {  	s19 =	sadd.s32 $0x1, s19  }
0x6e: {  	[sflag:s14] =	ssyncadd.s32 $0xFFFFFF80;
	p0 =	sne.s32 s19, s7  }
.Ltmp3:
0x6f: {  	[bflag:$0x0] =	sbarrier.arrive $0xFFFF;
	(pc) =	sbr.rel @p0 .LBB2_1-.Ltmp3, $4  }
0x70: {  	[hbm:s6@s17], [sflag:s15] =	dma.strided [spmem:s16@s18], $0x50, s11, $0x10   }
0x71: {  	_ =	swait.ge [sflag:s10], $0x50  }
0x72: {  	[sflag:s10] =	ssyncset.done $0x0  }
0x73: {  	[sflag:s10] =	ssyncadd.s32 $0xFFFFFFB0  }
0x74: {  	_ =	sfence.sel $0x180000  }
0x75: {  	[bflag:$0x0] =	sbarrier.arrive $0xFFFF  }
0x76: {  	p0 =	sne.s32 s1, $0x0;
	_ =	strace $0x90000047  }
0x77: {  	s0 =	sadd.s32 @!p0 $0x100000, s0;
	[bflag:$0x2] =	sbarrier.arrive $0xFFFF  }
0x78: {  	[sflag:s0] =	ssyncadd.tile.s32 @!p0 $0x1;
	_ =	shalt  }
.Lfunc_end2:
_tile_overlayer_lowered:
.L_overlay_start_2:
0x79: {  	(tag) =	ssettag $0x2  }
0x7a: {  	s0 =	rddreg [dreg:$0x0];
	s2 =	stileid.u32  }
0x7b: {  	s1 =	rddreg [dreg:$0x1];
	p0 =	sne.s32 s2, $0x0  }
0x7c: {  	s3 =	rddreg [dreg:$0x2];
	[bflag:$0x3] =	sbarrier.arrive $0xFFFF;
	s2 =	simm.s32 @!p0 $0x1C03  }
0x7d: {  	[timem:s3], [sflag:s2] =	dma.local @!p0 [hbm:s0], s1  }
0x7e: {  	s0 =	simm.s32 @!p0 $0x3  }
0x7f: {  	_ =	swait.ge @!p0 [sflag:s0], s1  }
0x80: {  	s1 =	ssub.s32 @!p0 $0x0, s1;
	[sflag:s0] =	ssyncset.done @!p0 $0x0  }
0x81: {  	[sflag:s0] =	ssyncadd.s32 @!p0 s1  }
0x82: {  	[bflag:$0x3] =	sbarrier.arrive $0xFFFF  }
0x83: {  	_ =	shalt  }

</sc_bundles>
